<compile_context>
chip_gen: v7x
topology: tpu7x:2x2x1
jax: 0.10.2.dev20260603
libtpu: 0.0.44.dev20260713+nightly
codegen_flags: <defaults>
</compile_context>

<pallas_src>
import functools

import jax
import jax.numpy as jnp
from jax import lax
from jax.experimental import pallas as pl
from jax.experimental.pallas import tpu as pltpu
from jax.experimental.pallas import tpu_sc as plsc

NC = 2
NS = 16
NW = NC * NS
LANES = 16

_mesh = functools.partial(
    plsc.VectorSubcoreMesh,
    core_axis_name="c", subcore_axis_name="s",
    num_cores=NC, num_subcores=NS,
)
_sc_params = pltpu.CompilerParams(needs_layout_passes=False)



def _make_deg(NPAD, E):
    RPT = NPAD // NS
    EPT = E // NW
    assert E % NW == 0 and EPT % LANES == 0 and RPT % LANES == 0

    @functools.partial(
        pl.kernel,
        out_type=jax.ShapeDtypeStruct((NC, NPAD), jnp.float32),
        mesh=_mesh(),
        scratch_types=[
            pltpu.VMEM((NPAD,), jnp.float32),
            pltpu.VMEM((EPT,), jnp.int32),
            pltpu.VMEM((RPT,), jnp.float32),
            pltpu.VMEM((RPT,), jnp.float32),
            pltpu.VMEM_SHARED((NS, NPAD), jnp.float32),
        ],
        compiler_params=_sc_params,
    )
    def deg_kernel(dst_hbm, out_hbm, hist, dbuf, acc, tmp, hist_all):
        c = lax.axis_index("c")
        s = lax.axis_index("s")
        wid = s * NC + c

        zero16 = jnp.zeros((LANES,), jnp.float32)

        def zero_body(j, _):
            hist[pl.ds(j * LANES, LANES)] = zero16
            return 0
        lax.fori_loop(0, NPAD // LANES, zero_body, 0)

        pltpu.sync_copy(dst_hbm.at[pl.ds(wid * EPT, EPT)], dbuf)

        ones16 = jnp.ones((LANES,), jnp.float32)

        def add_body(j, _):
            idx = dbuf[pl.ds(j * LANES, LANES)]
            plsc.addupdate_scatter(hist, [idx], ones16)
            return 0
        lax.fori_loop(0, EPT // LANES, add_body, 0)

        pltpu.sync_copy(hist, hist_all.at[s])
        plsc.subcore_barrier()

        base = s * RPT
        pltpu.sync_copy(hist_all.at[0, pl.ds(base, RPT)], acc)

        def comb_body(t, _):
            pltpu.sync_copy(hist_all.at[t, pl.ds(base, RPT)], tmp)

            def add16(j, _):
                sl = pl.ds(j * LANES, LANES)
                acc[sl] = acc[sl] + tmp[sl]
                return 0
            lax.fori_loop(0, RPT // LANES, add16, 0)
            return 0
        lax.fori_loop(1, NS, comb_body, 0)

        pltpu.sync_copy(acc, out_hbm.at[c, pl.ds(base, RPT)])

    return deg_kernel



_K = 125


def _make_prop(NPAD, E, D, dual):
    K = _K
    RPT = NPAD // NS
    EPT = E // NS if dual else E // NW
    assert EPT % K == 0 and RPT % 8 == 0
    nch = EPT // K
    IB = 16 if dual else 8
    assert nch % IB == 0
    nblk = nch // IB
    assert nblk % 2 == 0


    @functools.partial(
        pl.kernel,
        out_type=[jax.ShapeDtypeStruct((NPAD, D), jnp.float32)] * 2,
        mesh=_mesh(),
        scratch_types=[
            [pltpu.VMEM((IB, K), jnp.int32)] * 2,
            [pltpu.VMEM((IB, K), jnp.int32)] * 2,
            [pltpu.VMEM((K, D), jnp.float32)] * 2,
            [pltpu.SemaphoreType.DMA] * 2,
            [pltpu.SemaphoreType.DMA] * 2,
            [pltpu.SemaphoreType.DMA] * 2,
            pltpu.VMEM_SHARED((NPAD, D), jnp.float32),
        ],
        compiler_params=_sc_params,
    )
    def prop_kernel(ya_hbm, yb_hbm, src_hbm, dst_hbm, outa_hbm, outb_hbm,
                    sblks, dblks, rows, gsem, ssem, isem, acc):
        c = lax.axis_index("c")
        s = lax.axis_index("s")
        rbase = s * RPT

        @pl.when(c == 0)
        def _():
            pltpu.sync_copy(ya_hbm.at[pl.ds(rbase, RPT)],
                            acc.at[pl.ds(rbase, RPT)])

        @pl.when(c == 1)
        def _():
            pltpu.sync_copy(yb_hbm.at[pl.ds(rbase, RPT)],
                            acc.at[pl.ds(rbase, RPT)])

        cbase = (s if dual else s * NC + c) * nch
        plsc.subcore_barrier()

        def issue_g(sblk, j, b):
            if dual:
                @pl.when(c == 0)
                def _():
                    pltpu.async_copy(ya_hbm.at[sblk.at[j]], rows[b], gsem[b])

                @pl.when(c == 1)
                def _():
                    pltpu.async_copy(yb_hbm.at[sblk.at[j]], rows[b], gsem[b])
            else:
                pltpu.async_copy(ya_hbm.at[sblk.at[j]], rows[b], gsem[b])

        def wait_g(sblk, j, b):
            pltpu.make_async_copy(ya_hbm.at[sblk.at[j]],
                                  rows[b], gsem[b]).wait()

        def issue_s(dblk, j, b):
            pltpu.async_copy(rows[b], acc.at[dblk.at[j]], ssem[b], add=True)

        def wait_s(dblk, j, b):
            pltpu.make_async_copy(rows[b], acc.at[dblk.at[j]],
                                  ssem[b]).wait()

        def refill(blk, hb):
            row0 = cbase + blk * IB
            pltpu.async_copy(src_hbm.at[pl.ds(row0, IB)], sblks[hb], isem[hb])
            pltpu.async_copy(dst_hbm.at[pl.ds(row0, IB)], dblks[hb], isem[hb])

        def wait_refill(hb):
            pltpu.make_async_copy(src_hbm.at[pl.ds(0, IB)],
                                  sblks[hb], isem[hb]).wait()
            pltpu.make_async_copy(dst_hbm.at[pl.ds(0, IB)],
                                  dblks[hb], isem[hb]).wait()

        def run_block(hb, last_tail):
            sblk, dblk = sblks[hb], dblks[hb]

            def pair_body(q, _):
                j = 2 * q
                wait_g(sblk, j, 0)
                issue_s(dblk, j, 0)

                @pl.when(q > 0)
                def _():
                    wait_s(dblk, j - 1, 1)
                issue_g(sblk, j + 1, 1)

                wait_g(sblk, j + 1, 1)
                issue_s(dblk, j + 1, 1)
                wait_s(dblk, j, 0)

                @pl.when(q < IB // 2 - 1)
                def _():
                    issue_g(sblk, j + 2, 0)
                return 0
            lax.fori_loop(0, IB // 2, pair_body, 0)
            wait_s(dblk, IB - 1, 1)
            last_tail()

        pltpu.sync_copy(src_hbm.at[pl.ds(cbase, IB)], sblks[0])
        pltpu.sync_copy(dst_hbm.at[pl.ds(cbase, IB)], dblks[0])
        refill(1, 1)
        issue_g(sblks[0], 0, 0)

        def sb_body(sb, _):
            blk = 2 * sb

            def tail_a():
                wait_refill(1)
                issue_g(sblks[1], 0, 0)

                @pl.when(sb < nblk // 2 - 1)
                def _():
                    refill(blk + 2, 0)
            run_block(0, tail_a)

            def tail_b():
                @pl.when(sb < nblk // 2 - 1)
                def _():
                    wait_refill(0)
                    issue_g(sblks[0], 0, 0)
                    refill(blk + 3, 1)
            run_block(1, tail_b)
            return 0
        lax.fori_loop(0, nblk // 2, sb_body, 0)

        plsc.subcore_barrier()

        @pl.when(c == 0)
        def _():
            pltpu.sync_copy(acc.at[pl.ds(rbase, RPT)],
                            outa_hbm.at[pl.ds(rbase, RPT)])

        @pl.when(c == 1)
        def _():
            pltpu.sync_copy(acc.at[pl.ds(rbase, RPT)],
                            outb_hbm.at[pl.ds(rbase, RPT)])

    return prop_kernel



_R = 2000


def _dinv_of(deg_blk):
    return lax.rsqrt(deg_blk[:, 0:1] + deg_blk[:, 1:2] + 1.0)


_row = pl.BlockSpec((_R, 128), lambda i: (i, 0))
_deg = pl.BlockSpec((_R, 2), lambda i: (i, 0))
_wb = pl.BlockSpec((128, 128), lambda i: (0, 0))
_bb = pl.BlockSpec((1, 128), lambda i: (0, 0))


def _t1(NPAD, x, hi, degT, wxz, whz, wxr, whr):
    N, D = x.shape

    def body(x_ref, h_ref, deg_ref, wxz_ref, whz_ref, wxr_ref, whr_ref,
             ya_ref, yb_ref):
        dinv = _dinv_of(deg_ref[...])
        xb = x_ref[...]
        hb = h_ref[...]
        ya_ref[...] = dinv * (
            jnp.dot(xb, wxz_ref[...], preferred_element_type=jnp.float32)
            + jnp.dot(hb, whz_ref[...], preferred_element_type=jnp.float32))
        yb_ref[...] = dinv * (
            jnp.dot(xb, wxr_ref[...], preferred_element_type=jnp.float32)
            + jnp.dot(hb, whr_ref[...], preferred_element_type=jnp.float32))

    return pl.pallas_call(
        body,
        grid=(N // _R,),
        in_specs=[_row, _row, _deg, _wb, _wb, _wb, _wb],
        out_specs=[_row, _row],
        out_shape=[jax.ShapeDtypeStruct((NPAD, D), jnp.float32)] * 2,
    )(x, hi, degT, wxz, whz, wxr, whr)


def _t2(NPAD, sa, sb, degT, x, hi, wxh, whh, bz, br):
    N, D = x.shape

    def body(sa_ref, sb_ref, deg_ref, x_ref, h_ref, wxh_ref, whh_ref,
             bz_ref, br_ref, z_ref, y2_ref):
        dinv = _dinv_of(deg_ref[...])
        z = jax.nn.sigmoid(dinv * sa_ref[...] + bz_ref[...])
        r = jax.nn.sigmoid(dinv * sb_ref[...] + br_ref[...])
        y2 = dinv * (
            jnp.dot(x_ref[...], wxh_ref[...],
                    preferred_element_type=jnp.float32)
            + jnp.dot(r * h_ref[...], whh_ref[...],
                      preferred_element_type=jnp.float32))
        z_ref[...] = z
        y2_ref[...] = y2

    return pl.pallas_call(
        body,
        grid=(N // _R,),
        in_specs=[_row, _row, _deg, _row, _row, _wb, _wb, _bb, _bb],
        out_specs=[_row, _row],
        out_shape=[jax.ShapeDtypeStruct((N, D), jnp.float32),
                   jax.ShapeDtypeStruct((NPAD, D), jnp.float32)],
    )(sa, sb, degT, x, hi, wxh, whh, bz, br)


def _t31(NPAD, p0, p1, degT, z, hi, bh, hnext, wxz, whz, wxr, whr):
    N, D = z.shape

    def body(p0_ref, p1_ref, deg_ref, z_ref, h_ref, bh_ref, hn_ref,
             wxz_ref, whz_ref, wxr_ref, whr_ref,
             out_ref, ya_ref, yb_ref):
        dinv = _dinv_of(deg_ref[...])
        htil = jnp.tanh(dinv * (p0_ref[...] + p1_ref[...]) + bh_ref[...])
        zb = z_ref[...]
        xb = zb * h_ref[...] + (1.0 - zb) * htil
        out_ref[...] = xb
        hb = hn_ref[...]
        ya_ref[...] = dinv * (
            jnp.dot(xb, wxz_ref[...], preferred_element_type=jnp.float32)
            + jnp.dot(hb, whz_ref[...], preferred_element_type=jnp.float32))
        yb_ref[...] = dinv * (
            jnp.dot(xb, wxr_ref[...], preferred_element_type=jnp.float32)
            + jnp.dot(hb, whr_ref[...], preferred_element_type=jnp.float32))

    return pl.pallas_call(
        body,
        grid=(N // _R,),
        in_specs=[_row, _row, _deg, _row, _row, _bb, _row,
                  _wb, _wb, _wb, _wb],
        out_specs=[_row, _row, _row],
        out_shape=[jax.ShapeDtypeStruct((N, D), jnp.float32),
                   jax.ShapeDtypeStruct((NPAD, D), jnp.float32),
                   jax.ShapeDtypeStruct((NPAD, D), jnp.float32)],
    )(p0, p1, degT, z, hi, bh, hnext, wxz, whz, wxr, whr)


def _t3(p0, p1, degT, z, hi, bh):
    N, D = z.shape

    def body(p0_ref, p1_ref, deg_ref, z_ref, h_ref, bh_ref, out_ref):
        dinv = _dinv_of(deg_ref[...])
        htil = jnp.tanh(dinv * (p0_ref[...] + p1_ref[...]) + bh_ref[...])
        zb = z_ref[...]
        out_ref[...] = zb * h_ref[...] + (1.0 - zb) * htil

    return pl.pallas_call(
        body,
        grid=(N // _R,),
        in_specs=[_row, _row, _deg, _row, _row, _bb],
        out_specs=_row,
        out_shape=jax.ShapeDtypeStruct((N, D), jnp.float32),
    )(p0, p1, degT, z, hi, bh)



def kernel(inp, edgidx, h, Wxz, Whz, Wxr, Whr, Wxh, Whh,
           bxz, bhz, bxr, bhr, bxh, bhh):
    N, D = inp.shape
    E = edgidx.shape[1]
    L = h.shape[0]
    NPAD = ((N + NW * LANES - 1) // (NW * LANES)) * (NW * LANES)
    assert N % _R == 0

    assert E % _K == 0
    src = edgidx[0].astype(jnp.int32)
    dst = edgidx[1].astype(jnp.int32)
    src2d = src.reshape(E // _K, _K)
    dst2d = dst.reshape(E // _K, _K)

    degp = _make_deg(NPAD, E)(dst)
    degT = jnp.transpose(degp)

    prop_dual = _make_prop(NPAD, E, D, dual=True)
    prop_split = _make_prop(NPAD, E, D, dual=False)

    zeros = jnp.zeros((NPAD, D), jnp.float32)

    x = inp
    hs = []
    ya, yb = _t1(NPAD, x, h[0], degT, Wxz[0], Whz[0], Wxr[0], Whr[0])
    for i in range(L):
        hi = h[i]
        bz = (bxz[i] + bhz[i]).reshape(1, D)
        br = (bxr[i] + bhr[i]).reshape(1, D)
        bh = (bxh[i] + bhh[i]).reshape(1, D)

        sa, sb = prop_dual(ya, yb, src2d, dst2d)
        z, y2 = _t2(NPAD, sa, sb, degT, x, hi, Wxh[i], Whh[i], bz, br)
        p0, p1 = prop_split(y2, zeros, src2d, dst2d)
        if i + 1 < L:
            x, ya, yb = _t31(NPAD, p0, p1, degT, z, hi, bh, h[i + 1],
                             Wxz[i + 1], Whz[i + 1], Wxr[i + 1], Whr[i + 1])
            hs.append(x)
        else:
            hs.append(_t3(p0, p1, degT, z, hi, bh))

    h_out = jnp.stack(hs, axis=0)
    return (h_out, h_out)

# --- scband reference (transcript-rebuilt; emitter-appended) ---
"""Pipeline reference for scband-isg-58866821759298 (READ-ONLY COPY).

The authoritative reference and input builder live on the scoring server;
editing this copy changes nothing except your own understanding.
"""

import jax, jax.numpy as jnp
import numpy as np

N = 10000
E = 320000
D = 128
L = 2


def _gcn_conv(x, W, b, src, dst, norm, num_nodes):
    # GCNConv (PyG default): x @ W, symmetric-normalized propagation with self-loops, + bias
    xw = x @ W
    msg = xw[src] * norm[:, None]
    out = jnp.zeros((num_nodes, W.shape[1]), dtype=x.dtype).at[dst].add(msg)
    return out + b


def setup_inputs(seed: int = 0) -> dict:
    key = jax.random.key(seed)
    ks = jax.random.split(key, 16)
    inp = jax.random.normal(ks[0], (N, D), dtype=jnp.float32)
    edgidx = jax.random.randint(ks[1], (2, E), 0, N, dtype=jnp.int64)
    h = jax.random.normal(ks[2], (L, N, D), dtype=jnp.float32)
    s = 1.0 / np.sqrt(D)
    Wxz = jax.random.normal(ks[3], (L, D, D), dtype=jnp.float32) * s
    Whz = jax.random.normal(ks[4], (L, D, D), dtype=jnp.float32) * s
    Wxr = jax.random.normal(ks[5], (L, D, D), dtype=jnp.float32) * s
    Whr = jax.random.normal(ks[6], (L, D, D), dtype=jnp.float32) * s
    Wxh = jax.random.normal(ks[7], (L, D, D), dtype=jnp.float32) * s
    Whh = jax.random.normal(ks[8], (L, D, D), dtype=jnp.float32) * s
    bxz = jnp.zeros((L, D), dtype=jnp.float32)
    bhz = jnp.zeros((L, D), dtype=jnp.float32)
    bxr = jnp.zeros((L, D), dtype=jnp.float32)
    bhr = jnp.zeros((L, D), dtype=jnp.float32)
    bxh = jnp.zeros((L, D), dtype=jnp.float32)
    bhh = jnp.zeros((L, D), dtype=jnp.float32)
    return {"inp": inp, "edgidx": edgidx, "h": h,
            "Wxz": Wxz, "Whz": Whz, "Wxr": Wxr, "Whr": Whr, "Wxh": Wxh, "Whh": Whh,
            "bxz": bxz, "bhz": bhz, "bxr": bxr, "bhr": bhr, "bxh": bxh, "bhh": bhh}


def reference(inp, edgidx, h, Wxz, Whz, Wxr, Whr, Wxh, Whh, bxz, bhz, bxr, bhr, bxh, bhh):
    num_nodes = inp.shape[0]
    loop = jnp.arange(num_nodes, dtype=edgidx.dtype)
    src = jnp.concatenate([edgidx[0], loop])
    dst = jnp.concatenate([edgidx[1], loop])
    deg = jnp.zeros((num_nodes,), dtype=inp.dtype).at[dst].add(1.0)
    dinv = jax.lax.rsqrt(jnp.maximum(deg, 1e-12))
    norm = dinv[src] * dinv[dst]

    h_layers = []
    for i in range(L):
        x_in = inp if i == 0 else h_layers[i - 1]
        z_g = jax.nn.sigmoid(_gcn_conv(x_in, Wxz[i], bxz[i], src, dst, norm, num_nodes)
                             + _gcn_conv(h[i], Whz[i], bhz[i], src, dst, norm, num_nodes))
        r_g = jax.nn.sigmoid(_gcn_conv(x_in, Wxr[i], bxr[i], src, dst, norm, num_nodes)
                             + _gcn_conv(h[i], Whr[i], bhr[i], src, dst, norm, num_nodes))
        h_tilde_g = jnp.tanh(_gcn_conv(x_in, Wxh[i], bxh[i], src, dst, norm, num_nodes)
                             + _gcn_conv(r_g * h[i], Whh[i], bhh[i], src, dst, norm, num_nodes))
        h_layers.append(z_g * h[i] + (1.0 - z_g) * h_tilde_g)
    h_out = jnp.stack(h_layers, axis=0)
    return (h_out, h_out)

if __name__ == "__main__":
    import jax
    _d = setup_inputs()
    print(jax.jit(kernel)(*tuple(_d.values())))

</pallas_src>

<mosaic_0001>
#map = affine_map<(d0, d1) -> (0, 0)>
module attributes {stable_mosaic.version = 14 : i64} {
  func.func @prop_kernel(%arg0: i32, %arg1: i32, %arg2: memref<10240x128xf32, #tpu.memory_space<hbm>>, %arg3: memref<10240x128xf32, #tpu.memory_space<hbm>>, %arg4: memref<2560x125xi32, #tpu.memory_space<hbm>>, %arg5: memref<2560x125xi32, #tpu.memory_space<hbm>>, %arg6: memref<10240x128xf32, #tpu.memory_space<hbm>>, %arg7: memref<10240x128xf32, #tpu.memory_space<hbm>>, %arg8: memref<16x125xi32, #tpu.memory_space<vmem>>, %arg9: memref<16x125xi32, #tpu.memory_space<vmem>>, %arg10: memref<16x125xi32, #tpu.memory_space<vmem>>, %arg11: memref<16x125xi32, #tpu.memory_space<vmem>>, %arg12: memref<125x128xf32, #tpu.memory_space<vmem>>, %arg13: memref<125x128xf32, #tpu.memory_space<vmem>>, %arg14: memref<!tpu.dma_semaphore, #tpu.memory_space<semaphore_mem>>, %arg15: memref<!tpu.dma_semaphore, #tpu.memory_space<semaphore_mem>>, %arg16: memref<!tpu.dma_semaphore, #tpu.memory_space<semaphore_mem>>, %arg17: memref<!tpu.dma_semaphore, #tpu.memory_space<semaphore_mem>>, %arg18: memref<!tpu.dma_semaphore, #tpu.memory_space<semaphore_mem>>, %arg19: memref<!tpu.dma_semaphore, #tpu.memory_space<semaphore_mem>>, %arg20: memref<10240x128xf32, #tpu.memory_space<vmem_shared>>) attributes {dimension_semantics = [#tpu.dimension_semantics<core_parallel>, #tpu.dimension_semantics<subcore_parallel>], iteration_bounds = array<i64: 2, 16>, scalar_prefetch = 0 : i64, scratch_operands = 13 : i64, tpu.core_type = #tpu.core_type<sc_vector_subcore>, window_params = [{transform_indices = #map}, {transform_indices = #map}, {transform_indices = #map}, {transform_indices = #map}, {transform_indices = #map}, {transform_indices = #map}]} {
    %mul3A = arith.constant 640 : i32
    %mul3A_0 = arith.muli %arg1, %mul3A : i32
    %eq3A = arith.constant 0 : i32
    %eq3A_1 = arith.cmpi eq, %arg0, %eq3A : i32
    %convert_element_type3A = arith.extui %eq3A_1 : i1 to i32
    %cond3A = arith.constant 0 : i32
    %cond3A_2 = arith.cmpi ne, %convert_element_type3A, %cond3A : i32
    scf.if %cond3A_2 {
      "tpu.region"() ({
        %run_scoped3A = tpu.sem_alloc : memref<!tpu.dma_semaphore, #tpu.memory_space<semaphore_mem>>
        %dma_start3A_45 = arith.constant 0 : i32
        %dma_start3A_46 = tpu.memref_slice %arg20[%mul3A_0, %dma_start3A_45] : memref<10240x128xf32, #tpu.memory_space<vmem_shared>> -> memref<640x128xf32, #tpu.memory_space<vmem_shared>>
        %dma_start3A_47 = arith.constant 0 : i32
        %dma_start3A_48 = tpu.memref_slice %arg2[%mul3A_0, %dma_start3A_47] : memref<10240x128xf32, #tpu.memory_space<hbm>> -> memref<640x128xf32, #tpu.memory_space<hbm>>
        tpu.enqueue_dma source(%dma_start3A_48 : memref<640x128xf32, #tpu.memory_space<hbm>>) target(%dma_start3A_46 : memref<640x128xf32, #tpu.memory_space<vmem_shared>>) target_semaphore(%run_scoped3A : memref<!tpu.dma_semaphore, #tpu.memory_space<semaphore_mem>>)
        %dma_wait3A = arith.constant 0 : i32
        %dma_wait3A_49 = tpu.memref_slice %arg20[%mul3A_0, %dma_wait3A] : memref<10240x128xf32, #tpu.memory_space<vmem_shared>> -> memref<640x128xf32, #tpu.memory_space<vmem_shared>>
        %dma_wait3A_50 = arith.constant 0 : i32
        %dma_wait3A_51 = tpu.memref_slice %arg2[%mul3A_0, %dma_wait3A_50] : memref<10240x128xf32, #tpu.memory_space<hbm>> -> memref<640x128xf32, #tpu.memory_space<hbm>>
        tpu.wait_dma2 semaphore(%run_scoped3A : memref<!tpu.dma_semaphore, #tpu.memory_space<semaphore_mem>>) src(%dma_wait3A_51 : memref<640x128xf32, #tpu.memory_space<hbm>>) dst(%dma_wait3A_49 : memref<640x128xf32, #tpu.memory_space<vmem_shared>>)
        tpu.yield
      }) : () -> ()
    } else {
    }
    %eq3A_3 = arith.constant 1 : i32
    %eq3A_4 = arith.cmpi eq, %arg0, %eq3A_3 : i32
    %convert_element_type3A_5 = arith.extui %eq3A_4 : i1 to i32
    %cond3A_6 = arith.constant 0 : i32
    %cond3A_7 = arith.cmpi ne, %convert_element_type3A_5, %cond3A_6 : i32
    scf.if %cond3A_7 {
      "tpu.region"() ({
        %run_scoped3A = tpu.sem_alloc : memref<!tpu.dma_semaphore, #tpu.memory_space<semaphore_mem>>
        %dma_start3A_45 = arith.constant 0 : i32
        %dma_start3A_46 = tpu.memref_slice %arg20[%mul3A_0, %dma_start3A_45] : memref<10240x128xf32, #tpu.memory_space<vmem_shared>> -> memref<640x128xf32, #tpu.memory_space<vmem_shared>>
        %dma_start3A_47 = arith.constant 0 : i32
        %dma_start3A_48 = tpu.memref_slice %arg3[%mul3A_0, %dma_start3A_47] : memref<10240x128xf32, #tpu.memory_space<hbm>> -> memref<640x128xf32, #tpu.memory_space<hbm>>
        tpu.enqueue_dma source(%dma_start3A_48 : memref<640x128xf32, #tpu.memory_space<hbm>>) target(%dma_start3A_46 : memref<640x128xf32, #tpu.memory_space<vmem_shared>>) target_semaphore(%run_scoped3A : memref<!tpu.dma_semaphore, #tpu.memory_space<semaphore_mem>>)
        %dma_wait3A = arith.constant 0 : i32
        %dma_wait3A_49 = tpu.memref_slice %arg20[%mul3A_0, %dma_wait3A] : memref<10240x128xf32, #tpu.memory_space<vmem_shared>> -> memref<640x128xf32, #tpu.memory_space<vmem_shared>>
        %dma_wait3A_50 = arith.constant 0 : i32
        %dma_wait3A_51 = tpu.memref_slice %arg3[%mul3A_0, %dma_wait3A_50] : memref<10240x128xf32, #tpu.memory_space<hbm>> -> memref<640x128xf32, #tpu.memory_space<hbm>>
        tpu.wait_dma2 semaphore(%run_scoped3A : memref<!tpu.dma_semaphore, #tpu.memory_space<semaphore_mem>>) src(%dma_wait3A_51 : memref<640x128xf32, #tpu.memory_space<hbm>>) dst(%dma_wait3A_49 : memref<640x128xf32, #tpu.memory_space<vmem_shared>>)
        tpu.yield
      }) : () -> ()
    } else {
    }
    %mul3A_8 = arith.constant 160 : i32
    %mul3A_9 = arith.muli %arg1, %mul3A_8 : i32
    %barrier3A = arith.constant 0 : index
    tpu.barrier barrier_id(%barrier3A)
    "tpu.region"() ({
      %run_scoped3A = tpu.sem_alloc : memref<!tpu.dma_semaphore, #tpu.memory_space<semaphore_mem>>
      %dma_start3A_45 = arith.constant 0 : i32
      %dma_start3A_46 = tpu.memref_slice %arg4[%mul3A_9, %dma_start3A_45] : memref<2560x125xi32, #tpu.memory_space<hbm>> -> memref<16x125xi32, #tpu.memory_space<hbm>>
      %dma_start3A_47 = arith.constant 0 : i32
      %dma_start3A_48 = tpu.memref_slice %arg4[%mul3A_9, %dma_start3A_47] : memref<2560x125xi32, #tpu.memory_space<hbm>> -> memref<16x125xi32, #tpu.memory_space<hbm>>
      tpu.enqueue_dma source(%dma_start3A_48 : memref<16x125xi32, #tpu.memory_space<hbm>>) target(%arg8 : memref<16x125xi32, #tpu.memory_space<vmem>>) target_semaphore(%run_scoped3A : memref<!tpu.dma_semaphore, #tpu.memory_space<semaphore_mem>>)
      %dma_wait3A = arith.constant 0 : i32
      %dma_wait3A_49 = tpu.memref_slice %arg4[%mul3A_9, %dma_wait3A] : memref<2560x125xi32, #tpu.memory_space<hbm>> -> memref<16x125xi32, #tpu.memory_space<hbm>>
      %dma_wait3A_50 = arith.constant 0 : i32
      %dma_wait3A_51 = tpu.memref_slice %arg4[%mul3A_9, %dma_wait3A_50] : memref<2560x125xi32, #tpu.memory_space<hbm>> -> memref<16x125xi32, #tpu.memory_space<hbm>>
      tpu.wait_dma2 semaphore(%run_scoped3A : memref<!tpu.dma_semaphore, #tpu.memory_space<semaphore_mem>>) src(%dma_wait3A_51 : memref<16x125xi32, #tpu.memory_space<hbm>>) dst(%arg8 : memref<16x125xi32, #tpu.memory_space<vmem>>)
      tpu.yield
    }) : () -> ()
    "tpu.region"() ({
      %run_scoped3A = tpu.sem_alloc : memref<!tpu.dma_semaphore, #tpu.memory_space<semaphore_mem>>
      %dma_start3A_45 = arith.constant 0 : i32
      %dma_start3A_46 = tpu.memref_slice %arg5[%mul3A_9, %dma_start3A_45] : memref<2560x125xi32, #tpu.memory_space<hbm>> -> memref<16x125xi32, #tpu.memory_space<hbm>>
      %dma_start3A_47 = arith.constant 0 : i32
      %dma_start3A_48 = tpu.memref_slice %arg5[%mul3A_9, %dma_start3A_47] : memref<2560x125xi32, #tpu.memory_space<hbm>> -> memref<16x125xi32, #tpu.memory_space<hbm>>
      tpu.enqueue_dma source(%dma_start3A_48 : memref<16x125xi32, #tpu.memory_space<hbm>>) target(%arg10 : memref<16x125xi32, #tpu.memory_space<vmem>>) target_semaphore(%run_scoped3A : memref<!tpu.dma_semaphore, #tpu.memory_space<semaphore_mem>>)
      %dma_wait3A = arith.constant 0 : i32
      %dma_wait3A_49 = tpu.memref_slice %arg5[%mul3A_9, %dma_wait3A] : memref<2560x125xi32, #tpu.memory_space<hbm>> -> memref<16x125xi32, #tpu.memory_space<hbm>>
      %dma_wait3A_50 = arith.constant 0 : i32
      %dma_wait3A_51 = tpu.memref_slice %arg5[%mul3A_9, %dma_wait3A_50] : memref<2560x125xi32, #tpu.memory_space<hbm>> -> memref<16x125xi32, #tpu.memory_space<hbm>>
      tpu.wait_dma2 semaphore(%run_scoped3A : memref<!tpu.dma_semaphore, #tpu.memory_space<semaphore_mem>>) src(%dma_wait3A_51 : memref<16x125xi32, #tpu.memory_space<hbm>>) dst(%arg10 : memref<16x125xi32, #tpu.memory_space<vmem>>)
      tpu.yield
    }) : () -> ()
    %add3A = arith.constant 16 : i32
    %add3A_10 = arith.addi %mul3A_9, %add3A : i32
    %dma_start3A = arith.constant 0 : i32
    %dma_start3A_11 = tpu.memref_slice %arg4[%add3A_10, %dma_start3A] : memref<2560x125xi32, #tpu.memory_space<hbm>> -> memref<16x125xi32, #tpu.memory_space<hbm>>
    %dma_start3A_12 = arith.constant 0 : i32
    %dma_start3A_13 = tpu.memref_slice %arg4[%add3A_10, %dma_start3A_12] : memref<2560x125xi32, #tpu.memory_space<hbm>> -> memref<16x125xi32, #tpu.memory_space<hbm>>
    tpu.enqueue_dma source(%dma_start3A_13 : memref<16x125xi32, #tpu.memory_space<hbm>>) target(%arg9 : memref<16x125xi32, #tpu.memory_space<vmem>>) target_semaphore(%arg19 : memref<!tpu.dma_semaphore, #tpu.memory_space<semaphore_mem>>)
    %dma_start3A_14 = arith.constant 0 : i32
    %dma_start3A_15 = tpu.memref_slice %arg5[%add3A_10, %dma_start3A_14] : memref<2560x125xi32, #tpu.memory_space<hbm>> -> memref<16x125xi32, #tpu.memory_space<hbm>>
    %dma_start3A_16 = arith.constant 0 : i32
    %dma_start3A_17 = tpu.memref_slice %arg5[%add3A_10, %dma_start3A_16] : memref<2560x125xi32, #tpu.memory_space<hbm>> -> memref<16x125xi32, #tpu.memory_space<hbm>>
    tpu.enqueue_dma source(%dma_start3A_17 : memref<16x125xi32, #tpu.memory_space<hbm>>) target(%arg11 : memref<16x125xi32, #tpu.memory_space<vmem>>) target_semaphore(%arg19 : memref<!tpu.dma_semaphore, #tpu.memory_space<semaphore_mem>>)
    %eq3A_18 = arith.constant 0 : i32
    %eq3A_19 = arith.cmpi eq, %arg0, %eq3A_18 : i32
    %convert_element_type3A_20 = arith.extui %eq3A_19 : i1 to i32
    %cond3A_21 = arith.constant 0 : i32
    %cond3A_22 = arith.cmpi ne, %convert_element_type3A_20, %cond3A_21 : i32
    scf.if %cond3A_22 {
      %dma_start3A_45 = arith.constant 0 : i32
      %dma_start3A_46 = arith.constant 0 : i32
      %dma_start3A_47 = tpu.memref_slice %arg8[%dma_start3A_45, %dma_start3A_46] : memref<16x125xi32, #tpu.memory_space<vmem>> -> memref<1x125xi32, #tpu.memory_space<vmem>>
      %dma_start3A_48 = tpu.memref_squeeze %dma_start3A_47 : memref<1x125xi32, #tpu.memory_space<vmem>> -> memref<125xi32, #tpu.memory_space<vmem>>
      %dma_start3A_49 = arith.constant 0 : i32
      %dma_start3A_50 = arith.constant 0 : i32
      %dma_start3A_51 = tpu.memref_slice %arg2[%dma_start3A_49, %dma_start3A_50] : memref<10240x128xf32, #tpu.memory_space<hbm>> -> memref<10240x128xf32, #tpu.memory_space<hbm>>
      tpu.enqueue_indirect_dma source(%dma_start3A_51 : memref<10240x128xf32, #tpu.memory_space<hbm>>) target(%arg12 : memref<125x128xf32, #tpu.memory_space<vmem>>) offsets(%dma_start3A_48 : memref<125xi32, #tpu.memory_space<vmem>>) semaphore(%arg14 : memref<!tpu.dma_semaphore, #tpu.memory_space<semaphore_mem>>)
    } else {
    }
    %eq3A_23 = arith.constant 1 : i32
    %eq3A_24 = arith.cmpi eq, %arg0, %eq3A_23 : i32
    %convert_element_type3A_25 = arith.extui %eq3A_24 : i1 to i32
    %cond3A_26 = arith.constant 0 : i32
    %cond3A_27 = arith.cmpi ne, %convert_element_type3A_25, %cond3A_26 : i32
    scf.if %cond3A_27 {
      %dma_start3A_45 = arith.constant 0 : i32
      %dma_start3A_46 = arith.constant 0 : i32
      %dma_start3A_47 = tpu.memref_slice %arg8[%dma_start3A_45, %dma_start3A_46] : memref<16x125xi32, #tpu.memory_space<vmem>> -> memref<1x125xi32, #tpu.memory_space<vmem>>
      %dma_start3A_48 = tpu.memref_squeeze %dma_start3A_47 : memref<1x125xi32, #tpu.memory_space<vmem>> -> memref<125xi32, #tpu.memory_space<vmem>>
      %dma_start3A_49 = arith.constant 0 : i32
      %dma_start3A_50 = arith.constant 0 : i32
      %dma_start3A_51 = tpu.memref_slice %arg3[%dma_start3A_49, %dma_start3A_50] : memref<10240x128xf32, #tpu.memory_space<hbm>> -> memref<10240x128xf32, #tpu.memory_space<hbm>>
      tpu.enqueue_indirect_dma source(%dma_start3A_51 : memref<10240x128xf32, #tpu.memory_space<hbm>>) target(%arg12 : memref<125x128xf32, #tpu.memory_space<vmem>>) offsets(%dma_start3A_48 : memref<125xi32, #tpu.memory_space<vmem>>) semaphore(%arg14 : memref<!tpu.dma_semaphore, #tpu.memory_space<semaphore_mem>>)
    } else {
    }
    %scan3A = arith.constant 0 : i32
    %scan3A_28 = arith.constant 0 : i32
    %scan3A_29 = arith.constant 5 : i32
    %scan3A_30 = arith.addi %scan3A_28, %scan3A_29 : i32
    %scan3A_31 = arith.constant 1 : i32
    %scan3A_32 = scf.for %scan3A_45 = %scan3A_28 to %scan3A_30 step %scan3A_31 iter_args(%scan3A_46 = %scan3A) -> (i32)  : i32 {
      %mul3A_47 = arith.constant 2 : i32
      %mul3A_48 = arith.muli %mul3A_47, %scan3A_45 : i32
      %scan3A_49 = arith.constant 0 : i32
      %scan3A_50 = arith.constant 0 : i32
      %scan3A_51 = arith.constant 8 : i32
      %scan3A_52 = arith.addi %scan3A_50, %scan3A_51 : i32
      %scan3A_53 = arith.constant 1 : i32
      %scan3A_54 = scf.for %scan3A_108 = %scan3A_50 to %scan3A_52 step %scan3A_53 iter_args(%scan3A_109 = %scan3A_49) -> (i32)  : i32 {
        %mul3A_110 = arith.constant 2 : i32
        %mul3A_111 = arith.muli %mul3A_110, %scan3A_108 : i32
        %dma_wait3A_112 = arith.constant 0 : i32
        %dma_wait3A_113 = tpu.memref_slice %arg8[%mul3A_111, %dma_wait3A_112] : memref<16x125xi32, #tpu.memory_space<vmem>> -> memref<1x125xi32, #tpu.memory_space<vmem>>
        %dma_wait3A_114 = tpu.memref_squeeze %dma_wait3A_113 : memref<1x125xi32, #tpu.memory_space<vmem>> -> memref<125xi32, #tpu.memory_space<vmem>>
        %dma_wait3A_115 = arith.constant 0 : i32
        %dma_wait3A_116 = arith.constant 0 : i32
        %dma_wait3A_117 = tpu.memref_slice %arg2[%dma_wait3A_115, %dma_wait3A_116] : memref<10240x128xf32, #tpu.memory_space<hbm>> -> memref<10240x128xf32, #tpu.memory_space<hbm>>
        tpu.wait_indirect_dma semaphore(%arg14 : memref<!tpu.dma_semaphore, #tpu.memory_space<semaphore_mem>>) src(%dma_wait3A_117 : memref<10240x128xf32, #tpu.memory_space<hbm>>) dst(%arg12 : memref<125x128xf32, #tpu.memory_space<vmem>>)
        %dma_start3A_118 = arith.constant 0 : i32
        %dma_start3A_119 = tpu.memref_slice %arg10[%mul3A_111, %dma_start3A_118] : memref<16x125xi32, #tpu.memory_space<vmem>> -> memref<1x125xi32, #tpu.memory_space<vmem>>
        %dma_start3A_120 = tpu.memref_squeeze %dma_start3A_119 : memref<1x125xi32, #tpu.memory_space<vmem>> -> memref<125xi32, #tpu.memory_space<vmem>>
        %dma_start3A_121 = arith.constant 0 : i32
        %dma_start3A_122 = arith.constant 0 : i32
        %dma_start3A_123 = tpu.memref_slice %arg20[%dma_start3A_121, %dma_start3A_122] : memref<10240x128xf32, #tpu.memory_space<vmem_shared>> -> memref<10240x128xf32, #tpu.memory_space<vmem_shared>>
        tpu.enqueue_indirect_dma source(%arg12 : memref<125x128xf32, #tpu.memory_space<vmem>>) target(%dma_start3A_123 : memref<10240x128xf32, #tpu.memory_space<vmem_shared>>) offsets(%dma_start3A_120 : memref<125xi32, #tpu.memory_space<vmem>>) semaphore(%arg16 : memref<!tpu.dma_semaphore, #tpu.memory_space<semaphore_mem>>) {add = true}
        %gt3A = arith.constant 0 : i32
        %gt3A_124 = arith.cmpi sgt, %scan3A_108, %gt3A : i32
        %convert_element_type3A_125 = arith.extui %gt3A_124 : i1 to i32
        %cond3A_126 = arith.constant 0 : i32
        %cond3A_127 = arith.cmpi ne, %convert_element_type3A_125, %cond3A_126 : i32
        scf.if %cond3A_127 {
          %sub3A = arith.constant 1 : i32
          %sub3A_168 = arith.subi %mul3A_111, %sub3A : i32
          %dma_wait3A_169 = arith.constant 0 : i32
          %dma_wait3A_170 = tpu.memref_slice %arg10[%sub3A_168, %dma_wait3A_169] : memref<16x125xi32, #tpu.memory_space<vmem>> -> memref<1x125xi32, #tpu.memory_space<vmem>>
          %dma_wait3A_171 = tpu.memref_squeeze %dma_wait3A_170 : memref<1x125xi32, #tpu.memory_space<vmem>> -> memref<125xi32, #tpu.memory_space<vmem>>
          %dma_wait3A_172 = arith.constant 0 : i32
          %dma_wait3A_173 = arith.constant 0 : i32
          %dma_wait3A_174 = tpu.memref_slice %arg20[%dma_wait3A_172, %dma_wait3A_173] : memref<10240x128xf32, #tpu.memory_space<vmem_shared>> -> memref<10240x128xf32, #tpu.memory_space<vmem_shared>>
          tpu.wait_indirect_dma semaphore(%arg17 : memref<!tpu.dma_semaphore, #tpu.memory_space<semaphore_mem>>) src(%arg13 : memref<125x128xf32, #tpu.memory_space<vmem>>) dst(%dma_wait3A_174 : memref<10240x128xf32, #tpu.memory_space<vmem_shared>>)
        } else {
        }
        %add3A_128 = arith.constant 1 : i32
        %add3A_129 = arith.addi %mul3A_111, %add3A_128 : i32
        %eq3A_130 = arith.constant 0 : i32
        %eq3A_131 = arith.cmpi eq, %arg0, %eq3A_130 : i32
        %convert_element_type3A_132 = arith.extui %eq3A_131 : i1 to i32
        %cond3A_133 = arith.constant 0 : i32
        %cond3A_134 = arith.cmpi ne, %convert_element_type3A_132, %cond3A_133 : i32
        scf.if %cond3A_134 {
          %dma_start3A_168 = arith.constant 0 : i32
          %dma_start3A_169 = tpu.memref_slice %arg8[%add3A_129, %dma_start3A_168] : memref<16x125xi32, #tpu.memory_space<vmem>> -> memref<1x125xi32, #tpu.memory_space<vmem>>
          %dma_start3A_170 = tpu.memref_squeeze %dma_start3A_169 : memref<1x125xi32, #tpu.memory_space<vmem>> -> memref<125xi32, #tpu.memory_space<vmem>>
          %dma_start3A_171 = arith.constant 0 : i32
          %dma_start3A_172 = arith.constant 0 : i32
          %dma_start3A_173 = tpu.memref_slice %arg2[%dma_start3A_171, %dma_start3A_172] : memref<10240x128xf32, #tpu.memory_space<hbm>> -> memref<10240x128xf32, #tpu.memory_space<hbm>>
          tpu.enqueue_indirect_dma source(%dma_start3A_173 : memref<10240x128xf32, #tpu.memory_space<hbm>>) target(%arg13 : memref<125x128xf32, #tpu.memory_space<vmem>>) offsets(%dma_start3A_170 : memref<125xi32, #tpu.memory_space<vmem>>) semaphore(%arg15 : memref<!tpu.dma_semaphore, #tpu.memory_space<semaphore_mem>>)
        } else {
        }
        %eq3A_135 = arith.constant 1 : i32
        %eq3A_136 = arith.cmpi eq, %arg0, %eq3A_135 : i32
        %convert_element_type3A_137 = arith.extui %eq3A_136 : i1 to i32
        %cond3A_138 = arith.constant 0 : i32
        %cond3A_139 = arith.cmpi ne, %convert_element_type3A_137, %cond3A_138 : i32
        scf.if %cond3A_139 {
          %dma_start3A_168 = arith.constant 0 : i32
          %dma_start3A_169 = tpu.memref_slice %arg8[%add3A_129, %dma_start3A_168] : memref<16x125xi32, #tpu.memory_space<vmem>> -> memref<1x125xi32, #tpu.memory_space<vmem>>
          %dma_start3A_170 = tpu.memref_squeeze %dma_start3A_169 : memref<1x125xi32, #tpu.memory_space<vmem>> -> memref<125xi32, #tpu.memory_space<vmem>>
          %dma_start3A_171 = arith.constant 0 : i32
          %dma_start3A_172 = arith.constant 0 : i32
          %dma_start3A_173 = tpu.memref_slice %arg3[%dma_start3A_171, %dma_start3A_172] : memref<10240x128xf32, #tpu.memory_space<hbm>> -> memref<10240x128xf32, #tpu.memory_space<hbm>>
          tpu.enqueue_indirect_dma source(%dma_start3A_173 : memref<10240x128xf32, #tpu.memory_space<hbm>>) target(%arg13 : memref<125x128xf32, #tpu.memory_space<vmem>>) offsets(%dma_start3A_170 : memref<125xi32, #tpu.memory_space<vmem>>) semaphore(%arg15 : memref<!tpu.dma_semaphore, #tpu.memory_space<semaphore_mem>>)
        } else {
        }
        %add3A_140 = arith.constant 1 : i32
        %add3A_141 = arith.addi %mul3A_111, %add3A_140 : i32
        %dma_wait3A_142 = arith.constant 0 : i32
        %dma_wait3A_143 = tpu.memref_slice %arg8[%add3A_141, %dma_wait3A_142] : memref<16x125xi32, #tpu.memory_space<vmem>> -> memref<1x125xi32, #tpu.memory_space<vmem>>
        %dma_wait3A_144 = tpu.memref_squeeze %dma_wait3A_143 : memref<1x125xi32, #tpu.memory_space<vmem>> -> memref<125xi32, #tpu.memory_space<vmem>>
        %dma_wait3A_145 = arith.constant 0 : i32
        %dma_wait3A_146 = arith.constant 0 : i32
        %dma_wait3A_147 = tpu.memref_slice %arg2[%dma_wait3A_145, %dma_wait3A_146] : memref<10240x128xf32, #tpu.memory_space<hbm>> -> memref<10240x128xf32, #tpu.memory_space<hbm>>
        tpu.wait_indirect_dma semaphore(%arg15 : memref<!tpu.dma_semaphore, #tpu.memory_space<semaphore_mem>>) src(%dma_wait3A_147 : memref<10240x128xf32, #tpu.memory_space<hbm>>) dst(%arg13 : memref<125x128xf32, #tpu.memory_space<vmem>>)
        %add3A_148 = arith.constant 1 : i32
        %add3A_149 = arith.addi %mul3A_111, %add3A_148 : i32
        %dma_start3A_150 = arith.constant 0 : i32
        %dma_start3A_151 = tpu.memref_slice %arg10[%add3A_149, %dma_start3A_150] : memref<16x125xi32, #tpu.memory_space<vmem>> -> memref<1x125xi32, #tpu.memory_space<vmem>>
        %dma_start3A_152 = tpu.memref_squeeze %dma_start3A_151 : memref<1x125xi32, #tpu.memory_space<vmem>> -> memref<125xi32, #tpu.memory_space<vmem>>
        %dma_start3A_153 = arith.constant 0 : i32
        %dma_start3A_154 = arith.constant 0 : i32
        %dma_start3A_155 = tpu.memref_slice %arg20[%dma_start3A_153, %dma_start3A_154] : memref<10240x128xf32, #tpu.memory_space<vmem_shared>> -> memref<10240x128xf32, #tpu.memory_space<vmem_shared>>
        tpu.enqueue_indirect_dma source(%arg13 : memref<125x128xf32, #tpu.memory_space<vmem>>) target(%dma_start3A_155 : memref<10240x128xf32, #tpu.memory_space<vmem_shared>>) offsets(%dma_start3A_152 : memref<125xi32, #tpu.memory_space<vmem>>) semaphore(%arg17 : memref<!tpu.dma_semaphore, #tpu.memory_space<semaphore_mem>>) {add = true}
        %dma_wait3A_156 = arith.constant 0 : i32
        %dma_wait3A_157 = tpu.memref_slice %arg10[%mul3A_111, %dma_wait3A_156] : memref<16x125xi32, #tpu.memory_space<vmem>> -> memref<1x125xi32, #tpu.memory_space<vmem>>
        %dma_wait3A_158 = tpu.memref_squeeze %dma_wait3A_157 : memref<1x125xi32, #tpu.memory_space<vmem>> -> memref<125xi32, #tpu.memory_space<vmem>>
        %dma_wait3A_159 = arith.constant 0 : i32
        %dma_wait3A_160 = arith.constant 0 : i32
        %dma_wait3A_161 = tpu.memref_slice %arg20[%dma_wait3A_159, %dma_wait3A_160] : memref<10240x128xf32, #tpu.memory_space<vmem_shared>> -> memref<10240x128xf32, #tpu.memory_space<vmem_shared>>
        tpu.wait_indirect_dma semaphore(%arg16 : memref<!tpu.dma_semaphore, #tpu.memory_space<semaphore_mem>>) src(%arg12 : memref<125x128xf32, #tpu.memory_space<vmem>>) dst(%dma_wait3A_161 : memref<10240x128xf32, #tpu.memory_space<vmem_shared>>)
        %lt3A_162 = arith.constant 7 : i32
        %lt3A_163 = arith.cmpi slt, %scan3A_108, %lt3A_162 : i32
        %convert_element_type3A_164 = arith.extui %lt3A_163 : i1 to i32
        %cond3A_165 = arith.constant 0 : i32
        %cond3A_166 = arith.cmpi ne, %convert_element_type3A_164, %cond3A_165 : i32
        scf.if %cond3A_166 {
          %add3A_168 = arith.constant 2 : i32
          %add3A_169 = arith.addi %mul3A_111, %add3A_168 : i32
          %eq3A_170 = arith.constant 0 : i32
          %eq3A_171 = arith.cmpi eq, %arg0, %eq3A_170 : i32
          %convert_element_type3A_172 = arith.extui %eq3A_171 : i1 to i32
          %cond3A_173 = arith.constant 0 : i32
          %cond3A_174 = arith.cmpi ne, %convert_element_type3A_172, %cond3A_173 : i32
          scf.if %cond3A_174 {
            %dma_start3A_180 = arith.constant 0 : i32
            %dma_start3A_181 = tpu.memref_slice %arg8[%add3A_169, %dma_start3A_180] : memref<16x125xi32, #tpu.memory_space<vmem>> -> memref<1x125xi32, #tpu.memory_space<vmem>>
            %dma_start3A_182 = tpu.memref_squeeze %dma_start3A_181 : memref<1x125xi32, #tpu.memory_space<vmem>> -> memref<125xi32, #tpu.memory_space<vmem>>
            %dma_start3A_183 = arith.constant 0 : i32
            %dma_start3A_184 = arith.constant 0 : i32
            %dma_start3A_185 = tpu.memref_slice %arg2[%dma_start3A_183, %dma_start3A_184] : memref<10240x128xf32, #tpu.memory_space<hbm>> -> memref<10240x128xf32, #tpu.memory_space<hbm>>
            tpu.enqueue_indirect_dma source(%dma_start3A_185 : memref<10240x128xf32, #tpu.memory_space<hbm>>) target(%arg12 : memref<125x128xf32, #tpu.memory_space<vmem>>) offsets(%dma_start3A_182 : memref<125xi32, #tpu.memory_space<vmem>>) semaphore(%arg14 : memref<!tpu.dma_semaphore, #tpu.memory_space<semaphore_mem>>)
          } else {
          }
          %eq3A_175 = arith.constant 1 : i32
          %eq3A_176 = arith.cmpi eq, %arg0, %eq3A_175 : i32
          %convert_element_type3A_177 = arith.extui %eq3A_176 : i1 to i32
          %cond3A_178 = arith.constant 0 : i32
          %cond3A_179 = arith.cmpi ne, %convert_element_type3A_177, %cond3A_178 : i32
          scf.if %cond3A_179 {
            %dma_start3A_180 = arith.constant 0 : i32
            %dma_start3A_181 = tpu.memref_slice %arg8[%add3A_169, %dma_start3A_180] : memref<16x125xi32, #tpu.memory_space<vmem>> -> memref<1x125xi32, #tpu.memory_space<vmem>>
            %dma_start3A_182 = tpu.memref_squeeze %dma_start3A_181 : memref<1x125xi32, #tpu.memory_space<vmem>> -> memref<125xi32, #tpu.memory_space<vmem>>
            %dma_start3A_183 = arith.constant 0 : i32
            %dma_start3A_184 = arith.constant 0 : i32
            %dma_start3A_185 = tpu.memref_slice %arg3[%dma_start3A_183, %dma_start3A_184] : memref<10240x128xf32, #tpu.memory_space<hbm>> -> memref<10240x128xf32, #tpu.memory_space<hbm>>
            tpu.enqueue_indirect_dma source(%dma_start3A_185 : memref<10240x128xf32, #tpu.memory_space<hbm>>) target(%arg12 : memref<125x128xf32, #tpu.memory_space<vmem>>) offsets(%dma_start3A_182 : memref<125xi32, #tpu.memory_space<vmem>>) semaphore(%arg14 : memref<!tpu.dma_semaphore, #tpu.memory_space<semaphore_mem>>)
          } else {
          }
        } else {
        }
        %scan3A_167 = arith.constant 0 : i32
        scf.yield %scan3A_167 : i32
      }
      %scan3A_55 = arith.constant 8 : i32
      %dma_wait3A = arith.constant 15 : i32
      %dma_wait3A_56 = arith.constant 0 : i32
      %dma_wait3A_57 = tpu.memref_slice %arg10[%dma_wait3A, %dma_wait3A_56] : memref<16x125xi32, #tpu.memory_space<vmem>> -> memref<1x125xi32, #tpu.memory_space<vmem>>
      %dma_wait3A_58 = tpu.memref_squeeze %dma_wait3A_57 : memref<1x125xi32, #tpu.memory_space<vmem>> -> memref<125xi32, #tpu.memory_space<vmem>>
      %dma_wait3A_59 = arith.constant 0 : i32
      %dma_wait3A_60 = arith.constant 0 : i32
      %dma_wait3A_61 = tpu.memref_slice %arg20[%dma_wait3A_59, %dma_wait3A_60] : memref<10240x128xf32, #tpu.memory_space<vmem_shared>> -> memref<10240x128xf32, #tpu.memory_space<vmem_shared>>
      tpu.wait_indirect_dma semaphore(%arg17 : memref<!tpu.dma_semaphore, #tpu.memory_space<semaphore_mem>>) src(%arg13 : memref<125x128xf32, #tpu.memory_space<vmem>>) dst(%dma_wait3A_61 : memref<10240x128xf32, #tpu.memory_space<vmem_shared>>)
      %dma_wait3A_62 = arith.constant 0 : i32
      %dma_wait3A_63 = arith.constant 0 : i32
      %dma_wait3A_64 = tpu.memref_slice %arg4[%dma_wait3A_62, %dma_wait3A_63] : memref<2560x125xi32, #tpu.memory_space<hbm>> -> memref<16x125xi32, #tpu.memory_space<hbm>>
      %dma_wait3A_65 = arith.constant 0 : i32
      %dma_wait3A_66 = arith.constant 0 : i32
      %dma_wait3A_67 = tpu.memref_slice %arg4[%dma_wait3A_65, %dma_wait3A_66] : memref<2560x125xi32, #tpu.memory_space<hbm>> -> memref<16x125xi32, #tpu.memory_space<hbm>>
      tpu.wait_dma2 semaphore(%arg19 : memref<!tpu.dma_semaphore, #tpu.memory_space<semaphore_mem>>) src(%dma_wait3A_67 : memref<16x125xi32, #tpu.memory_space<hbm>>) dst(%arg9 : memref<16x125xi32, #tpu.memory_space<vmem>>)
      %dma_wait3A_68 = arith.constant 0 : i32
      %dma_wait3A_69 = arith.constant 0 : i32
      %dma_wait3A_70 = tpu.memref_slice %arg5[%dma_wait3A_68, %dma_wait3A_69] : memref<2560x125xi32, #tpu.memory_space<hbm>> -> memref<16x125xi32, #tpu.memory_space<hbm>>
      %dma_wait3A_71 = arith.constant 0 : i32
      %dma_wait3A_72 = arith.constant 0 : i32
      %dma_wait3A_73 = tpu.memref_slice %arg5[%dma_wait3A_71, %dma_wait3A_72] : memref<2560x125xi32, #tpu.memory_space<hbm>> -> memref<16x125xi32, #tpu.memory_space<hbm>>
      tpu.wait_dma2 semaphore(%arg19 : memref<!tpu.dma_semaphore, #tpu.memory_space<semaphore_mem>>) src(%dma_wait3A_73 : memref<16x125xi32, #tpu.memory_space<hbm>>) dst(%arg11 : memref<16x125xi32, #tpu.memory_space<vmem>>)
      %eq3A_74 = arith.constant 0 : i32
      %eq3A_75 = arith.cmpi eq, %arg0, %eq3A_74 : i32
      %convert_element_type3A_76 = arith.extui %eq3A_75 : i1 to i32
      %cond3A_77 = arith.constant 0 : i32
      %cond3A_78 = arith.cmpi ne, %convert_element_type3A_76, %cond3A_77 : i32
      scf.if %cond3A_78 {
        %dma_start3A_108 = arith.constant 0 : i32
        %dma_start3A_109 = arith.constant 0 : i32
        %dma_start3A_110 = tpu.memref_slice %arg9[%dma_start3A_108, %dma_start3A_109] : memref<16x125xi32, #tpu.memory_space<vmem>> -> memref<1x125xi32, #tpu.memory_space<vmem>>
        %dma_start3A_111 = tpu.memref_squeeze %dma_start3A_110 : memref<1x125xi32, #tpu.memory_space<vmem>> -> memref<125xi32, #tpu.memory_space<vmem>>
        %dma_start3A_112 = arith.constant 0 : i32
        %dma_start3A_113 = arith.constant 0 : i32
        %dma_start3A_114 = tpu.memref_slice %arg2[%dma_start3A_112, %dma_start3A_113] : memref<10240x128xf32, #tpu.memory_space<hbm>> -> memref<10240x128xf32, #tpu.memory_space<hbm>>
        tpu.enqueue_indirect_dma source(%dma_start3A_114 : memref<10240x128xf32, #tpu.memory_space<hbm>>) target(%arg12 : memref<125x128xf32, #tpu.memory_space<vmem>>) offsets(%dma_start3A_111 : memref<125xi32, #tpu.memory_space<vmem>>) semaphore(%arg14 : memref<!tpu.dma_semaphore, #tpu.memory_space<semaphore_mem>>)
      } else {
      }
      %eq3A_79 = arith.constant 1 : i32
      %eq3A_80 = arith.cmpi eq, %arg0, %eq3A_79 : i32
      %convert_element_type3A_81 = arith.extui %eq3A_80 : i1 to i32
      %cond3A_82 = arith.constant 0 : i32
      %cond3A_83 = arith.cmpi ne, %convert_element_type3A_81, %cond3A_82 : i32
      scf.if %cond3A_83 {
        %dma_start3A_108 = arith.constant 0 : i32
        %dma_start3A_109 = arith.constant 0 : i32
        %dma_start3A_110 = tpu.memref_slice %arg9[%dma_start3A_108, %dma_start3A_109] : memref<16x125xi32, #tpu.memory_space<vmem>> -> memref<1x125xi32, #tpu.memory_space<vmem>>
        %dma_start3A_111 = tpu.memref_squeeze %dma_start3A_110 : memref<1x125xi32, #tpu.memory_space<vmem>> -> memref<125xi32, #tpu.memory_space<vmem>>
        %dma_start3A_112 = arith.constant 0 : i32
        %dma_start3A_113 = arith.constant 0 : i32
        %dma_start3A_114 = tpu.memref_slice %arg3[%dma_start3A_112, %dma_start3A_113] : memref<10240x128xf32, #tpu.memory_space<hbm>> -> memref<10240x128xf32, #tpu.memory_space<hbm>>
        tpu.enqueue_indirect_dma source(%dma_start3A_114 : memref<10240x128xf32, #tpu.memory_space<hbm>>) target(%arg12 : memref<125x128xf32, #tpu.memory_space<vmem>>) offsets(%dma_start3A_111 : memref<125xi32, #tpu.memory_space<vmem>>) semaphore(%arg14 : memref<!tpu.dma_semaphore, #tpu.memory_space<semaphore_mem>>)
      } else {
      }
      %lt3A = arith.constant 4 : i32
      %lt3A_84 = arith.cmpi slt, %scan3A_45, %lt3A : i32
      %convert_element_type3A_85 = arith.extui %lt3A_84 : i1 to i32
      %cond3A_86 = arith.constant 0 : i32
      %cond3A_87 = arith.cmpi ne, %convert_element_type3A_85, %cond3A_86 : i32
      scf.if %cond3A_87 {
        %add3A_108 = arith.constant 2 : i32
        %add3A_109 = arith.addi %mul3A_48, %add3A_108 : i32
        %mul3A_110 = arith.constant 16 : i32
        %mul3A_111 = arith.muli %add3A_109, %mul3A_110 : i32
        %add3A_112 = arith.addi %mul3A_9, %mul3A_111 : i32
        %dma_start3A_113 = arith.constant 0 : i32
        %dma_start3A_114 = tpu.memref_slice %arg4[%add3A_112, %dma_start3A_113] : memref<2560x125xi32, #tpu.memory_space<hbm>> -> memref<16x125xi32, #tpu.memory_space<hbm>>
        %dma_start3A_115 = arith.constant 0 : i32
        %dma_start3A_116 = tpu.memref_slice %arg4[%add3A_112, %dma_start3A_115] : memref<2560x125xi32, #tpu.memory_space<hbm>> -> memref<16x125xi32, #tpu.memory_space<hbm>>
        tpu.enqueue_dma source(%dma_start3A_116 : memref<16x125xi32, #tpu.memory_space<hbm>>) target(%arg8 : memref<16x125xi32, #tpu.memory_space<vmem>>) target_semaphore(%arg18 : memref<!tpu.dma_semaphore, #tpu.memory_space<semaphore_mem>>)
        %dma_start3A_117 = arith.constant 0 : i32
        %dma_start3A_118 = tpu.memref_slice %arg5[%add3A_112, %dma_start3A_117] : memref<2560x125xi32, #tpu.memory_space<hbm>> -> memref<16x125xi32, #tpu.memory_space<hbm>>
        %dma_start3A_119 = arith.constant 0 : i32
        %dma_start3A_120 = tpu.memref_slice %arg5[%add3A_112, %dma_start3A_119] : memref<2560x125xi32, #tpu.memory_space<hbm>> -> memref<16x125xi32, #tpu.memory_space<hbm>>
        tpu.enqueue_dma source(%dma_start3A_120 : memref<16x125xi32, #tpu.memory_space<hbm>>) target(%arg10 : memref<16x125xi32, #tpu.memory_space<vmem>>) target_semaphore(%arg18 : memref<!tpu.dma_semaphore, #tpu.memory_space<semaphore_mem>>)
      } else {
      }
      %scan3A_88 = arith.constant 0 : i32
      %scan3A_89 = arith.constant 0 : i32
      %scan3A_90 = arith.constant 8 : i32
      %scan3A_91 = arith.addi %scan3A_89, %scan3A_90 : i32
      %scan3A_92 = arith.constant 1 : i32
      %scan3A_93 = scf.for %scan3A_108 = %scan3A_89 to %scan3A_91 step %scan3A_92 iter_args(%scan3A_109 = %scan3A_88) -> (i32)  : i32 {
        %mul3A_110 = arith.constant 2 : i32
        %mul3A_111 = arith.muli %mul3A_110, %scan3A_108 : i32
        %dma_wait3A_112 = arith.constant 0 : i32
        %dma_wait3A_113 = tpu.memref_slice %arg9[%mul3A_111, %dma_wait3A_112] : memref<16x125xi32, #tpu.memory_space<vmem>> -> memref<1x125xi32, #tpu.memory_space<vmem>>
        %dma_wait3A_114 = tpu.memref_squeeze %dma_wait3A_113 : memref<1x125xi32, #tpu.memory_space<vmem>> -> memref<125xi32, #tpu.memory_space<vmem>>
        %dma_wait3A_115 = arith.constant 0 : i32
        %dma_wait3A_116 = arith.constant 0 : i32
        %dma_wait3A_117 = tpu.memref_slice %arg2[%dma_wait3A_115, %dma_wait3A_116] : memref<10240x128xf32, #tpu.memory_space<hbm>> -> memref<10240x128xf32, #tpu.memory_space<hbm>>
        tpu.wait_indirect_dma semaphore(%arg14 : memref<!tpu.dma_semaphore, #tpu.memory_space<semaphore_mem>>) src(%dma_wait3A_117 : memref<10240x128xf32, #tpu.memory_space<hbm>>) dst(%arg12 : memref<125x128xf32, #tpu.memory_space<vmem>>)
        %dma_start3A_118 = arith.constant 0 : i32
        %dma_start3A_119 = tpu.memref_slice %arg11[%mul3A_111, %dma_start3A_118] : memref<16x125xi32, #tpu.memory_space<vmem>> -> memref<1x125xi32, #tpu.memory_space<vmem>>
        %dma_start3A_120 = tpu.memref_squeeze %dma_start3A_119 : memref<1x125xi32, #tpu.memory_space<vmem>> -> memref<125xi32, #tpu.memory_space<vmem>>
        %dma_start3A_121 = arith.constant 0 : i32
        %dma_start3A_122 = arith.constant 0 : i32
        %dma_start3A_123 = tpu.memref_slice %arg20[%dma_start3A_121, %dma_start3A_122] : memref<10240x128xf32, #tpu.memory_space<vmem_shared>> -> memref<10240x128xf32, #tpu.memory_space<vmem_shared>>
        tpu.enqueue_indirect_dma source(%arg12 : memref<125x128xf32, #tpu.memory_space<vmem>>) target(%dma_start3A_123 : memref<10240x128xf32, #tpu.memory_space<vmem_shared>>) offsets(%dma_start3A_120 : memref<125xi32, #tpu.memory_space<vmem>>) semaphore(%arg16 : memref<!tpu.dma_semaphore, #tpu.memory_space<semaphore_mem>>) {add = true}
        %gt3A = arith.constant 0 : i32
        %gt3A_124 = arith.cmpi sgt, %scan3A_108, %gt3A : i32
        %convert_element_type3A_125 = arith.extui %gt3A_124 : i1 to i32
        %cond3A_126 = arith.constant 0 : i32
        %cond3A_127 = arith.cmpi ne, %convert_element_type3A_125, %cond3A_126 : i32
        scf.if %cond3A_127 {
          %sub3A = arith.constant 1 : i32
          %sub3A_168 = arith.subi %mul3A_111, %sub3A : i32
          %dma_wait3A_169 = arith.constant 0 : i32
          %dma_wait3A_170 = tpu.memref_slice %arg11[%sub3A_168, %dma_wait3A_169] : memref<16x125xi32, #tpu.memory_space<vmem>> -> memref<1x125xi32, #tpu.memory_space<vmem>>
          %dma_wait3A_171 = tpu.memref_squeeze %dma_wait3A_170 : memref<1x125xi32, #tpu.memory_space<vmem>> -> memref<125xi32, #tpu.memory_space<vmem>>
          %dma_wait3A_172 = arith.constant 0 : i32
          %dma_wait3A_173 = arith.constant 0 : i32
          %dma_wait3A_174 = tpu.memref_slice %arg20[%dma_wait3A_172, %dma_wait3A_173] : memref<10240x128xf32, #tpu.memory_space<vmem_shared>> -> memref<10240x128xf32, #tpu.memory_space<vmem_shared>>
          tpu.wait_indirect_dma semaphore(%arg17 : memref<!tpu.dma_semaphore, #tpu.memory_space<semaphore_mem>>) src(%arg13 : memref<125x128xf32, #tpu.memory_space<vmem>>) dst(%dma_wait3A_174 : memref<10240x128xf32, #tpu.memory_space<vmem_shared>>)
        } else {
        }
        %add3A_128 = arith.constant 1 : i32
        %add3A_129 = arith.addi %mul3A_111, %add3A_128 : i32
        %eq3A_130 = arith.constant 0 : i32
        %eq3A_131 = arith.cmpi eq, %arg0, %eq3A_130 : i32
        %convert_element_type3A_132 = arith.extui %eq3A_131 : i1 to i32
        %cond3A_133 = arith.constant 0 : i32
        %cond3A_134 = arith.cmpi ne, %convert_element_type3A_132, %cond3A_133 : i32
        scf.if %cond3A_134 {
          %dma_start3A_168 = arith.constant 0 : i32
          %dma_start3A_169 = tpu.memref_slice %arg9[%add3A_129, %dma_start3A_168] : memref<16x125xi32, #tpu.memory_space<vmem>> -> memref<1x125xi32, #tpu.memory_space<vmem>>
          %dma_start3A_170 = tpu.memref_squeeze %dma_start3A_169 : memref<1x125xi32, #tpu.memory_space<vmem>> -> memref<125xi32, #tpu.memory_space<vmem>>
          %dma_start3A_171 = arith.constant 0 : i32
          %dma_start3A_172 = arith.constant 0 : i32
          %dma_start3A_173 = tpu.memref_slice %arg2[%dma_start3A_171, %dma_start3A_172] : memref<10240x128xf32, #tpu.memory_space<hbm>> -> memref<10240x128xf32, #tpu.memory_space<hbm>>
          tpu.enqueue_indirect_dma source(%dma_start3A_173 : memref<10240x128xf32, #tpu.memory_space<hbm>>) target(%arg13 : memref<125x128xf32, #tpu.memory_space<vmem>>) offsets(%dma_start3A_170 : memref<125xi32, #tpu.memory_space<vmem>>) semaphore(%arg15 : memref<!tpu.dma_semaphore, #tpu.memory_space<semaphore_mem>>)
        } else {
        }
        %eq3A_135 = arith.constant 1 : i32
        %eq3A_136 = arith.cmpi eq, %arg0, %eq3A_135 : i32
        %convert_element_type3A_137 = arith.extui %eq3A_136 : i1 to i32
        %cond3A_138 = arith.constant 0 : i32
        %cond3A_139 = arith.cmpi ne, %convert_element_type3A_137, %cond3A_138 : i32
        scf.if %cond3A_139 {
          %dma_start3A_168 = arith.constant 0 : i32
          %dma_start3A_169 = tpu.memref_slice %arg9[%add3A_129, %dma_start3A_168] : memref<16x125xi32, #tpu.memory_space<vmem>> -> memref<1x125xi32, #tpu.memory_space<vmem>>
          %dma_start3A_170 = tpu.memref_squeeze %dma_start3A_169 : memref<1x125xi32, #tpu.memory_space<vmem>> -> memref<125xi32, #tpu.memory_space<vmem>>
          %dma_start3A_171 = arith.constant 0 : i32
          %dma_start3A_172 = arith.constant 0 : i32
          %dma_start3A_173 = tpu.memref_slice %arg3[%dma_start3A_171, %dma_start3A_172] : memref<10240x128xf32, #tpu.memory_space<hbm>> -> memref<10240x128xf32, #tpu.memory_space<hbm>>
          tpu.enqueue_indirect_dma source(%dma_start3A_173 : memref<10240x128xf32, #tpu.memory_space<hbm>>) target(%arg13 : memref<125x128xf32, #tpu.memory_space<vmem>>) offsets(%dma_start3A_170 : memref<125xi32, #tpu.memory_space<vmem>>) semaphore(%arg15 : memref<!tpu.dma_semaphore, #tpu.memory_space<semaphore_mem>>)
        } else {
        }
        %add3A_140 = arith.constant 1 : i32
        %add3A_141 = arith.addi %mul3A_111, %add3A_140 : i32
        %dma_wait3A_142 = arith.constant 0 : i32
        %dma_wait3A_143 = tpu.memref_slice %arg9[%add3A_141, %dma_wait3A_142] : memref<16x125xi32, #tpu.memory_space<vmem>> -> memref<1x125xi32, #tpu.memory_space<vmem>>
        %dma_wait3A_144 = tpu.memref_squeeze %dma_wait3A_143 : memref<1x125xi32, #tpu.memory_space<vmem>> -> memref<125xi32, #tpu.memory_space<vmem>>
        %dma_wait3A_145 = arith.constant 0 : i32
        %dma_wait3A_146 = arith.constant 0 : i32
        %dma_wait3A_147 = tpu.memref_slice %arg2[%dma_wait3A_145, %dma_wait3A_146] : memref<10240x128xf32, #tpu.memory_space<hbm>> -> memref<10240x128xf32, #tpu.memory_space<hbm>>
        tpu.wait_indirect_dma semaphore(%arg15 : memref<!tpu.dma_semaphore, #tpu.memory_space<semaphore_mem>>) src(%dma_wait3A_147 : memref<10240x128xf32, #tpu.memory_space<hbm>>) dst(%arg13 : memref<125x128xf32, #tpu.memory_space<vmem>>)
        %add3A_148 = arith.constant 1 : i32
        %add3A_149 = arith.addi %mul3A_111, %add3A_148 : i32
        %dma_start3A_150 = arith.constant 0 : i32
        %dma_start3A_151 = tpu.memref_slice %arg11[%add3A_149, %dma_start3A_150] : memref<16x125xi32, #tpu.memory_space<vmem>> -> memref<1x125xi32, #tpu.memory_space<vmem>>
        %dma_start3A_152 = tpu.memref_squeeze %dma_start3A_151 : memref<1x125xi32, #tpu.memory_space<vmem>> -> memref<125xi32, #tpu.memory_space<vmem>>
        %dma_start3A_153 = arith.constant 0 : i32
        %dma_start3A_154 = arith.constant 0 : i32
        %dma_start3A_155 = tpu.memref_slice %arg20[%dma_start3A_153, %dma_start3A_154] : memref<10240x128xf32, #tpu.memory_space<vmem_shared>> -> memref<10240x128xf32, #tpu.memory_space<vmem_shared>>
        tpu.enqueue_indirect_dma source(%arg13 : memref<125x128xf32, #tpu.memory_space<vmem>>) target(%dma_start3A_155 : memref<10240x128xf32, #tpu.memory_space<vmem_shared>>) offsets(%dma_start3A_152 : memref<125xi32, #tpu.memory_space<vmem>>) semaphore(%arg17 : memref<!tpu.dma_semaphore, #tpu.memory_space<semaphore_mem>>) {add = true}
        %dma_wait3A_156 = arith.constant 0 : i32
        %dma_wait3A_157 = tpu.memref_slice %arg11[%mul3A_111, %dma_wait3A_156] : memref<16x125xi32, #tpu.memory_space<vmem>> -> memref<1x125xi32, #tpu.memory_space<vmem>>
        %dma_wait3A_158 = tpu.memref_squeeze %dma_wait3A_157 : memref<1x125xi32, #tpu.memory_space<vmem>> -> memref<125xi32, #tpu.memory_space<vmem>>
        %dma_wait3A_159 = arith.constant 0 : i32
        %dma_wait3A_160 = arith.constant 0 : i32
        %dma_wait3A_161 = tpu.memref_slice %arg20[%dma_wait3A_159, %dma_wait3A_160] : memref<10240x128xf32, #tpu.memory_space<vmem_shared>> -> memref<10240x128xf32, #tpu.memory_space<vmem_shared>>
        tpu.wait_indirect_dma semaphore(%arg16 : memref<!tpu.dma_semaphore, #tpu.memory_space<semaphore_mem>>) src(%arg12 : memref<125x128xf32, #tpu.memory_space<vmem>>) dst(%dma_wait3A_161 : memref<10240x128xf32, #tpu.memory_space<vmem_shared>>)
        %lt3A_162 = arith.constant 7 : i32
        %lt3A_163 = arith.cmpi slt, %scan3A_108, %lt3A_162 : i32
        %convert_element_type3A_164 = arith.extui %lt3A_163 : i1 to i32
        %cond3A_165 = arith.constant 0 : i32
        %cond3A_166 = arith.cmpi ne, %convert_element_type3A_164, %cond3A_165 : i32
        scf.if %cond3A_166 {
          %add3A_168 = arith.constant 2 : i32
          %add3A_169 = arith.addi %mul3A_111, %add3A_168 : i32
          %eq3A_170 = arith.constant 0 : i32
          %eq3A_171 = arith.cmpi eq, %arg0, %eq3A_170 : i32
          %convert_element_type3A_172 = arith.extui %eq3A_171 : i1 to i32
          %cond3A_173 = arith.constant 0 : i32
          %cond3A_174 = arith.cmpi ne, %convert_element_type3A_172, %cond3A_173 : i32
          scf.if %cond3A_174 {
            %dma_start3A_180 = arith.constant 0 : i32
            %dma_start3A_181 = tpu.memref_slice %arg9[%add3A_169, %dma_start3A_180] : memref<16x125xi32, #tpu.memory_space<vmem>> -> memref<1x125xi32, #tpu.memory_space<vmem>>
            %dma_start3A_182 = tpu.memref_squeeze %dma_start3A_181 : memref<1x125xi32, #tpu.memory_space<vmem>> -> memref<125xi32, #tpu.memory_space<vmem>>
            %dma_start3A_183 = arith.constant 0 : i32
            %dma_start3A_184 = arith.constant 0 : i32
            %dma_start3A_185 = tpu.memref_slice %arg2[%dma_start3A_183, %dma_start3A_184] : memref<10240x128xf32, #tpu.memory_space<hbm>> -> memref<10240x128xf32, #tpu.memory_space<hbm>>
            tpu.enqueue_indirect_dma source(%dma_start3A_185 : memref<10240x128xf32, #tpu.memory_space<hbm>>) target(%arg12 : memref<125x128xf32, #tpu.memory_space<vmem>>) offsets(%dma_start3A_182 : memref<125xi32, #tpu.memory_space<vmem>>) semaphore(%arg14 : memref<!tpu.dma_semaphore, #tpu.memory_space<semaphore_mem>>)
          } else {
          }
          %eq3A_175 = arith.constant 1 : i32
          %eq3A_176 = arith.cmpi eq, %arg0, %eq3A_175 : i32
          %convert_element_type3A_177 = arith.extui %eq3A_176 : i1 to i32
          %cond3A_178 = arith.constant 0 : i32
          %cond3A_179 = arith.cmpi ne, %convert_element_type3A_177, %cond3A_178 : i32
          scf.if %cond3A_179 {
            %dma_start3A_180 = arith.constant 0 : i32
            %dma_start3A_181 = tpu.memref_slice %arg9[%add3A_169, %dma_start3A_180] : memref<16x125xi32, #tpu.memory_space<vmem>> -> memref<1x125xi32, #tpu.memory_space<vmem>>
            %dma_start3A_182 = tpu.memref_squeeze %dma_start3A_181 : memref<1x125xi32, #tpu.memory_space<vmem>> -> memref<125xi32, #tpu.memory_space<vmem>>
            %dma_start3A_183 = arith.constant 0 : i32
            %dma_start3A_184 = arith.constant 0 : i32
            %dma_start3A_185 = tpu.memref_slice %arg3[%dma_start3A_183, %dma_start3A_184] : memref<10240x128xf32, #tpu.memory_space<hbm>> -> memref<10240x128xf32, #tpu.memory_space<hbm>>
            tpu.enqueue_indirect_dma source(%dma_start3A_185 : memref<10240x128xf32, #tpu.memory_space<hbm>>) target(%arg12 : memref<125x128xf32, #tpu.memory_space<vmem>>) offsets(%dma_start3A_182 : memref<125xi32, #tpu.memory_space<vmem>>) semaphore(%arg14 : memref<!tpu.dma_semaphore, #tpu.memory_space<semaphore_mem>>)
          } else {
          }
        } else {
        }
        %scan3A_167 = arith.constant 0 : i32
        scf.yield %scan3A_167 : i32
      }
      %scan3A_94 = arith.constant 8 : i32
      %dma_wait3A_95 = arith.constant 15 : i32
      %dma_wait3A_96 = arith.constant 0 : i32
      %dma_wait3A_97 = tpu.memref_slice %arg11[%dma_wait3A_95, %dma_wait3A_96] : memref<16x125xi32, #tpu.memory_space<vmem>> -> memref<1x125xi32, #tpu.memory_space<vmem>>
      %dma_wait3A_98 = tpu.memref_squeeze %dma_wait3A_97 : memref<1x125xi32, #tpu.memory_space<vmem>> -> memref<125xi32, #tpu.memory_space<vmem>>
      %dma_wait3A_99 = arith.constant 0 : i32
      %dma_wait3A_100 = arith.constant 0 : i32
      %dma_wait3A_101 = tpu.memref_slice %arg20[%dma_wait3A_99, %dma_wait3A_100] : memref<10240x128xf32, #tpu.memory_space<vmem_shared>> -> memref<10240x128xf32, #tpu.memory_space<vmem_shared>>
      tpu.wait_indirect_dma semaphore(%arg17 : memref<!tpu.dma_semaphore, #tpu.memory_space<semaphore_mem>>) src(%arg13 : memref<125x128xf32, #tpu.memory_space<vmem>>) dst(%dma_wait3A_101 : memref<10240x128xf32, #tpu.memory_space<vmem_shared>>)
      %lt3A_102 = arith.constant 4 : i32
      %lt3A_103 = arith.cmpi slt, %scan3A_45, %lt3A_102 : i32
      %convert_element_type3A_104 = arith.extui %lt3A_103 : i1 to i32
      %cond3A_105 = arith.constant 0 : i32
      %cond3A_106 = arith.cmpi ne, %convert_element_type3A_104, %cond3A_105 : i32
      scf.if %cond3A_106 {
        %dma_wait3A_108 = arith.constant 0 : i32
        %dma_wait3A_109 = arith.constant 0 : i32
        %dma_wait3A_110 = tpu.memref_slice %arg4[%dma_wait3A_108, %dma_wait3A_109] : memref<2560x125xi32, #tpu.memory_space<hbm>> -> memref<16x125xi32, #tpu.memory_space<hbm>>
        %dma_wait3A_111 = arith.constant 0 : i32
        %dma_wait3A_112 = arith.constant 0 : i32
        %dma_wait3A_113 = tpu.memref_slice %arg4[%dma_wait3A_111, %dma_wait3A_112] : memref<2560x125xi32, #tpu.memory_space<hbm>> -> memref<16x125xi32, #tpu.memory_space<hbm>>
        tpu.wait_dma2 semaphore(%arg18 : memref<!tpu.dma_semaphore, #tpu.memory_space<semaphore_mem>>) src(%dma_wait3A_113 : memref<16x125xi32, #tpu.memory_space<hbm>>) dst(%arg8 : memref<16x125xi32, #tpu.memory_space<vmem>>)
        %dma_wait3A_114 = arith.constant 0 : i32
        %dma_wait3A_115 = arith.constant 0 : i32
        %dma_wait3A_116 = tpu.memref_slice %arg5[%dma_wait3A_114, %dma_wait3A_115] : memref<2560x125xi32, #tpu.memory_space<hbm>> -> memref<16x125xi32, #tpu.memory_space<hbm>>
        %dma_wait3A_117 = arith.constant 0 : i32
        %dma_wait3A_118 = arith.constant 0 : i32
        %dma_wait3A_119 = tpu.memref_slice %arg5[%dma_wait3A_117, %dma_wait3A_118] : memref<2560x125xi32, #tpu.memory_space<hbm>> -> memref<16x125xi32, #tpu.memory_space<hbm>>
        tpu.wait_dma2 semaphore(%arg18 : memref<!tpu.dma_semaphore, #tpu.memory_space<semaphore_mem>>) src(%dma_wait3A_119 : memref<16x125xi32, #tpu.memory_space<hbm>>) dst(%arg10 : memref<16x125xi32, #tpu.memory_space<vmem>>)
        %eq3A_120 = arith.constant 0 : i32
        %eq3A_121 = arith.cmpi eq, %arg0, %eq3A_120 : i32
        %convert_element_type3A_122 = arith.extui %eq3A_121 : i1 to i32
        %cond3A_123 = arith.constant 0 : i32
        %cond3A_124 = arith.cmpi ne, %convert_element_type3A_122, %cond3A_123 : i32
        scf.if %cond3A_124 {
          %dma_start3A_143 = arith.constant 0 : i32
          %dma_start3A_144 = arith.constant 0 : i32
          %dma_start3A_145 = tpu.memref_slice %arg8[%dma_start3A_143, %dma_start3A_144] : memref<16x125xi32, #tpu.memory_space<vmem>> -> memref<1x125xi32, #tpu.memory_space<vmem>>
          %dma_start3A_146 = tpu.memref_squeeze %dma_start3A_145 : memref<1x125xi32, #tpu.memory_space<vmem>> -> memref<125xi32, #tpu.memory_space<vmem>>
          %dma_start3A_147 = arith.constant 0 : i32
          %dma_start3A_148 = arith.constant 0 : i32
          %dma_start3A_149 = tpu.memref_slice %arg2[%dma_start3A_147, %dma_start3A_148] : memref<10240x128xf32, #tpu.memory_space<hbm>> -> memref<10240x128xf32, #tpu.memory_space<hbm>>
          tpu.enqueue_indirect_dma source(%dma_start3A_149 : memref<10240x128xf32, #tpu.memory_space<hbm>>) target(%arg12 : memref<125x128xf32, #tpu.memory_space<vmem>>) offsets(%dma_start3A_146 : memref<125xi32, #tpu.memory_space<vmem>>) semaphore(%arg14 : memref<!tpu.dma_semaphore, #tpu.memory_space<semaphore_mem>>)
        } else {
        }
        %eq3A_125 = arith.constant 1 : i32
        %eq3A_126 = arith.cmpi eq, %arg0, %eq3A_125 : i32
        %convert_element_type3A_127 = arith.extui %eq3A_126 : i1 to i32
        %cond3A_128 = arith.constant 0 : i32
        %cond3A_129 = arith.cmpi ne, %convert_element_type3A_127, %cond3A_128 : i32
        scf.if %cond3A_129 {
          %dma_start3A_143 = arith.constant 0 : i32
          %dma_start3A_144 = arith.constant 0 : i32
          %dma_start3A_145 = tpu.memref_slice %arg8[%dma_start3A_143, %dma_start3A_144] : memref<16x125xi32, #tpu.memory_space<vmem>> -> memref<1x125xi32, #tpu.memory_space<vmem>>
          %dma_start3A_146 = tpu.memref_squeeze %dma_start3A_145 : memref<1x125xi32, #tpu.memory_space<vmem>> -> memref<125xi32, #tpu.memory_space<vmem>>
          %dma_start3A_147 = arith.constant 0 : i32
          %dma_start3A_148 = arith.constant 0 : i32
          %dma_start3A_149 = tpu.memref_slice %arg3[%dma_start3A_147, %dma_start3A_148] : memref<10240x128xf32, #tpu.memory_space<hbm>> -> memref<10240x128xf32, #tpu.memory_space<hbm>>
          tpu.enqueue_indirect_dma source(%dma_start3A_149 : memref<10240x128xf32, #tpu.memory_space<hbm>>) target(%arg12 : memref<125x128xf32, #tpu.memory_space<vmem>>) offsets(%dma_start3A_146 : memref<125xi32, #tpu.memory_space<vmem>>) semaphore(%arg14 : memref<!tpu.dma_semaphore, #tpu.memory_space<semaphore_mem>>)
        } else {
        }
        %add3A_130 = arith.constant 3 : i32
        %add3A_131 = arith.addi %mul3A_48, %add3A_130 : i32
        %mul3A_132 = arith.constant 16 : i32
        %mul3A_133 = arith.muli %add3A_131, %mul3A_132 : i32
        %add3A_134 = arith.addi %mul3A_9, %mul3A_133 : i32
        %dma_start3A_135 = arith.constant 0 : i32
        %dma_start3A_136 = tpu.memref_slice %arg4[%add3A_134, %dma_start3A_135] : memref<2560x125xi32, #tpu.memory_space<hbm>> -> memref<16x125xi32, #tpu.memory_space<hbm>>
        %dma_start3A_137 = arith.constant 0 : i32
        %dma_start3A_138 = tpu.memref_slice %arg4[%add3A_134, %dma_start3A_137] : memref<2560x125xi32, #tpu.memory_space<hbm>> -> memref<16x125xi32, #tpu.memory_space<hbm>>
        tpu.enqueue_dma source(%dma_start3A_138 : memref<16x125xi32, #tpu.memory_space<hbm>>) target(%arg9 : memref<16x125xi32, #tpu.memory_space<vmem>>) target_semaphore(%arg19 : memref<!tpu.dma_semaphore, #tpu.memory_space<semaphore_mem>>)
        %dma_start3A_139 = arith.constant 0 : i32
        %dma_start3A_140 = tpu.memref_slice %arg5[%add3A_134, %dma_start3A_139] : memref<2560x125xi32, #tpu.memory_space<hbm>> -> memref<16x125xi32, #tpu.memory_space<hbm>>
        %dma_start3A_141 = arith.constant 0 : i32
        %dma_start3A_142 = tpu.memref_slice %arg5[%add3A_134, %dma_start3A_141] : memref<2560x125xi32, #tpu.memory_space<hbm>> -> memref<16x125xi32, #tpu.memory_space<hbm>>
        tpu.enqueue_dma source(%dma_start3A_142 : memref<16x125xi32, #tpu.memory_space<hbm>>) target(%arg11 : memref<16x125xi32, #tpu.memory_space<vmem>>) target_semaphore(%arg19 : memref<!tpu.dma_semaphore, #tpu.memory_space<semaphore_mem>>)
      } else {
      }
      %scan3A_107 = arith.constant 0 : i32
      scf.yield %scan3A_107 : i32
    }
    %scan3A_33 = arith.constant 5 : i32
    %barrier3A_34 = arith.constant 0 : index
    tpu.barrier barrier_id(%barrier3A_34)
    %eq3A_35 = arith.constant 0 : i32
    %eq3A_36 = arith.cmpi eq, %arg0, %eq3A_35 : i32
    %convert_element_type3A_37 = arith.extui %eq3A_36 : i1 to i32
    %cond3A_38 = arith.constant 0 : i32
    %cond3A_39 = arith.cmpi ne, %convert_element_type3A_37, %cond3A_38 : i32
    scf.if %cond3A_39 {
      "tpu.region"() ({
        %run_scoped3A = tpu.sem_alloc : memref<!tpu.dma_semaphore, #tpu.memory_space<semaphore_mem>>
        %dma_start3A_45 = arith.constant 0 : i32
        %dma_start3A_46 = tpu.memref_slice %arg6[%mul3A_0, %dma_start3A_45] : memref<10240x128xf32, #tpu.memory_space<hbm>> -> memref<640x128xf32, #tpu.memory_space<hbm>>
        %dma_start3A_47 = arith.constant 0 : i32
        %dma_start3A_48 = tpu.memref_slice %arg20[%mul3A_0, %dma_start3A_47] : memref<10240x128xf32, #tpu.memory_space<vmem_shared>> -> memref<640x128xf32, #tpu.memory_space<vmem_shared>>
        tpu.enqueue_dma source(%dma_start3A_48 : memref<640x128xf32, #tpu.memory_space<vmem_shared>>) target(%dma_start3A_46 : memref<640x128xf32, #tpu.memory_space<hbm>>) target_semaphore(%run_scoped3A : memref<!tpu.dma_semaphore, #tpu.memory_space<semaphore_mem>>)
        %dma_wait3A = arith.constant 0 : i32
        %dma_wait3A_49 = tpu.memref_slice %arg6[%mul3A_0, %dma_wait3A] : memref<10240x128xf32, #tpu.memory_space<hbm>> -> memref<640x128xf32, #tpu.memory_space<hbm>>
        %dma_wait3A_50 = arith.constant 0 : i32
        %dma_wait3A_51 = tpu.memref_slice %arg20[%mul3A_0, %dma_wait3A_50] : memref<10240x128xf32, #tpu.memory_space<vmem_shared>> -> memref<640x128xf32, #tpu.memory_space<vmem_shared>>
        tpu.wait_dma2 semaphore(%run_scoped3A : memref<!tpu.dma_semaphore, #tpu.memory_space<semaphore_mem>>) src(%dma_wait3A_51 : memref<640x128xf32, #tpu.memory_space<vmem_shared>>) dst(%dma_wait3A_49 : memref<640x128xf32, #tpu.memory_space<hbm>>)
        tpu.yield
      }) : () -> ()
    } else {
    }
    %eq3A_40 = arith.constant 1 : i32
    %eq3A_41 = arith.cmpi eq, %arg0, %eq3A_40 : i32
    %convert_element_type3A_42 = arith.extui %eq3A_41 : i1 to i32
    %cond3A_43 = arith.constant 0 : i32
    %cond3A_44 = arith.cmpi ne, %convert_element_type3A_42, %cond3A_43 : i32
    scf.if %cond3A_44 {
      "tpu.region"() ({
        %run_scoped3A = tpu.sem_alloc : memref<!tpu.dma_semaphore, #tpu.memory_space<semaphore_mem>>
        %dma_start3A_45 = arith.constant 0 : i32
        %dma_start3A_46 = tpu.memref_slice %arg7[%mul3A_0, %dma_start3A_45] : memref<10240x128xf32, #tpu.memory_space<hbm>> -> memref<640x128xf32, #tpu.memory_space<hbm>>
        %dma_start3A_47 = arith.constant 0 : i32
        %dma_start3A_48 = tpu.memref_slice %arg20[%mul3A_0, %dma_start3A_47] : memref<10240x128xf32, #tpu.memory_space<vmem_shared>> -> memref<640x128xf32, #tpu.memory_space<vmem_shared>>
        tpu.enqueue_dma source(%dma_start3A_48 : memref<640x128xf32, #tpu.memory_space<vmem_shared>>) target(%dma_start3A_46 : memref<640x128xf32, #tpu.memory_space<hbm>>) target_semaphore(%run_scoped3A : memref<!tpu.dma_semaphore, #tpu.memory_space<semaphore_mem>>)
        %dma_wait3A = arith.constant 0 : i32
        %dma_wait3A_49 = tpu.memref_slice %arg7[%mul3A_0, %dma_wait3A] : memref<10240x128xf32, #tpu.memory_space<hbm>> -> memref<640x128xf32, #tpu.memory_space<hbm>>
        %dma_wait3A_50 = arith.constant 0 : i32
        %dma_wait3A_51 = tpu.memref_slice %arg20[%mul3A_0, %dma_wait3A_50] : memref<10240x128xf32, #tpu.memory_space<vmem_shared>> -> memref<640x128xf32, #tpu.memory_space<vmem_shared>>
        tpu.wait_dma2 semaphore(%run_scoped3A : memref<!tpu.dma_semaphore, #tpu.memory_space<semaphore_mem>>) src(%dma_wait3A_51 : memref<640x128xf32, #tpu.memory_space<vmem_shared>>) dst(%dma_wait3A_49 : memref<640x128xf32, #tpu.memory_space<hbm>>)
        tpu.yield
      }) : () -> ()
    } else {
    }
    return
  }
}

#map = affine_map<(d0, d1) -> (0)>
#map1 = affine_map<(d0, d1) -> (0, 0)>
module attributes {stable_mosaic.version = 14 : i64} {
  func.func @deg_kernel(%arg0: i32, %arg1: i32, %arg2: memref<320000xi32, #tpu.memory_space<hbm>>, %arg3: memref<2x10240xf32, #tpu.memory_space<hbm>>, %arg4: memref<10240xf32, #tpu.memory_space<vmem>>, %arg5: memref<10000xi32, #tpu.memory_space<vmem>>, %arg6: memref<640xf32, #tpu.memory_space<vmem>>, %arg7: memref<640xf32, #tpu.memory_space<vmem>>, %arg8: memref<16x10240xf32, #tpu.memory_space<vmem_shared>>) attributes {dimension_semantics = [#tpu.dimension_semantics<core_parallel>, #tpu.dimension_semantics<subcore_parallel>], iteration_bounds = array<i64: 2, 16>, scalar_prefetch = 0 : i64, scratch_operands = 5 : i64, tpu.core_type = #tpu.core_type<sc_vector_subcore>, window_params = [{transform_indices = #map}, {transform_indices = #map1}]} {
    %mul3A = arith.constant 2 : i32
    %mul3A_0 = arith.muli %arg1, %mul3A : i32
    %add3A = arith.addi %mul3A_0, %arg0 : i32
    %broadcast_in_dim3A = arith.constant 0.000000e+00 : f32
    %broadcast_in_dim3A_1 = vector.broadcast %broadcast_in_dim3A : f32 to vector<16xf32>
    %scan3A = arith.constant 0 : i32
    %scan3A_2 = arith.constant 0 : i32
    %scan3A_3 = arith.constant 640 : i32
    %scan3A_4 = arith.addi %scan3A_2, %scan3A_3 : i32
    %scan3A_5 = arith.constant 1 : i32
    %scan3A_6 = scf.for %scan3A_28 = %scan3A_2 to %scan3A_4 step %scan3A_5 iter_args(%scan3A_29 = %scan3A) -> (i32)  : i32 {
      %mul3A_30 = arith.constant 16 : i32
      %mul3A_31 = arith.muli %scan3A_28, %mul3A_30 : i32
      %swap3A = arith.index_cast %mul3A_31 : i32 to index
      %swap3A_32 = tpu.vector_load %arg4[%swap3A] {strides = array<i32>} : memref<10240xf32, #tpu.memory_space<vmem>>, vector<16xf32>,
      tpu.vector_store %arg4[%swap3A], %broadcast_in_dim3A_1 {strides = array<i32>} : memref<10240xf32, #tpu.memory_space<vmem>>, vector<16xf32>,
      %scan3A_33 = arith.constant 0 : i32
      scf.yield %scan3A_33 : i32
    }
    %scan3A_7 = arith.constant 640 : i32
    %mul3A_8 = arith.constant 10000 : i32
    %mul3A_9 = arith.muli %add3A, %mul3A_8 : i32
    "tpu.region"() ({
      %run_scoped3A_28 = tpu.sem_alloc : memref<!tpu.dma_semaphore, #tpu.memory_space<semaphore_mem>>
      %dma_start3A = tpu.memref_slice %arg2[%mul3A_9] : memref<320000xi32, #tpu.memory_space<hbm>> -> memref<10000xi32, #tpu.memory_space<hbm>>
      %dma_start3A_29 = tpu.memref_slice %arg2[%mul3A_9] : memref<320000xi32, #tpu.memory_space<hbm>> -> memref<10000xi32, #tpu.memory_space<hbm>>
      tpu.enqueue_dma source(%dma_start3A_29 : memref<10000xi32, #tpu.memory_space<hbm>>) target(%arg5 : memref<10000xi32, #tpu.memory_space<vmem>>) target_semaphore(%run_scoped3A_28 : memref<!tpu.dma_semaphore, #tpu.memory_space<semaphore_mem>>)
      %dma_wait3A = tpu.memref_slice %arg2[%mul3A_9] : memref<320000xi32, #tpu.memory_space<hbm>> -> memref<10000xi32, #tpu.memory_space<hbm>>
      %dma_wait3A_30 = tpu.memref_slice %arg2[%mul3A_9] : memref<320000xi32, #tpu.memory_space<hbm>> -> memref<10000xi32, #tpu.memory_space<hbm>>
      tpu.wait_dma2 semaphore(%run_scoped3A_28 : memref<!tpu.dma_semaphore, #tpu.memory_space<semaphore_mem>>) src(%dma_wait3A_30 : memref<10000xi32, #tpu.memory_space<hbm>>) dst(%arg5 : memref<10000xi32, #tpu.memory_space<vmem>>)
      tpu.yield
    }) : () -> ()
    %broadcast_in_dim3A_10 = arith.constant 1.000000e+00 : f32
    %broadcast_in_dim3A_11 = vector.broadcast %broadcast_in_dim3A_10 : f32 to vector<16xf32>
    %scan3A_12 = arith.constant 0 : i32
    %scan3A_13 = arith.constant 0 : i32
    %scan3A_14 = arith.constant 625 : i32
    %scan3A_15 = arith.addi %scan3A_13, %scan3A_14 : i32
    %scan3A_16 = arith.constant 1 : i32
    %scan3A_17 = scf.for %scan3A_28 = %scan3A_13 to %scan3A_15 step %scan3A_16 iter_args(%scan3A_29 = %scan3A_12) -> (i32)  : i32 {
      %mul3A_30 = arith.constant 16 : i32
      %mul3A_31 = arith.muli %scan3A_28, %mul3A_30 : i32
      %get3A = arith.index_cast %mul3A_31 : i32 to index
      %get3A_32 = tpu.vector_load %arg5[%get3A] {strides = array<i32>} : memref<10000xi32, #tpu.memory_space<vmem>>, vector<16xi32>,
      tpu.vector_store_idx %arg4[%get3A_32], %broadcast_in_dim3A_11 {add = true} : memref<10240xf32, #tpu.memory_space<vmem>>[vector<16xi32>], vector<16xf32>,
      %scan3A_33 = arith.constant 0 : i32
      scf.yield %scan3A_33 : i32
    }
    %scan3A_18 = arith.constant 625 : i32
    "tpu.region"() ({
      %run_scoped3A_28 = tpu.sem_alloc : memref<!tpu.dma_semaphore, #tpu.memory_space<semaphore_mem>>
      %dma_start3A = arith.constant 0 : i32
      %dma_start3A_29 = tpu.memref_slice %arg8[%arg1, %dma_start3A] : memref<16x10240xf32, #tpu.memory_space<vmem_shared>> -> memref<1x10240xf32, #tpu.memory_space<vmem_shared>>
      %dma_start3A_30 = tpu.memref_squeeze %dma_start3A_29 : memref<1x10240xf32, #tpu.memory_space<vmem_shared>> -> memref<10240xf32, #tpu.memory_space<vmem_shared>>
      %dma_start3A_31 = arith.constant 0 : i32
      %dma_start3A_32 = tpu.memref_slice %arg8[%arg1, %dma_start3A_31] : memref<16x10240xf32, #tpu.memory_space<vmem_shared>> -> memref<1x10240xf32, #tpu.memory_space<vmem_shared>>
      %dma_start3A_33 = tpu.memref_squeeze %dma_start3A_32 : memref<1x10240xf32, #tpu.memory_space<vmem_shared>> -> memref<10240xf32, #tpu.memory_space<vmem_shared>>
      tpu.enqueue_dma source(%arg4 : memref<10240xf32, #tpu.memory_space<vmem>>) target(%dma_start3A_33 : memref<10240xf32, #tpu.memory_space<vmem_shared>>) target_semaphore(%run_scoped3A_28 : memref<!tpu.dma_semaphore, #tpu.memory_space<semaphore_mem>>)
      %dma_wait3A = arith.constant 0 : i32
      %dma_wait3A_34 = tpu.memref_slice %arg8[%arg1, %dma_wait3A] : memref<16x10240xf32, #tpu.memory_space<vmem_shared>> -> memref<1x10240xf32, #tpu.memory_space<vmem_shared>>
      %dma_wait3A_35 = tpu.memref_squeeze %dma_wait3A_34 : memref<1x10240xf32, #tpu.memory_space<vmem_shared>> -> memref<10240xf32, #tpu.memory_space<vmem_shared>>
      %dma_wait3A_36 = arith.constant 0 : i32
      %dma_wait3A_37 = tpu.memref_slice %arg8[%arg1, %dma_wait3A_36] : memref<16x10240xf32, #tpu.memory_space<vmem_shared>> -> memref<1x10240xf32, #tpu.memory_space<vmem_shared>>
      %dma_wait3A_38 = tpu.memref_squeeze %dma_wait3A_37 : memref<1x10240xf32, #tpu.memory_space<vmem_shared>> -> memref<10240xf32, #tpu.memory_space<vmem_shared>>
      tpu.wait_dma2 semaphore(%run_scoped3A_28 : memref<!tpu.dma_semaphore, #tpu.memory_space<semaphore_mem>>) src(%arg4 : memref<10240xf32, #tpu.memory_space<vmem>>) dst(%dma_wait3A_38 : memref<10240xf32, #tpu.memory_space<vmem_shared>>)
      tpu.yield
    }) : () -> ()
    %barrier3A = arith.constant 0 : index
    tpu.barrier barrier_id(%barrier3A)
    %mul3A_19 = arith.constant 640 : i32
    %mul3A_20 = arith.muli %arg1, %mul3A_19 : i32
    %run_scoped3A = arith.constant 0 : i32
    "tpu.region"() ({
      %run_scoped3A_28 = tpu.sem_alloc : memref<!tpu.dma_semaphore, #tpu.memory_space<semaphore_mem>>
      %dma_start3A = tpu.memref_slice %arg8[%run_scoped3A, %mul3A_20] : memref<16x10240xf32, #tpu.memory_space<vmem_shared>> -> memref<1x640xf32, #tpu.memory_space<vmem_shared>>
      %dma_start3A_29 = tpu.memref_squeeze %dma_start3A : memref<1x640xf32, #tpu.memory_space<vmem_shared>> -> memref<640xf32, #tpu.memory_space<vmem_shared>>
      %dma_start3A_30 = tpu.memref_slice %arg8[%run_scoped3A, %mul3A_20] : memref<16x10240xf32, #tpu.memory_space<vmem_shared>> -> memref<1x640xf32, #tpu.memory_space<vmem_shared>>
      %dma_start3A_31 = tpu.memref_squeeze %dma_start3A_30 : memref<1x640xf32, #tpu.memory_space<vmem_shared>> -> memref<640xf32, #tpu.memory_space<vmem_shared>>
      tpu.enqueue_dma source(%dma_start3A_31 : memref<640xf32, #tpu.memory_space<vmem_shared>>) target(%arg6 : memref<640xf32, #tpu.memory_space<vmem>>) target_semaphore(%run_scoped3A_28 : memref<!tpu.dma_semaphore, #tpu.memory_space<semaphore_mem>>)
      %dma_wait3A = tpu.memref_slice %arg8[%run_scoped3A, %mul3A_20] : memref<16x10240xf32, #tpu.memory_space<vmem_shared>> -> memref<1x640xf32, #tpu.memory_space<vmem_shared>>
      %dma_wait3A_32 = tpu.memref_squeeze %dma_wait3A : memref<1x640xf32, #tpu.memory_space<vmem_shared>> -> memref<640xf32, #tpu.memory_space<vmem_shared>>
      %dma_wait3A_33 = tpu.memref_slice %arg8[%run_scoped3A, %mul3A_20] : memref<16x10240xf32, #tpu.memory_space<vmem_shared>> -> memref<1x640xf32, #tpu.memory_space<vmem_shared>>
      %dma_wait3A_34 = tpu.memref_squeeze %dma_wait3A_33 : memref<1x640xf32, #tpu.memory_space<vmem_shared>> -> memref<640xf32, #tpu.memory_space<vmem_shared>>
      tpu.wait_dma2 semaphore(%run_scoped3A_28 : memref<!tpu.dma_semaphore, #tpu.memory_space<semaphore_mem>>) src(%dma_wait3A_34 : memref<640xf32, #tpu.memory_space<vmem_shared>>) dst(%arg6 : memref<640xf32, #tpu.memory_space<vmem>>)
      tpu.yield
    }) : () -> ()
    %scan3A_21 = arith.constant 0 : i32
    %scan3A_22 = arith.constant 1 : i32
    %scan3A_23 = arith.constant 15 : i32
    %scan3A_24 = arith.addi %scan3A_22, %scan3A_23 : i32
    %scan3A_25 = arith.constant 1 : i32
    %scan3A_26 = scf.for %scan3A_28 = %scan3A_22 to %scan3A_24 step %scan3A_25 iter_args(%scan3A_29 = %scan3A_21) -> (i32)  : i32 {
      "tpu.region"() ({
        %run_scoped3A_38 = tpu.sem_alloc : memref<!tpu.dma_semaphore, #tpu.memory_space<semaphore_mem>>
        %dma_start3A = tpu.memref_slice %arg8[%scan3A_28, %mul3A_20] : memref<16x10240xf32, #tpu.memory_space<vmem_shared>> -> memref<1x640xf32, #tpu.memory_space<vmem_shared>>
        %dma_start3A_39 = tpu.memref_squeeze %dma_start3A : memref<1x640xf32, #tpu.memory_space<vmem_shared>> -> memref<640xf32, #tpu.memory_space<vmem_shared>>
        %dma_start3A_40 = tpu.memref_slice %arg8[%scan3A_28, %mul3A_20] : memref<16x10240xf32, #tpu.memory_space<vmem_shared>> -> memref<1x640xf32, #tpu.memory_space<vmem_shared>>
        %dma_start3A_41 = tpu.memref_squeeze %dma_start3A_40 : memref<1x640xf32, #tpu.memory_space<vmem_shared>> -> memref<640xf32, #tpu.memory_space<vmem_shared>>
        tpu.enqueue_dma source(%dma_start3A_41 : memref<640xf32, #tpu.memory_space<vmem_shared>>) target(%arg7 : memref<640xf32, #tpu.memory_space<vmem>>) target_semaphore(%run_scoped3A_38 : memref<!tpu.dma_semaphore, #tpu.memory_space<semaphore_mem>>)
        %dma_wait3A = tpu.memref_slice %arg8[%scan3A_28, %mul3A_20] : memref<16x10240xf32, #tpu.memory_space<vmem_shared>> -> memref<1x640xf32, #tpu.memory_space<vmem_shared>>
        %dma_wait3A_42 = tpu.memref_squeeze %dma_wait3A : memref<1x640xf32, #tpu.memory_space<vmem_shared>> -> memref<640xf32, #tpu.memory_space<vmem_shared>>
        %dma_wait3A_43 = tpu.memref_slice %arg8[%scan3A_28, %mul3A_20] : memref<16x10240xf32, #tpu.memory_space<vmem_shared>> -> memref<1x640xf32, #tpu.memory_space<vmem_shared>>
        %dma_wait3A_44 = tpu.memref_squeeze %dma_wait3A_43 : memref<1x640xf32, #tpu.memory_space<vmem_shared>> -> memref<640xf32, #tpu.memory_space<vmem_shared>>
        tpu.wait_dma2 semaphore(%run_scoped3A_38 : memref<!tpu.dma_semaphore, #tpu.memory_space<semaphore_mem>>) src(%dma_wait3A_44 : memref<640xf32, #tpu.memory_space<vmem_shared>>) dst(%arg7 : memref<640xf32, #tpu.memory_space<vmem>>)
        tpu.yield
      }) : () -> ()
      %scan3A_30 = arith.constant 0 : i32
      %scan3A_31 = arith.constant 0 : i32
      %scan3A_32 = arith.constant 40 : i32
      %scan3A_33 = arith.addi %scan3A_31, %scan3A_32 : i32
      %scan3A_34 = arith.constant 1 : i32
      %scan3A_35 = scf.for %scan3A_38 = %scan3A_31 to %scan3A_33 step %scan3A_34 iter_args(%scan3A_39 = %scan3A_30) -> (i32)  : i32 {
        %mul3A_40 = arith.constant 16 : i32
        %mul3A_41 = arith.muli %scan3A_38, %mul3A_40 : i32
        %get3A = arith.index_cast %mul3A_41 : i32 to index
        %get3A_42 = tpu.vector_load %arg6[%get3A] {strides = array<i32>} : memref<640xf32, #tpu.memory_space<vmem>>, vector<16xf32>,
        %get3A_43 = arith.index_cast %mul3A_41 : i32 to index
        %get3A_44 = tpu.vector_load %arg7[%get3A_43] {strides = array<i32>} : memref<640xf32, #tpu.memory_space<vmem>>, vector<16xf32>,
        %add3A_45 = arith.addf %get3A_42, %get3A_44 : vector<16xf32>
        %swap3A = arith.index_cast %mul3A_41 : i32 to index
        %swap3A_46 = tpu.vector_load %arg6[%swap3A] {strides = array<i32>} : memref<640xf32, #tpu.memory_space<vmem>>, vector<16xf32>,
        tpu.vector_store %arg6[%swap3A], %add3A_45 {strides = array<i32>} : memref<640xf32, #tpu.memory_space<vmem>>, vector<16xf32>,
        %scan3A_47 = arith.constant 0 : i32
        scf.yield %scan3A_47 : i32
      }
      %scan3A_36 = arith.constant 40 : i32
      %scan3A_37 = arith.constant 0 : i32
      scf.yield %scan3A_37 : i32
    }
    %scan3A_27 = arith.constant 15 : i32
    "tpu.region"() ({
      %run_scoped3A_28 = tpu.sem_alloc : memref<!tpu.dma_semaphore, #tpu.memory_space<semaphore_mem>>
      %dma_start3A = tpu.memref_slice %arg3[%arg0, %mul3A_20] : memref<2x10240xf32, #tpu.memory_space<hbm>> -> memref<1x640xf32, #tpu.memory_space<hbm>>
      %dma_start3A_29 = tpu.memref_squeeze %dma_start3A : memref<1x640xf32, #tpu.memory_space<hbm>> -> memref<640xf32, #tpu.memory_space<hbm>>
      %dma_start3A_30 = tpu.memref_slice %arg3[%arg0, %mul3A_20] : memref<2x10240xf32, #tpu.memory_space<hbm>> -> memref<1x640xf32, #tpu.memory_space<hbm>>
      %dma_start3A_31 = tpu.memref_squeeze %dma_start3A_30 : memref<1x640xf32, #tpu.memory_space<hbm>> -> memref<640xf32, #tpu.memory_space<hbm>>
      tpu.enqueue_dma source(%arg6 : memref<640xf32, #tpu.memory_space<vmem>>) target(%dma_start3A_31 : memref<640xf32, #tpu.memory_space<hbm>>) target_semaphore(%run_scoped3A_28 : memref<!tpu.dma_semaphore, #tpu.memory_space<semaphore_mem>>)
      %dma_wait3A = tpu.memref_slice %arg3[%arg0, %mul3A_20] : memref<2x10240xf32, #tpu.memory_space<hbm>> -> memref<1x640xf32, #tpu.memory_space<hbm>>
      %dma_wait3A_32 = tpu.memref_squeeze %dma_wait3A : memref<1x640xf32, #tpu.memory_space<hbm>> -> memref<640xf32, #tpu.memory_space<hbm>>
      %dma_wait3A_33 = tpu.memref_slice %arg3[%arg0, %mul3A_20] : memref<2x10240xf32, #tpu.memory_space<hbm>> -> memref<1x640xf32, #tpu.memory_space<hbm>>
      %dma_wait3A_34 = tpu.memref_squeeze %dma_wait3A_33 : memref<1x640xf32, #tpu.memory_space<hbm>> -> memref<640xf32, #tpu.memory_space<hbm>>
      tpu.wait_dma2 semaphore(%run_scoped3A_28 : memref<!tpu.dma_semaphore, #tpu.memory_space<semaphore_mem>>) src(%arg6 : memref<640xf32, #tpu.memory_space<vmem>>) dst(%dma_wait3A_34 : memref<640xf32, #tpu.memory_space<hbm>>)
      tpu.yield
    }) : () -> ()
    return
  }
}

#map = affine_map<(d0, d1) -> (0, 0)>
module attributes {stable_mosaic.version = 14 : i64} {
  func.func @prop_kernel(%arg0: i32, %arg1: i32, %arg2: memref<10240x128xf32, #tpu.memory_space<hbm>>, %arg3: memref<10240x128xf32, #tpu.memory_space<hbm>>, %arg4: memref<2560x125xi32, #tpu.memory_space<hbm>>, %arg5: memref<2560x125xi32, #tpu.memory_space<hbm>>, %arg6: memref<10240x128xf32, #tpu.memory_space<hbm>>, %arg7: memref<10240x128xf32, #tpu.memory_space<hbm>>, %arg8: memref<8x125xi32, #tpu.memory_space<vmem>>, %arg9: memref<8x125xi32, #tpu.memory_space<vmem>>, %arg10: memref<8x125xi32, #tpu.memory_space<vmem>>, %arg11: memref<8x125xi32, #tpu.memory_space<vmem>>, %arg12: memref<125x128xf32, #tpu.memory_space<vmem>>, %arg13: memref<125x128xf32, #tpu.memory_space<vmem>>, %arg14: memref<!tpu.dma_semaphore, #tpu.memory_space<semaphore_mem>>, %arg15: memref<!tpu.dma_semaphore, #tpu.memory_space<semaphore_mem>>, %arg16: memref<!tpu.dma_semaphore, #tpu.memory_space<semaphore_mem>>, %arg17: memref<!tpu.dma_semaphore, #tpu.memory_space<semaphore_mem>>, %arg18: memref<!tpu.dma_semaphore, #tpu.memory_space<semaphore_mem>>, %arg19: memref<!tpu.dma_semaphore, #tpu.memory_space<semaphore_mem>>, %arg20: memref<10240x128xf32, #tpu.memory_space<vmem_shared>>) attributes {dimension_semantics = [#tpu.dimension_semantics<core_parallel>, #tpu.dimension_semantics<subcore_parallel>], iteration_bounds = array<i64: 2, 16>, scalar_prefetch = 0 : i64, scratch_operands = 13 : i64, tpu.core_type = #tpu.core_type<sc_vector_subcore>, window_params = [{transform_indices = #map}, {transform_indices = #map}, {transform_indices = #map}, {transform_indices = #map}, {transform_indices = #map}, {transform_indices = #map}]} {
    %mul3A = arith.constant 640 : i32
    %mul3A_0 = arith.muli %arg1, %mul3A : i32
    %eq3A = arith.constant 0 : i32
    %eq3A_1 = arith.cmpi eq, %arg0, %eq3A : i32
    %convert_element_type3A = arith.extui %eq3A_1 : i1 to i32
    %cond3A = arith.constant 0 : i32
    %cond3A_2 = arith.cmpi ne, %convert_element_type3A, %cond3A : i32
    scf.if %cond3A_2 {
      "tpu.region"() ({
        %run_scoped3A = tpu.sem_alloc : memref<!tpu.dma_semaphore, #tpu.memory_space<semaphore_mem>>
        %dma_start3A_45 = arith.constant 0 : i32
        %dma_start3A_46 = tpu.memref_slice %arg20[%mul3A_0, %dma_start3A_45] : memref<10240x128xf32, #tpu.memory_space<vmem_shared>> -> memref<640x128xf32, #tpu.memory_space<vmem_shared>>
        %dma_start3A_47 = arith.constant 0 : i32
        %dma_start3A_48 = tpu.memref_slice %arg2[%mul3A_0, %dma_start3A_47] : memref<10240x128xf32, #tpu.memory_space<hbm>> -> memref<640x128xf32, #tpu.memory_space<hbm>>
        tpu.enqueue_dma source(%dma_start3A_48 : memref<640x128xf32, #tpu.memory_space<hbm>>) target(%dma_start3A_46 : memref<640x128xf32, #tpu.memory_space<vmem_shared>>) target_semaphore(%run_scoped3A : memref<!tpu.dma_semaphore, #tpu.memory_space<semaphore_mem>>)
        %dma_wait3A = arith.constant 0 : i32
        %dma_wait3A_49 = tpu.memref_slice %arg20[%mul3A_0, %dma_wait3A] : memref<10240x128xf32, #tpu.memory_space<vmem_shared>> -> memref<640x128xf32, #tpu.memory_space<vmem_shared>>
        %dma_wait3A_50 = arith.constant 0 : i32
        %dma_wait3A_51 = tpu.memref_slice %arg2[%mul3A_0, %dma_wait3A_50] : memref<10240x128xf32, #tpu.memory_space<hbm>> -> memref<640x128xf32, #tpu.memory_space<hbm>>
        tpu.wait_dma2 semaphore(%run_scoped3A : memref<!tpu.dma_semaphore, #tpu.memory_space<semaphore_mem>>) src(%dma_wait3A_51 : memref<640x128xf32, #tpu.memory_space<hbm>>) dst(%dma_wait3A_49 : memref<640x128xf32, #tpu.memory_space<vmem_shared>>)
        tpu.yield
      }) : () -> ()
    } else {
    }
    %eq3A_3 = arith.constant 1 : i32
    %eq3A_4 = arith.cmpi eq, %arg0, %eq3A_3 : i32
    %convert_element_type3A_5 = arith.extui %eq3A_4 : i1 to i32
    %cond3A_6 = arith.constant 0 : i32
    %cond3A_7 = arith.cmpi ne, %convert_element_type3A_5, %cond3A_6 : i32
    scf.if %cond3A_7 {
      "tpu.region"() ({
        %run_scoped3A = tpu.sem_alloc : memref<!tpu.dma_semaphore, #tpu.memory_space<semaphore_mem>>
        %dma_start3A_45 = arith.constant 0 : i32
        %dma_start3A_46 = tpu.memref_slice %arg20[%mul3A_0, %dma_start3A_45] : memref<10240x128xf32, #tpu.memory_space<vmem_shared>> -> memref<640x128xf32, #tpu.memory_space<vmem_shared>>
        %dma_start3A_47 = arith.constant 0 : i32
        %dma_start3A_48 = tpu.memref_slice %arg3[%mul3A_0, %dma_start3A_47] : memref<10240x128xf32, #tpu.memory_space<hbm>> -> memref<640x128xf32, #tpu.memory_space<hbm>>
        tpu.enqueue_dma source(%dma_start3A_48 : memref<640x128xf32, #tpu.memory_space<hbm>>) target(%dma_start3A_46 : memref<640x128xf32, #tpu.memory_space<vmem_shared>>) target_semaphore(%run_scoped3A : memref<!tpu.dma_semaphore, #tpu.memory_space<semaphore_mem>>)
        %dma_wait3A = arith.constant 0 : i32
        %dma_wait3A_49 = tpu.memref_slice %arg20[%mul3A_0, %dma_wait3A] : memref<10240x128xf32, #tpu.memory_space<vmem_shared>> -> memref<640x128xf32, #tpu.memory_space<vmem_shared>>
        %dma_wait3A_50 = arith.constant 0 : i32
        %dma_wait3A_51 = tpu.memref_slice %arg3[%mul3A_0, %dma_wait3A_50] : memref<10240x128xf32, #tpu.memory_space<hbm>> -> memref<640x128xf32, #tpu.memory_space<hbm>>
        tpu.wait_dma2 semaphore(%run_scoped3A : memref<!tpu.dma_semaphore, #tpu.memory_space<semaphore_mem>>) src(%dma_wait3A_51 : memref<640x128xf32, #tpu.memory_space<hbm>>) dst(%dma_wait3A_49 : memref<640x128xf32, #tpu.memory_space<vmem_shared>>)
        tpu.yield
      }) : () -> ()
    } else {
    }
    %mul3A_8 = arith.constant 2 : i32
    %mul3A_9 = arith.muli %arg1, %mul3A_8 : i32
    %add3A = arith.addi %mul3A_9, %arg0 : i32
    %mul3A_10 = arith.constant 80 : i32
    %mul3A_11 = arith.muli %add3A, %mul3A_10 : i32
    %barrier3A = arith.constant 0 : index
    tpu.barrier barrier_id(%barrier3A)
    "tpu.region"() ({
      %run_scoped3A = tpu.sem_alloc : memref<!tpu.dma_semaphore, #tpu.memory_space<semaphore_mem>>
      %dma_start3A_45 = arith.constant 0 : i32
      %dma_start3A_46 = tpu.memref_slice %arg4[%mul3A_11, %dma_start3A_45] : memref<2560x125xi32, #tpu.memory_space<hbm>> -> memref<8x125xi32, #tpu.memory_space<hbm>>
      %dma_start3A_47 = arith.constant 0 : i32
      %dma_start3A_48 = tpu.memref_slice %arg4[%mul3A_11, %dma_start3A_47] : memref<2560x125xi32, #tpu.memory_space<hbm>> -> memref<8x125xi32, #tpu.memory_space<hbm>>
      tpu.enqueue_dma source(%dma_start3A_48 : memref<8x125xi32, #tpu.memory_space<hbm>>) target(%arg8 : memref<8x125xi32, #tpu.memory_space<vmem>>) target_semaphore(%run_scoped3A : memref<!tpu.dma_semaphore, #tpu.memory_space<semaphore_mem>>)
      %dma_wait3A = arith.constant 0 : i32
      %dma_wait3A_49 = tpu.memref_slice %arg4[%mul3A_11, %dma_wait3A] : memref<2560x125xi32, #tpu.memory_space<hbm>> -> memref<8x125xi32, #tpu.memory_space<hbm>>
      %dma_wait3A_50 = arith.constant 0 : i32
      %dma_wait3A_51 = tpu.memref_slice %arg4[%mul3A_11, %dma_wait3A_50] : memref<2560x125xi32, #tpu.memory_space<hbm>> -> memref<8x125xi32, #tpu.memory_space<hbm>>
      tpu.wait_dma2 semaphore(%run_scoped3A : memref<!tpu.dma_semaphore, #tpu.memory_space<semaphore_mem>>) src(%dma_wait3A_51 : memref<8x125xi32, #tpu.memory_space<hbm>>) dst(%arg8 : memref<8x125xi32, #tpu.memory_space<vmem>>)
      tpu.yield
    }) : () -> ()
    "tpu.region"() ({
      %run_scoped3A = tpu.sem_alloc : memref<!tpu.dma_semaphore, #tpu.memory_space<semaphore_mem>>
      %dma_start3A_45 = arith.constant 0 : i32
      %dma_start3A_46 = tpu.memref_slice %arg5[%mul3A_11, %dma_start3A_45] : memref<2560x125xi32, #tpu.memory_space<hbm>> -> memref<8x125xi32, #tpu.memory_space<hbm>>
      %dma_start3A_47 = arith.constant 0 : i32
      %dma_start3A_48 = tpu.memref_slice %arg5[%mul3A_11, %dma_start3A_47] : memref<2560x125xi32, #tpu.memory_space<hbm>> -> memref<8x125xi32, #tpu.memory_space<hbm>>
      tpu.enqueue_dma source(%dma_start3A_48 : memref<8x125xi32, #tpu.memory_space<hbm>>) target(%arg10 : memref<8x125xi32, #tpu.memory_space<vmem>>) target_semaphore(%run_scoped3A : memref<!tpu.dma_semaphore, #tpu.memory_space<semaphore_mem>>)
      %dma_wait3A = arith.constant 0 : i32
      %dma_wait3A_49 = tpu.memref_slice %arg5[%mul3A_11, %dma_wait3A] : memref<2560x125xi32, #tpu.memory_space<hbm>> -> memref<8x125xi32, #tpu.memory_space<hbm>>
      %dma_wait3A_50 = arith.constant 0 : i32
      %dma_wait3A_51 = tpu.memref_slice %arg5[%mul3A_11, %dma_wait3A_50] : memref<2560x125xi32, #tpu.memory_space<hbm>> -> memref<8x125xi32, #tpu.memory_space<hbm>>
      tpu.wait_dma2 semaphore(%run_scoped3A : memref<!tpu.dma_semaphore, #tpu.memory_space<semaphore_mem>>) src(%dma_wait3A_51 : memref<8x125xi32, #tpu.memory_space<hbm>>) dst(%arg10 : memref<8x125xi32, #tpu.memory_space<vmem>>)
      tpu.yield
    }) : () -> ()
    %add3A_12 = arith.constant 8 : i32
    %add3A_13 = arith.addi %mul3A_11, %add3A_12 : i32
    %dma_start3A = arith.constant 0 : i32
    %dma_start3A_14 = tpu.memref_slice %arg4[%add3A_13, %dma_start3A] : memref<2560x125xi32, #tpu.memory_space<hbm>> -> memref<8x125xi32, #tpu.memory_space<hbm>>
    %dma_start3A_15 = arith.constant 0 : i32
    %dma_start3A_16 = tpu.memref_slice %arg4[%add3A_13, %dma_start3A_15] : memref<2560x125xi32, #tpu.memory_space<hbm>> -> memref<8x125xi32, #tpu.memory_space<hbm>>
    tpu.enqueue_dma source(%dma_start3A_16 : memref<8x125xi32, #tpu.memory_space<hbm>>) target(%arg9 : memref<8x125xi32, #tpu.memory_space<vmem>>) target_semaphore(%arg19 : memref<!tpu.dma_semaphore, #tpu.memory_space<semaphore_mem>>)
    %dma_start3A_17 = arith.constant 0 : i32
    %dma_start3A_18 = tpu.memref_slice %arg5[%add3A_13, %dma_start3A_17] : memref<2560x125xi32, #tpu.memory_space<hbm>> -> memref<8x125xi32, #tpu.memory_space<hbm>>
    %dma_start3A_19 = arith.constant 0 : i32
    %dma_start3A_20 = tpu.memref_slice %arg5[%add3A_13, %dma_start3A_19] : memref<2560x125xi32, #tpu.memory_space<hbm>> -> memref<8x125xi32, #tpu.memory_space<hbm>>
    tpu.enqueue_dma source(%dma_start3A_20 : memref<8x125xi32, #tpu.memory_space<hbm>>) target(%arg11 : memref<8x125xi32, #tpu.memory_space<vmem>>) target_semaphore(%arg19 : memref<!tpu.dma_semaphore, #tpu.memory_space<semaphore_mem>>)
    %dma_start3A_21 = arith.constant 0 : i32
    %dma_start3A_22 = arith.constant 0 : i32
    %dma_start3A_23 = tpu.memref_slice %arg8[%dma_start3A_21, %dma_start3A_22] : memref<8x125xi32, #tpu.memory_space<vmem>> -> memref<1x125xi32, #tpu.memory_space<vmem>>
    %dma_start3A_24 = tpu.memref_squeeze %dma_start3A_23 : memref<1x125xi32, #tpu.memory_space<vmem>> -> memref<125xi32, #tpu.memory_space<vmem>>
    %dma_start3A_25 = arith.constant 0 : i32
    %dma_start3A_26 = arith.constant 0 : i32
    %dma_start3A_27 = tpu.memref_slice %arg2[%dma_start3A_25, %dma_start3A_26] : memref<10240x128xf32, #tpu.memory_space<hbm>> -> memref<10240x128xf32, #tpu.memory_space<hbm>>
    tpu.enqueue_indirect_dma source(%dma_start3A_27 : memref<10240x128xf32, #tpu.memory_space<hbm>>) target(%arg12 : memref<125x128xf32, #tpu.memory_space<vmem>>) offsets(%dma_start3A_24 : memref<125xi32, #tpu.memory_space<vmem>>) semaphore(%arg14 : memref<!tpu.dma_semaphore, #tpu.memory_space<semaphore_mem>>)
    %scan3A = arith.constant 0 : i32
    %scan3A_28 = arith.constant 0 : i32
    %scan3A_29 = arith.constant 5 : i32
    %scan3A_30 = arith.addi %scan3A_28, %scan3A_29 : i32
    %scan3A_31 = arith.constant 1 : i32
    %scan3A_32 = scf.for %scan3A_45 = %scan3A_28 to %scan3A_30 step %scan3A_31 iter_args(%scan3A_46 = %scan3A) -> (i32)  : i32 {
      %mul3A_47 = arith.constant 2 : i32
      %mul3A_48 = arith.muli %mul3A_47, %scan3A_45 : i32
      %scan3A_49 = arith.constant 0 : i32
      %scan3A_50 = arith.constant 0 : i32
      %scan3A_51 = arith.constant 4 : i32
      %scan3A_52 = arith.addi %scan3A_50, %scan3A_51 : i32
      %scan3A_53 = arith.constant 1 : i32
      %scan3A_54 = scf.for %scan3A_105 = %scan3A_50 to %scan3A_52 step %scan3A_53 iter_args(%scan3A_106 = %scan3A_49) -> (i32)  : i32 {
        %mul3A_107 = arith.constant 2 : i32
        %mul3A_108 = arith.muli %mul3A_107, %scan3A_105 : i32
        %dma_wait3A_109 = arith.constant 0 : i32
        %dma_wait3A_110 = tpu.memref_slice %arg8[%mul3A_108, %dma_wait3A_109] : memref<8x125xi32, #tpu.memory_space<vmem>> -> memref<1x125xi32, #tpu.memory_space<vmem>>
        %dma_wait3A_111 = tpu.memref_squeeze %dma_wait3A_110 : memref<1x125xi32, #tpu.memory_space<vmem>> -> memref<125xi32, #tpu.memory_space<vmem>>
        %dma_wait3A_112 = arith.constant 0 : i32
        %dma_wait3A_113 = arith.constant 0 : i32
        %dma_wait3A_114 = tpu.memref_slice %arg2[%dma_wait3A_112, %dma_wait3A_113] : memref<10240x128xf32, #tpu.memory_space<hbm>> -> memref<10240x128xf32, #tpu.memory_space<hbm>>
        tpu.wait_indirect_dma semaphore(%arg14 : memref<!tpu.dma_semaphore, #tpu.memory_space<semaphore_mem>>) src(%dma_wait3A_114 : memref<10240x128xf32, #tpu.memory_space<hbm>>) dst(%arg12 : memref<125x128xf32, #tpu.memory_space<vmem>>)
        %dma_start3A_115 = arith.constant 0 : i32
        %dma_start3A_116 = tpu.memref_slice %arg10[%mul3A_108, %dma_start3A_115] : memref<8x125xi32, #tpu.memory_space<vmem>> -> memref<1x125xi32, #tpu.memory_space<vmem>>
        %dma_start3A_117 = tpu.memref_squeeze %dma_start3A_116 : memref<1x125xi32, #tpu.memory_space<vmem>> -> memref<125xi32, #tpu.memory_space<vmem>>
        %dma_start3A_118 = arith.constant 0 : i32
        %dma_start3A_119 = arith.constant 0 : i32
        %dma_start3A_120 = tpu.memref_slice %arg20[%dma_start3A_118, %dma_start3A_119] : memref<10240x128xf32, #tpu.memory_space<vmem_shared>> -> memref<10240x128xf32, #tpu.memory_space<vmem_shared>>
        tpu.enqueue_indirect_dma source(%arg12 : memref<125x128xf32, #tpu.memory_space<vmem>>) target(%dma_start3A_120 : memref<10240x128xf32, #tpu.memory_space<vmem_shared>>) offsets(%dma_start3A_117 : memref<125xi32, #tpu.memory_space<vmem>>) semaphore(%arg16 : memref<!tpu.dma_semaphore, #tpu.memory_space<semaphore_mem>>) {add = true}
        %gt3A = arith.constant 0 : i32
        %gt3A_121 = arith.cmpi sgt, %scan3A_105, %gt3A : i32
        %convert_element_type3A_122 = arith.extui %gt3A_121 : i1 to i32
        %cond3A_123 = arith.constant 0 : i32
        %cond3A_124 = arith.cmpi ne, %convert_element_type3A_122, %cond3A_123 : i32
        scf.if %cond3A_124 {
          %sub3A = arith.constant 1 : i32
          %sub3A_161 = arith.subi %mul3A_108, %sub3A : i32
          %dma_wait3A_162 = arith.constant 0 : i32
          %dma_wait3A_163 = tpu.memref_slice %arg10[%sub3A_161, %dma_wait3A_162] : memref<8x125xi32, #tpu.memory_space<vmem>> -> memref<1x125xi32, #tpu.memory_space<vmem>>
          %dma_wait3A_164 = tpu.memref_squeeze %dma_wait3A_163 : memref<1x125xi32, #tpu.memory_space<vmem>> -> memref<125xi32, #tpu.memory_space<vmem>>
          %dma_wait3A_165 = arith.constant 0 : i32
          %dma_wait3A_166 = arith.constant 0 : i32
          %dma_wait3A_167 = tpu.memref_slice %arg20[%dma_wait3A_165, %dma_wait3A_166] : memref<10240x128xf32, #tpu.memory_space<vmem_shared>> -> memref<10240x128xf32, #tpu.memory_space<vmem_shared>>
          tpu.wait_indirect_dma semaphore(%arg17 : memref<!tpu.dma_semaphore, #tpu.memory_space<semaphore_mem>>) src(%arg13 : memref<125x128xf32, #tpu.memory_space<vmem>>) dst(%dma_wait3A_167 : memref<10240x128xf32, #tpu.memory_space<vmem_shared>>)
        } else {
        }
        %add3A_125 = arith.constant 1 : i32
        %add3A_126 = arith.addi %mul3A_108, %add3A_125 : i32
        %dma_start3A_127 = arith.constant 0 : i32
        %dma_start3A_128 = tpu.memref_slice %arg8[%add3A_126, %dma_start3A_127] : memref<8x125xi32, #tpu.memory_space<vmem>> -> memref<1x125xi32, #tpu.memory_space<vmem>>
        %dma_start3A_129 = tpu.memref_squeeze %dma_start3A_128 : memref<1x125xi32, #tpu.memory_space<vmem>> -> memref<125xi32, #tpu.memory_space<vmem>>
        %dma_start3A_130 = arith.constant 0 : i32
        %dma_start3A_131 = arith.constant 0 : i32
        %dma_start3A_132 = tpu.memref_slice %arg2[%dma_start3A_130, %dma_start3A_131] : memref<10240x128xf32, #tpu.memory_space<hbm>> -> memref<10240x128xf32, #tpu.memory_space<hbm>>
        tpu.enqueue_indirect_dma source(%dma_start3A_132 : memref<10240x128xf32, #tpu.memory_space<hbm>>) target(%arg13 : memref<125x128xf32, #tpu.memory_space<vmem>>) offsets(%dma_start3A_129 : memref<125xi32, #tpu.memory_space<vmem>>) semaphore(%arg15 : memref<!tpu.dma_semaphore, #tpu.memory_space<semaphore_mem>>)
        %add3A_133 = arith.constant 1 : i32
        %add3A_134 = arith.addi %mul3A_108, %add3A_133 : i32
        %dma_wait3A_135 = arith.constant 0 : i32
        %dma_wait3A_136 = tpu.memref_slice %arg8[%add3A_134, %dma_wait3A_135] : memref<8x125xi32, #tpu.memory_space<vmem>> -> memref<1x125xi32, #tpu.memory_space<vmem>>
        %dma_wait3A_137 = tpu.memref_squeeze %dma_wait3A_136 : memref<1x125xi32, #tpu.memory_space<vmem>> -> memref<125xi32, #tpu.memory_space<vmem>>
        %dma_wait3A_138 = arith.constant 0 : i32
        %dma_wait3A_139 = arith.constant 0 : i32
        %dma_wait3A_140 = tpu.memref_slice %arg2[%dma_wait3A_138, %dma_wait3A_139] : memref<10240x128xf32, #tpu.memory_space<hbm>> -> memref<10240x128xf32, #tpu.memory_space<hbm>>
        tpu.wait_indirect_dma semaphore(%arg15 : memref<!tpu.dma_semaphore, #tpu.memory_space<semaphore_mem>>) src(%dma_wait3A_140 : memref<10240x128xf32, #tpu.memory_space<hbm>>) dst(%arg13 : memref<125x128xf32, #tpu.memory_space<vmem>>)
        %add3A_141 = arith.constant 1 : i32
        %add3A_142 = arith.addi %mul3A_108, %add3A_141 : i32
        %dma_start3A_143 = arith.constant 0 : i32
        %dma_start3A_144 = tpu.memref_slice %arg10[%add3A_142, %dma_start3A_143] : memref<8x125xi32, #tpu.memory_space<vmem>> -> memref<1x125xi32, #tpu.memory_space<vmem>>
        %dma_start3A_145 = tpu.memref_squeeze %dma_start3A_144 : memref<1x125xi32, #tpu.memory_space<vmem>> -> memref<125xi32, #tpu.memory_space<vmem>>
        %dma_start3A_146 = arith.constant 0 : i32
        %dma_start3A_147 = arith.constant 0 : i32
        %dma_start3A_148 = tpu.memref_slice %arg20[%dma_start3A_146, %dma_start3A_147] : memref<10240x128xf32, #tpu.memory_space<vmem_shared>> -> memref<10240x128xf32, #tpu.memory_space<vmem_shared>>
        tpu.enqueue_indirect_dma source(%arg13 : memref<125x128xf32, #tpu.memory_space<vmem>>) target(%dma_start3A_148 : memref<10240x128xf32, #tpu.memory_space<vmem_shared>>) offsets(%dma_start3A_145 : memref<125xi32, #tpu.memory_space<vmem>>) semaphore(%arg17 : memref<!tpu.dma_semaphore, #tpu.memory_space<semaphore_mem>>) {add = true}
        %dma_wait3A_149 = arith.constant 0 : i32
        %dma_wait3A_150 = tpu.memref_slice %arg10[%mul3A_108, %dma_wait3A_149] : memref<8x125xi32, #tpu.memory_space<vmem>> -> memref<1x125xi32, #tpu.memory_space<vmem>>
        %dma_wait3A_151 = tpu.memref_squeeze %dma_wait3A_150 : memref<1x125xi32, #tpu.memory_space<vmem>> -> memref<125xi32, #tpu.memory_space<vmem>>
        %dma_wait3A_152 = arith.constant 0 : i32
        %dma_wait3A_153 = arith.constant 0 : i32
        %dma_wait3A_154 = tpu.memref_slice %arg20[%dma_wait3A_152, %dma_wait3A_153] : memref<10240x128xf32, #tpu.memory_space<vmem_shared>> -> memref<10240x128xf32, #tpu.memory_space<vmem_shared>>
        tpu.wait_indirect_dma semaphore(%arg16 : memref<!tpu.dma_semaphore, #tpu.memory_space<semaphore_mem>>) src(%arg12 : memref<125x128xf32, #tpu.memory_space<vmem>>) dst(%dma_wait3A_154 : memref<10240x128xf32, #tpu.memory_space<vmem_shared>>)
        %lt3A_155 = arith.constant 3 : i32
        %lt3A_156 = arith.cmpi slt, %scan3A_105, %lt3A_155 : i32
        %convert_element_type3A_157 = arith.extui %lt3A_156 : i1 to i32
        %cond3A_158 = arith.constant 0 : i32
        %cond3A_159 = arith.cmpi ne, %convert_element_type3A_157, %cond3A_158 : i32
        scf.if %cond3A_159 {
          %add3A_161 = arith.constant 2 : i32
          %add3A_162 = arith.addi %mul3A_108, %add3A_161 : i32
          %dma_start3A_163 = arith.constant 0 : i32
          %dma_start3A_164 = tpu.memref_slice %arg8[%add3A_162, %dma_start3A_163] : memref<8x125xi32, #tpu.memory_space<vmem>> -> memref<1x125xi32, #tpu.memory_space<vmem>>
          %dma_start3A_165 = tpu.memref_squeeze %dma_start3A_164 : memref<1x125xi32, #tpu.memory_space<vmem>> -> memref<125xi32, #tpu.memory_space<vmem>>
          %dma_start3A_166 = arith.constant 0 : i32
          %dma_start3A_167 = arith.constant 0 : i32
          %dma_start3A_168 = tpu.memref_slice %arg2[%dma_start3A_166, %dma_start3A_167] : memref<10240x128xf32, #tpu.memory_space<hbm>> -> memref<10240x128xf32, #tpu.memory_space<hbm>>
          tpu.enqueue_indirect_dma source(%dma_start3A_168 : memref<10240x128xf32, #tpu.memory_space<hbm>>) target(%arg12 : memref<125x128xf32, #tpu.memory_space<vmem>>) offsets(%dma_start3A_165 : memref<125xi32, #tpu.memory_space<vmem>>) semaphore(%arg14 : memref<!tpu.dma_semaphore, #tpu.memory_space<semaphore_mem>>)
        } else {
        }
        %scan3A_160 = arith.constant 0 : i32
        scf.yield %scan3A_160 : i32
      }
      %scan3A_55 = arith.constant 4 : i32
      %dma_wait3A = arith.constant 7 : i32
      %dma_wait3A_56 = arith.constant 0 : i32
      %dma_wait3A_57 = tpu.memref_slice %arg10[%dma_wait3A, %dma_wait3A_56] : memref<8x125xi32, #tpu.memory_space<vmem>> -> memref<1x125xi32, #tpu.memory_space<vmem>>
      %dma_wait3A_58 = tpu.memref_squeeze %dma_wait3A_57 : memref<1x125xi32, #tpu.memory_space<vmem>> -> memref<125xi32, #tpu.memory_space<vmem>>
      %dma_wait3A_59 = arith.constant 0 : i32
      %dma_wait3A_60 = arith.constant 0 : i32
      %dma_wait3A_61 = tpu.memref_slice %arg20[%dma_wait3A_59, %dma_wait3A_60] : memref<10240x128xf32, #tpu.memory_space<vmem_shared>> -> memref<10240x128xf32, #tpu.memory_space<vmem_shared>>
      tpu.wait_indirect_dma semaphore(%arg17 : memref<!tpu.dma_semaphore, #tpu.memory_space<semaphore_mem>>) src(%arg13 : memref<125x128xf32, #tpu.memory_space<vmem>>) dst(%dma_wait3A_61 : memref<10240x128xf32, #tpu.memory_space<vmem_shared>>)
      %dma_wait3A_62 = arith.constant 0 : i32
      %dma_wait3A_63 = arith.constant 0 : i32
      %dma_wait3A_64 = tpu.memref_slice %arg4[%dma_wait3A_62, %dma_wait3A_63] : memref<2560x125xi32, #tpu.memory_space<hbm>> -> memref<8x125xi32, #tpu.memory_space<hbm>>
      %dma_wait3A_65 = arith.constant 0 : i32
      %dma_wait3A_66 = arith.constant 0 : i32
      %dma_wait3A_67 = tpu.memref_slice %arg4[%dma_wait3A_65, %dma_wait3A_66] : memref<2560x125xi32, #tpu.memory_space<hbm>> -> memref<8x125xi32, #tpu.memory_space<hbm>>
      tpu.wait_dma2 semaphore(%arg19 : memref<!tpu.dma_semaphore, #tpu.memory_space<semaphore_mem>>) src(%dma_wait3A_67 : memref<8x125xi32, #tpu.memory_space<hbm>>) dst(%arg9 : memref<8x125xi32, #tpu.memory_space<vmem>>)
      %dma_wait3A_68 = arith.constant 0 : i32
      %dma_wait3A_69 = arith.constant 0 : i32
      %dma_wait3A_70 = tpu.memref_slice %arg5[%dma_wait3A_68, %dma_wait3A_69] : memref<2560x125xi32, #tpu.memory_space<hbm>> -> memref<8x125xi32, #tpu.memory_space<hbm>>
      %dma_wait3A_71 = arith.constant 0 : i32
      %dma_wait3A_72 = arith.constant 0 : i32
      %dma_wait3A_73 = tpu.memref_slice %arg5[%dma_wait3A_71, %dma_wait3A_72] : memref<2560x125xi32, #tpu.memory_space<hbm>> -> memref<8x125xi32, #tpu.memory_space<hbm>>
      tpu.wait_dma2 semaphore(%arg19 : memref<!tpu.dma_semaphore, #tpu.memory_space<semaphore_mem>>) src(%dma_wait3A_73 : memref<8x125xi32, #tpu.memory_space<hbm>>) dst(%arg11 : memref<8x125xi32, #tpu.memory_space<vmem>>)
      %dma_start3A_74 = arith.constant 0 : i32
      %dma_start3A_75 = arith.constant 0 : i32
      %dma_start3A_76 = tpu.memref_slice %arg9[%dma_start3A_74, %dma_start3A_75] : memref<8x125xi32, #tpu.memory_space<vmem>> -> memref<1x125xi32, #tpu.memory_space<vmem>>
      %dma_start3A_77 = tpu.memref_squeeze %dma_start3A_76 : memref<1x125xi32, #tpu.memory_space<vmem>> -> memref<125xi32, #tpu.memory_space<vmem>>
      %dma_start3A_78 = arith.constant 0 : i32
      %dma_start3A_79 = arith.constant 0 : i32
      %dma_start3A_80 = tpu.memref_slice %arg2[%dma_start3A_78, %dma_start3A_79] : memref<10240x128xf32, #tpu.memory_space<hbm>> -> memref<10240x128xf32, #tpu.memory_space<hbm>>
      tpu.enqueue_indirect_dma source(%dma_start3A_80 : memref<10240x128xf32, #tpu.memory_space<hbm>>) target(%arg12 : memref<125x128xf32, #tpu.memory_space<vmem>>) offsets(%dma_start3A_77 : memref<125xi32, #tpu.memory_space<vmem>>) semaphore(%arg14 : memref<!tpu.dma_semaphore, #tpu.memory_space<semaphore_mem>>)
      %lt3A = arith.constant 4 : i32
      %lt3A_81 = arith.cmpi slt, %scan3A_45, %lt3A : i32
      %convert_element_type3A_82 = arith.extui %lt3A_81 : i1 to i32
      %cond3A_83 = arith.constant 0 : i32
      %cond3A_84 = arith.cmpi ne, %convert_element_type3A_82, %cond3A_83 : i32
      scf.if %cond3A_84 {
        %add3A_105 = arith.constant 2 : i32
        %add3A_106 = arith.addi %mul3A_48, %add3A_105 : i32
        %mul3A_107 = arith.constant 8 : i32
        %mul3A_108 = arith.muli %add3A_106, %mul3A_107 : i32
        %add3A_109 = arith.addi %mul3A_11, %mul3A_108 : i32
        %dma_start3A_110 = arith.constant 0 : i32
        %dma_start3A_111 = tpu.memref_slice %arg4[%add3A_109, %dma_start3A_110] : memref<2560x125xi32, #tpu.memory_space<hbm>> -> memref<8x125xi32, #tpu.memory_space<hbm>>
        %dma_start3A_112 = arith.constant 0 : i32
        %dma_start3A_113 = tpu.memref_slice %arg4[%add3A_109, %dma_start3A_112] : memref<2560x125xi32, #tpu.memory_space<hbm>> -> memref<8x125xi32, #tpu.memory_space<hbm>>
        tpu.enqueue_dma source(%dma_start3A_113 : memref<8x125xi32, #tpu.memory_space<hbm>>) target(%arg8 : memref<8x125xi32, #tpu.memory_space<vmem>>) target_semaphore(%arg18 : memref<!tpu.dma_semaphore, #tpu.memory_space<semaphore_mem>>)
        %dma_start3A_114 = arith.constant 0 : i32
        %dma_start3A_115 = tpu.memref_slice %arg5[%add3A_109, %dma_start3A_114] : memref<2560x125xi32, #tpu.memory_space<hbm>> -> memref<8x125xi32, #tpu.memory_space<hbm>>
        %dma_start3A_116 = arith.constant 0 : i32
        %dma_start3A_117 = tpu.memref_slice %arg5[%add3A_109, %dma_start3A_116] : memref<2560x125xi32, #tpu.memory_space<hbm>> -> memref<8x125xi32, #tpu.memory_space<hbm>>
        tpu.enqueue_dma source(%dma_start3A_117 : memref<8x125xi32, #tpu.memory_space<hbm>>) target(%arg10 : memref<8x125xi32, #tpu.memory_space<vmem>>) target_semaphore(%arg18 : memref<!tpu.dma_semaphore, #tpu.memory_space<semaphore_mem>>)
      } else {
      }
      %scan3A_85 = arith.constant 0 : i32
      %scan3A_86 = arith.constant 0 : i32
      %scan3A_87 = arith.constant 4 : i32
      %scan3A_88 = arith.addi %scan3A_86, %scan3A_87 : i32
      %scan3A_89 = arith.constant 1 : i32
      %scan3A_90 = scf.for %scan3A_105 = %scan3A_86 to %scan3A_88 step %scan3A_89 iter_args(%scan3A_106 = %scan3A_85) -> (i32)  : i32 {
        %mul3A_107 = arith.constant 2 : i32
        %mul3A_108 = arith.muli %mul3A_107, %scan3A_105 : i32
        %dma_wait3A_109 = arith.constant 0 : i32
        %dma_wait3A_110 = tpu.memref_slice %arg9[%mul3A_108, %dma_wait3A_109] : memref<8x125xi32, #tpu.memory_space<vmem>> -> memref<1x125xi32, #tpu.memory_space<vmem>>
        %dma_wait3A_111 = tpu.memref_squeeze %dma_wait3A_110 : memref<1x125xi32, #tpu.memory_space<vmem>> -> memref<125xi32, #tpu.memory_space<vmem>>
        %dma_wait3A_112 = arith.constant 0 : i32
        %dma_wait3A_113 = arith.constant 0 : i32
        %dma_wait3A_114 = tpu.memref_slice %arg2[%dma_wait3A_112, %dma_wait3A_113] : memref<10240x128xf32, #tpu.memory_space<hbm>> -> memref<10240x128xf32, #tpu.memory_space<hbm>>
        tpu.wait_indirect_dma semaphore(%arg14 : memref<!tpu.dma_semaphore, #tpu.memory_space<semaphore_mem>>) src(%dma_wait3A_114 : memref<10240x128xf32, #tpu.memory_space<hbm>>) dst(%arg12 : memref<125x128xf32, #tpu.memory_space<vmem>>)
        %dma_start3A_115 = arith.constant 0 : i32
        %dma_start3A_116 = tpu.memref_slice %arg11[%mul3A_108, %dma_start3A_115] : memref<8x125xi32, #tpu.memory_space<vmem>> -> memref<1x125xi32, #tpu.memory_space<vmem>>
        %dma_start3A_117 = tpu.memref_squeeze %dma_start3A_116 : memref<1x125xi32, #tpu.memory_space<vmem>> -> memref<125xi32, #tpu.memory_space<vmem>>
        %dma_start3A_118 = arith.constant 0 : i32
        %dma_start3A_119 = arith.constant 0 : i32
        %dma_start3A_120 = tpu.memref_slice %arg20[%dma_start3A_118, %dma_start3A_119] : memref<10240x128xf32, #tpu.memory_space<vmem_shared>> -> memref<10240x128xf32, #tpu.memory_space<vmem_shared>>
        tpu.enqueue_indirect_dma source(%arg12 : memref<125x128xf32, #tpu.memory_space<vmem>>) target(%dma_start3A_120 : memref<10240x128xf32, #tpu.memory_space<vmem_shared>>) offsets(%dma_start3A_117 : memref<125xi32, #tpu.memory_space<vmem>>) semaphore(%arg16 : memref<!tpu.dma_semaphore, #tpu.memory_space<semaphore_mem>>) {add = true}
        %gt3A = arith.constant 0 : i32
        %gt3A_121 = arith.cmpi sgt, %scan3A_105, %gt3A : i32
        %convert_element_type3A_122 = arith.extui %gt3A_121 : i1 to i32
        %cond3A_123 = arith.constant 0 : i32
        %cond3A_124 = arith.cmpi ne, %convert_element_type3A_122, %cond3A_123 : i32
        scf.if %cond3A_124 {
          %sub3A = arith.constant 1 : i32
          %sub3A_161 = arith.subi %mul3A_108, %sub3A : i32
          %dma_wait3A_162 = arith.constant 0 : i32
          %dma_wait3A_163 = tpu.memref_slice %arg11[%sub3A_161, %dma_wait3A_162] : memref<8x125xi32, #tpu.memory_space<vmem>> -> memref<1x125xi32, #tpu.memory_space<vmem>>
          %dma_wait3A_164 = tpu.memref_squeeze %dma_wait3A_163 : memref<1x125xi32, #tpu.memory_space<vmem>> -> memref<125xi32, #tpu.memory_space<vmem>>
          %dma_wait3A_165 = arith.constant 0 : i32
          %dma_wait3A_166 = arith.constant 0 : i32
          %dma_wait3A_167 = tpu.memref_slice %arg20[%dma_wait3A_165, %dma_wait3A_166] : memref<10240x128xf32, #tpu.memory_space<vmem_shared>> -> memref<10240x128xf32, #tpu.memory_space<vmem_shared>>
          tpu.wait_indirect_dma semaphore(%arg17 : memref<!tpu.dma_semaphore, #tpu.memory_space<semaphore_mem>>) src(%arg13 : memref<125x128xf32, #tpu.memory_space<vmem>>) dst(%dma_wait3A_167 : memref<10240x128xf32, #tpu.memory_space<vmem_shared>>)
        } else {
        }
        %add3A_125 = arith.constant 1 : i32
        %add3A_126 = arith.addi %mul3A_108, %add3A_125 : i32
        %dma_start3A_127 = arith.constant 0 : i32
        %dma_start3A_128 = tpu.memref_slice %arg9[%add3A_126, %dma_start3A_127] : memref<8x125xi32, #tpu.memory_space<vmem>> -> memref<1x125xi32, #tpu.memory_space<vmem>>
        %dma_start3A_129 = tpu.memref_squeeze %dma_start3A_128 : memref<1x125xi32, #tpu.memory_space<vmem>> -> memref<125xi32, #tpu.memory_space<vmem>>
        %dma_start3A_130 = arith.constant 0 : i32
        %dma_start3A_131 = arith.constant 0 : i32
        %dma_start3A_132 = tpu.memref_slice %arg2[%dma_start3A_130, %dma_start3A_131] : memref<10240x128xf32, #tpu.memory_space<hbm>> -> memref<10240x128xf32, #tpu.memory_space<hbm>>
        tpu.enqueue_indirect_dma source(%dma_start3A_132 : memref<10240x128xf32, #tpu.memory_space<hbm>>) target(%arg13 : memref<125x128xf32, #tpu.memory_space<vmem>>) offsets(%dma_start3A_129 : memref<125xi32, #tpu.memory_space<vmem>>) semaphore(%arg15 : memref<!tpu.dma_semaphore, #tpu.memory_space<semaphore_mem>>)
        %add3A_133 = arith.constant 1 : i32
        %add3A_134 = arith.addi %mul3A_108, %add3A_133 : i32
        %dma_wait3A_135 = arith.constant 0 : i32
        %dma_wait3A_136 = tpu.memref_slice %arg9[%add3A_134, %dma_wait3A_135] : memref<8x125xi32, #tpu.memory_space<vmem>> -> memref<1x125xi32, #tpu.memory_space<vmem>>
        %dma_wait3A_137 = tpu.memref_squeeze %dma_wait3A_136 : memref<1x125xi32, #tpu.memory_space<vmem>> -> memref<125xi32, #tpu.memory_space<vmem>>
        %dma_wait3A_138 = arith.constant 0 : i32
        %dma_wait3A_139 = arith.constant 0 : i32
        %dma_wait3A_140 = tpu.memref_slice %arg2[%dma_wait3A_138, %dma_wait3A_139] : memref<10240x128xf32, #tpu.memory_space<hbm>> -> memref<10240x128xf32, #tpu.memory_space<hbm>>
        tpu.wait_indirect_dma semaphore(%arg15 : memref<!tpu.dma_semaphore, #tpu.memory_space<semaphore_mem>>) src(%dma_wait3A_140 : memref<10240x128xf32, #tpu.memory_space<hbm>>) dst(%arg13 : memref<125x128xf32, #tpu.memory_space<vmem>>)
        %add3A_141 = arith.constant 1 : i32
        %add3A_142 = arith.addi %mul3A_108, %add3A_141 : i32
        %dma_start3A_143 = arith.constant 0 : i32
        %dma_start3A_144 = tpu.memref_slice %arg11[%add3A_142, %dma_start3A_143] : memref<8x125xi32, #tpu.memory_space<vmem>> -> memref<1x125xi32, #tpu.memory_space<vmem>>
        %dma_start3A_145 = tpu.memref_squeeze %dma_start3A_144 : memref<1x125xi32, #tpu.memory_space<vmem>> -> memref<125xi32, #tpu.memory_space<vmem>>
        %dma_start3A_146 = arith.constant 0 : i32
        %dma_start3A_147 = arith.constant 0 : i32
        %dma_start3A_148 = tpu.memref_slice %arg20[%dma_start3A_146, %dma_start3A_147] : memref<10240x128xf32, #tpu.memory_space<vmem_shared>> -> memref<10240x128xf32, #tpu.memory_space<vmem_shared>>
        tpu.enqueue_indirect_dma source(%arg13 : memref<125x128xf32, #tpu.memory_space<vmem>>) target(%dma_start3A_148 : memref<10240x128xf32, #tpu.memory_space<vmem_shared>>) offsets(%dma_start3A_145 : memref<125xi32, #tpu.memory_space<vmem>>) semaphore(%arg17 : memref<!tpu.dma_semaphore, #tpu.memory_space<semaphore_mem>>) {add = true}
        %dma_wait3A_149 = arith.constant 0 : i32
        %dma_wait3A_150 = tpu.memref_slice %arg11[%mul3A_108, %dma_wait3A_149] : memref<8x125xi32, #tpu.memory_space<vmem>> -> memref<1x125xi32, #tpu.memory_space<vmem>>
        %dma_wait3A_151 = tpu.memref_squeeze %dma_wait3A_150 : memref<1x125xi32, #tpu.memory_space<vmem>> -> memref<125xi32, #tpu.memory_space<vmem>>
        %dma_wait3A_152 = arith.constant 0 : i32
        %dma_wait3A_153 = arith.constant 0 : i32
        %dma_wait3A_154 = tpu.memref_slice %arg20[%dma_wait3A_152, %dma_wait3A_153] : memref<10240x128xf32, #tpu.memory_space<vmem_shared>> -> memref<10240x128xf32, #tpu.memory_space<vmem_shared>>
        tpu.wait_indirect_dma semaphore(%arg16 : memref<!tpu.dma_semaphore, #tpu.memory_space<semaphore_mem>>) src(%arg12 : memref<125x128xf32, #tpu.memory_space<vmem>>) dst(%dma_wait3A_154 : memref<10240x128xf32, #tpu.memory_space<vmem_shared>>)
        %lt3A_155 = arith.constant 3 : i32
        %lt3A_156 = arith.cmpi slt, %scan3A_105, %lt3A_155 : i32
        %convert_element_type3A_157 = arith.extui %lt3A_156 : i1 to i32
        %cond3A_158 = arith.constant 0 : i32
        %cond3A_159 = arith.cmpi ne, %convert_element_type3A_157, %cond3A_158 : i32
        scf.if %cond3A_159 {
          %add3A_161 = arith.constant 2 : i32
          %add3A_162 = arith.addi %mul3A_108, %add3A_161 : i32
          %dma_start3A_163 = arith.constant 0 : i32
          %dma_start3A_164 = tpu.memref_slice %arg9[%add3A_162, %dma_start3A_163] : memref<8x125xi32, #tpu.memory_space<vmem>> -> memref<1x125xi32, #tpu.memory_space<vmem>>
          %dma_start3A_165 = tpu.memref_squeeze %dma_start3A_164 : memref<1x125xi32, #tpu.memory_space<vmem>> -> memref<125xi32, #tpu.memory_space<vmem>>
          %dma_start3A_166 = arith.constant 0 : i32
          %dma_start3A_167 = arith.constant 0 : i32
          %dma_start3A_168 = tpu.memref_slice %arg2[%dma_start3A_166, %dma_start3A_167] : memref<10240x128xf32, #tpu.memory_space<hbm>> -> memref<10240x128xf32, #tpu.memory_space<hbm>>
          tpu.enqueue_indirect_dma source(%dma_start3A_168 : memref<10240x128xf32, #tpu.memory_space<hbm>>) target(%arg12 : memref<125x128xf32, #tpu.memory_space<vmem>>) offsets(%dma_start3A_165 : memref<125xi32, #tpu.memory_space<vmem>>) semaphore(%arg14 : memref<!tpu.dma_semaphore, #tpu.memory_space<semaphore_mem>>)
        } else {
        }
        %scan3A_160 = arith.constant 0 : i32
        scf.yield %scan3A_160 : i32
      }
      %scan3A_91 = arith.constant 4 : i32
      %dma_wait3A_92 = arith.constant 7 : i32
      %dma_wait3A_93 = arith.constant 0 : i32
      %dma_wait3A_94 = tpu.memref_slice %arg11[%dma_wait3A_92, %dma_wait3A_93] : memref<8x125xi32, #tpu.memory_space<vmem>> -> memref<1x125xi32, #tpu.memory_space<vmem>>
      %dma_wait3A_95 = tpu.memref_squeeze %dma_wait3A_94 : memref<1x125xi32, #tpu.memory_space<vmem>> -> memref<125xi32, #tpu.memory_space<vmem>>
      %dma_wait3A_96 = arith.constant 0 : i32
      %dma_wait3A_97 = arith.constant 0 : i32
      %dma_wait3A_98 = tpu.memref_slice %arg20[%dma_wait3A_96, %dma_wait3A_97] : memref<10240x128xf32, #tpu.memory_space<vmem_shared>> -> memref<10240x128xf32, #tpu.memory_space<vmem_shared>>
      tpu.wait_indirect_dma semaphore(%arg17 : memref<!tpu.dma_semaphore, #tpu.memory_space<semaphore_mem>>) src(%arg13 : memref<125x128xf32, #tpu.memory_space<vmem>>) dst(%dma_wait3A_98 : memref<10240x128xf32, #tpu.memory_space<vmem_shared>>)
      %lt3A_99 = arith.constant 4 : i32
      %lt3A_100 = arith.cmpi slt, %scan3A_45, %lt3A_99 : i32
      %convert_element_type3A_101 = arith.extui %lt3A_100 : i1 to i32
      %cond3A_102 = arith.constant 0 : i32
      %cond3A_103 = arith.cmpi ne, %convert_element_type3A_101, %cond3A_102 : i32
      scf.if %cond3A_103 {
        %dma_wait3A_105 = arith.constant 0 : i32
        %dma_wait3A_106 = arith.constant 0 : i32
        %dma_wait3A_107 = tpu.memref_slice %arg4[%dma_wait3A_105, %dma_wait3A_106] : memref<2560x125xi32, #tpu.memory_space<hbm>> -> memref<8x125xi32, #tpu.memory_space<hbm>>
        %dma_wait3A_108 = arith.constant 0 : i32
        %dma_wait3A_109 = arith.constant 0 : i32
        %dma_wait3A_110 = tpu.memref_slice %arg4[%dma_wait3A_108, %dma_wait3A_109] : memref<2560x125xi32, #tpu.memory_space<hbm>> -> memref<8x125xi32, #tpu.memory_space<hbm>>
        tpu.wait_dma2 semaphore(%arg18 : memref<!tpu.dma_semaphore, #tpu.memory_space<semaphore_mem>>) src(%dma_wait3A_110 : memref<8x125xi32, #tpu.memory_space<hbm>>) dst(%arg8 : memref<8x125xi32, #tpu.memory_space<vmem>>)
        %dma_wait3A_111 = arith.constant 0 : i32
        %dma_wait3A_112 = arith.constant 0 : i32
        %dma_wait3A_113 = tpu.memref_slice %arg5[%dma_wait3A_111, %dma_wait3A_112] : memref<2560x125xi32, #tpu.memory_space<hbm>> -> memref<8x125xi32, #tpu.memory_space<hbm>>
        %dma_wait3A_114 = arith.constant 0 : i32
        %dma_wait3A_115 = arith.constant 0 : i32
        %dma_wait3A_116 = tpu.memref_slice %arg5[%dma_wait3A_114, %dma_wait3A_115] : memref<2560x125xi32, #tpu.memory_space<hbm>> -> memref<8x125xi32, #tpu.memory_space<hbm>>
        tpu.wait_dma2 semaphore(%arg18 : memref<!tpu.dma_semaphore, #tpu.memory_space<semaphore_mem>>) src(%dma_wait3A_116 : memref<8x125xi32, #tpu.memory_space<hbm>>) dst(%arg10 : memref<8x125xi32, #tpu.memory_space<vmem>>)
        %dma_start3A_117 = arith.constant 0 : i32
        %dma_start3A_118 = arith.constant 0 : i32
        %dma_start3A_119 = tpu.memref_slice %arg8[%dma_start3A_117, %dma_start3A_118] : memref<8x125xi32, #tpu.memory_space<vmem>> -> memref<1x125xi32, #tpu.memory_space<vmem>>
        %dma_start3A_120 = tpu.memref_squeeze %dma_start3A_119 : memref<1x125xi32, #tpu.memory_space<vmem>> -> memref<125xi32, #tpu.memory_space<vmem>>
        %dma_start3A_121 = arith.constant 0 : i32
        %dma_start3A_122 = arith.constant 0 : i32
        %dma_start3A_123 = tpu.memref_slice %arg2[%dma_start3A_121, %dma_start3A_122] : memref<10240x128xf32, #tpu.memory_space<hbm>> -> memref<10240x128xf32, #tpu.memory_space<hbm>>
        tpu.enqueue_indirect_dma source(%dma_start3A_123 : memref<10240x128xf32, #tpu.memory_space<hbm>>) target(%arg12 : memref<125x128xf32, #tpu.memory_space<vmem>>) offsets(%dma_start3A_120 : memref<125xi32, #tpu.memory_space<vmem>>) semaphore(%arg14 : memref<!tpu.dma_semaphore, #tpu.memory_space<semaphore_mem>>)
        %add3A_124 = arith.constant 3 : i32
        %add3A_125 = arith.addi %mul3A_48, %add3A_124 : i32
        %mul3A_126 = arith.constant 8 : i32
        %mul3A_127 = arith.muli %add3A_125, %mul3A_126 : i32
        %add3A_128 = arith.addi %mul3A_11, %mul3A_127 : i32
        %dma_start3A_129 = arith.constant 0 : i32
        %dma_start3A_130 = tpu.memref_slice %arg4[%add3A_128, %dma_start3A_129] : memref<2560x125xi32, #tpu.memory_space<hbm>> -> memref<8x125xi32, #tpu.memory_space<hbm>>
        %dma_start3A_131 = arith.constant 0 : i32
        %dma_start3A_132 = tpu.memref_slice %arg4[%add3A_128, %dma_start3A_131] : memref<2560x125xi32, #tpu.memory_space<hbm>> -> memref<8x125xi32, #tpu.memory_space<hbm>>
        tpu.enqueue_dma source(%dma_start3A_132 : memref<8x125xi32, #tpu.memory_space<hbm>>) target(%arg9 : memref<8x125xi32, #tpu.memory_space<vmem>>) target_semaphore(%arg19 : memref<!tpu.dma_semaphore, #tpu.memory_space<semaphore_mem>>)
        %dma_start3A_133 = arith.constant 0 : i32
        %dma_start3A_134 = tpu.memref_slice %arg5[%add3A_128, %dma_start3A_133] : memref<2560x125xi32, #tpu.memory_space<hbm>> -> memref<8x125xi32, #tpu.memory_space<hbm>>
        %dma_start3A_135 = arith.constant 0 : i32
        %dma_start3A_136 = tpu.memref_slice %arg5[%add3A_128, %dma_start3A_135] : memref<2560x125xi32, #tpu.memory_space<hbm>> -> memref<8x125xi32, #tpu.memory_space<hbm>>
        tpu.enqueue_dma source(%dma_start3A_136 : memref<8x125xi32, #tpu.memory_space<hbm>>) target(%arg11 : memref<8x125xi32, #tpu.memory_space<vmem>>) target_semaphore(%arg19 : memref<!tpu.dma_semaphore, #tpu.memory_space<semaphore_mem>>)
      } else {
      }
      %scan3A_104 = arith.constant 0 : i32
      scf.yield %scan3A_104 : i32
    }
    %scan3A_33 = arith.constant 5 : i32
    %barrier3A_34 = arith.constant 0 : index
    tpu.barrier barrier_id(%barrier3A_34)
    %eq3A_35 = arith.constant 0 : i32
    %eq3A_36 = arith.cmpi eq, %arg0, %eq3A_35 : i32
    %convert_element_type3A_37 = arith.extui %eq3A_36 : i1 to i32
    %cond3A_38 = arith.constant 0 : i32
    %cond3A_39 = arith.cmpi ne, %convert_element_type3A_37, %cond3A_38 : i32
    scf.if %cond3A_39 {
      "tpu.region"() ({
        %run_scoped3A = tpu.sem_alloc : memref<!tpu.dma_semaphore, #tpu.memory_space<semaphore_mem>>
        %dma_start3A_45 = arith.constant 0 : i32
        %dma_start3A_46 = tpu.memref_slice %arg6[%mul3A_0, %dma_start3A_45] : memref<10240x128xf32, #tpu.memory_space<hbm>> -> memref<640x128xf32, #tpu.memory_space<hbm>>
        %dma_start3A_47 = arith.constant 0 : i32
        %dma_start3A_48 = tpu.memref_slice %arg20[%mul3A_0, %dma_start3A_47] : memref<10240x128xf32, #tpu.memory_space<vmem_shared>> -> memref<640x128xf32, #tpu.memory_space<vmem_shared>>
        tpu.enqueue_dma source(%dma_start3A_48 : memref<640x128xf32, #tpu.memory_space<vmem_shared>>) target(%dma_start3A_46 : memref<640x128xf32, #tpu.memory_space<hbm>>) target_semaphore(%run_scoped3A : memref<!tpu.dma_semaphore, #tpu.memory_space<semaphore_mem>>)
        %dma_wait3A = arith.constant 0 : i32
        %dma_wait3A_49 = tpu.memref_slice %arg6[%mul3A_0, %dma_wait3A] : memref<10240x128xf32, #tpu.memory_space<hbm>> -> memref<640x128xf32, #tpu.memory_space<hbm>>
        %dma_wait3A_50 = arith.constant 0 : i32
        %dma_wait3A_51 = tpu.memref_slice %arg20[%mul3A_0, %dma_wait3A_50] : memref<10240x128xf32, #tpu.memory_space<vmem_shared>> -> memref<640x128xf32, #tpu.memory_space<vmem_shared>>
        tpu.wait_dma2 semaphore(%run_scoped3A : memref<!tpu.dma_semaphore, #tpu.memory_space<semaphore_mem>>) src(%dma_wait3A_51 : memref<640x128xf32, #tpu.memory_space<vmem_shared>>) dst(%dma_wait3A_49 : memref<640x128xf32, #tpu.memory_space<hbm>>)
        tpu.yield
      }) : () -> ()
    } else {
    }
    %eq3A_40 = arith.constant 1 : i32
    %eq3A_41 = arith.cmpi eq, %arg0, %eq3A_40 : i32
    %convert_element_type3A_42 = arith.extui %eq3A_41 : i1 to i32
    %cond3A_43 = arith.constant 0 : i32
    %cond3A_44 = arith.cmpi ne, %convert_element_type3A_42, %cond3A_43 : i32
    scf.if %cond3A_44 {
      "tpu.region"() ({
        %run_scoped3A = tpu.sem_alloc : memref<!tpu.dma_semaphore, #tpu.memory_space<semaphore_mem>>
        %dma_start3A_45 = arith.constant 0 : i32
        %dma_start3A_46 = tpu.memref_slice %arg7[%mul3A_0, %dma_start3A_45] : memref<10240x128xf32, #tpu.memory_space<hbm>> -> memref<640x128xf32, #tpu.memory_space<hbm>>
        %dma_start3A_47 = arith.constant 0 : i32
        %dma_start3A_48 = tpu.memref_slice %arg20[%mul3A_0, %dma_start3A_47] : memref<10240x128xf32, #tpu.memory_space<vmem_shared>> -> memref<640x128xf32, #tpu.memory_space<vmem_shared>>
        tpu.enqueue_dma source(%dma_start3A_48 : memref<640x128xf32, #tpu.memory_space<vmem_shared>>) target(%dma_start3A_46 : memref<640x128xf32, #tpu.memory_space<hbm>>) target_semaphore(%run_scoped3A : memref<!tpu.dma_semaphore, #tpu.memory_space<semaphore_mem>>)
        %dma_wait3A = arith.constant 0 : i32
        %dma_wait3A_49 = tpu.memref_slice %arg7[%mul3A_0, %dma_wait3A] : memref<10240x128xf32, #tpu.memory_space<hbm>> -> memref<640x128xf32, #tpu.memory_space<hbm>>
        %dma_wait3A_50 = arith.constant 0 : i32
        %dma_wait3A_51 = tpu.memref_slice %arg20[%mul3A_0, %dma_wait3A_50] : memref<10240x128xf32, #tpu.memory_space<vmem_shared>> -> memref<640x128xf32, #tpu.memory_space<vmem_shared>>
        tpu.wait_dma2 semaphore(%run_scoped3A : memref<!tpu.dma_semaphore, #tpu.memory_space<semaphore_mem>>) src(%dma_wait3A_51 : memref<640x128xf32, #tpu.memory_space<vmem_shared>>) dst(%dma_wait3A_49 : memref<640x128xf32, #tpu.memory_space<hbm>>)
        tpu.yield
      }) : () -> ()
    } else {
    }
    return
  }
}

#map = affine_map<(d0, d1) -> (0, 0)>
module attributes {stable_mosaic.version = 14 : i64} {
  func.func @prop_kernel(%arg0: i32, %arg1: i32, %arg2: memref<10240x128xf32, #tpu.memory_space<hbm>>, %arg3: memref<10240x128xf32, #tpu.memory_space<hbm>>, %arg4: memref<2560x125xi32, #tpu.memory_space<hbm>>, %arg5: memref<2560x125xi32, #tpu.memory_space<hbm>>, %arg6: memref<10240x128xf32, #tpu.memory_space<hbm>>, %arg7: memref<10240x128xf32, #tpu.memory_space<hbm>>, %arg8: memref<16x125xi32, #tpu.memory_space<vmem>>, %arg9: memref<16x125xi32, #tpu.memory_space<vmem>>, %arg10: memref<16x125xi32, #tpu.memory_space<vmem>>, %arg11: memref<16x125xi32, #tpu.memory_space<vmem>>, %arg12: memref<125x128xf32, #tpu.memory_space<vmem>>, %arg13: memref<125x128xf32, #tpu.memory_space<vmem>>, %arg14: memref<!tpu.dma_semaphore, #tpu.memory_space<semaphore_mem>>, %arg15: memref<!tpu.dma_semaphore, #tpu.memory_space<semaphore_mem>>, %arg16: memref<!tpu.dma_semaphore, #tpu.memory_space<semaphore_mem>>, %arg17: memref<!tpu.dma_semaphore, #tpu.memory_space<semaphore_mem>>, %arg18: memref<!tpu.dma_semaphore, #tpu.memory_space<semaphore_mem>>, %arg19: memref<!tpu.dma_semaphore, #tpu.memory_space<semaphore_mem>>, %arg20: memref<10240x128xf32, #tpu.memory_space<vmem_shared>>) attributes {dimension_semantics = [#tpu.dimension_semantics<core_parallel>, #tpu.dimension_semantics<subcore_parallel>], iteration_bounds = array<i64: 2, 16>, scalar_prefetch = 0 : i64, scratch_operands = 13 : i64, tpu.core_type = #tpu.core_type<sc_vector_subcore>, window_params = [{transform_indices = #map}, {transform_indices = #map}, {transform_indices = #map}, {transform_indices = #map}, {transform_indices = #map}, {transform_indices = #map}]} {
    %mul3A = arith.constant 640 : i32
    %mul3A_0 = arith.muli %arg1, %mul3A : i32
    %eq3A = arith.constant 0 : i32
    %eq3A_1 = arith.cmpi eq, %arg0, %eq3A : i32
    %convert_element_type3A = arith.extui %eq3A_1 : i1 to i32
    %cond3A = arith.constant 0 : i32
    %cond3A_2 = arith.cmpi ne, %convert_element_type3A, %cond3A : i32
    scf.if %cond3A_2 {
      "tpu.region"() ({
        %run_scoped3A = tpu.sem_alloc : memref<!tpu.dma_semaphore, #tpu.memory_space<semaphore_mem>>
        %dma_start3A_45 = arith.constant 0 : i32
        %dma_start3A_46 = tpu.memref_slice %arg20[%mul3A_0, %dma_start3A_45] : memref<10240x128xf32, #tpu.memory_space<vmem_shared>> -> memref<640x128xf32, #tpu.memory_space<vmem_shared>>
        %dma_start3A_47 = arith.constant 0 : i32
        %dma_start3A_48 = tpu.memref_slice %arg2[%mul3A_0, %dma_start3A_47] : memref<10240x128xf32, #tpu.memory_space<hbm>> -> memref<640x128xf32, #tpu.memory_space<hbm>>
        tpu.enqueue_dma source(%dma_start3A_48 : memref<640x128xf32, #tpu.memory_space<hbm>>) target(%dma_start3A_46 : memref<640x128xf32, #tpu.memory_space<vmem_shared>>) target_semaphore(%run_scoped3A : memref<!tpu.dma_semaphore, #tpu.memory_space<semaphore_mem>>)
        %dma_wait3A = arith.constant 0 : i32
        %dma_wait3A_49 = tpu.memref_slice %arg20[%mul3A_0, %dma_wait3A] : memref<10240x128xf32, #tpu.memory_space<vmem_shared>> -> memref<640x128xf32, #tpu.memory_space<vmem_shared>>
        %dma_wait3A_50 = arith.constant 0 : i32
        %dma_wait3A_51 = tpu.memref_slice %arg2[%mul3A_0, %dma_wait3A_50] : memref<10240x128xf32, #tpu.memory_space<hbm>> -> memref<640x128xf32, #tpu.memory_space<hbm>>
        tpu.wait_dma2 semaphore(%run_scoped3A : memref<!tpu.dma_semaphore, #tpu.memory_space<semaphore_mem>>) src(%dma_wait3A_51 : memref<640x128xf32, #tpu.memory_space<hbm>>) dst(%dma_wait3A_49 : memref<640x128xf32, #tpu.memory_space<vmem_shared>>)
        tpu.yield
      }) : () -> ()
    } else {
    }
    %eq3A_3 = arith.constant 1 : i32
    %eq3A_4 = arith.cmpi eq, %arg0, %eq3A_3 : i32
    %convert_element_type3A_5 = arith.extui %eq3A_4 : i1 to i32
    %cond3A_6 = arith.constant 0 : i32
    %cond3A_7 = arith.cmpi ne, %convert_element_type3A_5, %cond3A_6 : i32
    scf.if %cond3A_7 {
      "tpu.region"() ({
        %run_scoped3A = tpu.sem_alloc : memref<!tpu.dma_semaphore, #tpu.memory_space<semaphore_mem>>
        %dma_start3A_45 = arith.constant 0 : i32
        %dma_start3A_46 = tpu.memref_slice %arg20[%mul3A_0, %dma_start3A_45] : memref<10240x128xf32, #tpu.memory_space<vmem_shared>> -> memref<640x128xf32, #tpu.memory_space<vmem_shared>>
        %dma_start3A_47 = arith.constant 0 : i32
        %dma_start3A_48 = tpu.memref_slice %arg3[%mul3A_0, %dma_start3A_47] : memref<10240x128xf32, #tpu.memory_space<hbm>> -> memref<640x128xf32, #tpu.memory_space<hbm>>
        tpu.enqueue_dma source(%dma_start3A_48 : memref<640x128xf32, #tpu.memory_space<hbm>>) target(%dma_start3A_46 : memref<640x128xf32, #tpu.memory_space<vmem_shared>>) target_semaphore(%run_scoped3A : memref<!tpu.dma_semaphore, #tpu.memory_space<semaphore_mem>>)
        %dma_wait3A = arith.constant 0 : i32
        %dma_wait3A_49 = tpu.memref_slice %arg20[%mul3A_0, %dma_wait3A] : memref<10240x128xf32, #tpu.memory_space<vmem_shared>> -> memref<640x128xf32, #tpu.memory_space<vmem_shared>>
        %dma_wait3A_50 = arith.constant 0 : i32
        %dma_wait3A_51 = tpu.memref_slice %arg3[%mul3A_0, %dma_wait3A_50] : memref<10240x128xf32, #tpu.memory_space<hbm>> -> memref<640x128xf32, #tpu.memory_space<hbm>>
        tpu.wait_dma2 semaphore(%run_scoped3A : memref<!tpu.dma_semaphore, #tpu.memory_space<semaphore_mem>>) src(%dma_wait3A_51 : memref<640x128xf32, #tpu.memory_space<hbm>>) dst(%dma_wait3A_49 : memref<640x128xf32, #tpu.memory_space<vmem_shared>>)
        tpu.yield
      }) : () -> ()
    } else {
    }
    %mul3A_8 = arith.constant 160 : i32
    %mul3A_9 = arith.muli %arg1, %mul3A_8 : i32
    %barrier3A = arith.constant 0 : index
    tpu.barrier barrier_id(%barrier3A)
    "tpu.region"() ({
      %run_scoped3A = tpu.sem_alloc : memref<!tpu.dma_semaphore, #tpu.memory_space<semaphore_mem>>
      %dma_start3A_45 = arith.constant 0 : i32
      %dma_start3A_46 = tpu.memref_slice %arg4[%mul3A_9, %dma_start3A_45] : memref<2560x125xi32, #tpu.memory_space<hbm>> -> memref<16x125xi32, #tpu.memory_space<hbm>>
      %dma_start3A_47 = arith.constant 0 : i32
      %dma_start3A_48 = tpu.memref_slice %arg4[%mul3A_9, %dma_start3A_47] : memref<2560x125xi32, #tpu.memory_space<hbm>> -> memref<16x125xi32, #tpu.memory_space<hbm>>
      tpu.enqueue_dma source(%dma_start3A_48 : memref<16x125xi32, #tpu.memory_space<hbm>>) target(%arg8 : memref<16x125xi32, #tpu.memory_space<vmem>>) target_semaphore(%run_scoped3A : memref<!tpu.dma_semaphore, #tpu.memory_space<semaphore_mem>>)
      %dma_wait3A = arith.constant 0 : i32
      %dma_wait3A_49 = tpu.memref_slice %arg4[%mul3A_9, %dma_wait3A] : memref<2560x125xi32, #tpu.memory_space<hbm>> -> memref<16x125xi32, #tpu.memory_space<hbm>>
      %dma_wait3A_50 = arith.constant 0 : i32
      %dma_wait3A_51 = tpu.memref_slice %arg4[%mul3A_9, %dma_wait3A_50] : memref<2560x125xi32, #tpu.memory_space<hbm>> -> memref<16x125xi32, #tpu.memory_space<hbm>>
      tpu.wait_dma2 semaphore(%run_scoped3A : memref<!tpu.dma_semaphore, #tpu.memory_space<semaphore_mem>>) src(%dma_wait3A_51 : memref<16x125xi32, #tpu.memory_space<hbm>>) dst(%arg8 : memref<16x125xi32, #tpu.memory_space<vmem>>)
      tpu.yield
    }) : () -> ()
    "tpu.region"() ({
      %run_scoped3A = tpu.sem_alloc : memref<!tpu.dma_semaphore, #tpu.memory_space<semaphore_mem>>
      %dma_start3A_45 = arith.constant 0 : i32
      %dma_start3A_46 = tpu.memref_slice %arg5[%mul3A_9, %dma_start3A_45] : memref<2560x125xi32, #tpu.memory_space<hbm>> -> memref<16x125xi32, #tpu.memory_space<hbm>>
      %dma_start3A_47 = arith.constant 0 : i32
      %dma_start3A_48 = tpu.memref_slice %arg5[%mul3A_9, %dma_start3A_47] : memref<2560x125xi32, #tpu.memory_space<hbm>> -> memref<16x125xi32, #tpu.memory_space<hbm>>
      tpu.enqueue_dma source(%dma_start3A_48 : memref<16x125xi32, #tpu.memory_space<hbm>>) target(%arg10 : memref<16x125xi32, #tpu.memory_space<vmem>>) target_semaphore(%run_scoped3A : memref<!tpu.dma_semaphore, #tpu.memory_space<semaphore_mem>>)
      %dma_wait3A = arith.constant 0 : i32
      %dma_wait3A_49 = tpu.memref_slice %arg5[%mul3A_9, %dma_wait3A] : memref<2560x125xi32, #tpu.memory_space<hbm>> -> memref<16x125xi32, #tpu.memory_space<hbm>>
      %dma_wait3A_50 = arith.constant 0 : i32
      %dma_wait3A_51 = tpu.memref_slice %arg5[%mul3A_9, %dma_wait3A_50] : memref<2560x125xi32, #tpu.memory_space<hbm>> -> memref<16x125xi32, #tpu.memory_space<hbm>>
      tpu.wait_dma2 semaphore(%run_scoped3A : memref<!tpu.dma_semaphore, #tpu.memory_space<semaphore_mem>>) src(%dma_wait3A_51 : memref<16x125xi32, #tpu.memory_space<hbm>>) dst(%arg10 : memref<16x125xi32, #tpu.memory_space<vmem>>)
      tpu.yield
    }) : () -> ()
    %add3A = arith.constant 16 : i32
    %add3A_10 = arith.addi %mul3A_9, %add3A : i32
    %dma_start3A = arith.constant 0 : i32
    %dma_start3A_11 = tpu.memref_slice %arg4[%add3A_10, %dma_start3A] : memref<2560x125xi32, #tpu.memory_space<hbm>> -> memref<16x125xi32, #tpu.memory_space<hbm>>
    %dma_start3A_12 = arith.constant 0 : i32
    %dma_start3A_13 = tpu.memref_slice %arg4[%add3A_10, %dma_start3A_12] : memref<2560x125xi32, #tpu.memory_space<hbm>> -> memref<16x125xi32, #tpu.memory_space<hbm>>
    tpu.enqueue_dma source(%dma_start3A_13 : memref<16x125xi32, #tpu.memory_space<hbm>>) target(%arg9 : memref<16x125xi32, #tpu.memory_space<vmem>>) target_semaphore(%arg19 : memref<!tpu.dma_semaphore, #tpu.memory_space<semaphore_mem>>)
    %dma_start3A_14 = arith.constant 0 : i32
    %dma_start3A_15 = tpu.memref_slice %arg5[%add3A_10, %dma_start3A_14] : memref<2560x125xi32, #tpu.memory_space<hbm>> -> memref<16x125xi32, #tpu.memory_space<hbm>>
    %dma_start3A_16 = arith.constant 0 : i32
    %dma_start3A_17 = tpu.memref_slice %arg5[%add3A_10, %dma_start3A_16] : memref<2560x125xi32, #tpu.memory_space<hbm>> -> memref<16x125xi32, #tpu.memory_space<hbm>>
    tpu.enqueue_dma source(%dma_start3A_17 : memref<16x125xi32, #tpu.memory_space<hbm>>) target(%arg11 : memref<16x125xi32, #tpu.memory_space<vmem>>) target_semaphore(%arg19 : memref<!tpu.dma_semaphore, #tpu.memory_space<semaphore_mem>>)
    %eq3A_18 = arith.constant 0 : i32
    %eq3A_19 = arith.cmpi eq, %arg0, %eq3A_18 : i32
    %convert_element_type3A_20 = arith.extui %eq3A_19 : i1 to i32
    %cond3A_21 = arith.constant 0 : i32
    %cond3A_22 = arith.cmpi ne, %convert_element_type3A_20, %cond3A_21 : i32
    scf.if %cond3A_22 {
      %dma_start3A_45 = arith.constant 0 : i32
      %dma_start3A_46 = arith.constant 0 : i32
      %dma_start3A_47 = tpu.memref_slice %arg8[%dma_start3A_45, %dma_start3A_46] : memref<16x125xi32, #tpu.memory_space<vmem>> -> memref<1x125xi32, #tpu.memory_space<vmem>>
      %dma_start3A_48 = tpu.memref_squeeze %dma_start3A_47 : memref<1x125xi32, #tpu.memory_space<vmem>> -> memref<125xi32, #tpu.memory_space<vmem>>
      %dma_start3A_49 = arith.constant 0 : i32
      %dma_start3A_50 = arith.constant 0 : i32
      %dma_start3A_51 = tpu.memref_slice %arg2[%dma_start3A_49, %dma_start3A_50] : memref<10240x128xf32, #tpu.memory_space<hbm>> -> memref<10240x128xf32, #tpu.memory_space<hbm>>
      tpu.enqueue_indirect_dma source(%dma_start3A_51 : memref<10240x128xf32, #tpu.memory_space<hbm>>) target(%arg12 : memref<125x128xf32, #tpu.memory_space<vmem>>) offsets(%dma_start3A_48 : memref<125xi32, #tpu.memory_space<vmem>>) semaphore(%arg14 : memref<!tpu.dma_semaphore, #tpu.memory_space<semaphore_mem>>)
    } else {
    }
    %eq3A_23 = arith.constant 1 : i32
    %eq3A_24 = arith.cmpi eq, %arg0, %eq3A_23 : i32
    %convert_element_type3A_25 = arith.extui %eq3A_24 : i1 to i32
    %cond3A_26 = arith.constant 0 : i32
    %cond3A_27 = arith.cmpi ne, %convert_element_type3A_25, %cond3A_26 : i32
    scf.if %cond3A_27 {
      %dma_start3A_45 = arith.constant 0 : i32
      %dma_start3A_46 = arith.constant 0 : i32
      %dma_start3A_47 = tpu.memref_slice %arg8[%dma_start3A_45, %dma_start3A_46] : memref<16x125xi32, #tpu.memory_space<vmem>> -> memref<1x125xi32, #tpu.memory_space<vmem>>
      %dma_start3A_48 = tpu.memref_squeeze %dma_start3A_47 : memref<1x125xi32, #tpu.memory_space<vmem>> -> memref<125xi32, #tpu.memory_space<vmem>>
      %dma_start3A_49 = arith.constant 0 : i32
      %dma_start3A_50 = arith.constant 0 : i32
      %dma_start3A_51 = tpu.memref_slice %arg3[%dma_start3A_49, %dma_start3A_50] : memref<10240x128xf32, #tpu.memory_space<hbm>> -> memref<10240x128xf32, #tpu.memory_space<hbm>>
      tpu.enqueue_indirect_dma source(%dma_start3A_51 : memref<10240x128xf32, #tpu.memory_space<hbm>>) target(%arg12 : memref<125x128xf32, #tpu.memory_space<vmem>>) offsets(%dma_start3A_48 : memref<125xi32, #tpu.memory_space<vmem>>) semaphore(%arg14 : memref<!tpu.dma_semaphore, #tpu.memory_space<semaphore_mem>>)
    } else {
    }
    %scan3A = arith.constant 0 : i32
    %scan3A_28 = arith.constant 0 : i32
    %scan3A_29 = arith.constant 5 : i32
    %scan3A_30 = arith.addi %scan3A_28, %scan3A_29 : i32
    %scan3A_31 = arith.constant 1 : i32
    %scan3A_32 = scf.for %scan3A_45 = %scan3A_28 to %scan3A_30 step %scan3A_31 iter_args(%scan3A_46 = %scan3A) -> (i32)  : i32 {
      %mul3A_47 = arith.constant 2 : i32
      %mul3A_48 = arith.muli %mul3A_47, %scan3A_45 : i32
      %scan3A_49 = arith.constant 0 : i32
      %scan3A_50 = arith.constant 0 : i32
      %scan3A_51 = arith.constant 8 : i32
      %scan3A_52 = arith.addi %scan3A_50, %scan3A_51 : i32
      %scan3A_53 = arith.constant 1 : i32
      %scan3A_54 = scf.for %scan3A_108 = %scan3A_50 to %scan3A_52 step %scan3A_53 iter_args(%scan3A_109 = %scan3A_49) -> (i32)  : i32 {
        %mul3A_110 = arith.constant 2 : i32
        %mul3A_111 = arith.muli %mul3A_110, %scan3A_108 : i32
        %dma_wait3A_112 = arith.constant 0 : i32
        %dma_wait3A_113 = tpu.memref_slice %arg8[%mul3A_111, %dma_wait3A_112] : memref<16x125xi32, #tpu.memory_space<vmem>> -> memref<1x125xi32, #tpu.memory_space<vmem>>
        %dma_wait3A_114 = tpu.memref_squeeze %dma_wait3A_113 : memref<1x125xi32, #tpu.memory_space<vmem>> -> memref<125xi32, #tpu.memory_space<vmem>>
        %dma_wait3A_115 = arith.constant 0 : i32
        %dma_wait3A_116 = arith.constant 0 : i32
        %dma_wait3A_117 = tpu.memref_slice %arg2[%dma_wait3A_115, %dma_wait3A_116] : memref<10240x128xf32, #tpu.memory_space<hbm>> -> memref<10240x128xf32, #tpu.memory_space<hbm>>
        tpu.wait_indirect_dma semaphore(%arg14 : memref<!tpu.dma_semaphore, #tpu.memory_space<semaphore_mem>>) src(%dma_wait3A_117 : memref<10240x128xf32, #tpu.memory_space<hbm>>) dst(%arg12 : memref<125x128xf32, #tpu.memory_space<vmem>>)
        %dma_start3A_118 = arith.constant 0 : i32
        %dma_start3A_119 = tpu.memref_slice %arg10[%mul3A_111, %dma_start3A_118] : memref<16x125xi32, #tpu.memory_space<vmem>> -> memref<1x125xi32, #tpu.memory_space<vmem>>
        %dma_start3A_120 = tpu.memref_squeeze %dma_start3A_119 : memref<1x125xi32, #tpu.memory_space<vmem>> -> memref<125xi32, #tpu.memory_space<vmem>>
        %dma_start3A_121 = arith.constant 0 : i32
        %dma_start3A_122 = arith.constant 0 : i32
        %dma_start3A_123 = tpu.memref_slice %arg20[%dma_start3A_121, %dma_start3A_122] : memref<10240x128xf32, #tpu.memory_space<vmem_shared>> -> memref<10240x128xf32, #tpu.memory_space<vmem_shared>>
        tpu.enqueue_indirect_dma source(%arg12 : memref<125x128xf32, #tpu.memory_space<vmem>>) target(%dma_start3A_123 : memref<10240x128xf32, #tpu.memory_space<vmem_shared>>) offsets(%dma_start3A_120 : memref<125xi32, #tpu.memory_space<vmem>>) semaphore(%arg16 : memref<!tpu.dma_semaphore, #tpu.memory_space<semaphore_mem>>) {add = true}
        %gt3A = arith.constant 0 : i32
        %gt3A_124 = arith.cmpi sgt, %scan3A_108, %gt3A : i32
        %convert_element_type3A_125 = arith.extui %gt3A_124 : i1 to i32
        %cond3A_126 = arith.constant 0 : i32
        %cond3A_127 = arith.cmpi ne, %convert_element_type3A_125, %cond3A_126 : i32
        scf.if %cond3A_127 {
          %sub3A = arith.constant 1 : i32
          %sub3A_168 = arith.subi %mul3A_111, %sub3A : i32
          %dma_wait3A_169 = arith.constant 0 : i32
          %dma_wait3A_170 = tpu.memref_slice %arg10[%sub3A_168, %dma_wait3A_169] : memref<16x125xi32, #tpu.memory_space<vmem>> -> memref<1x125xi32, #tpu.memory_space<vmem>>
          %dma_wait3A_171 = tpu.memref_squeeze %dma_wait3A_170 : memref<1x125xi32, #tpu.memory_space<vmem>> -> memref<125xi32, #tpu.memory_space<vmem>>
          %dma_wait3A_172 = arith.constant 0 : i32
          %dma_wait3A_173 = arith.constant 0 : i32
          %dma_wait3A_174 = tpu.memref_slice %arg20[%dma_wait3A_172, %dma_wait3A_173] : memref<10240x128xf32, #tpu.memory_space<vmem_shared>> -> memref<10240x128xf32, #tpu.memory_space<vmem_shared>>
          tpu.wait_indirect_dma semaphore(%arg17 : memref<!tpu.dma_semaphore, #tpu.memory_space<semaphore_mem>>) src(%arg13 : memref<125x128xf32, #tpu.memory_space<vmem>>) dst(%dma_wait3A_174 : memref<10240x128xf32, #tpu.memory_space<vmem_shared>>)
        } else {
        }
        %add3A_128 = arith.constant 1 : i32
        %add3A_129 = arith.addi %mul3A_111, %add3A_128 : i32
        %eq3A_130 = arith.constant 0 : i32
        %eq3A_131 = arith.cmpi eq, %arg0, %eq3A_130 : i32
        %convert_element_type3A_132 = arith.extui %eq3A_131 : i1 to i32
        %cond3A_133 = arith.constant 0 : i32
        %cond3A_134 = arith.cmpi ne, %convert_element_type3A_132, %cond3A_133 : i32
        scf.if %cond3A_134 {
          %dma_start3A_168 = arith.constant 0 : i32
          %dma_start3A_169 = tpu.memref_slice %arg8[%add3A_129, %dma_start3A_168] : memref<16x125xi32, #tpu.memory_space<vmem>> -> memref<1x125xi32, #tpu.memory_space<vmem>>
          %dma_start3A_170 = tpu.memref_squeeze %dma_start3A_169 : memref<1x125xi32, #tpu.memory_space<vmem>> -> memref<125xi32, #tpu.memory_space<vmem>>
          %dma_start3A_171 = arith.constant 0 : i32
          %dma_start3A_172 = arith.constant 0 : i32
          %dma_start3A_173 = tpu.memref_slice %arg2[%dma_start3A_171, %dma_start3A_172] : memref<10240x128xf32, #tpu.memory_space<hbm>> -> memref<10240x128xf32, #tpu.memory_space<hbm>>
          tpu.enqueue_indirect_dma source(%dma_start3A_173 : memref<10240x128xf32, #tpu.memory_space<hbm>>) target(%arg13 : memref<125x128xf32, #tpu.memory_space<vmem>>) offsets(%dma_start3A_170 : memref<125xi32, #tpu.memory_space<vmem>>) semaphore(%arg15 : memref<!tpu.dma_semaphore, #tpu.memory_space<semaphore_mem>>)
        } else {
        }
        %eq3A_135 = arith.constant 1 : i32
        %eq3A_136 = arith.cmpi eq, %arg0, %eq3A_135 : i32
        %convert_element_type3A_137 = arith.extui %eq3A_136 : i1 to i32
        %cond3A_138 = arith.constant 0 : i32
        %cond3A_139 = arith.cmpi ne, %convert_element_type3A_137, %cond3A_138 : i32
        scf.if %cond3A_139 {
          %dma_start3A_168 = arith.constant 0 : i32
          %dma_start3A_169 = tpu.memref_slice %arg8[%add3A_129, %dma_start3A_168] : memref<16x125xi32, #tpu.memory_space<vmem>> -> memref<1x125xi32, #tpu.memory_space<vmem>>
          %dma_start3A_170 = tpu.memref_squeeze %dma_start3A_169 : memref<1x125xi32, #tpu.memory_space<vmem>> -> memref<125xi32, #tpu.memory_space<vmem>>
          %dma_start3A_171 = arith.constant 0 : i32
          %dma_start3A_172 = arith.constant 0 : i32
          %dma_start3A_173 = tpu.memref_slice %arg3[%dma_start3A_171, %dma_start3A_172] : memref<10240x128xf32, #tpu.memory_space<hbm>> -> memref<10240x128xf32, #tpu.memory_space<hbm>>
          tpu.enqueue_indirect_dma source(%dma_start3A_173 : memref<10240x128xf32, #tpu.memory_space<hbm>>) target(%arg13 : memref<125x128xf32, #tpu.memory_space<vmem>>) offsets(%dma_start3A_170 : memref<125xi32, #tpu.memory_space<vmem>>) semaphore(%arg15 : memref<!tpu.dma_semaphore, #tpu.memory_space<semaphore_mem>>)
        } else {
        }
        %add3A_140 = arith.constant 1 : i32
        %add3A_141 = arith.addi %mul3A_111, %add3A_140 : i32
        %dma_wait3A_142 = arith.constant 0 : i32
        %dma_wait3A_143 = tpu.memref_slice %arg8[%add3A_141, %dma_wait3A_142] : memref<16x125xi32, #tpu.memory_space<vmem>> -> memref<1x125xi32, #tpu.memory_space<vmem>>
        %dma_wait3A_144 = tpu.memref_squeeze %dma_wait3A_143 : memref<1x125xi32, #tpu.memory_space<vmem>> -> memref<125xi32, #tpu.memory_space<vmem>>
        %dma_wait3A_145 = arith.constant 0 : i32
        %dma_wait3A_146 = arith.constant 0 : i32
        %dma_wait3A_147 = tpu.memref_slice %arg2[%dma_wait3A_145, %dma_wait3A_146] : memref<10240x128xf32, #tpu.memory_space<hbm>> -> memref<10240x128xf32, #tpu.memory_space<hbm>>
        tpu.wait_indirect_dma semaphore(%arg15 : memref<!tpu.dma_semaphore, #tpu.memory_space<semaphore_mem>>) src(%dma_wait3A_147 : memref<10240x128xf32, #tpu.memory_space<hbm>>) dst(%arg13 : memref<125x128xf32, #tpu.memory_space<vmem>>)
        %add3A_148 = arith.constant 1 : i32
        %add3A_149 = arith.addi %mul3A_111, %add3A_148 : i32
        %dma_start3A_150 = arith.constant 0 : i32
        %dma_start3A_151 = tpu.memref_slice %arg10[%add3A_149, %dma_start3A_150] : memref<16x125xi32, #tpu.memory_space<vmem>> -> memref<1x125xi32, #tpu.memory_space<vmem>>
        %dma_start3A_152 = tpu.memref_squeeze %dma_start3A_151 : memref<1x125xi32, #tpu.memory_space<vmem>> -> memref<125xi32, #tpu.memory_space<vmem>>
        %dma_start3A_153 = arith.constant 0 : i32
        %dma_start3A_154 = arith.constant 0 : i32
        %dma_start3A_155 = tpu.memref_slice %arg20[%dma_start3A_153, %dma_start3A_154] : memref<10240x128xf32, #tpu.memory_space<vmem_shared>> -> memref<10240x128xf32, #tpu.memory_space<vmem_shared>>
        tpu.enqueue_indirect_dma source(%arg13 : memref<125x128xf32, #tpu.memory_space<vmem>>) target(%dma_start3A_155 : memref<10240x128xf32, #tpu.memory_space<vmem_shared>>) offsets(%dma_start3A_152 : memref<125xi32, #tpu.memory_space<vmem>>) semaphore(%arg17 : memref<!tpu.dma_semaphore, #tpu.memory_space<semaphore_mem>>) {add = true}
        %dma_wait3A_156 = arith.constant 0 : i32
        %dma_wait3A_157 = tpu.memref_slice %arg10[%mul3A_111, %dma_wait3A_156] : memref<16x125xi32, #tpu.memory_space<vmem>> -> memref<1x125xi32, #tpu.memory_space<vmem>>
        %dma_wait3A_158 = tpu.memref_squeeze %dma_wait3A_157 : memref<1x125xi32, #tpu.memory_space<vmem>> -> memref<125xi32, #tpu.memory_space<vmem>>
        %dma_wait3A_159 = arith.constant 0 : i32
        %dma_wait3A_160 = arith.constant 0 : i32
        %dma_wait3A_161 = tpu.memref_slice %arg20[%dma_wait3A_159, %dma_wait3A_160] : memref<10240x128xf32, #tpu.memory_space<vmem_shared>> -> memref<10240x128xf32, #tpu.memory_space<vmem_shared>>
        tpu.wait_indirect_dma semaphore(%arg16 : memref<!tpu.dma_semaphore, #tpu.memory_space<semaphore_mem>>) src(%arg12 : memref<125x128xf32, #tpu.memory_space<vmem>>) dst(%dma_wait3A_161 : memref<10240x128xf32, #tpu.memory_space<vmem_shared>>)
        %lt3A_162 = arith.constant 7 : i32
        %lt3A_163 = arith.cmpi slt, %scan3A_108, %lt3A_162 : i32
        %convert_element_type3A_164 = arith.extui %lt3A_163 : i1 to i32
        %cond3A_165 = arith.constant 0 : i32
        %cond3A_166 = arith.cmpi ne, %convert_element_type3A_164, %cond3A_165 : i32
        scf.if %cond3A_166 {
          %add3A_168 = arith.constant 2 : i32
          %add3A_169 = arith.addi %mul3A_111, %add3A_168 : i32
          %eq3A_170 = arith.constant 0 : i32
          %eq3A_171 = arith.cmpi eq, %arg0, %eq3A_170 : i32
          %convert_element_type3A_172 = arith.extui %eq3A_171 : i1 to i32
          %cond3A_173 = arith.constant 0 : i32
          %cond3A_174 = arith.cmpi ne, %convert_element_type3A_172, %cond3A_173 : i32
          scf.if %cond3A_174 {
            %dma_start3A_180 = arith.constant 0 : i32
            %dma_start3A_181 = tpu.memref_slice %arg8[%add3A_169, %dma_start3A_180] : memref<16x125xi32, #tpu.memory_space<vmem>> -> memref<1x125xi32, #tpu.memory_space<vmem>>
            %dma_start3A_182 = tpu.memref_squeeze %dma_start3A_181 : memref<1x125xi32, #tpu.memory_space<vmem>> -> memref<125xi32, #tpu.memory_space<vmem>>
            %dma_start3A_183 = arith.constant 0 : i32
            %dma_start3A_184 = arith.constant 0 : i32
            %dma_start3A_185 = tpu.memref_slice %arg2[%dma_start3A_183, %dma_start3A_184] : memref<10240x128xf32, #tpu.memory_space<hbm>> -> memref<10240x128xf32, #tpu.memory_space<hbm>>
            tpu.enqueue_indirect_dma source(%dma_start3A_185 : memref<10240x128xf32, #tpu.memory_space<hbm>>) target(%arg12 : memref<125x128xf32, #tpu.memory_space<vmem>>) offsets(%dma_start3A_182 : memref<125xi32, #tpu.memory_space<vmem>>) semaphore(%arg14 : memref<!tpu.dma_semaphore, #tpu.memory_space<semaphore_mem>>)
          } else {
          }
          %eq3A_175 = arith.constant 1 : i32
          %eq3A_176 = arith.cmpi eq, %arg0, %eq3A_175 : i32
          %convert_element_type3A_177 = arith.extui %eq3A_176 : i1 to i32
          %cond3A_178 = arith.constant 0 : i32
          %cond3A_179 = arith.cmpi ne, %convert_element_type3A_177, %cond3A_178 : i32
          scf.if %cond3A_179 {
            %dma_start3A_180 = arith.constant 0 : i32
            %dma_start3A_181 = tpu.memref_slice %arg8[%add3A_169, %dma_start3A_180] : memref<16x125xi32, #tpu.memory_space<vmem>> -> memref<1x125xi32, #tpu.memory_space<vmem>>
            %dma_start3A_182 = tpu.memref_squeeze %dma_start3A_181 : memref<1x125xi32, #tpu.memory_space<vmem>> -> memref<125xi32, #tpu.memory_space<vmem>>
            %dma_start3A_183 = arith.constant 0 : i32
            %dma_start3A_184 = arith.constant 0 : i32
            %dma_start3A_185 = tpu.memref_slice %arg3[%dma_start3A_183, %dma_start3A_184] : memref<10240x128xf32, #tpu.memory_space<hbm>> -> memref<10240x128xf32, #tpu.memory_space<hbm>>
            tpu.enqueue_indirect_dma source(%dma_start3A_185 : memref<10240x128xf32, #tpu.memory_space<hbm>>) target(%arg12 : memref<125x128xf32, #tpu.memory_space<vmem>>) offsets(%dma_start3A_182 : memref<125xi32, #tpu.memory_space<vmem>>) semaphore(%arg14 : memref<!tpu.dma_semaphore, #tpu.memory_space<semaphore_mem>>)
          } else {
          }
        } else {
        }
        %scan3A_167 = arith.constant 0 : i32
        scf.yield %scan3A_167 : i32
      }
      %scan3A_55 = arith.constant 8 : i32
      %dma_wait3A = arith.constant 15 : i32
      %dma_wait3A_56 = arith.constant 0 : i32
      %dma_wait3A_57 = tpu.memref_slice %arg10[%dma_wait3A, %dma_wait3A_56] : memref<16x125xi32, #tpu.memory_space<vmem>> -> memref<1x125xi32, #tpu.memory_space<vmem>>
      %dma_wait3A_58 = tpu.memref_squeeze %dma_wait3A_57 : memref<1x125xi32, #tpu.memory_space<vmem>> -> memref<125xi32, #tpu.memory_space<vmem>>
      %dma_wait3A_59 = arith.constant 0 : i32
      %dma_wait3A_60 = arith.constant 0 : i32
      %dma_wait3A_61 = tpu.memref_slice %arg20[%dma_wait3A_59, %dma_wait3A_60] : memref<10240x128xf32, #tpu.memory_space<vmem_shared>> -> memref<10240x128xf32, #tpu.memory_space<vmem_shared>>
      tpu.wait_indirect_dma semaphore(%arg17 : memref<!tpu.dma_semaphore, #tpu.memory_space<semaphore_mem>>) src(%arg13 : memref<125x128xf32, #tpu.memory_space<vmem>>) dst(%dma_wait3A_61 : memref<10240x128xf32, #tpu.memory_space<vmem_shared>>)
      %dma_wait3A_62 = arith.constant 0 : i32
      %dma_wait3A_63 = arith.constant 0 : i32
      %dma_wait3A_64 = tpu.memref_slice %arg4[%dma_wait3A_62, %dma_wait3A_63] : memref<2560x125xi32, #tpu.memory_space<hbm>> -> memref<16x125xi32, #tpu.memory_space<hbm>>
      %dma_wait3A_65 = arith.constant 0 : i32
      %dma_wait3A_66 = arith.constant 0 : i32
      %dma_wait3A_67 = tpu.memref_slice %arg4[%dma_wait3A_65, %dma_wait3A_66] : memref<2560x125xi32, #tpu.memory_space<hbm>> -> memref<16x125xi32, #tpu.memory_space<hbm>>
      tpu.wait_dma2 semaphore(%arg19 : memref<!tpu.dma_semaphore, #tpu.memory_space<semaphore_mem>>) src(%dma_wait3A_67 : memref<16x125xi32, #tpu.memory_space<hbm>>) dst(%arg9 : memref<16x125xi32, #tpu.memory_space<vmem>>)
      %dma_wait3A_68 = arith.constant 0 : i32
      %dma_wait3A_69 = arith.constant 0 : i32
      %dma_wait3A_70 = tpu.memref_slice %arg5[%dma_wait3A_68, %dma_wait3A_69] : memref<2560x125xi32, #tpu.memory_space<hbm>> -> memref<16x125xi32, #tpu.memory_space<hbm>>
      %dma_wait3A_71 = arith.constant 0 : i32
      %dma_wait3A_72 = arith.constant 0 : i32
      %dma_wait3A_73 = tpu.memref_slice %arg5[%dma_wait3A_71, %dma_wait3A_72] : memref<2560x125xi32, #tpu.memory_space<hbm>> -> memref<16x125xi32, #tpu.memory_space<hbm>>
      tpu.wait_dma2 semaphore(%arg19 : memref<!tpu.dma_semaphore, #tpu.memory_space<semaphore_mem>>) src(%dma_wait3A_73 : memref<16x125xi32, #tpu.memory_space<hbm>>) dst(%arg11 : memref<16x125xi32, #tpu.memory_space<vmem>>)
      %eq3A_74 = arith.constant 0 : i32
      %eq3A_75 = arith.cmpi eq, %arg0, %eq3A_74 : i32
      %convert_element_type3A_76 = arith.extui %eq3A_75 : i1 to i32
      %cond3A_77 = arith.constant 0 : i32
      %cond3A_78 = arith.cmpi ne, %convert_element_type3A_76, %cond3A_77 : i32
      scf.if %cond3A_78 {
        %dma_start3A_108 = arith.constant 0 : i32
        %dma_start3A_109 = arith.constant 0 : i32
        %dma_start3A_110 = tpu.memref_slice %arg9[%dma_start3A_108, %dma_start3A_109] : memref<16x125xi32, #tpu.memory_space<vmem>> -> memref<1x125xi32, #tpu.memory_space<vmem>>
        %dma_start3A_111 = tpu.memref_squeeze %dma_start3A_110 : memref<1x125xi32, #tpu.memory_space<vmem>> -> memref<125xi32, #tpu.memory_space<vmem>>
        %dma_start3A_112 = arith.constant 0 : i32
        %dma_start3A_113 = arith.constant 0 : i32
        %dma_start3A_114 = tpu.memref_slice %arg2[%dma_start3A_112, %dma_start3A_113] : memref<10240x128xf32, #tpu.memory_space<hbm>> -> memref<10240x128xf32, #tpu.memory_space<hbm>>
        tpu.enqueue_indirect_dma source(%dma_start3A_114 : memref<10240x128xf32, #tpu.memory_space<hbm>>) target(%arg12 : memref<125x128xf32, #tpu.memory_space<vmem>>) offsets(%dma_start3A_111 : memref<125xi32, #tpu.memory_space<vmem>>) semaphore(%arg14 : memref<!tpu.dma_semaphore, #tpu.memory_space<semaphore_mem>>)
      } else {
      }
      %eq3A_79 = arith.constant 1 : i32
      %eq3A_80 = arith.cmpi eq, %arg0, %eq3A_79 : i32
      %convert_element_type3A_81 = arith.extui %eq3A_80 : i1 to i32
      %cond3A_82 = arith.constant 0 : i32
      %cond3A_83 = arith.cmpi ne, %convert_element_type3A_81, %cond3A_82 : i32
      scf.if %cond3A_83 {
        %dma_start3A_108 = arith.constant 0 : i32
        %dma_start3A_109 = arith.constant 0 : i32
        %dma_start3A_110 = tpu.memref_slice %arg9[%dma_start3A_108, %dma_start3A_109] : memref<16x125xi32, #tpu.memory_space<vmem>> -> memref<1x125xi32, #tpu.memory_space<vmem>>
        %dma_start3A_111 = tpu.memref_squeeze %dma_start3A_110 : memref<1x125xi32, #tpu.memory_space<vmem>> -> memref<125xi32, #tpu.memory_space<vmem>>
        %dma_start3A_112 = arith.constant 0 : i32
        %dma_start3A_113 = arith.constant 0 : i32
        %dma_start3A_114 = tpu.memref_slice %arg3[%dma_start3A_112, %dma_start3A_113] : memref<10240x128xf32, #tpu.memory_space<hbm>> -> memref<10240x128xf32, #tpu.memory_space<hbm>>
        tpu.enqueue_indirect_dma source(%dma_start3A_114 : memref<10240x128xf32, #tpu.memory_space<hbm>>) target(%arg12 : memref<125x128xf32, #tpu.memory_space<vmem>>) offsets(%dma_start3A_111 : memref<125xi32, #tpu.memory_space<vmem>>) semaphore(%arg14 : memref<!tpu.dma_semaphore, #tpu.memory_space<semaphore_mem>>)
      } else {
      }
      %lt3A = arith.constant 4 : i32
      %lt3A_84 = arith.cmpi slt, %scan3A_45, %lt3A : i32
      %convert_element_type3A_85 = arith.extui %lt3A_84 : i1 to i32
      %cond3A_86 = arith.constant 0 : i32
      %cond3A_87 = arith.cmpi ne, %convert_element_type3A_85, %cond3A_86 : i32
      scf.if %cond3A_87 {
        %add3A_108 = arith.constant 2 : i32
        %add3A_109 = arith.addi %mul3A_48, %add3A_108 : i32
        %mul3A_110 = arith.constant 16 : i32
        %mul3A_111 = arith.muli %add3A_109, %mul3A_110 : i32
        %add3A_112 = arith.addi %mul3A_9, %mul3A_111 : i32
        %dma_start3A_113 = arith.constant 0 : i32
        %dma_start3A_114 = tpu.memref_slice %arg4[%add3A_112, %dma_start3A_113] : memref<2560x125xi32, #tpu.memory_space<hbm>> -> memref<16x125xi32, #tpu.memory_space<hbm>>
        %dma_start3A_115 = arith.constant 0 : i32
        %dma_start3A_116 = tpu.memref_slice %arg4[%add3A_112, %dma_start3A_115] : memref<2560x125xi32, #tpu.memory_space<hbm>> -> memref<16x125xi32, #tpu.memory_space<hbm>>
        tpu.enqueue_dma source(%dma_start3A_116 : memref<16x125xi32, #tpu.memory_space<hbm>>) target(%arg8 : memref<16x125xi32, #tpu.memory_space<vmem>>) target_semaphore(%arg18 : memref<!tpu.dma_semaphore, #tpu.memory_space<semaphore_mem>>)
        %dma_start3A_117 = arith.constant 0 : i32
        %dma_start3A_118 = tpu.memref_slice %arg5[%add3A_112, %dma_start3A_117] : memref<2560x125xi32, #tpu.memory_space<hbm>> -> memref<16x125xi32, #tpu.memory_space<hbm>>
        %dma_start3A_119 = arith.constant 0 : i32
        %dma_start3A_120 = tpu.memref_slice %arg5[%add3A_112, %dma_start3A_119] : memref<2560x125xi32, #tpu.memory_space<hbm>> -> memref<16x125xi32, #tpu.memory_space<hbm>>
        tpu.enqueue_dma source(%dma_start3A_120 : memref<16x125xi32, #tpu.memory_space<hbm>>) target(%arg10 : memref<16x125xi32, #tpu.memory_space<vmem>>) target_semaphore(%arg18 : memref<!tpu.dma_semaphore, #tpu.memory_space<semaphore_mem>>)
      } else {
      }
      %scan3A_88 = arith.constant 0 : i32
      %scan3A_89 = arith.constant 0 : i32
      %scan3A_90 = arith.constant 8 : i32
      %scan3A_91 = arith.addi %scan3A_89, %scan3A_90 : i32
      %scan3A_92 = arith.constant 1 : i32
      %scan3A_93 = scf.for %scan3A_108 = %scan3A_89 to %scan3A_91 step %scan3A_92 iter_args(%scan3A_109 = %scan3A_88) -> (i32)  : i32 {
        %mul3A_110 = arith.constant 2 : i32
        %mul3A_111 = arith.muli %mul3A_110, %scan3A_108 : i32
        %dma_wait3A_112 = arith.constant 0 : i32
        %dma_wait3A_113 = tpu.memref_slice %arg9[%mul3A_111, %dma_wait3A_112] : memref<16x125xi32, #tpu.memory_space<vmem>> -> memref<1x125xi32, #tpu.memory_space<vmem>>
        %dma_wait3A_114 = tpu.memref_squeeze %dma_wait3A_113 : memref<1x125xi32, #tpu.memory_space<vmem>> -> memref<125xi32, #tpu.memory_space<vmem>>
        %dma_wait3A_115 = arith.constant 0 : i32
        %dma_wait3A_116 = arith.constant 0 : i32
        %dma_wait3A_117 = tpu.memref_slice %arg2[%dma_wait3A_115, %dma_wait3A_116] : memref<10240x128xf32, #tpu.memory_space<hbm>> -> memref<10240x128xf32, #tpu.memory_space<hbm>>
        tpu.wait_indirect_dma semaphore(%arg14 : memref<!tpu.dma_semaphore, #tpu.memory_space<semaphore_mem>>) src(%dma_wait3A_117 : memref<10240x128xf32, #tpu.memory_space<hbm>>) dst(%arg12 : memref<125x128xf32, #tpu.memory_space<vmem>>)
        %dma_start3A_118 = arith.constant 0 : i32
        %dma_start3A_119 = tpu.memref_slice %arg11[%mul3A_111, %dma_start3A_118] : memref<16x125xi32, #tpu.memory_space<vmem>> -> memref<1x125xi32, #tpu.memory_space<vmem>>
        %dma_start3A_120 = tpu.memref_squeeze %dma_start3A_119 : memref<1x125xi32, #tpu.memory_space<vmem>> -> memref<125xi32, #tpu.memory_space<vmem>>
        %dma_start3A_121 = arith.constant 0 : i32
        %dma_start3A_122 = arith.constant 0 : i32
        %dma_start3A_123 = tpu.memref_slice %arg20[%dma_start3A_121, %dma_start3A_122] : memref<10240x128xf32, #tpu.memory_space<vmem_shared>> -> memref<10240x128xf32, #tpu.memory_space<vmem_shared>>
        tpu.enqueue_indirect_dma source(%arg12 : memref<125x128xf32, #tpu.memory_space<vmem>>) target(%dma_start3A_123 : memref<10240x128xf32, #tpu.memory_space<vmem_shared>>) offsets(%dma_start3A_120 : memref<125xi32, #tpu.memory_space<vmem>>) semaphore(%arg16 : memref<!tpu.dma_semaphore, #tpu.memory_space<semaphore_mem>>) {add = true}
        %gt3A = arith.constant 0 : i32
        %gt3A_124 = arith.cmpi sgt, %scan3A_108, %gt3A : i32
        %convert_element_type3A_125 = arith.extui %gt3A_124 : i1 to i32
        %cond3A_126 = arith.constant 0 : i32
        %cond3A_127 = arith.cmpi ne, %convert_element_type3A_125, %cond3A_126 : i32
        scf.if %cond3A_127 {
          %sub3A = arith.constant 1 : i32
          %sub3A_168 = arith.subi %mul3A_111, %sub3A : i32
          %dma_wait3A_169 = arith.constant 0 : i32
          %dma_wait3A_170 = tpu.memref_slice %arg11[%sub3A_168, %dma_wait3A_169] : memref<16x125xi32, #tpu.memory_space<vmem>> -> memref<1x125xi32, #tpu.memory_space<vmem>>
          %dma_wait3A_171 = tpu.memref_squeeze %dma_wait3A_170 : memref<1x125xi32, #tpu.memory_space<vmem>> -> memref<125xi32, #tpu.memory_space<vmem>>
          %dma_wait3A_172 = arith.constant 0 : i32
          %dma_wait3A_173 = arith.constant 0 : i32
          %dma_wait3A_174 = tpu.memref_slice %arg20[%dma_wait3A_172, %dma_wait3A_173] : memref<10240x128xf32, #tpu.memory_space<vmem_shared>> -> memref<10240x128xf32, #tpu.memory_space<vmem_shared>>
          tpu.wait_indirect_dma semaphore(%arg17 : memref<!tpu.dma_semaphore, #tpu.memory_space<semaphore_mem>>) src(%arg13 : memref<125x128xf32, #tpu.memory_space<vmem>>) dst(%dma_wait3A_174 : memref<10240x128xf32, #tpu.memory_space<vmem_shared>>)
        } else {
        }
        %add3A_128 = arith.constant 1 : i32
        %add3A_129 = arith.addi %mul3A_111, %add3A_128 : i32
        %eq3A_130 = arith.constant 0 : i32
        %eq3A_131 = arith.cmpi eq, %arg0, %eq3A_130 : i32
        %convert_element_type3A_132 = arith.extui %eq3A_131 : i1 to i32
        %cond3A_133 = arith.constant 0 : i32
        %cond3A_134 = arith.cmpi ne, %convert_element_type3A_132, %cond3A_133 : i32
        scf.if %cond3A_134 {
          %dma_start3A_168 = arith.constant 0 : i32
          %dma_start3A_169 = tpu.memref_slice %arg9[%add3A_129, %dma_start3A_168] : memref<16x125xi32, #tpu.memory_space<vmem>> -> memref<1x125xi32, #tpu.memory_space<vmem>>
          %dma_start3A_170 = tpu.memref_squeeze %dma_start3A_169 : memref<1x125xi32, #tpu.memory_space<vmem>> -> memref<125xi32, #tpu.memory_space<vmem>>
          %dma_start3A_171 = arith.constant 0 : i32
          %dma_start3A_172 = arith.constant 0 : i32
          %dma_start3A_173 = tpu.memref_slice %arg2[%dma_start3A_171, %dma_start3A_172] : memref<10240x128xf32, #tpu.memory_space<hbm>> -> memref<10240x128xf32, #tpu.memory_space<hbm>>
          tpu.enqueue_indirect_dma source(%dma_start3A_173 : memref<10240x128xf32, #tpu.memory_space<hbm>>) target(%arg13 : memref<125x128xf32, #tpu.memory_space<vmem>>) offsets(%dma_start3A_170 : memref<125xi32, #tpu.memory_space<vmem>>) semaphore(%arg15 : memref<!tpu.dma_semaphore, #tpu.memory_space<semaphore_mem>>)
        } else {
        }
        %eq3A_135 = arith.constant 1 : i32
        %eq3A_136 = arith.cmpi eq, %arg0, %eq3A_135 : i32
        %convert_element_type3A_137 = arith.extui %eq3A_136 : i1 to i32
        %cond3A_138 = arith.constant 0 : i32
        %cond3A_139 = arith.cmpi ne, %convert_element_type3A_137, %cond3A_138 : i32
        scf.if %cond3A_139 {
          %dma_start3A_168 = arith.constant 0 : i32
          %dma_start3A_169 = tpu.memref_slice %arg9[%add3A_129, %dma_start3A_168] : memref<16x125xi32, #tpu.memory_space<vmem>> -> memref<1x125xi32, #tpu.memory_space<vmem>>
          %dma_start3A_170 = tpu.memref_squeeze %dma_start3A_169 : memref<1x125xi32, #tpu.memory_space<vmem>> -> memref<125xi32, #tpu.memory_space<vmem>>
          %dma_start3A_171 = arith.constant 0 : i32
          %dma_start3A_172 = arith.constant 0 : i32
          %dma_start3A_173 = tpu.memref_slice %arg3[%dma_start3A_171, %dma_start3A_172] : memref<10240x128xf32, #tpu.memory_space<hbm>> -> memref<10240x128xf32, #tpu.memory_space<hbm>>
          tpu.enqueue_indirect_dma source(%dma_start3A_173 : memref<10240x128xf32, #tpu.memory_space<hbm>>) target(%arg13 : memref<125x128xf32, #tpu.memory_space<vmem>>) offsets(%dma_start3A_170 : memref<125xi32, #tpu.memory_space<vmem>>) semaphore(%arg15 : memref<!tpu.dma_semaphore, #tpu.memory_space<semaphore_mem>>)
        } else {
        }
        %add3A_140 = arith.constant 1 : i32
        %add3A_141 = arith.addi %mul3A_111, %add3A_140 : i32
        %dma_wait3A_142 = arith.constant 0 : i32
        %dma_wait3A_143 = tpu.memref_slice %arg9[%add3A_141, %dma_wait3A_142] : memref<16x125xi32, #tpu.memory_space<vmem>> -> memref<1x125xi32, #tpu.memory_space<vmem>>
        %dma_wait3A_144 = tpu.memref_squeeze %dma_wait3A_143 : memref<1x125xi32, #tpu.memory_space<vmem>> -> memref<125xi32, #tpu.memory_space<vmem>>
        %dma_wait3A_145 = arith.constant 0 : i32
        %dma_wait3A_146 = arith.constant 0 : i32
        %dma_wait3A_147 = tpu.memref_slice %arg2[%dma_wait3A_145, %dma_wait3A_146] : memref<10240x128xf32, #tpu.memory_space<hbm>> -> memref<10240x128xf32, #tpu.memory_space<hbm>>
        tpu.wait_indirect_dma semaphore(%arg15 : memref<!tpu.dma_semaphore, #tpu.memory_space<semaphore_mem>>) src(%dma_wait3A_147 : memref<10240x128xf32, #tpu.memory_space<hbm>>) dst(%arg13 : memref<125x128xf32, #tpu.memory_space<vmem>>)
        %add3A_148 = arith.constant 1 : i32
        %add3A_149 = arith.addi %mul3A_111, %add3A_148 : i32
        %dma_start3A_150 = arith.constant 0 : i32
        %dma_start3A_151 = tpu.memref_slice %arg11[%add3A_149, %dma_start3A_150] : memref<16x125xi32, #tpu.memory_space<vmem>> -> memref<1x125xi32, #tpu.memory_space<vmem>>
        %dma_start3A_152 = tpu.memref_squeeze %dma_start3A_151 : memref<1x125xi32, #tpu.memory_space<vmem>> -> memref<125xi32, #tpu.memory_space<vmem>>
        %dma_start3A_153 = arith.constant 0 : i32
        %dma_start3A_154 = arith.constant 0 : i32
        %dma_start3A_155 = tpu.memref_slice %arg20[%dma_start3A_153, %dma_start3A_154] : memref<10240x128xf32, #tpu.memory_space<vmem_shared>> -> memref<10240x128xf32, #tpu.memory_space<vmem_shared>>
        tpu.enqueue_indirect_dma source(%arg13 : memref<125x128xf32, #tpu.memory_space<vmem>>) target(%dma_start3A_155 : memref<10240x128xf32, #tpu.memory_space<vmem_shared>>) offsets(%dma_start3A_152 : memref<125xi32, #tpu.memory_space<vmem>>) semaphore(%arg17 : memref<!tpu.dma_semaphore, #tpu.memory_space<semaphore_mem>>) {add = true}
        %dma_wait3A_156 = arith.constant 0 : i32
        %dma_wait3A_157 = tpu.memref_slice %arg11[%mul3A_111, %dma_wait3A_156] : memref<16x125xi32, #tpu.memory_space<vmem>> -> memref<1x125xi32, #tpu.memory_space<vmem>>
        %dma_wait3A_158 = tpu.memref_squeeze %dma_wait3A_157 : memref<1x125xi32, #tpu.memory_space<vmem>> -> memref<125xi32, #tpu.memory_space<vmem>>
        %dma_wait3A_159 = arith.constant 0 : i32
        %dma_wait3A_160 = arith.constant 0 : i32
        %dma_wait3A_161 = tpu.memref_slice %arg20[%dma_wait3A_159, %dma_wait3A_160] : memref<10240x128xf32, #tpu.memory_space<vmem_shared>> -> memref<10240x128xf32, #tpu.memory_space<vmem_shared>>
        tpu.wait_indirect_dma semaphore(%arg16 : memref<!tpu.dma_semaphore, #tpu.memory_space<semaphore_mem>>) src(%arg12 : memref<125x128xf32, #tpu.memory_space<vmem>>) dst(%dma_wait3A_161 : memref<10240x128xf32, #tpu.memory_space<vmem_shared>>)
        %lt3A_162 = arith.constant 7 : i32
        %lt3A_163 = arith.cmpi slt, %scan3A_108, %lt3A_162 : i32
        %convert_element_type3A_164 = arith.extui %lt3A_163 : i1 to i32
        %cond3A_165 = arith.constant 0 : i32
        %cond3A_166 = arith.cmpi ne, %convert_element_type3A_164, %cond3A_165 : i32
        scf.if %cond3A_166 {
          %add3A_168 = arith.constant 2 : i32
          %add3A_169 = arith.addi %mul3A_111, %add3A_168 : i32
          %eq3A_170 = arith.constant 0 : i32
          %eq3A_171 = arith.cmpi eq, %arg0, %eq3A_170 : i32
          %convert_element_type3A_172 = arith.extui %eq3A_171 : i1 to i32
          %cond3A_173 = arith.constant 0 : i32
          %cond3A_174 = arith.cmpi ne, %convert_element_type3A_172, %cond3A_173 : i32
          scf.if %cond3A_174 {
            %dma_start3A_180 = arith.constant 0 : i32
            %dma_start3A_181 = tpu.memref_slice %arg9[%add3A_169, %dma_start3A_180] : memref<16x125xi32, #tpu.memory_space<vmem>> -> memref<1x125xi32, #tpu.memory_space<vmem>>
            %dma_start3A_182 = tpu.memref_squeeze %dma_start3A_181 : memref<1x125xi32, #tpu.memory_space<vmem>> -> memref<125xi32, #tpu.memory_space<vmem>>
            %dma_start3A_183 = arith.constant 0 : i32
            %dma_start3A_184 = arith.constant 0 : i32
            %dma_start3A_185 = tpu.memref_slice %arg2[%dma_start3A_183, %dma_start3A_184] : memref<10240x128xf32, #tpu.memory_space<hbm>> -> memref<10240x128xf32, #tpu.memory_space<hbm>>
            tpu.enqueue_indirect_dma source(%dma_start3A_185 : memref<10240x128xf32, #tpu.memory_space<hbm>>) target(%arg12 : memref<125x128xf32, #tpu.memory_space<vmem>>) offsets(%dma_start3A_182 : memref<125xi32, #tpu.memory_space<vmem>>) semaphore(%arg14 : memref<!tpu.dma_semaphore, #tpu.memory_space<semaphore_mem>>)
          } else {
          }
          %eq3A_175 = arith.constant 1 : i32
          %eq3A_176 = arith.cmpi eq, %arg0, %eq3A_175 : i32
          %convert_element_type3A_177 = arith.extui %eq3A_176 : i1 to i32
          %cond3A_178 = arith.constant 0 : i32
          %cond3A_179 = arith.cmpi ne, %convert_element_type3A_177, %cond3A_178 : i32
          scf.if %cond3A_179 {
            %dma_start3A_180 = arith.constant 0 : i32
            %dma_start3A_181 = tpu.memref_slice %arg9[%add3A_169, %dma_start3A_180] : memref<16x125xi32, #tpu.memory_space<vmem>> -> memref<1x125xi32, #tpu.memory_space<vmem>>
            %dma_start3A_182 = tpu.memref_squeeze %dma_start3A_181 : memref<1x125xi32, #tpu.memory_space<vmem>> -> memref<125xi32, #tpu.memory_space<vmem>>
            %dma_start3A_183 = arith.constant 0 : i32
            %dma_start3A_184 = arith.constant 0 : i32
            %dma_start3A_185 = tpu.memref_slice %arg3[%dma_start3A_183, %dma_start3A_184] : memref<10240x128xf32, #tpu.memory_space<hbm>> -> memref<10240x128xf32, #tpu.memory_space<hbm>>
            tpu.enqueue_indirect_dma source(%dma_start3A_185 : memref<10240x128xf32, #tpu.memory_space<hbm>>) target(%arg12 : memref<125x128xf32, #tpu.memory_space<vmem>>) offsets(%dma_start3A_182 : memref<125xi32, #tpu.memory_space<vmem>>) semaphore(%arg14 : memref<!tpu.dma_semaphore, #tpu.memory_space<semaphore_mem>>)
          } else {
          }
        } else {
        }
        %scan3A_167 = arith.constant 0 : i32
        scf.yield %scan3A_167 : i32
      }
      %scan3A_94 = arith.constant 8 : i32
      %dma_wait3A_95 = arith.constant 15 : i32
      %dma_wait3A_96 = arith.constant 0 : i32
      %dma_wait3A_97 = tpu.memref_slice %arg11[%dma_wait3A_95, %dma_wait3A_96] : memref<16x125xi32, #tpu.memory_space<vmem>> -> memref<1x125xi32, #tpu.memory_space<vmem>>
      %dma_wait3A_98 = tpu.memref_squeeze %dma_wait3A_97 : memref<1x125xi32, #tpu.memory_space<vmem>> -> memref<125xi32, #tpu.memory_space<vmem>>
      %dma_wait3A_99 = arith.constant 0 : i32
      %dma_wait3A_100 = arith.constant 0 : i32
      %dma_wait3A_101 = tpu.memref_slice %arg20[%dma_wait3A_99, %dma_wait3A_100] : memref<10240x128xf32, #tpu.memory_space<vmem_shared>> -> memref<10240x128xf32, #tpu.memory_space<vmem_shared>>
      tpu.wait_indirect_dma semaphore(%arg17 : memref<!tpu.dma_semaphore, #tpu.memory_space<semaphore_mem>>) src(%arg13 : memref<125x128xf32, #tpu.memory_space<vmem>>) dst(%dma_wait3A_101 : memref<10240x128xf32, #tpu.memory_space<vmem_shared>>)
      %lt3A_102 = arith.constant 4 : i32
      %lt3A_103 = arith.cmpi slt, %scan3A_45, %lt3A_102 : i32
      %convert_element_type3A_104 = arith.extui %lt3A_103 : i1 to i32
      %cond3A_105 = arith.constant 0 : i32
      %cond3A_106 = arith.cmpi ne, %convert_element_type3A_104, %cond3A_105 : i32
      scf.if %cond3A_106 {
        %dma_wait3A_108 = arith.constant 0 : i32
        %dma_wait3A_109 = arith.constant 0 : i32
        %dma_wait3A_110 = tpu.memref_slice %arg4[%dma_wait3A_108, %dma_wait3A_109] : memref<2560x125xi32, #tpu.memory_space<hbm>> -> memref<16x125xi32, #tpu.memory_space<hbm>>
        %dma_wait3A_111 = arith.constant 0 : i32
        %dma_wait3A_112 = arith.constant 0 : i32
        %dma_wait3A_113 = tpu.memref_slice %arg4[%dma_wait3A_111, %dma_wait3A_112] : memref<2560x125xi32, #tpu.memory_space<hbm>> -> memref<16x125xi32, #tpu.memory_space<hbm>>
        tpu.wait_dma2 semaphore(%arg18 : memref<!tpu.dma_semaphore, #tpu.memory_space<semaphore_mem>>) src(%dma_wait3A_113 : memref<16x125xi32, #tpu.memory_space<hbm>>) dst(%arg8 : memref<16x125xi32, #tpu.memory_space<vmem>>)
        %dma_wait3A_114 = arith.constant 0 : i32
        %dma_wait3A_115 = arith.constant 0 : i32
        %dma_wait3A_116 = tpu.memref_slice %arg5[%dma_wait3A_114, %dma_wait3A_115] : memref<2560x125xi32, #tpu.memory_space<hbm>> -> memref<16x125xi32, #tpu.memory_space<hbm>>
        %dma_wait3A_117 = arith.constant 0 : i32
        %dma_wait3A_118 = arith.constant 0 : i32
        %dma_wait3A_119 = tpu.memref_slice %arg5[%dma_wait3A_117, %dma_wait3A_118] : memref<2560x125xi32, #tpu.memory_space<hbm>> -> memref<16x125xi32, #tpu.memory_space<hbm>>
        tpu.wait_dma2 semaphore(%arg18 : memref<!tpu.dma_semaphore, #tpu.memory_space<semaphore_mem>>) src(%dma_wait3A_119 : memref<16x125xi32, #tpu.memory_space<hbm>>) dst(%arg10 : memref<16x125xi32, #tpu.memory_space<vmem>>)
        %eq3A_120 = arith.constant 0 : i32
        %eq3A_121 = arith.cmpi eq, %arg0, %eq3A_120 : i32
        %convert_element_type3A_122 = arith.extui %eq3A_121 : i1 to i32
        %cond3A_123 = arith.constant 0 : i32
        %cond3A_124 = arith.cmpi ne, %convert_element_type3A_122, %cond3A_123 : i32
        scf.if %cond3A_124 {
          %dma_start3A_143 = arith.constant 0 : i32
          %dma_start3A_144 = arith.constant 0 : i32
          %dma_start3A_145 = tpu.memref_slice %arg8[%dma_start3A_143, %dma_start3A_144] : memref<16x125xi32, #tpu.memory_space<vmem>> -> memref<1x125xi32, #tpu.memory_space<vmem>>
          %dma_start3A_146 = tpu.memref_squeeze %dma_start3A_145 : memref<1x125xi32, #tpu.memory_space<vmem>> -> memref<125xi32, #tpu.memory_space<vmem>>
          %dma_start3A_147 = arith.constant 0 : i32
          %dma_start3A_148 = arith.constant 0 : i32
          %dma_start3A_149 = tpu.memref_slice %arg2[%dma_start3A_147, %dma_start3A_148] : memref<10240x128xf32, #tpu.memory_space<hbm>> -> memref<10240x128xf32, #tpu.memory_space<hbm>>
          tpu.enqueue_indirect_dma source(%dma_start3A_149 : memref<10240x128xf32, #tpu.memory_space<hbm>>) target(%arg12 : memref<125x128xf32, #tpu.memory_space<vmem>>) offsets(%dma_start3A_146 : memref<125xi32, #tpu.memory_space<vmem>>) semaphore(%arg14 : memref<!tpu.dma_semaphore, #tpu.memory_space<semaphore_mem>>)
        } else {
        }
        %eq3A_125 = arith.constant 1 : i32
        %eq3A_126 = arith.cmpi eq, %arg0, %eq3A_125 : i32
        %convert_element_type3A_127 = arith.extui %eq3A_126 : i1 to i32
        %cond3A_128 = arith.constant 0 : i32
        %cond3A_129 = arith.cmpi ne, %convert_element_type3A_127, %cond3A_128 : i32
        scf.if %cond3A_129 {
          %dma_start3A_143 = arith.constant 0 : i32
          %dma_start3A_144 = arith.constant 0 : i32
          %dma_start3A_145 = tpu.memref_slice %arg8[%dma_start3A_143, %dma_start3A_144] : memref<16x125xi32, #tpu.memory_space<vmem>> -> memref<1x125xi32, #tpu.memory_space<vmem>>
          %dma_start3A_146 = tpu.memref_squeeze %dma_start3A_145 : memref<1x125xi32, #tpu.memory_space<vmem>> -> memref<125xi32, #tpu.memory_space<vmem>>
          %dma_start3A_147 = arith.constant 0 : i32
          %dma_start3A_148 = arith.constant 0 : i32
          %dma_start3A_149 = tpu.memref_slice %arg3[%dma_start3A_147, %dma_start3A_148] : memref<10240x128xf32, #tpu.memory_space<hbm>> -> memref<10240x128xf32, #tpu.memory_space<hbm>>
          tpu.enqueue_indirect_dma source(%dma_start3A_149 : memref<10240x128xf32, #tpu.memory_space<hbm>>) target(%arg12 : memref<125x128xf32, #tpu.memory_space<vmem>>) offsets(%dma_start3A_146 : memref<125xi32, #tpu.memory_space<vmem>>) semaphore(%arg14 : memref<!tpu.dma_semaphore, #tpu.memory_space<semaphore_mem>>)
        } else {
        }
        %add3A_130 = arith.constant 3 : i32
        %add3A_131 = arith.addi %mul3A_48, %add3A_130 : i32
        %mul3A_132 = arith.constant 16 : i32
        %mul3A_133 = arith.muli %add3A_131, %mul3A_132 : i32
        %add3A_134 = arith.addi %mul3A_9, %mul3A_133 : i32
        %dma_start3A_135 = arith.constant 0 : i32
        %dma_start3A_136 = tpu.memref_slice %arg4[%add3A_134, %dma_start3A_135] : memref<2560x125xi32, #tpu.memory_space<hbm>> -> memref<16x125xi32, #tpu.memory_space<hbm>>
        %dma_start3A_137 = arith.constant 0 : i32
        %dma_start3A_138 = tpu.memref_slice %arg4[%add3A_134, %dma_start3A_137] : memref<2560x125xi32, #tpu.memory_space<hbm>> -> memref<16x125xi32, #tpu.memory_space<hbm>>
        tpu.enqueue_dma source(%dma_start3A_138 : memref<16x125xi32, #tpu.memory_space<hbm>>) target(%arg9 : memref<16x125xi32, #tpu.memory_space<vmem>>) target_semaphore(%arg19 : memref<!tpu.dma_semaphore, #tpu.memory_space<semaphore_mem>>)
        %dma_start3A_139 = arith.constant 0 : i32
        %dma_start3A_140 = tpu.memref_slice %arg5[%add3A_134, %dma_start3A_139] : memref<2560x125xi32, #tpu.memory_space<hbm>> -> memref<16x125xi32, #tpu.memory_space<hbm>>
        %dma_start3A_141 = arith.constant 0 : i32
        %dma_start3A_142 = tpu.memref_slice %arg5[%add3A_134, %dma_start3A_141] : memref<2560x125xi32, #tpu.memory_space<hbm>> -> memref<16x125xi32, #tpu.memory_space<hbm>>
        tpu.enqueue_dma source(%dma_start3A_142 : memref<16x125xi32, #tpu.memory_space<hbm>>) target(%arg11 : memref<16x125xi32, #tpu.memory_space<vmem>>) target_semaphore(%arg19 : memref<!tpu.dma_semaphore, #tpu.memory_space<semaphore_mem>>)
      } else {
      }
      %scan3A_107 = arith.constant 0 : i32
      scf.yield %scan3A_107 : i32
    }
    %scan3A_33 = arith.constant 5 : i32
    %barrier3A_34 = arith.constant 0 : index
    tpu.barrier barrier_id(%barrier3A_34)
    %eq3A_35 = arith.constant 0 : i32
    %eq3A_36 = arith.cmpi eq, %arg0, %eq3A_35 : i32
    %convert_element_type3A_37 = arith.extui %eq3A_36 : i1 to i32
    %cond3A_38 = arith.constant 0 : i32
    %cond3A_39 = arith.cmpi ne, %convert_element_type3A_37, %cond3A_38 : i32
    scf.if %cond3A_39 {
      "tpu.region"() ({
        %run_scoped3A = tpu.sem_alloc : memref<!tpu.dma_semaphore, #tpu.memory_space<semaphore_mem>>
        %dma_start3A_45 = arith.constant 0 : i32
        %dma_start3A_46 = tpu.memref_slice %arg6[%mul3A_0, %dma_start3A_45] : memref<10240x128xf32, #tpu.memory_space<hbm>> -> memref<640x128xf32, #tpu.memory_space<hbm>>
        %dma_start3A_47 = arith.constant 0 : i32
        %dma_start3A_48 = tpu.memref_slice %arg20[%mul3A_0, %dma_start3A_47] : memref<10240x128xf32, #tpu.memory_space<vmem_shared>> -> memref<640x128xf32, #tpu.memory_space<vmem_shared>>
        tpu.enqueue_dma source(%dma_start3A_48 : memref<640x128xf32, #tpu.memory_space<vmem_shared>>) target(%dma_start3A_46 : memref<640x128xf32, #tpu.memory_space<hbm>>) target_semaphore(%run_scoped3A : memref<!tpu.dma_semaphore, #tpu.memory_space<semaphore_mem>>)
        %dma_wait3A = arith.constant 0 : i32
        %dma_wait3A_49 = tpu.memref_slice %arg6[%mul3A_0, %dma_wait3A] : memref<10240x128xf32, #tpu.memory_space<hbm>> -> memref<640x128xf32, #tpu.memory_space<hbm>>
        %dma_wait3A_50 = arith.constant 0 : i32
        %dma_wait3A_51 = tpu.memref_slice %arg20[%mul3A_0, %dma_wait3A_50] : memref<10240x128xf32, #tpu.memory_space<vmem_shared>> -> memref<640x128xf32, #tpu.memory_space<vmem_shared>>
        tpu.wait_dma2 semaphore(%run_scoped3A : memref<!tpu.dma_semaphore, #tpu.memory_space<semaphore_mem>>) src(%dma_wait3A_51 : memref<640x128xf32, #tpu.memory_space<vmem_shared>>) dst(%dma_wait3A_49 : memref<640x128xf32, #tpu.memory_space<hbm>>)
        tpu.yield
      }) : () -> ()
    } else {
    }
    %eq3A_40 = arith.constant 1 : i32
    %eq3A_41 = arith.cmpi eq, %arg0, %eq3A_40 : i32
    %convert_element_type3A_42 = arith.extui %eq3A_41 : i1 to i32
    %cond3A_43 = arith.constant 0 : i32
    %cond3A_44 = arith.cmpi ne, %convert_element_type3A_42, %cond3A_43 : i32
    scf.if %cond3A_44 {
      "tpu.region"() ({
        %run_scoped3A = tpu.sem_alloc : memref<!tpu.dma_semaphore, #tpu.memory_space<semaphore_mem>>
        %dma_start3A_45 = arith.constant 0 : i32
        %dma_start3A_46 = tpu.memref_slice %arg7[%mul3A_0, %dma_start3A_45] : memref<10240x128xf32, #tpu.memory_space<hbm>> -> memref<640x128xf32, #tpu.memory_space<hbm>>
        %dma_start3A_47 = arith.constant 0 : i32
        %dma_start3A_48 = tpu.memref_slice %arg20[%mul3A_0, %dma_start3A_47] : memref<10240x128xf32, #tpu.memory_space<vmem_shared>> -> memref<640x128xf32, #tpu.memory_space<vmem_shared>>
        tpu.enqueue_dma source(%dma_start3A_48 : memref<640x128xf32, #tpu.memory_space<vmem_shared>>) target(%dma_start3A_46 : memref<640x128xf32, #tpu.memory_space<hbm>>) target_semaphore(%run_scoped3A : memref<!tpu.dma_semaphore, #tpu.memory_space<semaphore_mem>>)
        %dma_wait3A = arith.constant 0 : i32
        %dma_wait3A_49 = tpu.memref_slice %arg7[%mul3A_0, %dma_wait3A] : memref<10240x128xf32, #tpu.memory_space<hbm>> -> memref<640x128xf32, #tpu.memory_space<hbm>>
        %dma_wait3A_50 = arith.constant 0 : i32
        %dma_wait3A_51 = tpu.memref_slice %arg20[%mul3A_0, %dma_wait3A_50] : memref<10240x128xf32, #tpu.memory_space<vmem_shared>> -> memref<640x128xf32, #tpu.memory_space<vmem_shared>>
        tpu.wait_dma2 semaphore(%run_scoped3A : memref<!tpu.dma_semaphore, #tpu.memory_space<semaphore_mem>>) src(%dma_wait3A_51 : memref<640x128xf32, #tpu.memory_space<vmem_shared>>) dst(%dma_wait3A_49 : memref<640x128xf32, #tpu.memory_space<hbm>>)
        tpu.yield
      }) : () -> ()
    } else {
    }
    return
  }
}

#map = affine_map<(d0, d1) -> (0, 0)>
module attributes {stable_mosaic.version = 14 : i64} {
  func.func @prop_kernel(%arg0: i32, %arg1: i32, %arg2: memref<10240x128xf32, #tpu.memory_space<hbm>>, %arg3: memref<10240x128xf32, #tpu.memory_space<hbm>>, %arg4: memref<2560x125xi32, #tpu.memory_space<hbm>>, %arg5: memref<2560x125xi32, #tpu.memory_space<hbm>>, %arg6: memref<10240x128xf32, #tpu.memory_space<hbm>>, %arg7: memref<10240x128xf32, #tpu.memory_space<hbm>>, %arg8: memref<8x125xi32, #tpu.memory_space<vmem>>, %arg9: memref<8x125xi32, #tpu.memory_space<vmem>>, %arg10: memref<8x125xi32, #tpu.memory_space<vmem>>, %arg11: memref<8x125xi32, #tpu.memory_space<vmem>>, %arg12: memref<125x128xf32, #tpu.memory_space<vmem>>, %arg13: memref<125x128xf32, #tpu.memory_space<vmem>>, %arg14: memref<!tpu.dma_semaphore, #tpu.memory_space<semaphore_mem>>, %arg15: memref<!tpu.dma_semaphore, #tpu.memory_space<semaphore_mem>>, %arg16: memref<!tpu.dma_semaphore, #tpu.memory_space<semaphore_mem>>, %arg17: memref<!tpu.dma_semaphore, #tpu.memory_space<semaphore_mem>>, %arg18: memref<!tpu.dma_semaphore, #tpu.memory_space<semaphore_mem>>, %arg19: memref<!tpu.dma_semaphore, #tpu.memory_space<semaphore_mem>>, %arg20: memref<10240x128xf32, #tpu.memory_space<vmem_shared>>) attributes {dimension_semantics = [#tpu.dimension_semantics<core_parallel>, #tpu.dimension_semantics<subcore_parallel>], iteration_bounds = array<i64: 2, 16>, scalar_prefetch = 0 : i64, scratch_operands = 13 : i64, tpu.core_type = #tpu.core_type<sc_vector_subcore>, window_params = [{transform_indices = #map}, {transform_indices = #map}, {transform_indices = #map}, {transform_indices = #map}, {transform_indices = #map}, {transform_indices = #map}]} {
    %mul3A = arith.constant 640 : i32
    %mul3A_0 = arith.muli %arg1, %mul3A : i32
    %eq3A = arith.constant 0 : i32
    %eq3A_1 = arith.cmpi eq, %arg0, %eq3A : i32
    %convert_element_type3A = arith.extui %eq3A_1 : i1 to i32
    %cond3A = arith.constant 0 : i32
    %cond3A_2 = arith.cmpi ne, %convert_element_type3A, %cond3A : i32
    scf.if %cond3A_2 {
      "tpu.region"() ({
        %run_scoped3A = tpu.sem_alloc : memref<!tpu.dma_semaphore, #tpu.memory_space<semaphore_mem>>
        %dma_start3A_45 = arith.constant 0 : i32
        %dma_start3A_46 = tpu.memref_slice %arg20[%mul3A_0, %dma_start3A_45] : memref<10240x128xf32, #tpu.memory_space<vmem_shared>> -> memref<640x128xf32, #tpu.memory_space<vmem_shared>>
        %dma_start3A_47 = arith.constant 0 : i32
        %dma_start3A_48 = tpu.memref_slice %arg2[%mul3A_0, %dma_start3A_47] : memref<10240x128xf32, #tpu.memory_space<hbm>> -> memref<640x128xf32, #tpu.memory_space<hbm>>
        tpu.enqueue_dma source(%dma_start3A_48 : memref<640x128xf32, #tpu.memory_space<hbm>>) target(%dma_start3A_46 : memref<640x128xf32, #tpu.memory_space<vmem_shared>>) target_semaphore(%run_scoped3A : memref<!tpu.dma_semaphore, #tpu.memory_space<semaphore_mem>>)
        %dma_wait3A = arith.constant 0 : i32
        %dma_wait3A_49 = tpu.memref_slice %arg20[%mul3A_0, %dma_wait3A] : memref<10240x128xf32, #tpu.memory_space<vmem_shared>> -> memref<640x128xf32, #tpu.memory_space<vmem_shared>>
        %dma_wait3A_50 = arith.constant 0 : i32
        %dma_wait3A_51 = tpu.memref_slice %arg2[%mul3A_0, %dma_wait3A_50] : memref<10240x128xf32, #tpu.memory_space<hbm>> -> memref<640x128xf32, #tpu.memory_space<hbm>>
        tpu.wait_dma2 semaphore(%run_scoped3A : memref<!tpu.dma_semaphore, #tpu.memory_space<semaphore_mem>>) src(%dma_wait3A_51 : memref<640x128xf32, #tpu.memory_space<hbm>>) dst(%dma_wait3A_49 : memref<640x128xf32, #tpu.memory_space<vmem_shared>>)
        tpu.yield
      }) : () -> ()
    } else {
    }
    %eq3A_3 = arith.constant 1 : i32
    %eq3A_4 = arith.cmpi eq, %arg0, %eq3A_3 : i32
    %convert_element_type3A_5 = arith.extui %eq3A_4 : i1 to i32
    %cond3A_6 = arith.constant 0 : i32
    %cond3A_7 = arith.cmpi ne, %convert_element_type3A_5, %cond3A_6 : i32
    scf.if %cond3A_7 {
      "tpu.region"() ({
        %run_scoped3A = tpu.sem_alloc : memref<!tpu.dma_semaphore, #tpu.memory_space<semaphore_mem>>
        %dma_start3A_45 = arith.constant 0 : i32
        %dma_start3A_46 = tpu.memref_slice %arg20[%mul3A_0, %dma_start3A_45] : memref<10240x128xf32, #tpu.memory_space<vmem_shared>> -> memref<640x128xf32, #tpu.memory_space<vmem_shared>>
        %dma_start3A_47 = arith.constant 0 : i32
        %dma_start3A_48 = tpu.memref_slice %arg3[%mul3A_0, %dma_start3A_47] : memref<10240x128xf32, #tpu.memory_space<hbm>> -> memref<640x128xf32, #tpu.memory_space<hbm>>
        tpu.enqueue_dma source(%dma_start3A_48 : memref<640x128xf32, #tpu.memory_space<hbm>>) target(%dma_start3A_46 : memref<640x128xf32, #tpu.memory_space<vmem_shared>>) target_semaphore(%run_scoped3A : memref<!tpu.dma_semaphore, #tpu.memory_space<semaphore_mem>>)
        %dma_wait3A = arith.constant 0 : i32
        %dma_wait3A_49 = tpu.memref_slice %arg20[%mul3A_0, %dma_wait3A] : memref<10240x128xf32, #tpu.memory_space<vmem_shared>> -> memref<640x128xf32, #tpu.memory_space<vmem_shared>>
        %dma_wait3A_50 = arith.constant 0 : i32
        %dma_wait3A_51 = tpu.memref_slice %arg3[%mul3A_0, %dma_wait3A_50] : memref<10240x128xf32, #tpu.memory_space<hbm>> -> memref<640x128xf32, #tpu.memory_space<hbm>>
        tpu.wait_dma2 semaphore(%run_scoped3A : memref<!tpu.dma_semaphore, #tpu.memory_space<semaphore_mem>>) src(%dma_wait3A_51 : memref<640x128xf32, #tpu.memory_space<hbm>>) dst(%dma_wait3A_49 : memref<640x128xf32, #tpu.memory_space<vmem_shared>>)
        tpu.yield
      }) : () -> ()
    } else {
    }
    %mul3A_8 = arith.constant 2 : i32
    %mul3A_9 = arith.muli %arg1, %mul3A_8 : i32
    %add3A = arith.addi %mul3A_9, %arg0 : i32
    %mul3A_10 = arith.constant 80 : i32
    %mul3A_11 = arith.muli %add3A, %mul3A_10 : i32
    %barrier3A = arith.constant 0 : index
    tpu.barrier barrier_id(%barrier3A)
    "tpu.region"() ({
      %run_scoped3A = tpu.sem_alloc : memref<!tpu.dma_semaphore, #tpu.memory_space<semaphore_mem>>
      %dma_start3A_45 = arith.constant 0 : i32
      %dma_start3A_46 = tpu.memref_slice %arg4[%mul3A_11, %dma_start3A_45] : memref<2560x125xi32, #tpu.memory_space<hbm>> -> memref<8x125xi32, #tpu.memory_space<hbm>>
      %dma_start3A_47 = arith.constant 0 : i32
      %dma_start3A_48 = tpu.memref_slice %arg4[%mul3A_11, %dma_start3A_47] : memref<2560x125xi32, #tpu.memory_space<hbm>> -> memref<8x125xi32, #tpu.memory_space<hbm>>
      tpu.enqueue_dma source(%dma_start3A_48 : memref<8x125xi32, #tpu.memory_space<hbm>>) target(%arg8 : memref<8x125xi32, #tpu.memory_space<vmem>>) target_semaphore(%run_scoped3A : memref<!tpu.dma_semaphore, #tpu.memory_space<semaphore_mem>>)
      %dma_wait3A = arith.constant 0 : i32
      %dma_wait3A_49 = tpu.memref_slice %arg4[%mul3A_11, %dma_wait3A] : memref<2560x125xi32, #tpu.memory_space<hbm>> -> memref<8x125xi32, #tpu.memory_space<hbm>>
      %dma_wait3A_50 = arith.constant 0 : i32
      %dma_wait3A_51 = tpu.memref_slice %arg4[%mul3A_11, %dma_wait3A_50] : memref<2560x125xi32, #tpu.memory_space<hbm>> -> memref<8x125xi32, #tpu.memory_space<hbm>>
      tpu.wait_dma2 semaphore(%run_scoped3A : memref<!tpu.dma_semaphore, #tpu.memory_space<semaphore_mem>>) src(%dma_wait3A_51 : memref<8x125xi32, #tpu.memory_space<hbm>>) dst(%arg8 : memref<8x125xi32, #tpu.memory_space<vmem>>)
      tpu.yield
    }) : () -> ()
    "tpu.region"() ({
      %run_scoped3A = tpu.sem_alloc : memref<!tpu.dma_semaphore, #tpu.memory_space<semaphore_mem>>
      %dma_start3A_45 = arith.constant 0 : i32
      %dma_start3A_46 = tpu.memref_slice %arg5[%mul3A_11, %dma_start3A_45] : memref<2560x125xi32, #tpu.memory_space<hbm>> -> memref<8x125xi32, #tpu.memory_space<hbm>>
      %dma_start3A_47 = arith.constant 0 : i32
      %dma_start3A_48 = tpu.memref_slice %arg5[%mul3A_11, %dma_start3A_47] : memref<2560x125xi32, #tpu.memory_space<hbm>> -> memref<8x125xi32, #tpu.memory_space<hbm>>
      tpu.enqueue_dma source(%dma_start3A_48 : memref<8x125xi32, #tpu.memory_space<hbm>>) target(%arg10 : memref<8x125xi32, #tpu.memory_space<vmem>>) target_semaphore(%run_scoped3A : memref<!tpu.dma_semaphore, #tpu.memory_space<semaphore_mem>>)
      %dma_wait3A = arith.constant 0 : i32
      %dma_wait3A_49 = tpu.memref_slice %arg5[%mul3A_11, %dma_wait3A] : memref<2560x125xi32, #tpu.memory_space<hbm>> -> memref<8x125xi32, #tpu.memory_space<hbm>>
      %dma_wait3A_50 = arith.constant 0 : i32
      %dma_wait3A_51 = tpu.memref_slice %arg5[%mul3A_11, %dma_wait3A_50] : memref<2560x125xi32, #tpu.memory_space<hbm>> -> memref<8x125xi32, #tpu.memory_space<hbm>>
      tpu.wait_dma2 semaphore(%run_scoped3A : memref<!tpu.dma_semaphore, #tpu.memory_space<semaphore_mem>>) src(%dma_wait3A_51 : memref<8x125xi32, #tpu.memory_space<hbm>>) dst(%arg10 : memref<8x125xi32, #tpu.memory_space<vmem>>)
      tpu.yield
    }) : () -> ()
    %add3A_12 = arith.constant 8 : i32
    %add3A_13 = arith.addi %mul3A_11, %add3A_12 : i32
    %dma_start3A = arith.constant 0 : i32
    %dma_start3A_14 = tpu.memref_slice %arg4[%add3A_13, %dma_start3A] : memref<2560x125xi32, #tpu.memory_space<hbm>> -> memref<8x125xi32, #tpu.memory_space<hbm>>
    %dma_start3A_15 = arith.constant 0 : i32
    %dma_start3A_16 = tpu.memref_slice %arg4[%add3A_13, %dma_start3A_15] : memref<2560x125xi32, #tpu.memory_space<hbm>> -> memref<8x125xi32, #tpu.memory_space<hbm>>
    tpu.enqueue_dma source(%dma_start3A_16 : memref<8x125xi32, #tpu.memory_space<hbm>>) target(%arg9 : memref<8x125xi32, #tpu.memory_space<vmem>>) target_semaphore(%arg19 : memref<!tpu.dma_semaphore, #tpu.memory_space<semaphore_mem>>)
    %dma_start3A_17 = arith.constant 0 : i32
    %dma_start3A_18 = tpu.memref_slice %arg5[%add3A_13, %dma_start3A_17] : memref<2560x125xi32, #tpu.memory_space<hbm>> -> memref<8x125xi32, #tpu.memory_space<hbm>>
    %dma_start3A_19 = arith.constant 0 : i32
    %dma_start3A_20 = tpu.memref_slice %arg5[%add3A_13, %dma_start3A_19] : memref<2560x125xi32, #tpu.memory_space<hbm>> -> memref<8x125xi32, #tpu.memory_space<hbm>>
    tpu.enqueue_dma source(%dma_start3A_20 : memref<8x125xi32, #tpu.memory_space<hbm>>) target(%arg11 : memref<8x125xi32, #tpu.memory_space<vmem>>) target_semaphore(%arg19 : memref<!tpu.dma_semaphore, #tpu.memory_space<semaphore_mem>>)
    %dma_start3A_21 = arith.constant 0 : i32
    %dma_start3A_22 = arith.constant 0 : i32
    %dma_start3A_23 = tpu.memref_slice %arg8[%dma_start3A_21, %dma_start3A_22] : memref<8x125xi32, #tpu.memory_space<vmem>> -> memref<1x125xi32, #tpu.memory_space<vmem>>
    %dma_start3A_24 = tpu.memref_squeeze %dma_start3A_23 : memref<1x125xi32, #tpu.memory_space<vmem>> -> memref<125xi32, #tpu.memory_space<vmem>>
    %dma_start3A_25 = arith.constant 0 : i32
    %dma_start3A_26 = arith.constant 0 : i32
    %dma_start3A_27 = tpu.memref_slice %arg2[%dma_start3A_25, %dma_start3A_26] : memref<10240x128xf32, #tpu.memory_space<hbm>> -> memref<10240x128xf32, #tpu.memory_space<hbm>>
    tpu.enqueue_indirect_dma source(%dma_start3A_27 : memref<10240x128xf32, #tpu.memory_space<hbm>>) target(%arg12 : memref<125x128xf32, #tpu.memory_space<vmem>>) offsets(%dma_start3A_24 : memref<125xi32, #tpu.memory_space<vmem>>) semaphore(%arg14 : memref<!tpu.dma_semaphore, #tpu.memory_space<semaphore_mem>>)
    %scan3A = arith.constant 0 : i32
    %scan3A_28 = arith.constant 0 : i32
    %scan3A_29 = arith.constant 5 : i32
    %scan3A_30 = arith.addi %scan3A_28, %scan3A_29 : i32
    %scan3A_31 = arith.constant 1 : i32
    %scan3A_32 = scf.for %scan3A_45 = %scan3A_28 to %scan3A_30 step %scan3A_31 iter_args(%scan3A_46 = %scan3A) -> (i32)  : i32 {
      %mul3A_47 = arith.constant 2 : i32
      %mul3A_48 = arith.muli %mul3A_47, %scan3A_45 : i32
      %scan3A_49 = arith.constant 0 : i32
      %scan3A_50 = arith.constant 0 : i32
      %scan3A_51 = arith.constant 4 : i32
      %scan3A_52 = arith.addi %scan3A_50, %scan3A_51 : i32
      %scan3A_53 = arith.constant 1 : i32
      %scan3A_54 = scf.for %scan3A_105 = %scan3A_50 to %scan3A_52 step %scan3A_53 iter_args(%scan3A_106 = %scan3A_49) -> (i32)  : i32 {
        %mul3A_107 = arith.constant 2 : i32
        %mul3A_108 = arith.muli %mul3A_107, %scan3A_105 : i32
        %dma_wait3A_109 = arith.constant 0 : i32
        %dma_wait3A_110 = tpu.memref_slice %arg8[%mul3A_108, %dma_wait3A_109] : memref<8x125xi32, #tpu.memory_space<vmem>> -> memref<1x125xi32, #tpu.memory_space<vmem>>
        %dma_wait3A_111 = tpu.memref_squeeze %dma_wait3A_110 : memref<1x125xi32, #tpu.memory_space<vmem>> -> memref<125xi32, #tpu.memory_space<vmem>>
        %dma_wait3A_112 = arith.constant 0 : i32
        %dma_wait3A_113 = arith.constant 0 : i32
        %dma_wait3A_114 = tpu.memref_slice %arg2[%dma_wait3A_112, %dma_wait3A_113] : memref<10240x128xf32, #tpu.memory_space<hbm>> -> memref<10240x128xf32, #tpu.memory_space<hbm>>
        tpu.wait_indirect_dma semaphore(%arg14 : memref<!tpu.dma_semaphore, #tpu.memory_space<semaphore_mem>>) src(%dma_wait3A_114 : memref<10240x128xf32, #tpu.memory_space<hbm>>) dst(%arg12 : memref<125x128xf32, #tpu.memory_space<vmem>>)
        %dma_start3A_115 = arith.constant 0 : i32
        %dma_start3A_116 = tpu.memref_slice %arg10[%mul3A_108, %dma_start3A_115] : memref<8x125xi32, #tpu.memory_space<vmem>> -> memref<1x125xi32, #tpu.memory_space<vmem>>
        %dma_start3A_117 = tpu.memref_squeeze %dma_start3A_116 : memref<1x125xi32, #tpu.memory_space<vmem>> -> memref<125xi32, #tpu.memory_space<vmem>>
        %dma_start3A_118 = arith.constant 0 : i32
        %dma_start3A_119 = arith.constant 0 : i32
        %dma_start3A_120 = tpu.memref_slice %arg20[%dma_start3A_118, %dma_start3A_119] : memref<10240x128xf32, #tpu.memory_space<vmem_shared>> -> memref<10240x128xf32, #tpu.memory_space<vmem_shared>>
        tpu.enqueue_indirect_dma source(%arg12 : memref<125x128xf32, #tpu.memory_space<vmem>>) target(%dma_start3A_120 : memref<10240x128xf32, #tpu.memory_space<vmem_shared>>) offsets(%dma_start3A_117 : memref<125xi32, #tpu.memory_space<vmem>>) semaphore(%arg16 : memref<!tpu.dma_semaphore, #tpu.memory_space<semaphore_mem>>) {add = true}
        %gt3A = arith.constant 0 : i32
        %gt3A_121 = arith.cmpi sgt, %scan3A_105, %gt3A : i32
        %convert_element_type3A_122 = arith.extui %gt3A_121 : i1 to i32
        %cond3A_123 = arith.constant 0 : i32
        %cond3A_124 = arith.cmpi ne, %convert_element_type3A_122, %cond3A_123 : i32
        scf.if %cond3A_124 {
          %sub3A = arith.constant 1 : i32
          %sub3A_161 = arith.subi %mul3A_108, %sub3A : i32
          %dma_wait3A_162 = arith.constant 0 : i32
          %dma_wait3A_163 = tpu.memref_slice %arg10[%sub3A_161, %dma_wait3A_162] : memref<8x125xi32, #tpu.memory_space<vmem>> -> memref<1x125xi32, #tpu.memory_space<vmem>>
          %dma_wait3A_164 = tpu.memref_squeeze %dma_wait3A_163 : memref<1x125xi32, #tpu.memory_space<vmem>> -> memref<125xi32, #tpu.memory_space<vmem>>
          %dma_wait3A_165 = arith.constant 0 : i32
          %dma_wait3A_166 = arith.constant 0 : i32
          %dma_wait3A_167 = tpu.memref_slice %arg20[%dma_wait3A_165, %dma_wait3A_166] : memref<10240x128xf32, #tpu.memory_space<vmem_shared>> -> memref<10240x128xf32, #tpu.memory_space<vmem_shared>>
          tpu.wait_indirect_dma semaphore(%arg17 : memref<!tpu.dma_semaphore, #tpu.memory_space<semaphore_mem>>) src(%arg13 : memref<125x128xf32, #tpu.memory_space<vmem>>) dst(%dma_wait3A_167 : memref<10240x128xf32, #tpu.memory_space<vmem_shared>>)
        } else {
        }
        %add3A_125 = arith.constant 1 : i32
        %add3A_126 = arith.addi %mul3A_108, %add3A_125 : i32
        %dma_start3A_127 = arith.constant 0 : i32
        %dma_start3A_128 = tpu.memref_slice %arg8[%add3A_126, %dma_start3A_127] : memref<8x125xi32, #tpu.memory_space<vmem>> -> memref<1x125xi32, #tpu.memory_space<vmem>>
        %dma_start3A_129 = tpu.memref_squeeze %dma_start3A_128 : memref<1x125xi32, #tpu.memory_space<vmem>> -> memref<125xi32, #tpu.memory_space<vmem>>
        %dma_start3A_130 = arith.constant 0 : i32
        %dma_start3A_131 = arith.constant 0 : i32
        %dma_start3A_132 = tpu.memref_slice %arg2[%dma_start3A_130, %dma_start3A_131] : memref<10240x128xf32, #tpu.memory_space<hbm>> -> memref<10240x128xf32, #tpu.memory_space<hbm>>
        tpu.enqueue_indirect_dma source(%dma_start3A_132 : memref<10240x128xf32, #tpu.memory_space<hbm>>) target(%arg13 : memref<125x128xf32, #tpu.memory_space<vmem>>) offsets(%dma_start3A_129 : memref<125xi32, #tpu.memory_space<vmem>>) semaphore(%arg15 : memref<!tpu.dma_semaphore, #tpu.memory_space<semaphore_mem>>)
        %add3A_133 = arith.constant 1 : i32
        %add3A_134 = arith.addi %mul3A_108, %add3A_133 : i32
        %dma_wait3A_135 = arith.constant 0 : i32
        %dma_wait3A_136 = tpu.memref_slice %arg8[%add3A_134, %dma_wait3A_135] : memref<8x125xi32, #tpu.memory_space<vmem>> -> memref<1x125xi32, #tpu.memory_space<vmem>>
        %dma_wait3A_137 = tpu.memref_squeeze %dma_wait3A_136 : memref<1x125xi32, #tpu.memory_space<vmem>> -> memref<125xi32, #tpu.memory_space<vmem>>
        %dma_wait3A_138 = arith.constant 0 : i32
        %dma_wait3A_139 = arith.constant 0 : i32
        %dma_wait3A_140 = tpu.memref_slice %arg2[%dma_wait3A_138, %dma_wait3A_139] : memref<10240x128xf32, #tpu.memory_space<hbm>> -> memref<10240x128xf32, #tpu.memory_space<hbm>>
        tpu.wait_indirect_dma semaphore(%arg15 : memref<!tpu.dma_semaphore, #tpu.memory_space<semaphore_mem>>) src(%dma_wait3A_140 : memref<10240x128xf32, #tpu.memory_space<hbm>>) dst(%arg13 : memref<125x128xf32, #tpu.memory_space<vmem>>)
        %add3A_141 = arith.constant 1 : i32
        %add3A_142 = arith.addi %mul3A_108, %add3A_141 : i32
        %dma_start3A_143 = arith.constant 0 : i32
        %dma_start3A_144 = tpu.memref_slice %arg10[%add3A_142, %dma_start3A_143] : memref<8x125xi32, #tpu.memory_space<vmem>> -> memref<1x125xi32, #tpu.memory_space<vmem>>
        %dma_start3A_145 = tpu.memref_squeeze %dma_start3A_144 : memref<1x125xi32, #tpu.memory_space<vmem>> -> memref<125xi32, #tpu.memory_space<vmem>>
        %dma_start3A_146 = arith.constant 0 : i32
        %dma_start3A_147 = arith.constant 0 : i32
        %dma_start3A_148 = tpu.memref_slice %arg20[%dma_start3A_146, %dma_start3A_147] : memref<10240x128xf32, #tpu.memory_space<vmem_shared>> -> memref<10240x128xf32, #tpu.memory_space<vmem_shared>>
        tpu.enqueue_indirect_dma source(%arg13 : memref<125x128xf32, #tpu.memory_space<vmem>>) target(%dma_start3A_148 : memref<10240x128xf32, #tpu.memory_space<vmem_shared>>) offsets(%dma_start3A_145 : memref<125xi32, #tpu.memory_space<vmem>>) semaphore(%arg17 : memref<!tpu.dma_semaphore, #tpu.memory_space<semaphore_mem>>) {add = true}
        %dma_wait3A_149 = arith.constant 0 : i32
        %dma_wait3A_150 = tpu.memref_slice %arg10[%mul3A_108, %dma_wait3A_149] : memref<8x125xi32, #tpu.memory_space<vmem>> -> memref<1x125xi32, #tpu.memory_space<vmem>>
        %dma_wait3A_151 = tpu.memref_squeeze %dma_wait3A_150 : memref<1x125xi32, #tpu.memory_space<vmem>> -> memref<125xi32, #tpu.memory_space<vmem>>
        %dma_wait3A_152 = arith.constant 0 : i32
        %dma_wait3A_153 = arith.constant 0 : i32
        %dma_wait3A_154 = tpu.memref_slice %arg20[%dma_wait3A_152, %dma_wait3A_153] : memref<10240x128xf32, #tpu.memory_space<vmem_shared>> -> memref<10240x128xf32, #tpu.memory_space<vmem_shared>>
        tpu.wait_indirect_dma semaphore(%arg16 : memref<!tpu.dma_semaphore, #tpu.memory_space<semaphore_mem>>) src(%arg12 : memref<125x128xf32, #tpu.memory_space<vmem>>) dst(%dma_wait3A_154 : memref<10240x128xf32, #tpu.memory_space<vmem_shared>>)
        %lt3A_155 = arith.constant 3 : i32
        %lt3A_156 = arith.cmpi slt, %scan3A_105, %lt3A_155 : i32
        %convert_element_type3A_157 = arith.extui %lt3A_156 : i1 to i32
        %cond3A_158 = arith.constant 0 : i32
        %cond3A_159 = arith.cmpi ne, %convert_element_type3A_157, %cond3A_158 : i32
        scf.if %cond3A_159 {
          %add3A_161 = arith.constant 2 : i32
          %add3A_162 = arith.addi %mul3A_108, %add3A_161 : i32
          %dma_start3A_163 = arith.constant 0 : i32
          %dma_start3A_164 = tpu.memref_slice %arg8[%add3A_162, %dma_start3A_163] : memref<8x125xi32, #tpu.memory_space<vmem>> -> memref<1x125xi32, #tpu.memory_space<vmem>>
          %dma_start3A_165 = tpu.memref_squeeze %dma_start3A_164 : memref<1x125xi32, #tpu.memory_space<vmem>> -> memref<125xi32, #tpu.memory_space<vmem>>
          %dma_start3A_166 = arith.constant 0 : i32
          %dma_start3A_167 = arith.constant 0 : i32
          %dma_start3A_168 = tpu.memref_slice %arg2[%dma_start3A_166, %dma_start3A_167] : memref<10240x128xf32, #tpu.memory_space<hbm>> -> memref<10240x128xf32, #tpu.memory_space<hbm>>
          tpu.enqueue_indirect_dma source(%dma_start3A_168 : memref<10240x128xf32, #tpu.memory_space<hbm>>) target(%arg12 : memref<125x128xf32, #tpu.memory_space<vmem>>) offsets(%dma_start3A_165 : memref<125xi32, #tpu.memory_space<vmem>>) semaphore(%arg14 : memref<!tpu.dma_semaphore, #tpu.memory_space<semaphore_mem>>)
        } else {
        }
        %scan3A_160 = arith.constant 0 : i32
        scf.yield %scan3A_160 : i32
      }
      %scan3A_55 = arith.constant 4 : i32
      %dma_wait3A = arith.constant 7 : i32
      %dma_wait3A_56 = arith.constant 0 : i32
      %dma_wait3A_57 = tpu.memref_slice %arg10[%dma_wait3A, %dma_wait3A_56] : memref<8x125xi32, #tpu.memory_space<vmem>> -> memref<1x125xi32, #tpu.memory_space<vmem>>
      %dma_wait3A_58 = tpu.memref_squeeze %dma_wait3A_57 : memref<1x125xi32, #tpu.memory_space<vmem>> -> memref<125xi32, #tpu.memory_space<vmem>>
      %dma_wait3A_59 = arith.constant 0 : i32
      %dma_wait3A_60 = arith.constant 0 : i32
      %dma_wait3A_61 = tpu.memref_slice %arg20[%dma_wait3A_59, %dma_wait3A_60] : memref<10240x128xf32, #tpu.memory_space<vmem_shared>> -> memref<10240x128xf32, #tpu.memory_space<vmem_shared>>
      tpu.wait_indirect_dma semaphore(%arg17 : memref<!tpu.dma_semaphore, #tpu.memory_space<semaphore_mem>>) src(%arg13 : memref<125x128xf32, #tpu.memory_space<vmem>>) dst(%dma_wait3A_61 : memref<10240x128xf32, #tpu.memory_space<vmem_shared>>)
      %dma_wait3A_62 = arith.constant 0 : i32
      %dma_wait3A_63 = arith.constant 0 : i32
      %dma_wait3A_64 = tpu.memref_slice %arg4[%dma_wait3A_62, %dma_wait3A_63] : memref<2560x125xi32, #tpu.memory_space<hbm>> -> memref<8x125xi32, #tpu.memory_space<hbm>>
      %dma_wait3A_65 = arith.constant 0 : i32
      %dma_wait3A_66 = arith.constant 0 : i32
      %dma_wait3A_67 = tpu.memref_slice %arg4[%dma_wait3A_65, %dma_wait3A_66] : memref<2560x125xi32, #tpu.memory_space<hbm>> -> memref<8x125xi32, #tpu.memory_space<hbm>>
      tpu.wait_dma2 semaphore(%arg19 : memref<!tpu.dma_semaphore, #tpu.memory_space<semaphore_mem>>) src(%dma_wait3A_67 : memref<8x125xi32, #tpu.memory_space<hbm>>) dst(%arg9 : memref<8x125xi32, #tpu.memory_space<vmem>>)
      %dma_wait3A_68 = arith.constant 0 : i32
      %dma_wait3A_69 = arith.constant 0 : i32
      %dma_wait3A_70 = tpu.memref_slice %arg5[%dma_wait3A_68, %dma_wait3A_69] : memref<2560x125xi32, #tpu.memory_space<hbm>> -> memref<8x125xi32, #tpu.memory_space<hbm>>
      %dma_wait3A_71 = arith.constant 0 : i32
      %dma_wait3A_72 = arith.constant 0 : i32
      %dma_wait3A_73 = tpu.memref_slice %arg5[%dma_wait3A_71, %dma_wait3A_72] : memref<2560x125xi32, #tpu.memory_space<hbm>> -> memref<8x125xi32, #tpu.memory_space<hbm>>
      tpu.wait_dma2 semaphore(%arg19 : memref<!tpu.dma_semaphore, #tpu.memory_space<semaphore_mem>>) src(%dma_wait3A_73 : memref<8x125xi32, #tpu.memory_space<hbm>>) dst(%arg11 : memref<8x125xi32, #tpu.memory_space<vmem>>)
      %dma_start3A_74 = arith.constant 0 : i32
      %dma_start3A_75 = arith.constant 0 : i32
      %dma_start3A_76 = tpu.memref_slice %arg9[%dma_start3A_74, %dma_start3A_75] : memref<8x125xi32, #tpu.memory_space<vmem>> -> memref<1x125xi32, #tpu.memory_space<vmem>>
      %dma_start3A_77 = tpu.memref_squeeze %dma_start3A_76 : memref<1x125xi32, #tpu.memory_space<vmem>> -> memref<125xi32, #tpu.memory_space<vmem>>
      %dma_start3A_78 = arith.constant 0 : i32
      %dma_start3A_79 = arith.constant 0 : i32
      %dma_start3A_80 = tpu.memref_slice %arg2[%dma_start3A_78, %dma_start3A_79] : memref<10240x128xf32, #tpu.memory_space<hbm>> -> memref<10240x128xf32, #tpu.memory_space<hbm>>
      tpu.enqueue_indirect_dma source(%dma_start3A_80 : memref<10240x128xf32, #tpu.memory_space<hbm>>) target(%arg12 : memref<125x128xf32, #tpu.memory_space<vmem>>) offsets(%dma_start3A_77 : memref<125xi32, #tpu.memory_space<vmem>>) semaphore(%arg14 : memref<!tpu.dma_semaphore, #tpu.memory_space<semaphore_mem>>)
      %lt3A = arith.constant 4 : i32
      %lt3A_81 = arith.cmpi slt, %scan3A_45, %lt3A : i32
      %convert_element_type3A_82 = arith.extui %lt3A_81 : i1 to i32
      %cond3A_83 = arith.constant 0 : i32
      %cond3A_84 = arith.cmpi ne, %convert_element_type3A_82, %cond3A_83 : i32
      scf.if %cond3A_84 {
        %add3A_105 = arith.constant 2 : i32
        %add3A_106 = arith.addi %mul3A_48, %add3A_105 : i32
        %mul3A_107 = arith.constant 8 : i32
        %mul3A_108 = arith.muli %add3A_106, %mul3A_107 : i32
        %add3A_109 = arith.addi %mul3A_11, %mul3A_108 : i32
        %dma_start3A_110 = arith.constant 0 : i32
        %dma_start3A_111 = tpu.memref_slice %arg4[%add3A_109, %dma_start3A_110] : memref<2560x125xi32, #tpu.memory_space<hbm>> -> memref<8x125xi32, #tpu.memory_space<hbm>>
        %dma_start3A_112 = arith.constant 0 : i32
        %dma_start3A_113 = tpu.memref_slice %arg4[%add3A_109, %dma_start3A_112] : memref<2560x125xi32, #tpu.memory_space<hbm>> -> memref<8x125xi32, #tpu.memory_space<hbm>>
        tpu.enqueue_dma source(%dma_start3A_113 : memref<8x125xi32, #tpu.memory_space<hbm>>) target(%arg8 : memref<8x125xi32, #tpu.memory_space<vmem>>) target_semaphore(%arg18 : memref<!tpu.dma_semaphore, #tpu.memory_space<semaphore_mem>>)
        %dma_start3A_114 = arith.constant 0 : i32
        %dma_start3A_115 = tpu.memref_slice %arg5[%add3A_109, %dma_start3A_114] : memref<2560x125xi32, #tpu.memory_space<hbm>> -> memref<8x125xi32, #tpu.memory_space<hbm>>
        %dma_start3A_116 = arith.constant 0 : i32
        %dma_start3A_117 = tpu.memref_slice %arg5[%add3A_109, %dma_start3A_116] : memref<2560x125xi32, #tpu.memory_space<hbm>> -> memref<8x125xi32, #tpu.memory_space<hbm>>
        tpu.enqueue_dma source(%dma_start3A_117 : memref<8x125xi32, #tpu.memory_space<hbm>>) target(%arg10 : memref<8x125xi32, #tpu.memory_space<vmem>>) target_semaphore(%arg18 : memref<!tpu.dma_semaphore, #tpu.memory_space<semaphore_mem>>)
      } else {
      }
      %scan3A_85 = arith.constant 0 : i32
      %scan3A_86 = arith.constant 0 : i32
      %scan3A_87 = arith.constant 4 : i32
      %scan3A_88 = arith.addi %scan3A_86, %scan3A_87 : i32
      %scan3A_89 = arith.constant 1 : i32
      %scan3A_90 = scf.for %scan3A_105 = %scan3A_86 to %scan3A_88 step %scan3A_89 iter_args(%scan3A_106 = %scan3A_85) -> (i32)  : i32 {
        %mul3A_107 = arith.constant 2 : i32
        %mul3A_108 = arith.muli %mul3A_107, %scan3A_105 : i32
        %dma_wait3A_109 = arith.constant 0 : i32
        %dma_wait3A_110 = tpu.memref_slice %arg9[%mul3A_108, %dma_wait3A_109] : memref<8x125xi32, #tpu.memory_space<vmem>> -> memref<1x125xi32, #tpu.memory_space<vmem>>
        %dma_wait3A_111 = tpu.memref_squeeze %dma_wait3A_110 : memref<1x125xi32, #tpu.memory_space<vmem>> -> memref<125xi32, #tpu.memory_space<vmem>>
        %dma_wait3A_112 = arith.constant 0 : i32
        %dma_wait3A_113 = arith.constant 0 : i32
        %dma_wait3A_114 = tpu.memref_slice %arg2[%dma_wait3A_112, %dma_wait3A_113] : memref<10240x128xf32, #tpu.memory_space<hbm>> -> memref<10240x128xf32, #tpu.memory_space<hbm>>
        tpu.wait_indirect_dma semaphore(%arg14 : memref<!tpu.dma_semaphore, #tpu.memory_space<semaphore_mem>>) src(%dma_wait3A_114 : memref<10240x128xf32, #tpu.memory_space<hbm>>) dst(%arg12 : memref<125x128xf32, #tpu.memory_space<vmem>>)
        %dma_start3A_115 = arith.constant 0 : i32
        %dma_start3A_116 = tpu.memref_slice %arg11[%mul3A_108, %dma_start3A_115] : memref<8x125xi32, #tpu.memory_space<vmem>> -> memref<1x125xi32, #tpu.memory_space<vmem>>
        %dma_start3A_117 = tpu.memref_squeeze %dma_start3A_116 : memref<1x125xi32, #tpu.memory_space<vmem>> -> memref<125xi32, #tpu.memory_space<vmem>>
        %dma_start3A_118 = arith.constant 0 : i32
        %dma_start3A_119 = arith.constant 0 : i32
        %dma_start3A_120 = tpu.memref_slice %arg20[%dma_start3A_118, %dma_start3A_119] : memref<10240x128xf32, #tpu.memory_space<vmem_shared>> -> memref<10240x128xf32, #tpu.memory_space<vmem_shared>>
        tpu.enqueue_indirect_dma source(%arg12 : memref<125x128xf32, #tpu.memory_space<vmem>>) target(%dma_start3A_120 : memref<10240x128xf32, #tpu.memory_space<vmem_shared>>) offsets(%dma_start3A_117 : memref<125xi32, #tpu.memory_space<vmem>>) semaphore(%arg16 : memref<!tpu.dma_semaphore, #tpu.memory_space<semaphore_mem>>) {add = true}
        %gt3A = arith.constant 0 : i32
        %gt3A_121 = arith.cmpi sgt, %scan3A_105, %gt3A : i32
        %convert_element_type3A_122 = arith.extui %gt3A_121 : i1 to i32
        %cond3A_123 = arith.constant 0 : i32
        %cond3A_124 = arith.cmpi ne, %convert_element_type3A_122, %cond3A_123 : i32
        scf.if %cond3A_124 {
          %sub3A = arith.constant 1 : i32
          %sub3A_161 = arith.subi %mul3A_108, %sub3A : i32
          %dma_wait3A_162 = arith.constant 0 : i32
          %dma_wait3A_163 = tpu.memref_slice %arg11[%sub3A_161, %dma_wait3A_162] : memref<8x125xi32, #tpu.memory_space<vmem>> -> memref<1x125xi32, #tpu.memory_space<vmem>>
          %dma_wait3A_164 = tpu.memref_squeeze %dma_wait3A_163 : memref<1x125xi32, #tpu.memory_space<vmem>> -> memref<125xi32, #tpu.memory_space<vmem>>
          %dma_wait3A_165 = arith.constant 0 : i32
          %dma_wait3A_166 = arith.constant 0 : i32
          %dma_wait3A_167 = tpu.memref_slice %arg20[%dma_wait3A_165, %dma_wait3A_166] : memref<10240x128xf32, #tpu.memory_space<vmem_shared>> -> memref<10240x128xf32, #tpu.memory_space<vmem_shared>>
          tpu.wait_indirect_dma semaphore(%arg17 : memref<!tpu.dma_semaphore, #tpu.memory_space<semaphore_mem>>) src(%arg13 : memref<125x128xf32, #tpu.memory_space<vmem>>) dst(%dma_wait3A_167 : memref<10240x128xf32, #tpu.memory_space<vmem_shared>>)
        } else {
        }
        %add3A_125 = arith.constant 1 : i32
        %add3A_126 = arith.addi %mul3A_108, %add3A_125 : i32
        %dma_start3A_127 = arith.constant 0 : i32
        %dma_start3A_128 = tpu.memref_slice %arg9[%add3A_126, %dma_start3A_127] : memref<8x125xi32, #tpu.memory_space<vmem>> -> memref<1x125xi32, #tpu.memory_space<vmem>>
        %dma_start3A_129 = tpu.memref_squeeze %dma_start3A_128 : memref<1x125xi32, #tpu.memory_space<vmem>> -> memref<125xi32, #tpu.memory_space<vmem>>
        %dma_start3A_130 = arith.constant 0 : i32
        %dma_start3A_131 = arith.constant 0 : i32
        %dma_start3A_132 = tpu.memref_slice %arg2[%dma_start3A_130, %dma_start3A_131] : memref<10240x128xf32, #tpu.memory_space<hbm>> -> memref<10240x128xf32, #tpu.memory_space<hbm>>
        tpu.enqueue_indirect_dma source(%dma_start3A_132 : memref<10240x128xf32, #tpu.memory_space<hbm>>) target(%arg13 : memref<125x128xf32, #tpu.memory_space<vmem>>) offsets(%dma_start3A_129 : memref<125xi32, #tpu.memory_space<vmem>>) semaphore(%arg15 : memref<!tpu.dma_semaphore, #tpu.memory_space<semaphore_mem>>)
        %add3A_133 = arith.constant 1 : i32
        %add3A_134 = arith.addi %mul3A_108, %add3A_133 : i32
        %dma_wait3A_135 = arith.constant 0 : i32
        %dma_wait3A_136 = tpu.memref_slice %arg9[%add3A_134, %dma_wait3A_135] : memref<8x125xi32, #tpu.memory_space<vmem>> -> memref<1x125xi32, #tpu.memory_space<vmem>>
        %dma_wait3A_137 = tpu.memref_squeeze %dma_wait3A_136 : memref<1x125xi32, #tpu.memory_space<vmem>> -> memref<125xi32, #tpu.memory_space<vmem>>
        %dma_wait3A_138 = arith.constant 0 : i32
        %dma_wait3A_139 = arith.constant 0 : i32
        %dma_wait3A_140 = tpu.memref_slice %arg2[%dma_wait3A_138, %dma_wait3A_139] : memref<10240x128xf32, #tpu.memory_space<hbm>> -> memref<10240x128xf32, #tpu.memory_space<hbm>>
        tpu.wait_indirect_dma semaphore(%arg15 : memref<!tpu.dma_semaphore, #tpu.memory_space<semaphore_mem>>) src(%dma_wait3A_140 : memref<10240x128xf32, #tpu.memory_space<hbm>>) dst(%arg13 : memref<125x128xf32, #tpu.memory_space<vmem>>)
        %add3A_141 = arith.constant 1 : i32
        %add3A_142 = arith.addi %mul3A_108, %add3A_141 : i32
        %dma_start3A_143 = arith.constant 0 : i32
        %dma_start3A_144 = tpu.memref_slice %arg11[%add3A_142, %dma_start3A_143] : memref<8x125xi32, #tpu.memory_space<vmem>> -> memref<1x125xi32, #tpu.memory_space<vmem>>
        %dma_start3A_145 = tpu.memref_squeeze %dma_start3A_144 : memref<1x125xi32, #tpu.memory_space<vmem>> -> memref<125xi32, #tpu.memory_space<vmem>>
        %dma_start3A_146 = arith.constant 0 : i32
        %dma_start3A_147 = arith.constant 0 : i32
        %dma_start3A_148 = tpu.memref_slice %arg20[%dma_start3A_146, %dma_start3A_147] : memref<10240x128xf32, #tpu.memory_space<vmem_shared>> -> memref<10240x128xf32, #tpu.memory_space<vmem_shared>>
        tpu.enqueue_indirect_dma source(%arg13 : memref<125x128xf32, #tpu.memory_space<vmem>>) target(%dma_start3A_148 : memref<10240x128xf32, #tpu.memory_space<vmem_shared>>) offsets(%dma_start3A_145 : memref<125xi32, #tpu.memory_space<vmem>>) semaphore(%arg17 : memref<!tpu.dma_semaphore, #tpu.memory_space<semaphore_mem>>) {add = true}
        %dma_wait3A_149 = arith.constant 0 : i32
        %dma_wait3A_150 = tpu.memref_slice %arg11[%mul3A_108, %dma_wait3A_149] : memref<8x125xi32, #tpu.memory_space<vmem>> -> memref<1x125xi32, #tpu.memory_space<vmem>>
        %dma_wait3A_151 = tpu.memref_squeeze %dma_wait3A_150 : memref<1x125xi32, #tpu.memory_space<vmem>> -> memref<125xi32, #tpu.memory_space<vmem>>
        %dma_wait3A_152 = arith.constant 0 : i32
        %dma_wait3A_153 = arith.constant 0 : i32
        %dma_wait3A_154 = tpu.memref_slice %arg20[%dma_wait3A_152, %dma_wait3A_153] : memref<10240x128xf32, #tpu.memory_space<vmem_shared>> -> memref<10240x128xf32, #tpu.memory_space<vmem_shared>>
        tpu.wait_indirect_dma semaphore(%arg16 : memref<!tpu.dma_semaphore, #tpu.memory_space<semaphore_mem>>) src(%arg12 : memref<125x128xf32, #tpu.memory_space<vmem>>) dst(%dma_wait3A_154 : memref<10240x128xf32, #tpu.memory_space<vmem_shared>>)
        %lt3A_155 = arith.constant 3 : i32
        %lt3A_156 = arith.cmpi slt, %scan3A_105, %lt3A_155 : i32
        %convert_element_type3A_157 = arith.extui %lt3A_156 : i1 to i32
        %cond3A_158 = arith.constant 0 : i32
        %cond3A_159 = arith.cmpi ne, %convert_element_type3A_157, %cond3A_158 : i32
        scf.if %cond3A_159 {
          %add3A_161 = arith.constant 2 : i32
          %add3A_162 = arith.addi %mul3A_108, %add3A_161 : i32
          %dma_start3A_163 = arith.constant 0 : i32
          %dma_start3A_164 = tpu.memref_slice %arg9[%add3A_162, %dma_start3A_163] : memref<8x125xi32, #tpu.memory_space<vmem>> -> memref<1x125xi32, #tpu.memory_space<vmem>>
          %dma_start3A_165 = tpu.memref_squeeze %dma_start3A_164 : memref<1x125xi32, #tpu.memory_space<vmem>> -> memref<125xi32, #tpu.memory_space<vmem>>
          %dma_start3A_166 = arith.constant 0 : i32
          %dma_start3A_167 = arith.constant 0 : i32
          %dma_start3A_168 = tpu.memref_slice %arg2[%dma_start3A_166, %dma_start3A_167] : memref<10240x128xf32, #tpu.memory_space<hbm>> -> memref<10240x128xf32, #tpu.memory_space<hbm>>
          tpu.enqueue_indirect_dma source(%dma_start3A_168 : memref<10240x128xf32, #tpu.memory_space<hbm>>) target(%arg12 : memref<125x128xf32, #tpu.memory_space<vmem>>) offsets(%dma_start3A_165 : memref<125xi32, #tpu.memory_space<vmem>>) semaphore(%arg14 : memref<!tpu.dma_semaphore, #tpu.memory_space<semaphore_mem>>)
        } else {
        }
        %scan3A_160 = arith.constant 0 : i32
        scf.yield %scan3A_160 : i32
      }
      %scan3A_91 = arith.constant 4 : i32
      %dma_wait3A_92 = arith.constant 7 : i32
      %dma_wait3A_93 = arith.constant 0 : i32
      %dma_wait3A_94 = tpu.memref_slice %arg11[%dma_wait3A_92, %dma_wait3A_93] : memref<8x125xi32, #tpu.memory_space<vmem>> -> memref<1x125xi32, #tpu.memory_space<vmem>>
      %dma_wait3A_95 = tpu.memref_squeeze %dma_wait3A_94 : memref<1x125xi32, #tpu.memory_space<vmem>> -> memref<125xi32, #tpu.memory_space<vmem>>
      %dma_wait3A_96 = arith.constant 0 : i32
      %dma_wait3A_97 = arith.constant 0 : i32
      %dma_wait3A_98 = tpu.memref_slice %arg20[%dma_wait3A_96, %dma_wait3A_97] : memref<10240x128xf32, #tpu.memory_space<vmem_shared>> -> memref<10240x128xf32, #tpu.memory_space<vmem_shared>>
      tpu.wait_indirect_dma semaphore(%arg17 : memref<!tpu.dma_semaphore, #tpu.memory_space<semaphore_mem>>) src(%arg13 : memref<125x128xf32, #tpu.memory_space<vmem>>) dst(%dma_wait3A_98 : memref<10240x128xf32, #tpu.memory_space<vmem_shared>>)
      %lt3A_99 = arith.constant 4 : i32
      %lt3A_100 = arith.cmpi slt, %scan3A_45, %lt3A_99 : i32
      %convert_element_type3A_101 = arith.extui %lt3A_100 : i1 to i32
      %cond3A_102 = arith.constant 0 : i32
      %cond3A_103 = arith.cmpi ne, %convert_element_type3A_101, %cond3A_102 : i32
      scf.if %cond3A_103 {
        %dma_wait3A_105 = arith.constant 0 : i32
        %dma_wait3A_106 = arith.constant 0 : i32
        %dma_wait3A_107 = tpu.memref_slice %arg4[%dma_wait3A_105, %dma_wait3A_106] : memref<2560x125xi32, #tpu.memory_space<hbm>> -> memref<8x125xi32, #tpu.memory_space<hbm>>
        %dma_wait3A_108 = arith.constant 0 : i32
        %dma_wait3A_109 = arith.constant 0 : i32
        %dma_wait3A_110 = tpu.memref_slice %arg4[%dma_wait3A_108, %dma_wait3A_109] : memref<2560x125xi32, #tpu.memory_space<hbm>> -> memref<8x125xi32, #tpu.memory_space<hbm>>
        tpu.wait_dma2 semaphore(%arg18 : memref<!tpu.dma_semaphore, #tpu.memory_space<semaphore_mem>>) src(%dma_wait3A_110 : memref<8x125xi32, #tpu.memory_space<hbm>>) dst(%arg8 : memref<8x125xi32, #tpu.memory_space<vmem>>)
        %dma_wait3A_111 = arith.constant 0 : i32
        %dma_wait3A_112 = arith.constant 0 : i32
        %dma_wait3A_113 = tpu.memref_slice %arg5[%dma_wait3A_111, %dma_wait3A_112] : memref<2560x125xi32, #tpu.memory_space<hbm>> -> memref<8x125xi32, #tpu.memory_space<hbm>>
        %dma_wait3A_114 = arith.constant 0 : i32
        %dma_wait3A_115 = arith.constant 0 : i32
        %dma_wait3A_116 = tpu.memref_slice %arg5[%dma_wait3A_114, %dma_wait3A_115] : memref<2560x125xi32, #tpu.memory_space<hbm>> -> memref<8x125xi32, #tpu.memory_space<hbm>>
        tpu.wait_dma2 semaphore(%arg18 : memref<!tpu.dma_semaphore, #tpu.memory_space<semaphore_mem>>) src(%dma_wait3A_116 : memref<8x125xi32, #tpu.memory_space<hbm>>) dst(%arg10 : memref<8x125xi32, #tpu.memory_space<vmem>>)
        %dma_start3A_117 = arith.constant 0 : i32
        %dma_start3A_118 = arith.constant 0 : i32
        %dma_start3A_119 = tpu.memref_slice %arg8[%dma_start3A_117, %dma_start3A_118] : memref<8x125xi32, #tpu.memory_space<vmem>> -> memref<1x125xi32, #tpu.memory_space<vmem>>
        %dma_start3A_120 = tpu.memref_squeeze %dma_start3A_119 : memref<1x125xi32, #tpu.memory_space<vmem>> -> memref<125xi32, #tpu.memory_space<vmem>>
        %dma_start3A_121 = arith.constant 0 : i32
        %dma_start3A_122 = arith.constant 0 : i32
        %dma_start3A_123 = tpu.memref_slice %arg2[%dma_start3A_121, %dma_start3A_122] : memref<10240x128xf32, #tpu.memory_space<hbm>> -> memref<10240x128xf32, #tpu.memory_space<hbm>>
        tpu.enqueue_indirect_dma source(%dma_start3A_123 : memref<10240x128xf32, #tpu.memory_space<hbm>>) target(%arg12 : memref<125x128xf32, #tpu.memory_space<vmem>>) offsets(%dma_start3A_120 : memref<125xi32, #tpu.memory_space<vmem>>) semaphore(%arg14 : memref<!tpu.dma_semaphore, #tpu.memory_space<semaphore_mem>>)
        %add3A_124 = arith.constant 3 : i32
        %add3A_125 = arith.addi %mul3A_48, %add3A_124 : i32
        %mul3A_126 = arith.constant 8 : i32
        %mul3A_127 = arith.muli %add3A_125, %mul3A_126 : i32
        %add3A_128 = arith.addi %mul3A_11, %mul3A_127 : i32
        %dma_start3A_129 = arith.constant 0 : i32
        %dma_start3A_130 = tpu.memref_slice %arg4[%add3A_128, %dma_start3A_129] : memref<2560x125xi32, #tpu.memory_space<hbm>> -> memref<8x125xi32, #tpu.memory_space<hbm>>
        %dma_start3A_131 = arith.constant 0 : i32
        %dma_start3A_132 = tpu.memref_slice %arg4[%add3A_128, %dma_start3A_131] : memref<2560x125xi32, #tpu.memory_space<hbm>> -> memref<8x125xi32, #tpu.memory_space<hbm>>
        tpu.enqueue_dma source(%dma_start3A_132 : memref<8x125xi32, #tpu.memory_space<hbm>>) target(%arg9 : memref<8x125xi32, #tpu.memory_space<vmem>>) target_semaphore(%arg19 : memref<!tpu.dma_semaphore, #tpu.memory_space<semaphore_mem>>)
        %dma_start3A_133 = arith.constant 0 : i32
        %dma_start3A_134 = tpu.memref_slice %arg5[%add3A_128, %dma_start3A_133] : memref<2560x125xi32, #tpu.memory_space<hbm>> -> memref<8x125xi32, #tpu.memory_space<hbm>>
        %dma_start3A_135 = arith.constant 0 : i32
        %dma_start3A_136 = tpu.memref_slice %arg5[%add3A_128, %dma_start3A_135] : memref<2560x125xi32, #tpu.memory_space<hbm>> -> memref<8x125xi32, #tpu.memory_space<hbm>>
        tpu.enqueue_dma source(%dma_start3A_136 : memref<8x125xi32, #tpu.memory_space<hbm>>) target(%arg11 : memref<8x125xi32, #tpu.memory_space<vmem>>) target_semaphore(%arg19 : memref<!tpu.dma_semaphore, #tpu.memory_space<semaphore_mem>>)
      } else {
      }
      %scan3A_104 = arith.constant 0 : i32
      scf.yield %scan3A_104 : i32
    }
    %scan3A_33 = arith.constant 5 : i32
    %barrier3A_34 = arith.constant 0 : index
    tpu.barrier barrier_id(%barrier3A_34)
    %eq3A_35 = arith.constant 0 : i32
    %eq3A_36 = arith.cmpi eq, %arg0, %eq3A_35 : i32
    %convert_element_type3A_37 = arith.extui %eq3A_36 : i1 to i32
    %cond3A_38 = arith.constant 0 : i32
    %cond3A_39 = arith.cmpi ne, %convert_element_type3A_37, %cond3A_38 : i32
    scf.if %cond3A_39 {
      "tpu.region"() ({
        %run_scoped3A = tpu.sem_alloc : memref<!tpu.dma_semaphore, #tpu.memory_space<semaphore_mem>>
        %dma_start3A_45 = arith.constant 0 : i32
        %dma_start3A_46 = tpu.memref_slice %arg6[%mul3A_0, %dma_start3A_45] : memref<10240x128xf32, #tpu.memory_space<hbm>> -> memref<640x128xf32, #tpu.memory_space<hbm>>
        %dma_start3A_47 = arith.constant 0 : i32
        %dma_start3A_48 = tpu.memref_slice %arg20[%mul3A_0, %dma_start3A_47] : memref<10240x128xf32, #tpu.memory_space<vmem_shared>> -> memref<640x128xf32, #tpu.memory_space<vmem_shared>>
        tpu.enqueue_dma source(%dma_start3A_48 : memref<640x128xf32, #tpu.memory_space<vmem_shared>>) target(%dma_start3A_46 : memref<640x128xf32, #tpu.memory_space<hbm>>) target_semaphore(%run_scoped3A : memref<!tpu.dma_semaphore, #tpu.memory_space<semaphore_mem>>)
        %dma_wait3A = arith.constant 0 : i32
        %dma_wait3A_49 = tpu.memref_slice %arg6[%mul3A_0, %dma_wait3A] : memref<10240x128xf32, #tpu.memory_space<hbm>> -> memref<640x128xf32, #tpu.memory_space<hbm>>
        %dma_wait3A_50 = arith.constant 0 : i32
        %dma_wait3A_51 = tpu.memref_slice %arg20[%mul3A_0, %dma_wait3A_50] : memref<10240x128xf32, #tpu.memory_space<vmem_shared>> -> memref<640x128xf32, #tpu.memory_space<vmem_shared>>
        tpu.wait_dma2 semaphore(%run_scoped3A : memref<!tpu.dma_semaphore, #tpu.memory_space<semaphore_mem>>) src(%dma_wait3A_51 : memref<640x128xf32, #tpu.memory_space<vmem_shared>>) dst(%dma_wait3A_49 : memref<640x128xf32, #tpu.memory_space<hbm>>)
        tpu.yield
      }) : () -> ()
    } else {
    }
    %eq3A_40 = arith.constant 1 : i32
    %eq3A_41 = arith.cmpi eq, %arg0, %eq3A_40 : i32
    %convert_element_type3A_42 = arith.extui %eq3A_41 : i1 to i32
    %cond3A_43 = arith.constant 0 : i32
    %cond3A_44 = arith.cmpi ne, %convert_element_type3A_42, %cond3A_43 : i32
    scf.if %cond3A_44 {
      "tpu.region"() ({
        %run_scoped3A = tpu.sem_alloc : memref<!tpu.dma_semaphore, #tpu.memory_space<semaphore_mem>>
        %dma_start3A_45 = arith.constant 0 : i32
        %dma_start3A_46 = tpu.memref_slice %arg7[%mul3A_0, %dma_start3A_45] : memref<10240x128xf32, #tpu.memory_space<hbm>> -> memref<640x128xf32, #tpu.memory_space<hbm>>
        %dma_start3A_47 = arith.constant 0 : i32
        %dma_start3A_48 = tpu.memref_slice %arg20[%mul3A_0, %dma_start3A_47] : memref<10240x128xf32, #tpu.memory_space<vmem_shared>> -> memref<640x128xf32, #tpu.memory_space<vmem_shared>>
        tpu.enqueue_dma source(%dma_start3A_48 : memref<640x128xf32, #tpu.memory_space<vmem_shared>>) target(%dma_start3A_46 : memref<640x128xf32, #tpu.memory_space<hbm>>) target_semaphore(%run_scoped3A : memref<!tpu.dma_semaphore, #tpu.memory_space<semaphore_mem>>)
        %dma_wait3A = arith.constant 0 : i32
        %dma_wait3A_49 = tpu.memref_slice %arg7[%mul3A_0, %dma_wait3A] : memref<10240x128xf32, #tpu.memory_space<hbm>> -> memref<640x128xf32, #tpu.memory_space<hbm>>
        %dma_wait3A_50 = arith.constant 0 : i32
        %dma_wait3A_51 = tpu.memref_slice %arg20[%mul3A_0, %dma_wait3A_50] : memref<10240x128xf32, #tpu.memory_space<vmem_shared>> -> memref<640x128xf32, #tpu.memory_space<vmem_shared>>
        tpu.wait_dma2 semaphore(%run_scoped3A : memref<!tpu.dma_semaphore, #tpu.memory_space<semaphore_mem>>) src(%dma_wait3A_51 : memref<640x128xf32, #tpu.memory_space<vmem_shared>>) dst(%dma_wait3A_49 : memref<640x128xf32, #tpu.memory_space<hbm>>)
        tpu.yield
      }) : () -> ()
    } else {
    }
    return
  }
}

module attributes {stable_mosaic.version = 14 : i64} {
  func.func @body(%arg0: i32, %arg1: memref<2000x128xf32, #tpu.memory_space<vmem>>, %arg2: memref<2000x128xf32, #tpu.memory_space<vmem>>, %arg3: memref<2000x2xf32, #tpu.memory_space<vmem>>, %arg4: memref<128x128xf32, #tpu.memory_space<vmem>>, %arg5: memref<128x128xf32, #tpu.memory_space<vmem>>, %arg6: memref<128x128xf32, #tpu.memory_space<vmem>>, %arg7: memref<128x128xf32, #tpu.memory_space<vmem>>, %arg8: memref<2000x128xf32, #tpu.memory_space<vmem>>, %arg9: memref<2000x128xf32, #tpu.memory_space<vmem>>) attributes {dimension_semantics = [#tpu.dimension_semantics<arbitrary>], iteration_bounds = array<i64: 5>, scalar_prefetch = 0 : i64, scratch_operands = 0 : i64, tpu.core_type = #tpu.core_type<tc>, window_params = [{transform_indices = @transform_0, window_bounds = array<i64: 2000, 128>}, {transform_indices = @transform_1, window_bounds = array<i64: 2000, 128>}, {transform_indices = @transform_2, window_bounds = array<i64: 2000, 2>}, {pipeline_mode = #tpu.pipeline_mode<synchronous>, transform_indices = @transform_3, window_bounds = array<i64: 128, 128>}, {pipeline_mode = #tpu.pipeline_mode<synchronous>, transform_indices = @transform_4, window_bounds = array<i64: 128, 128>}, {pipeline_mode = #tpu.pipeline_mode<synchronous>, transform_indices = @transform_5, window_bounds = array<i64: 128, 128>}, {pipeline_mode = #tpu.pipeline_mode<synchronous>, transform_indices = @transform_6, window_bounds = array<i64: 128, 128>}, {transform_indices = @transform_7, window_bounds = array<i64: 2000, 128>}, {transform_indices = @transform_8, window_bounds = array<i64: 2000, 128>}]} {
    %get3A = arith.constant 0 : index
    %get3A_0 = arith.constant 0 : index
    %get3A_1 = vector.load %arg3[%get3A, %get3A_0] : memref<2000x2xf32, #tpu.memory_space<vmem>>, vector<2000x2xf32>
    %slice3A = vector.extract_strided_slice %get3A_1 {offsets = [0, 0], sizes = [2000, 1], strides = [1, 1]} : vector<2000x2xf32> to vector<2000x1xf32>
    %slice3A_2 = vector.extract_strided_slice %get3A_1 {offsets = [0, 1], sizes = [2000, 1], strides = [1, 1]} : vector<2000x2xf32> to vector<2000x1xf32>
    %add3A = arith.addf %slice3A, %slice3A_2 : vector<2000x1xf32>
    %add3A_3 = arith.constant 1.000000e+00 : f32
    %add3A_4 = vector.broadcast %add3A_3 : f32 to vector<2000x1xf32>
    %add3A_5 = arith.addf %add3A, %add3A_4 : vector<2000x1xf32>
    %rsqrt3A = math.rsqrt %add3A_5 : vector<2000x1xf32>
    %get3A_6 = arith.constant 0 : index
    %get3A_7 = arith.constant 0 : index
    %get3A_8 = vector.load %arg1[%get3A_6, %get3A_7] : memref<2000x128xf32, #tpu.memory_space<vmem>>, vector<2000x128xf32>
    %get3A_9 = arith.constant 0 : index
    %get3A_10 = arith.constant 0 : index
    %get3A_11 = vector.load %arg2[%get3A_9, %get3A_10] : memref<2000x128xf32, #tpu.memory_space<vmem>>, vector<2000x128xf32>
    %get3A_12 = arith.constant 0 : index
    %get3A_13 = arith.constant 0 : index
    %get3A_14 = vector.load %arg4[%get3A_12, %get3A_13] : memref<128x128xf32, #tpu.memory_space<vmem>>, vector<128x128xf32>
    %dot_general3A = arith.constant dense<0.000000e+00> : vector<2000x128xf32>
    %dot_general3A_15 = tpu.matmul %get3A_8, %get3A_14, %dot_general3A {dimension_numbers = #tpu.dot_dimension_numbers<[1], [0], [0], [1], [0, 0, 1, 1], [], []>, transpose_lhs_hint = false} : vector<2000x128xf32>, vector<128x128xf32>, vector<2000x128xf32> -> vector<2000x128xf32>
    %get3A_16 = arith.constant 0 : index
    %get3A_17 = arith.constant 0 : index
    %get3A_18 = vector.load %arg5[%get3A_16, %get3A_17] : memref<128x128xf32, #tpu.memory_space<vmem>>, vector<128x128xf32>
    %dot_general3A_19 = arith.constant dense<0.000000e+00> : vector<2000x128xf32>
    %dot_general3A_20 = tpu.matmul %get3A_11, %get3A_18, %dot_general3A_19 {dimension_numbers = #tpu.dot_dimension_numbers<[1], [0], [0], [1], [0, 0, 1, 1], [], []>, transpose_lhs_hint = false} : vector<2000x128xf32>, vector<128x128xf32>, vector<2000x128xf32> -> vector<2000x128xf32>
    %add3A_21 = arith.addf %dot_general3A_15, %dot_general3A_20 : vector<2000x128xf32>
    %mul3A = vector.broadcast %rsqrt3A : vector<2000x1xf32> to vector<2000x128xf32>
    %mul3A_22 = arith.mulf %mul3A, %add3A_21 : vector<2000x128xf32>
    %swap3A = arith.constant 0 : index
    %swap3A_23 = arith.constant 0 : index
    %swap3A_24 = vector.load %arg8[%swap3A, %swap3A_23] : memref<2000x128xf32, #tpu.memory_space<vmem>>, vector<2000x128xf32>
    tpu.vector_store %arg8[%swap3A, %swap3A_23], %mul3A_22 {strides = array<i32>} : memref<2000x128xf32, #tpu.memory_space<vmem>>, vector<2000x128xf32>,
    %get3A_25 = arith.constant 0 : index
    %get3A_26 = arith.constant 0 : index
    %get3A_27 = vector.load %arg6[%get3A_25, %get3A_26] : memref<128x128xf32, #tpu.memory_space<vmem>>, vector<128x128xf32>
    %dot_general3A_28 = arith.constant dense<0.000000e+00> : vector<2000x128xf32>
    %dot_general3A_29 = tpu.matmul %get3A_8, %get3A_27, %dot_general3A_28 {dimension_numbers = #tpu.dot_dimension_numbers<[1], [0], [0], [1], [0, 0, 1, 1], [], []>, transpose_lhs_hint = false} : vector<2000x128xf32>, vector<128x128xf32>, vector<2000x128xf32> -> vector<2000x128xf32>
    %get3A_30 = arith.constant 0 : index
    %get3A_31 = arith.constant 0 : index
    %get3A_32 = vector.load %arg7[%get3A_30, %get3A_31] : memref<128x128xf32, #tpu.memory_space<vmem>>, vector<128x128xf32>
    %dot_general3A_33 = arith.constant dense<0.000000e+00> : vector<2000x128xf32>
    %dot_general3A_34 = tpu.matmul %get3A_11, %get3A_32, %dot_general3A_33 {dimension_numbers = #tpu.dot_dimension_numbers<[1], [0], [0], [1], [0, 0, 1, 1], [], []>, transpose_lhs_hint = false} : vector<2000x128xf32>, vector<128x128xf32>, vector<2000x128xf32> -> vector<2000x128xf32>
    %add3A_35 = arith.addf %dot_general3A_29, %dot_general3A_34 : vector<2000x128xf32>
    %mul3A_36 = vector.broadcast %rsqrt3A : vector<2000x1xf32> to vector<2000x128xf32>
    %mul3A_37 = arith.mulf %mul3A_36, %add3A_35 : vector<2000x128xf32>
    %swap3A_38 = arith.constant 0 : index
    %swap3A_39 = arith.constant 0 : index
    %swap3A_40 = vector.load %arg9[%swap3A_38, %swap3A_39] : memref<2000x128xf32, #tpu.memory_space<vmem>>, vector<2000x128xf32>
    tpu.vector_store %arg9[%swap3A_38, %swap3A_39], %mul3A_37 {strides = array<i32>} : memref<2000x128xf32, #tpu.memory_space<vmem>>, vector<2000x128xf32>,
    return
  }
  func.func @transform_0(%arg0: i32) -> (i32, i32) {
    %c0_i32 = arith.constant 0 : i32
    %c0_i32_0 = arith.constant 0 : i32
    return %arg0, %c0_i32 : i32, i32
  }
  func.func @transform_1(%arg0: i32) -> (i32, i32) {
    %c0_i32 = arith.constant 0 : i32
    %c0_i32_0 = arith.constant 0 : i32
    return %arg0, %c0_i32 : i32, i32
  }
  func.func @transform_2(%arg0: i32) -> (i32, i32) {
    %c0_i32 = arith.constant 0 : i32
    %c0_i32_0 = arith.constant 0 : i32
    return %arg0, %c0_i32 : i32, i32
  }
  func.func @transform_3(%arg0: i32) -> (i32, i32) {
    %c0_i32 = arith.constant 0 : i32
    %c0_i32_0 = arith.constant 0 : i32
    %c0_i32_1 = arith.constant 0 : i32
    return %c0_i32, %c0_i32_0 : i32, i32
  }
  func.func @transform_4(%arg0: i32) -> (i32, i32) {
    %c0_i32 = arith.constant 0 : i32
    %c0_i32_0 = arith.constant 0 : i32
    %c0_i32_1 = arith.constant 0 : i32
    return %c0_i32, %c0_i32_0 : i32, i32
  }
  func.func @transform_5(%arg0: i32) -> (i32, i32) {
    %c0_i32 = arith.constant 0 : i32
    %c0_i32_0 = arith.constant 0 : i32
    %c0_i32_1 = arith.constant 0 : i32
    return %c0_i32, %c0_i32_0 : i32, i32
  }
  func.func @transform_6(%arg0: i32) -> (i32, i32) {
    %c0_i32 = arith.constant 0 : i32
    %c0_i32_0 = arith.constant 0 : i32
    %c0_i32_1 = arith.constant 0 : i32
    return %c0_i32, %c0_i32_0 : i32, i32
  }
  func.func @transform_7(%arg0: i32) -> (i32, i32) {
    %c0_i32 = arith.constant 0 : i32
    %c0_i32_0 = arith.constant 0 : i32
    return %arg0, %c0_i32 : i32, i32
  }
  func.func @transform_8(%arg0: i32) -> (i32, i32) {
    %c0_i32 = arith.constant 0 : i32
    %c0_i32_0 = arith.constant 0 : i32
    return %arg0, %c0_i32 : i32, i32
  }
}

module attributes {stable_mosaic.version = 14 : i64} {
  func.func @body(%arg0: i32, %arg1: memref<2000x128xf32, #tpu.memory_space<vmem>>, %arg2: memref<2000x128xf32, #tpu.memory_space<vmem>>, %arg3: memref<2000x2xf32, #tpu.memory_space<vmem>>, %arg4: memref<2000x128xf32, #tpu.memory_space<vmem>>, %arg5: memref<2000x128xf32, #tpu.memory_space<vmem>>, %arg6: memref<128x128xf32, #tpu.memory_space<vmem>>, %arg7: memref<128x128xf32, #tpu.memory_space<vmem>>, %arg8: memref<1x128xf32, #tpu.memory_space<vmem>>, %arg9: memref<1x128xf32, #tpu.memory_space<vmem>>, %arg10: memref<2000x128xf32, #tpu.memory_space<vmem>>, %arg11: memref<2000x128xf32, #tpu.memory_space<vmem>>) attributes {dimension_semantics = [#tpu.dimension_semantics<arbitrary>], iteration_bounds = array<i64: 5>, scalar_prefetch = 0 : i64, scratch_operands = 0 : i64, tpu.core_type = #tpu.core_type<tc>, window_params = [{transform_indices = @transform_0, window_bounds = array<i64: 2000, 128>}, {transform_indices = @transform_1, window_bounds = array<i64: 2000, 128>}, {transform_indices = @transform_2, window_bounds = array<i64: 2000, 2>}, {transform_indices = @transform_3, window_bounds = array<i64: 2000, 128>}, {transform_indices = @transform_4, window_bounds = array<i64: 2000, 128>}, {pipeline_mode = #tpu.pipeline_mode<synchronous>, transform_indices = @transform_5, window_bounds = array<i64: 128, 128>}, {pipeline_mode = #tpu.pipeline_mode<synchronous>, transform_indices = @transform_6, window_bounds = array<i64: 128, 128>}, {pipeline_mode = #tpu.pipeline_mode<synchronous>, transform_indices = @transform_7, window_bounds = array<i64: 1, 128>}, {pipeline_mode = #tpu.pipeline_mode<synchronous>, transform_indices = @transform_8, window_bounds = array<i64: 1, 128>}, {transform_indices = @transform_9, window_bounds = array<i64: 2000, 128>}, {transform_indices = @transform_10, window_bounds = array<i64: 2000, 128>}]} {
    %get3A = arith.constant 0 : index
    %get3A_0 = arith.constant 0 : index
    %get3A_1 = vector.load %arg3[%get3A, %get3A_0] : memref<2000x2xf32, #tpu.memory_space<vmem>>, vector<2000x2xf32>
    %slice3A = vector.extract_strided_slice %get3A_1 {offsets = [0, 0], sizes = [2000, 1], strides = [1, 1]} : vector<2000x2xf32> to vector<2000x1xf32>
    %slice3A_2 = vector.extract_strided_slice %get3A_1 {offsets = [0, 1], sizes = [2000, 1], strides = [1, 1]} : vector<2000x2xf32> to vector<2000x1xf32>
    %add3A = arith.addf %slice3A, %slice3A_2 : vector<2000x1xf32>
    %add3A_3 = arith.constant 1.000000e+00 : f32
    %add3A_4 = vector.broadcast %add3A_3 : f32 to vector<2000x1xf32>
    %add3A_5 = arith.addf %add3A, %add3A_4 : vector<2000x1xf32>
    %rsqrt3A = math.rsqrt %add3A_5 : vector<2000x1xf32>
    %get3A_6 = arith.constant 0 : index
    %get3A_7 = arith.constant 0 : index
    %get3A_8 = vector.load %arg1[%get3A_6, %get3A_7] : memref<2000x128xf32, #tpu.memory_space<vmem>>, vector<2000x128xf32>
    %mul3A = vector.broadcast %rsqrt3A : vector<2000x1xf32> to vector<2000x128xf32>
    %mul3A_9 = arith.mulf %mul3A, %get3A_8 : vector<2000x128xf32>
    %get3A_10 = arith.constant 0 : index
    %get3A_11 = arith.constant 0 : index
    %get3A_12 = vector.load %arg8[%get3A_10, %get3A_11] : memref<1x128xf32, #tpu.memory_space<vmem>>, vector<1x128xf32>
    %add3A_13 = vector.broadcast %get3A_12 : vector<1x128xf32> to vector<2000x128xf32>
    %add3A_14 = arith.addf %mul3A_9, %add3A_13 : vector<2000x128xf32>
    %logistic3A = arith.negf %add3A_14 : vector<2000x128xf32>
    %logistic3A_15 = math.exp %logistic3A : vector<2000x128xf32>
    %logistic3A_16 = arith.constant 1.000000e+00 : f32
    %logistic3A_17 = vector.broadcast %logistic3A_16 : f32 to vector<2000x128xf32>
    %logistic3A_18 = arith.addf %logistic3A_17, %logistic3A_15 : vector<2000x128xf32>
    %logistic3A_19 = arith.divf %logistic3A_17, %logistic3A_18 : vector<2000x128xf32>
    %get3A_20 = arith.constant 0 : index
    %get3A_21 = arith.constant 0 : index
    %get3A_22 = vector.load %arg2[%get3A_20, %get3A_21] : memref<2000x128xf32, #tpu.memory_space<vmem>>, vector<2000x128xf32>
    %mul3A_23 = vector.broadcast %rsqrt3A : vector<2000x1xf32> to vector<2000x128xf32>
    %mul3A_24 = arith.mulf %mul3A_23, %get3A_22 : vector<2000x128xf32>
    %get3A_25 = arith.constant 0 : index
    %get3A_26 = arith.constant 0 : index
    %get3A_27 = vector.load %arg9[%get3A_25, %get3A_26] : memref<1x128xf32, #tpu.memory_space<vmem>>, vector<1x128xf32>
    %add3A_28 = vector.broadcast %get3A_27 : vector<1x128xf32> to vector<2000x128xf32>
    %add3A_29 = arith.addf %mul3A_24, %add3A_28 : vector<2000x128xf32>
    %logistic3A_30 = arith.negf %add3A_29 : vector<2000x128xf32>
    %logistic3A_31 = math.exp %logistic3A_30 : vector<2000x128xf32>
    %logistic3A_32 = arith.constant 1.000000e+00 : f32
    %logistic3A_33 = vector.broadcast %logistic3A_32 : f32 to vector<2000x128xf32>
    %logistic3A_34 = arith.addf %logistic3A_33, %logistic3A_31 : vector<2000x128xf32>
    %logistic3A_35 = arith.divf %logistic3A_33, %logistic3A_34 : vector<2000x128xf32>
    %get3A_36 = arith.constant 0 : index
    %get3A_37 = arith.constant 0 : index
    %get3A_38 = vector.load %arg4[%get3A_36, %get3A_37] : memref<2000x128xf32, #tpu.memory_space<vmem>>, vector<2000x128xf32>
    %get3A_39 = arith.constant 0 : index
    %get3A_40 = arith.constant 0 : index
    %get3A_41 = vector.load %arg6[%get3A_39, %get3A_40] : memref<128x128xf32, #tpu.memory_space<vmem>>, vector<128x128xf32>
    %dot_general3A = arith.constant dense<0.000000e+00> : vector<2000x128xf32>
    %dot_general3A_42 = tpu.matmul %get3A_38, %get3A_41, %dot_general3A {dimension_numbers = #tpu.dot_dimension_numbers<[1], [0], [0], [1], [0, 0, 1, 1], [], []>, transpose_lhs_hint = false} : vector<2000x128xf32>, vector<128x128xf32>, vector<2000x128xf32> -> vector<2000x128xf32>
    %get3A_43 = arith.constant 0 : index
    %get3A_44 = arith.constant 0 : index
    %get3A_45 = vector.load %arg5[%get3A_43, %get3A_44] : memref<2000x128xf32, #tpu.memory_space<vmem>>, vector<2000x128xf32>
    %mul3A_46 = arith.mulf %logistic3A_35, %get3A_45 : vector<2000x128xf32>
    %get3A_47 = arith.constant 0 : index
    %get3A_48 = arith.constant 0 : index
    %get3A_49 = vector.load %arg7[%get3A_47, %get3A_48] : memref<128x128xf32, #tpu.memory_space<vmem>>, vector<128x128xf32>
    %dot_general3A_50 = arith.constant dense<0.000000e+00> : vector<2000x128xf32>
    %dot_general3A_51 = tpu.matmul %mul3A_46, %get3A_49, %dot_general3A_50 {dimension_numbers = #tpu.dot_dimension_numbers<[1], [0], [0], [1], [0, 0, 1, 1], [], []>, transpose_lhs_hint = false} : vector<2000x128xf32>, vector<128x128xf32>, vector<2000x128xf32> -> vector<2000x128xf32>
    %add3A_52 = arith.addf %dot_general3A_42, %dot_general3A_51 : vector<2000x128xf32>
    %mul3A_53 = vector.broadcast %rsqrt3A : vector<2000x1xf32> to vector<2000x128xf32>
    %mul3A_54 = arith.mulf %mul3A_53, %add3A_52 : vector<2000x128xf32>
    %swap3A = arith.constant 0 : index
    %swap3A_55 = arith.constant 0 : index
    %swap3A_56 = vector.load %arg10[%swap3A, %swap3A_55] : memref<2000x128xf32, #tpu.memory_space<vmem>>, vector<2000x128xf32>
    tpu.vector_store %arg10[%swap3A, %swap3A_55], %logistic3A_19 {strides = array<i32>} : memref<2000x128xf32, #tpu.memory_space<vmem>>, vector<2000x128xf32>,
    %swap3A_57 = arith.constant 0 : index
    %swap3A_58 = arith.constant 0 : index
    %swap3A_59 = vector.load %arg11[%swap3A_57, %swap3A_58] : memref<2000x128xf32, #tpu.memory_space<vmem>>, vector<2000x128xf32>
    tpu.vector_store %arg11[%swap3A_57, %swap3A_58], %mul3A_54 {strides = array<i32>} : memref<2000x128xf32, #tpu.memory_space<vmem>>, vector<2000x128xf32>,
    return
  }
  func.func @transform_0(%arg0: i32) -> (i32, i32) {
    %c0_i32 = arith.constant 0 : i32
    %c0_i32_0 = arith.constant 0 : i32
    return %arg0, %c0_i32 : i32, i32
  }
  func.func @transform_1(%arg0: i32) -> (i32, i32) {
    %c0_i32 = arith.constant 0 : i32
    %c0_i32_0 = arith.constant 0 : i32
    return %arg0, %c0_i32 : i32, i32
  }
  func.func @transform_2(%arg0: i32) -> (i32, i32) {
    %c0_i32 = arith.constant 0 : i32
    %c0_i32_0 = arith.constant 0 : i32
    return %arg0, %c0_i32 : i32, i32
  }
  func.func @transform_3(%arg0: i32) -> (i32, i32) {
    %c0_i32 = arith.constant 0 : i32
    %c0_i32_0 = arith.constant 0 : i32
    return %arg0, %c0_i32 : i32, i32
  }
  func.func @transform_4(%arg0: i32) -> (i32, i32) {
    %c0_i32 = arith.constant 0 : i32
    %c0_i32_0 = arith.constant 0 : i32
    return %arg0, %c0_i32 : i32, i32
  }
  func.func @transform_5(%arg0: i32) -> (i32, i32) {
    %c0_i32 = arith.constant 0 : i32
    %c0_i32_0 = arith.constant 0 : i32
    %c0_i32_1 = arith.constant 0 : i32
    return %c0_i32, %c0_i32_0 : i32, i32
  }
  func.func @transform_6(%arg0: i32) -> (i32, i32) {
    %c0_i32 = arith.constant 0 : i32
    %c0_i32_0 = arith.constant 0 : i32
    %c0_i32_1 = arith.constant 0 : i32
    return %c0_i32, %c0_i32_0 : i32, i32
  }
  func.func @transform_7(%arg0: i32) -> (i32, i32) {
    %c0_i32 = arith.constant 0 : i32
    %c0_i32_0 = arith.constant 0 : i32
    %c0_i32_1 = arith.constant 0 : i32
    return %c0_i32, %c0_i32_0 : i32, i32
  }
  func.func @transform_8(%arg0: i32) -> (i32, i32) {
    %c0_i32 = arith.constant 0 : i32
    %c0_i32_0 = arith.constant 0 : i32
    %c0_i32_1 = arith.constant 0 : i32
    return %c0_i32, %c0_i32_0 : i32, i32
  }
  func.func @transform_9(%arg0: i32) -> (i32, i32) {
    %c0_i32 = arith.constant 0 : i32
    %c0_i32_0 = arith.constant 0 : i32
    return %arg0, %c0_i32 : i32, i32
  }
  func.func @transform_10(%arg0: i32) -> (i32, i32) {
    %c0_i32 = arith.constant 0 : i32
    %c0_i32_0 = arith.constant 0 : i32
    return %arg0, %c0_i32 : i32, i32
  }
}

module attributes {stable_mosaic.version = 14 : i64} {
  func.func @body(%arg0: i32, %arg1: memref<2000x128xf32, #tpu.memory_space<vmem>>, %arg2: memref<2000x128xf32, #tpu.memory_space<vmem>>, %arg3: memref<2000x2xf32, #tpu.memory_space<vmem>>, %arg4: memref<2000x128xf32, #tpu.memory_space<vmem>>, %arg5: memref<2000x128xf32, #tpu.memory_space<vmem>>, %arg6: memref<1x128xf32, #tpu.memory_space<vmem>>, %arg7: memref<2000x128xf32, #tpu.memory_space<vmem>>, %arg8: memref<128x128xf32, #tpu.memory_space<vmem>>, %arg9: memref<128x128xf32, #tpu.memory_space<vmem>>, %arg10: memref<128x128xf32, #tpu.memory_space<vmem>>, %arg11: memref<128x128xf32, #tpu.memory_space<vmem>>, %arg12: memref<2000x128xf32, #tpu.memory_space<vmem>>, %arg13: memref<2000x128xf32, #tpu.memory_space<vmem>>, %arg14: memref<2000x128xf32, #tpu.memory_space<vmem>>) attributes {dimension_semantics = [#tpu.dimension_semantics<arbitrary>], iteration_bounds = array<i64: 5>, scalar_prefetch = 0 : i64, scratch_operands = 0 : i64, tpu.core_type = #tpu.core_type<tc>, window_params = [{transform_indices = @transform_0, window_bounds = array<i64: 2000, 128>}, {transform_indices = @transform_1, window_bounds = array<i64: 2000, 128>}, {transform_indices = @transform_2, window_bounds = array<i64: 2000, 2>}, {transform_indices = @transform_3, window_bounds = array<i64: 2000, 128>}, {transform_indices = @transform_4, window_bounds = array<i64: 2000, 128>}, {pipeline_mode = #tpu.pipeline_mode<synchronous>, transform_indices = @transform_5, window_bounds = array<i64: 1, 128>}, {transform_indices = @transform_6, window_bounds = array<i64: 2000, 128>}, {pipeline_mode = #tpu.pipeline_mode<synchronous>, transform_indices = @transform_7, window_bounds = array<i64: 128, 128>}, {pipeline_mode = #tpu.pipeline_mode<synchronous>, transform_indices = @transform_8, window_bounds = array<i64: 128, 128>}, {pipeline_mode = #tpu.pipeline_mode<synchronous>, transform_indices = @transform_9, window_bounds = array<i64: 128, 128>}, {pipeline_mode = #tpu.pipeline_mode<synchronous>, transform_indices = @transform_10, window_bounds = array<i64: 128, 128>}, {transform_indices = @transform_11, window_bounds = array<i64: 2000, 128>}, {transform_indices = @transform_12, window_bounds = array<i64: 2000, 128>}, {transform_indices = @transform_13, window_bounds = array<i64: 2000, 128>}]} {
    %get3A = arith.constant 0 : index
    %get3A_0 = arith.constant 0 : index
    %get3A_1 = vector.load %arg3[%get3A, %get3A_0] : memref<2000x2xf32, #tpu.memory_space<vmem>>, vector<2000x2xf32>
    %slice3A = vector.extract_strided_slice %get3A_1 {offsets = [0, 0], sizes = [2000, 1], strides = [1, 1]} : vector<2000x2xf32> to vector<2000x1xf32>
    %slice3A_2 = vector.extract_strided_slice %get3A_1 {offsets = [0, 1], sizes = [2000, 1], strides = [1, 1]} : vector<2000x2xf32> to vector<2000x1xf32>
    %add3A = arith.addf %slice3A, %slice3A_2 : vector<2000x1xf32>
    %add3A_3 = arith.constant 1.000000e+00 : f32
    %add3A_4 = vector.broadcast %add3A_3 : f32 to vector<2000x1xf32>
    %add3A_5 = arith.addf %add3A, %add3A_4 : vector<2000x1xf32>
    %rsqrt3A = math.rsqrt %add3A_5 : vector<2000x1xf32>
    %get3A_6 = arith.constant 0 : index
    %get3A_7 = arith.constant 0 : index
    %get3A_8 = vector.load %arg1[%get3A_6, %get3A_7] : memref<2000x128xf32, #tpu.memory_space<vmem>>, vector<2000x128xf32>
    %get3A_9 = arith.constant 0 : index
    %get3A_10 = arith.constant 0 : index
    %get3A_11 = vector.load %arg2[%get3A_9, %get3A_10] : memref<2000x128xf32, #tpu.memory_space<vmem>>, vector<2000x128xf32>
    %add3A_12 = arith.addf %get3A_8, %get3A_11 : vector<2000x128xf32>
    %mul3A = vector.broadcast %rsqrt3A : vector<2000x1xf32> to vector<2000x128xf32>
    %mul3A_13 = arith.mulf %mul3A, %add3A_12 : vector<2000x128xf32>
    %get3A_14 = arith.constant 0 : index
    %get3A_15 = arith.constant 0 : index
    %get3A_16 = vector.load %arg6[%get3A_14, %get3A_15] : memref<1x128xf32, #tpu.memory_space<vmem>>, vector<1x128xf32>
    %add3A_17 = vector.broadcast %get3A_16 : vector<1x128xf32> to vector<2000x128xf32>
    %add3A_18 = arith.addf %mul3A_13, %add3A_17 : vector<2000x128xf32>
    %tanh3A = math.tanh %add3A_18 : vector<2000x128xf32>
    %get3A_19 = arith.constant 0 : index
    %get3A_20 = arith.constant 0 : index
    %get3A_21 = vector.load %arg4[%get3A_19, %get3A_20] : memref<2000x128xf32, #tpu.memory_space<vmem>>, vector<2000x128xf32>
    %get3A_22 = arith.constant 0 : index
    %get3A_23 = arith.constant 0 : index
    %get3A_24 = vector.load %arg5[%get3A_22, %get3A_23] : memref<2000x128xf32, #tpu.memory_space<vmem>>, vector<2000x128xf32>
    %mul3A_25 = arith.mulf %get3A_21, %get3A_24 : vector<2000x128xf32>
    %sub3A = arith.constant 1.000000e+00 : f32
    %sub3A_26 = vector.broadcast %sub3A : f32 to vector<2000x128xf32>
    %sub3A_27 = arith.subf %sub3A_26, %get3A_21 : vector<2000x128xf32>
    %mul3A_28 = arith.mulf %sub3A_27, %tanh3A : vector<2000x128xf32>
    %add3A_29 = arith.addf %mul3A_25, %mul3A_28 : vector<2000x128xf32>
    %swap3A = arith.constant 0 : index
    %swap3A_30 = arith.constant 0 : index
    %swap3A_31 = vector.load %arg12[%swap3A, %swap3A_30] : memref<2000x128xf32, #tpu.memory_space<vmem>>, vector<2000x128xf32>
    tpu.vector_store %arg12[%swap3A, %swap3A_30], %add3A_29 {strides = array<i32>} : memref<2000x128xf32, #tpu.memory_space<vmem>>, vector<2000x128xf32>,
    %get3A_32 = arith.constant 0 : index
    %get3A_33 = arith.constant 0 : index
    %get3A_34 = vector.load %arg7[%get3A_32, %get3A_33] : memref<2000x128xf32, #tpu.memory_space<vmem>>, vector<2000x128xf32>
    %get3A_35 = arith.constant 0 : index
    %get3A_36 = arith.constant 0 : index
    %get3A_37 = vector.load %arg8[%get3A_35, %get3A_36] : memref<128x128xf32, #tpu.memory_space<vmem>>, vector<128x128xf32>
    %dot_general3A = arith.constant dense<0.000000e+00> : vector<2000x128xf32>
    %dot_general3A_38 = tpu.matmul %add3A_29, %get3A_37, %dot_general3A {dimension_numbers = #tpu.dot_dimension_numbers<[1], [0], [0], [1], [0, 0, 1, 1], [], []>, transpose_lhs_hint = false} : vector<2000x128xf32>, vector<128x128xf32>, vector<2000x128xf32> -> vector<2000x128xf32>
    %get3A_39 = arith.constant 0 : index
    %get3A_40 = arith.constant 0 : index
    %get3A_41 = vector.load %arg9[%get3A_39, %get3A_40] : memref<128x128xf32, #tpu.memory_space<vmem>>, vector<128x128xf32>
    %dot_general3A_42 = arith.constant dense<0.000000e+00> : vector<2000x128xf32>
    %dot_general3A_43 = tpu.matmul %get3A_34, %get3A_41, %dot_general3A_42 {dimension_numbers = #tpu.dot_dimension_numbers<[1], [0], [0], [1], [0, 0, 1, 1], [], []>, transpose_lhs_hint = false} : vector<2000x128xf32>, vector<128x128xf32>, vector<2000x128xf32> -> vector<2000x128xf32>
    %add3A_44 = arith.addf %dot_general3A_38, %dot_general3A_43 : vector<2000x128xf32>
    %mul3A_45 = vector.broadcast %rsqrt3A : vector<2000x1xf32> to vector<2000x128xf32>
    %mul3A_46 = arith.mulf %mul3A_45, %add3A_44 : vector<2000x128xf32>
    %swap3A_47 = arith.constant 0 : index
    %swap3A_48 = arith.constant 0 : index
    %swap3A_49 = vector.load %arg13[%swap3A_47, %swap3A_48] : memref<2000x128xf32, #tpu.memory_space<vmem>>, vector<2000x128xf32>
    tpu.vector_store %arg13[%swap3A_47, %swap3A_48], %mul3A_46 {strides = array<i32>} : memref<2000x128xf32, #tpu.memory_space<vmem>>, vector<2000x128xf32>,
    %get3A_50 = arith.constant 0 : index
    %get3A_51 = arith.constant 0 : index
    %get3A_52 = vector.load %arg10[%get3A_50, %get3A_51] : memref<128x128xf32, #tpu.memory_space<vmem>>, vector<128x128xf32>
    %dot_general3A_53 = arith.constant dense<0.000000e+00> : vector<2000x128xf32>
    %dot_general3A_54 = tpu.matmul %add3A_29, %get3A_52, %dot_general3A_53 {dimension_numbers = #tpu.dot_dimension_numbers<[1], [0], [0], [1], [0, 0, 1, 1], [], []>, transpose_lhs_hint = false} : vector<2000x128xf32>, vector<128x128xf32>, vector<2000x128xf32> -> vector<2000x128xf32>
    %get3A_55 = arith.constant 0 : index
    %get3A_56 = arith.constant 0 : index
    %get3A_57 = vector.load %arg11[%get3A_55, %get3A_56] : memref<128x128xf32, #tpu.memory_space<vmem>>, vector<128x128xf32>
    %dot_general3A_58 = arith.constant dense<0.000000e+00> : vector<2000x128xf32>
    %dot_general3A_59 = tpu.matmul %get3A_34, %get3A_57, %dot_general3A_58 {dimension_numbers = #tpu.dot_dimension_numbers<[1], [0], [0], [1], [0, 0, 1, 1], [], []>, transpose_lhs_hint = false} : vector<2000x128xf32>, vector<128x128xf32>, vector<2000x128xf32> -> vector<2000x128xf32>
    %add3A_60 = arith.addf %dot_general3A_54, %dot_general3A_59 : vector<2000x128xf32>
    %mul3A_61 = vector.broadcast %rsqrt3A : vector<2000x1xf32> to vector<2000x128xf32>
    %mul3A_62 = arith.mulf %mul3A_61, %add3A_60 : vector<2000x128xf32>
    %swap3A_63 = arith.constant 0 : index
    %swap3A_64 = arith.constant 0 : index
    %swap3A_65 = vector.load %arg14[%swap3A_63, %swap3A_64] : memref<2000x128xf32, #tpu.memory_space<vmem>>, vector<2000x128xf32>
    tpu.vector_store %arg14[%swap3A_63, %swap3A_64], %mul3A_62 {strides = array<i32>} : memref<2000x128xf32, #tpu.memory_space<vmem>>, vector<2000x128xf32>,
    return
  }
  func.func @transform_0(%arg0: i32) -> (i32, i32) {
    %c0_i32 = arith.constant 0 : i32
    %c0_i32_0 = arith.constant 0 : i32
    return %arg0, %c0_i32 : i32, i32
  }
  func.func @transform_1(%arg0: i32) -> (i32, i32) {
    %c0_i32 = arith.constant 0 : i32
    %c0_i32_0 = arith.constant 0 : i32
    return %arg0, %c0_i32 : i32, i32
  }
  func.func @transform_2(%arg0: i32) -> (i32, i32) {
    %c0_i32 = arith.constant 0 : i32
    %c0_i32_0 = arith.constant 0 : i32
    return %arg0, %c0_i32 : i32, i32
  }
  func.func @transform_3(%arg0: i32) -> (i32, i32) {
    %c0_i32 = arith.constant 0 : i32
    %c0_i32_0 = arith.constant 0 : i32
    return %arg0, %c0_i32 : i32, i32
  }
  func.func @transform_4(%arg0: i32) -> (i32, i32) {
    %c0_i32 = arith.constant 0 : i32
    %c0_i32_0 = arith.constant 0 : i32
    return %arg0, %c0_i32 : i32, i32
  }
  func.func @transform_5(%arg0: i32) -> (i32, i32) {
    %c0_i32 = arith.constant 0 : i32
    %c0_i32_0 = arith.constant 0 : i32
    %c0_i32_1 = arith.constant 0 : i32
    return %c0_i32, %c0_i32_0 : i32, i32
  }
  func.func @transform_6(%arg0: i32) -> (i32, i32) {
    %c0_i32 = arith.constant 0 : i32
    %c0_i32_0 = arith.constant 0 : i32
    return %arg0, %c0_i32 : i32, i32
  }
  func.func @transform_7(%arg0: i32) -> (i32, i32) {
    %c0_i32 = arith.constant 0 : i32
    %c0_i32_0 = arith.constant 0 : i32
    %c0_i32_1 = arith.constant 0 : i32
    return %c0_i32, %c0_i32_0 : i32, i32
  }
  func.func @transform_8(%arg0: i32) -> (i32, i32) {
    %c0_i32 = arith.constant 0 : i32
    %c0_i32_0 = arith.constant 0 : i32
    %c0_i32_1 = arith.constant 0 : i32
    return %c0_i32, %c0_i32_0 : i32, i32
  }
  func.func @transform_9(%arg0: i32) -> (i32, i32) {
    %c0_i32 = arith.constant 0 : i32
    %c0_i32_0 = arith.constant 0 : i32
    %c0_i32_1 = arith.constant 0 : i32
    return %c0_i32, %c0_i32_0 : i32, i32
  }
  func.func @transform_10(%arg0: i32) -> (i32, i32) {
    %c0_i32 = arith.constant 0 : i32
    %c0_i32_0 = arith.constant 0 : i32
    %c0_i32_1 = arith.constant 0 : i32
    return %c0_i32, %c0_i32_0 : i32, i32
  }
  func.func @transform_11(%arg0: i32) -> (i32, i32) {
    %c0_i32 = arith.constant 0 : i32
    %c0_i32_0 = arith.constant 0 : i32
    return %arg0, %c0_i32 : i32, i32
  }
  func.func @transform_12(%arg0: i32) -> (i32, i32) {
    %c0_i32 = arith.constant 0 : i32
    %c0_i32_0 = arith.constant 0 : i32
    return %arg0, %c0_i32 : i32, i32
  }
  func.func @transform_13(%arg0: i32) -> (i32, i32) {
    %c0_i32 = arith.constant 0 : i32
    %c0_i32_0 = arith.constant 0 : i32
    return %arg0, %c0_i32 : i32, i32
  }
}

module attributes {stable_mosaic.version = 14 : i64} {
  func.func @body(%arg0: i32, %arg1: memref<2000x128xf32, #tpu.memory_space<vmem>>, %arg2: memref<2000x128xf32, #tpu.memory_space<vmem>>, %arg3: memref<2000x2xf32, #tpu.memory_space<vmem>>, %arg4: memref<2000x128xf32, #tpu.memory_space<vmem>>, %arg5: memref<2000x128xf32, #tpu.memory_space<vmem>>, %arg6: memref<1x128xf32, #tpu.memory_space<vmem>>, %arg7: memref<2000x128xf32, #tpu.memory_space<vmem>>) attributes {dimension_semantics = [#tpu.dimension_semantics<arbitrary>], iteration_bounds = array<i64: 5>, scalar_prefetch = 0 : i64, scratch_operands = 0 : i64, tpu.core_type = #tpu.core_type<tc>, window_params = [{transform_indices = @transform_0, window_bounds = array<i64: 2000, 128>}, {transform_indices = @transform_1, window_bounds = array<i64: 2000, 128>}, {transform_indices = @transform_2, window_bounds = array<i64: 2000, 2>}, {transform_indices = @transform_3, window_bounds = array<i64: 2000, 128>}, {transform_indices = @transform_4, window_bounds = array<i64: 2000, 128>}, {pipeline_mode = #tpu.pipeline_mode<synchronous>, transform_indices = @transform_5, window_bounds = array<i64: 1, 128>}, {transform_indices = @transform_6, window_bounds = array<i64: 2000, 128>}]} {
    %get3A = arith.constant 0 : index
    %get3A_0 = arith.constant 0 : index
    %get3A_1 = vector.load %arg3[%get3A, %get3A_0] : memref<2000x2xf32, #tpu.memory_space<vmem>>, vector<2000x2xf32>
    %slice3A = vector.extract_strided_slice %get3A_1 {offsets = [0, 0], sizes = [2000, 1], strides = [1, 1]} : vector<2000x2xf32> to vector<2000x1xf32>
    %slice3A_2 = vector.extract_strided_slice %get3A_1 {offsets = [0, 1], sizes = [2000, 1], strides = [1, 1]} : vector<2000x2xf32> to vector<2000x1xf32>
    %add3A = arith.addf %slice3A, %slice3A_2 : vector<2000x1xf32>
    %add3A_3 = arith.constant 1.000000e+00 : f32
    %add3A_4 = vector.broadcast %add3A_3 : f32 to vector<2000x1xf32>
    %add3A_5 = arith.addf %add3A, %add3A_4 : vector<2000x1xf32>
    %rsqrt3A = math.rsqrt %add3A_5 : vector<2000x1xf32>
    %get3A_6 = arith.constant 0 : index
    %get3A_7 = arith.constant 0 : index
    %get3A_8 = vector.load %arg1[%get3A_6, %get3A_7] : memref<2000x128xf32, #tpu.memory_space<vmem>>, vector<2000x128xf32>
    %get3A_9 = arith.constant 0 : index
    %get3A_10 = arith.constant 0 : index
    %get3A_11 = vector.load %arg2[%get3A_9, %get3A_10] : memref<2000x128xf32, #tpu.memory_space<vmem>>, vector<2000x128xf32>
    %add3A_12 = arith.addf %get3A_8, %get3A_11 : vector<2000x128xf32>
    %mul3A = vector.broadcast %rsqrt3A : vector<2000x1xf32> to vector<2000x128xf32>
    %mul3A_13 = arith.mulf %mul3A, %add3A_12 : vector<2000x128xf32>
    %get3A_14 = arith.constant 0 : index
    %get3A_15 = arith.constant 0 : index
    %get3A_16 = vector.load %arg6[%get3A_14, %get3A_15] : memref<1x128xf32, #tpu.memory_space<vmem>>, vector<1x128xf32>
    %add3A_17 = vector.broadcast %get3A_16 : vector<1x128xf32> to vector<2000x128xf32>
    %add3A_18 = arith.addf %mul3A_13, %add3A_17 : vector<2000x128xf32>
    %tanh3A = math.tanh %add3A_18 : vector<2000x128xf32>
    %get3A_19 = arith.constant 0 : index
    %get3A_20 = arith.constant 0 : index
    %get3A_21 = vector.load %arg4[%get3A_19, %get3A_20] : memref<2000x128xf32, #tpu.memory_space<vmem>>, vector<2000x128xf32>
    %get3A_22 = arith.constant 0 : index
    %get3A_23 = arith.constant 0 : index
    %get3A_24 = vector.load %arg5[%get3A_22, %get3A_23] : memref<2000x128xf32, #tpu.memory_space<vmem>>, vector<2000x128xf32>
    %mul3A_25 = arith.mulf %get3A_21, %get3A_24 : vector<2000x128xf32>
    %sub3A = arith.constant 1.000000e+00 : f32
    %sub3A_26 = vector.broadcast %sub3A : f32 to vector<2000x128xf32>
    %sub3A_27 = arith.subf %sub3A_26, %get3A_21 : vector<2000x128xf32>
    %mul3A_28 = arith.mulf %sub3A_27, %tanh3A : vector<2000x128xf32>
    %add3A_29 = arith.addf %mul3A_25, %mul3A_28 : vector<2000x128xf32>
    %swap3A = arith.constant 0 : index
    %swap3A_30 = arith.constant 0 : index
    %swap3A_31 = vector.load %arg7[%swap3A, %swap3A_30] : memref<2000x128xf32, #tpu.memory_space<vmem>>, vector<2000x128xf32>
    tpu.vector_store %arg7[%swap3A, %swap3A_30], %add3A_29 {strides = array<i32>} : memref<2000x128xf32, #tpu.memory_space<vmem>>, vector<2000x128xf32>,
    return
  }
  func.func @transform_0(%arg0: i32) -> (i32, i32) {
    %c0_i32 = arith.constant 0 : i32
    %c0_i32_0 = arith.constant 0 : i32
    return %arg0, %c0_i32 : i32, i32
  }
  func.func @transform_1(%arg0: i32) -> (i32, i32) {
    %c0_i32 = arith.constant 0 : i32
    %c0_i32_0 = arith.constant 0 : i32
    return %arg0, %c0_i32 : i32, i32
  }
  func.func @transform_2(%arg0: i32) -> (i32, i32) {
    %c0_i32 = arith.constant 0 : i32
    %c0_i32_0 = arith.constant 0 : i32
    return %arg0, %c0_i32 : i32, i32
  }
  func.func @transform_3(%arg0: i32) -> (i32, i32) {
    %c0_i32 = arith.constant 0 : i32
    %c0_i32_0 = arith.constant 0 : i32
    return %arg0, %c0_i32 : i32, i32
  }
  func.func @transform_4(%arg0: i32) -> (i32, i32) {
    %c0_i32 = arith.constant 0 : i32
    %c0_i32_0 = arith.constant 0 : i32
    return %arg0, %c0_i32 : i32, i32
  }
  func.func @transform_5(%arg0: i32) -> (i32, i32) {
    %c0_i32 = arith.constant 0 : i32
    %c0_i32_0 = arith.constant 0 : i32
    %c0_i32_1 = arith.constant 0 : i32
    return %c0_i32, %c0_i32_0 : i32, i32
  }
  func.func @transform_6(%arg0: i32) -> (i32, i32) {
    %c0_i32 = arith.constant 0 : i32
    %c0_i32_0 = arith.constant 0 : i32
    return %arg0, %c0_i32 : i32, i32
  }
}

</mosaic_0001>

<sc_bundles>
// kernel: kernel.12.cloned.1.call-start
scs
__scs_entry_jumppad:
0x0: {  	(pc) =	sbr.rel $0x88, $3  }
0x1: {  	(tag) =	ssettag $0x0;
	lr =	simm.s32 $0x1  }
0x2: {  	[smem:$0x3F92] =	sst lr;
	_ =	strace $0xD0000000  }
0x3: {  	_ = 	snop  }
0x4: {  	_ = 	snop  }
0x5: {  	_ = 	snop  }
0x6: {  	_ = 	snop  }
0x7: {  	_ = 	snop  }
__scs_overlays_trampoline_lowered:
0x8: {  	[smem:$0x3FA1] =	sst s0  }
0x9: {  	[smem:$0x3FA2] =	sst s1  }
0xa: {  	[smem:$0x3FA3] =	sst s2  }
0xb: {  	[smem:$0x3FA4] =	sst s3  }
0xc: {  	[smem:$0x3FA5] =	sst s4  }
0xd: {  	[smem:$0x3FA6] =	sst s5  }
0xe: {  	[smem:$0x3FA7] =	sst s6  }
0xf: {  	[smem:$0x3FA8] =	sst s7  }
0x10: {  	[smem:$0x3FA9] =	sst s8  }
0x11: {  	[smem:$0x3FAA] =	sst s9;
	s0 =	simm.s32 @!p0 $0x0  }
0x12: {  	s1 =	sld [smem:$0x3F90];
	s0 =	simm.s32 @p0 $0x1  }
0x13: {  	[smem:$0x3FAB] =	sst s0;
	s0 =	simm.s32 @!p1 $0x0  }
0x14: {  	s2 =	sld [smem:$0x3F8F];
	s0 =	simm.s32 @p1 $0x1  }
0x15: {  	[smem:$0x3FAC] =	sst s0;
	s0 =	simm.s32 @!p2 $0x0  }
0x16: {  	s3 =	sld [smem:$0x3FDB];
	s0 =	simm.s32 @p2 $0x1  }
0x17: {  	s4 =	simm.s32 $0x1BF5;
	[smem:$0x3FAE] =	sst s0  }
0x18: {  	s0 =	sld [smem:$0x3F91];
	_ =	swait.ge [sflag:s4], $0x0  }
0x19: {  	s7 =	sld [smem:$0x3F92]  }
0x1a: {  	s8 =	sadd.s32 $0xFFFFE003, lr  }
0x1b: {  	s9 =	sadd.s32 $0xFFFFFEF7, lr;
	s5 =	simm.s32 $0xFFFFFFFF;
	p2 =	slt.u32 s8, $0xFFFFF086  }
0x1c: {  	p1 =	slt.u32 s9, $0xF7A;
	s5 =	simm.s32 @!p2 $0x0  }
0x1d: {  	s5 =	simm.s32 @p1 $0x1;
	p0 =	seq.s32 s7, s2  }
0x1e: {  	s7 =	smul.u32 @!p0 $0xF7A, s2;
	p2 =	seq.s32 @!p0 s5, $0x0  }
0x1f: {  	s9 =	smul.u32 $0xF7A, s1;
	s8 =	simm.s32 @!p0 $0x1BF5;
	p2 =	por !p2, p0  }
0x20: {  	[sflag:s8] =	ssyncset.s32 @!p0 $0xFFFFF086;
	s6 =	sadd.s32 @!p0 s3, s7;
	s7 =	simm.s32 @!p0 $0x108  }
0x21: {  	s3 =	sadd.s32 s3, s9;
	s6 =	sadd.s32 @!p0 $0x88, s6;
	s7 =	simm.s32 @p2 $0x1082  }
0x22: {  	[simem:s7], [sflag:s8] =	dma.local @!p0 [hbm:s6], $0xF7A  }
0x23: {  	s9 =	sor.u32 $0xD0000000, s2;
	s6 =	simm.s32 $0x108;
	_ =	swait.ge @!p0 [sflag:s8], $0x0  }
0x24: {  	s3 =	sadd.s32 $0x88, s3;
	s6 =	simm.s32 @!p1 $0x1082;
	[sflag:s4] =	ssyncset.s32 $0xFFFFF086  }
0x25: {  	[simem:s6], [sflag:s4] =	dma.local [hbm:s3], $0xF7A  }
0x26: {  	[smem:$0x3F92] =	sst s1;
	(tag) =	ssettag s2;
	_ =	strace s9  }
0x27: {  	s1 =	sld [smem:$0x3FA2]  }
0x28: {  	s2 =	sld [smem:$0x3FA3]  }
0x29: {  	s4 =	sld [smem:$0x3FA5]  }
0x2a: {  	p0 =	seq.s32 s5, $0x0;
	s5 =	sld [smem:$0x3FA6]  }
0x2b: {  	s6 =	sld [smem:$0x3FA7]  }
0x2c: {  	s7 =	sld [smem:$0x3FA8]  }
0x2d: {  	s3 =	simm.s32 $0x108;
	s8 =	sld [smem:$0x3FA9]  }
0x2e: {  	s3 =	simm.s32 @!p0 $0x1082;
	s9 =	sld [smem:$0x3FAA]  }
0x2f: {  	lr =	sadd.s32 s0, s3;
	s0 =	sld [smem:$0x3FA1]  }
0x30: {  	s3 =	sld [smem:$0x3FA4]  }
0x31: {  	[smem:$0x3FAD] =	sst s10  }
0x32: {  	s10 =	sld [smem:$0x3FAB];
	_ =	sdelay $0x3  }
0x33: {  	p0 =	seq.s32 s10, $0x1;
	s10 =	sld [smem:$0x3FAD];
	_ =	sdelay $0x3  }
0x34: {  	[smem:$0x3FAD] =	sst s10  }
0x35: {  	s10 =	sld [smem:$0x3FAC];
	_ =	sdelay $0x3  }
0x36: {  	p1 =	seq.s32 s10, $0x1;
	s10 =	sld [smem:$0x3FAD];
	_ =	sdelay $0x3  }
0x37: {  	[smem:$0x3FAD] =	sst s10  }
0x38: {  	s10 =	sld [smem:$0x3FAE]  }
0x39: {  	_ = 	snop;
	(pc) =	sbr.ind lr, $3  }
0x3a: {  	_ = 	snop  }
0x3b: {  	_ = 	snop  }
0x3c: {  	p2 =	seq.s32 s10, $0x1;
	s10 =	sld [smem:$0x3FAD]  }
0x3d: {  	_ =	shalt  }
0x3e: {  	_ =	shalt  }
0x3f: {  	_ =	shalt  }
0x40: {  	_ =	shalt  }
0x41: {  	_ =	shalt  }
0x42: {  	_ =	shalt  }
0x43: {  	_ =	shalt  }
0x44: {  	_ =	shalt  }
0x45: {  	_ =	shalt  }
0x46: {  	_ =	shalt  }
0x47: {  	_ =	shalt  }
0x48: {  	_ =	shalt  }
0x49: {  	_ =	shalt  }
0x4a: {  	_ =	shalt  }
0x4b: {  	_ =	shalt  }
0x4c: {  	_ =	shalt  }
0x4d: {  	_ =	shalt  }
0x4e: {  	_ =	shalt  }
0x4f: {  	_ =	shalt  }
0x50: {  	_ =	shalt  }
0x51: {  	_ =	shalt  }
0x52: {  	_ =	shalt  }
0x53: {  	_ =	shalt  }
0x54: {  	_ =	shalt  }
0x55: {  	_ =	shalt  }
0x56: {  	_ =	shalt  }
0x57: {  	_ =	shalt  }
0x58: {  	_ =	shalt  }
0x59: {  	_ =	shalt  }
0x5a: {  	_ =	shalt  }
0x5b: {  	_ =	shalt  }
0x5c: {  	_ =	shalt  }
0x5d: {  	_ =	shalt  }
0x5e: {  	_ =	shalt  }
0x5f: {  	_ =	shalt  }
0x60: {  	_ =	shalt  }
0x61: {  	_ =	shalt  }
0x62: {  	_ =	shalt  }
0x63: {  	_ =	shalt  }
0x64: {  	_ =	shalt  }
0x65: {  	_ =	shalt  }
0x66: {  	_ =	shalt  }
0x67: {  	_ =	shalt  }
0x68: {  	_ =	shalt  }
0x69: {  	_ =	shalt  }
0x6a: {  	_ =	shalt  }
0x6b: {  	_ =	shalt  }
0x6c: {  	_ =	shalt  }
0x6d: {  	_ =	shalt  }
0x6e: {  	_ =	shalt  }
0x6f: {  	_ =	shalt  }
0x70: {  	_ =	shalt  }
0x71: {  	_ =	shalt  }
0x72: {  	_ =	shalt  }
0x73: {  	_ =	shalt  }
0x74: {  	_ =	shalt  }
0x75: {  	_ =	shalt  }
0x76: {  	_ =	shalt  }
0x77: {  	_ =	shalt  }
0x78: {  	_ =	shalt  }
0x79: {  	_ =	shalt  }
0x7a: {  	_ =	shalt  }
0x7b: {  	_ =	shalt  }
0x7c: {  	_ =	shalt  }
0x7d: {  	_ =	shalt  }
0x7e: {  	_ =	shalt  }
0x7f: {  	_ =	shalt  }
0x80: {  	_ =	shalt  }
0x81: {  	_ =	shalt  }
0x82: {  	_ =	shalt  }
0x83: {  	_ =	shalt  }
0x84: {  	_ =	shalt  }
0x85: {  	_ =	shalt  }
0x86: {  	_ =	shalt  }
0x87: {  	_ =	shalt  }
.Lfunc_end0:
.L_simem_size_0:
called_computation_lowered:
.L_overlay_start_0:
0x88: {  	s2 =	sld [smem:$0x3FD9]  }
0x89: {  	s3 =	sld [smem:$0x3FFE];
	_ =	sdelay $0x1  }
0x8a: {  	s1 =	srdreg.scid  }
0x8b: {  	s0 =	sand.u32 $0x1, s1  }
0x8c: {  	s15 =	sshll.u32 s0, $0xA;
	s2 =	sadd.s32 s3, s2  }
0x8d: {  	s2 =	sadd.s32 s2, s15  }
0x8e: {  	[smem:$0x3FB9] =	sst s2  }
0x8f: {  	_ = 	snop  }
0x90: {  	s2 =	sld [smem:$0x3FD0];
	_ =	sdelay $0x2  }
0x91: {  	s16 =	simm.s32 $0xA;
	s4 =	simm.s32 $0x10  }
0x92: {  	[smem:s4], [sflag:s16] =	dma.local [hbm:s2], $0x1  }
0x93: {  	_ =	swait.eq [sflag:s16], $0x1  }
0x94: {  	[sflag:s16] =	ssyncset.done $0x0  }
0x95: {  	s17 =	sld [smem:$0x10];
	[sflag:s16] =	ssyncadd.s32 $0xFFFFFFFF  }
0x96: {  	s18 =	sld [smem:$0x11];
	(tm) =	ssettm $0x1  }
0x97: {  	s19 =	sld [smem:$0x3FFB];
	_ =	sdelay $0x3  }
0x98: {  	_ =	strace s19  }
0x99: {  	s4 =	sld [smem:$0x3FFC];
	_ =	sdelay $0x3  }
0x9a: {  	_ =	strace s4  }
0x9b: {  	s4 =	sld [smem:$0x3FFD];
	_ =	sdelay $0x3  }
0x9c: {  	_ =	strace s4  }
0x9d: {  	_ =	strace $0x8FFFFFFF  }
0x9e: {  	s20 =	sld [smem:$0x3FDB];
	_ =	sdelay $0x1  }
0x9f: {  	s5 =	simm.s32 $_scs_section_size  }
0xa0: {  	s6 =	simm.s32 $_size__tile_overlayer_lowered;
	s7 =	simm.s32 $_tile_overlayer_lowered  }
0xa1: {  	s23 =	simm.s32 $0x1BFF;
	s22 =	sshll.u32 s7, $0x1;
	s4 =	sadd.s32 s5, s20  }
0xa2: {  	s8 =	simm.s32 $0x0;
	s21 =	sshll.u32 s6, $0x1;
	s6 =	sadd.s32 s22, s4  }
0xa3: {  	[timem:s8], [sflag:s23] =	dma.local [hbm:s6], s21  }
0xa4: {  	_ =	swait.ge [sflag:s23], s21  }
0xa5: {  	s5 =	ssub.s32 $0x0, s21;
	[sflag:s23] =	ssyncset.done $0x0  }
0xa6: {  	[sflag:s23] =	ssyncadd.s32 s5;
	_ =	sdelay $0x1  }
0xa7: {  	s24 =	simm.s32 $0x1B8B  }
0xa8: {  	_ =	swait.ge [sflag:s24], $0x1  }
0xa9: {  	[sflag:s24] =	ssyncset.done $0x0  }
0xaa: {  	s25 =	simm.s32 $0x1B8E;
	[sflag:s24] =	ssyncadd.s32 $0xFFFFFFFF  }
0xab: {  	s26 =	simm.s32 $execute0_lowered;
	[smem:$0x3FD2] =	sst s25  }
0xac: {  	s5 =	sshll.u32 s26, $0x1;
	_ =	strace $0x80000046;
	[dreg:$0x1] =	wrdreg $0xFFFFFFFF  }
0xad: {  	s28 =	simm.s32 $_size_execute0_lowered;
	s4 =	sadd.s32 s4, s5;
	[dreg:$0x0] =	wrdreg $0x0  }
0xae: {  	s5 =	sshll.u32 s28, $0x1;
	[dreg:$0x2] =	wrdreg s4  }
0xaf: {  	[dreg:$0x3] =	wrdreg s5  }
0xb0: {  	[dreg:$0x4] =	wrdreg $0xC0  }
0xb1: {  	_ =	task [dreg:s8], $0x5FFFF  }
0xb2: {  	[dreg:$0x1] =	wrdreg $0xFFFFFFFF  }
0xb3: {  	[dreg:$0x0] =	wrdreg $0x60  }
0xb4: {  	[dreg:$0x2] =	wrdreg s18  }
0xb5: {  	[dreg:$0x3] =	wrdreg s17  }
0xb6: {  	[dreg:$0x4] =	wrdreg $0x54800  }
0xb7: {  	[dreg:$0x5] =	wrdreg $0x9  }
0xb8: {  	_ =	task.clear_ibuf [dreg:s8], $0x6FFFF;
	_ =	strace $0x90000046  }
0xb9: {  	s29 =	simm.s32 $0x9;
	_ =	strace $0x80000048  }
0xba: {  	_ =	swait.ge [sflag:s29], $0x1  }
0xbb: {  	[sflag:s29] =	ssyncadd.s32 $0xFFFFFFFF  }
0xbc: {  	_ =	strace $0x90000048  }
0xbd: {  	_ =	sfence  }
0xbe: {  	s30 =	sld [smem:$0x0];
	_ =	sdelay $0x2  }
0xbf: {  	s31 =	sshll.u32 s1, $0xD;
	s1 =	sshrl.u32 s1, $0x2  }
0xc0: {  	s3 =	sand.u32 $0x4000, s31;
	s1 =	sadd.s32 s1, s30  }
0xc1: {  	s0 =	sor.u32 s3, s0;
	s1 =	sshll.u32 s1, $0x11  }
0xc2: {  	s0 =	sor.u32 s1, s0  }
0xc3: {  	s0 =	sadd.s32 $0x8F2B, s0  }
0xc4: {  	[sflag:s0] =	ssyncadd.remote.s32 $0x1  }
0xc5: {  	_ =	sfence.sel $0xFFFF  }
0xc6: {  	[dreg:$0x0] =	wrdreg $0xFFFFFFFF;
	(pc) =	sbr.abs _section_cstart, $3  }
0xc7: {  	[dreg:$0x1] =	wrdreg $0xFFFFFFFF  }
0xc8: {  	_ =	task.clear_ibuf [dreg:s8], $0x2FFFF;
	_ =	strace $0x9FFFFFFF  }
0xc9: {  	(tm) =	ssettm $0x7FFFFFFF  }
tec
execute0_lowered:
.L_overlay_start_1:
0x0: {  	(tag) =	ssettag $0x1  }
0x1: {  	s3 =	rddreg [dreg:$0x0]  }
0x2: {  	s6 =	rddreg [dreg:$0x1]  }
0x3: {  	s5 =	rddreg [dreg:$0x2]  }
0x4: {  	s0 =	rddreg [dreg:$0x3];
	s4 =	srdreg.scid  }
0x5: {  	s1 =	stileid.u32;
	s2 =	simm.s32 $0x0;
	s12 =	simm.s32 $0x4F80  }
0x6: {  	s13 =	simm.s32 $0x5200;
	s14 =	simm.s32 $0x100;
	s15 =	simm.s32 $0x0  }
0x7: {  	s4 =	sand.u32 $0x1, s4;
	s7 =	sshll.u32 s1, $0x1;
	[smem:$0x7FF] =	sst s2  }
0x8: {  	s9 =	sshrl.u32 s1, $0x3;
	s26 =	smul.u32 $0x500, s1;
	s28 =	sshll.u32 s1, $0x7  }
0x9: {  	s11 =	smul.u32 $0x5000, s1;
	s7 =	sor.u32 s4, s7;
	s8 =	ssub.s32 $0x2, s4  }
0xa: {  	_ =	strace $0x80000047;
	s9 =	smul.u32 $0x50000, s9;
	s4 =	sshll.u32 s4, $0x7  }
0xb: {  	s7 =	smul.u32 $0x4E2, s7;
	s10 =	sshrl.u32 s8, $0x1;
	s4 =	sor.u32 s4, s26  }
0xc: {  	s30 =	sshrl.u32 s11, $0x2;
	s11 =	simm.s32 $0x400;
	s8 =	ssub.s32 s8, s10  }
0xd: {  	s10 =	sand.u32 $0x380, s28;
	s9 =	sshrl.u32 s9, $0x2;
	s31 =	sshrl.u32 s4, $0x3  }
0xe: {  	s3 =	sadd.s32 s3, s7;
	s29 =	sadd.s32 s9, s5;
	s5 =	sadd.s32 s30, s5  }
0xf: {  	s6 =	sadd.s32 s6, s31;
	s7 =	smax.u32 s8, $0x1;
	s8 =	simm.s32 $0x2800  }
0x10: {  	v0 =	vimm.f32 $0.0e+00;
	v1 =	vimm.f32 $1.000000000e+00;
	s9 =	simm.s32 $0x1;
	s4 =	sadd.s32 s10, s29;
	s10 =	simm.s32 $0x80  }
.LBB2_1:
0x11: {  	s16 =	simm.s32 $0x40;
	s17 =	simm.s32 $0x0  }
.LBB2_2:
0x12: {  	p0 =	sne.s32 s16, $0x9FC0;
	[tilespmem:s17+$0x0] =	vst v0;
	s17 =	smov.u32 s16;
	s16 =	sadd.s32 $0x40, s16  }
.Ltmp0:
0x13: {  	(pc) =	sbr.rel @p0 .LBB2_2-.Ltmp0, $2  }
0x14: {  	_ =	sdelay $0x2  }
0x15: {  	s17 =	sshra.s32 s17, $0x2  }
0x16: {  	[tilespmem:s17+$0x0] =	vst v0;
	s16 =	simm.s32 $0x0  }
0x17: {  	[tilespmem:s8], [sflag:$0x1] =	stream.linear.gather [hbm4b:s3+s16], $0x2710, $0x38;
	[tilespmem:$0x7C80] =	vst v63  }
0x18: {  	_ =	swait.ge [sflag:s9], $0x2710  }
0x19: {  	[sflag:s9] =	ssyncset.done $0x0  }
0x1a: {  	s17 =	simm.s32 $0x0;
	s16 =	simm.s32 $0x40;
	[sflag:s9] =	ssyncadd.s32 $0xFFFFD8F0  }
.LBB2_4:
0x1b: {  	p0 =	sne.s32 s16, $0x9C00;
	v2 =	vld [tilespmem:s17+$0x2800];
	_ =	sdelay $0x3  }
.Ltmp1:
0x1c: {  	(pc) =	sbr.rel @p0 .LBB2_4-.Ltmp1, $2  }
0x1d: {  	_ =	sdelay $0x2  }
0x1e: {  	s17 =	sshra.s32 s16, $0x2;
	s16 =	sadd.s32 $0x40, s16;
	[tilespmem:v2+s2+$0x0] =	vst.idx.add.f32.msk $0xffff, v1  }
0x1f: {  	v2 =	vld [tilespmem:s17+$0x2800];
	_ =	sdelay $0x7  }
0x20: {  	s16 =	simm.s32 $0x1;
	[tilespmem:v2+s2+$0x0] =	vst.idx.add.f32.msk $0xffff, v1  }
0x21: {  	[spmem:s4] =	stream.strided.scatter [tilespmem:s2], [sflag:$0x1], $0x2800, s11, s10, $0x38;
	[tilespmem:$0x7C80] =	vst v63  }
0x22: {  	_ =	swait.ge [sflag:s16], $0x2800  }
0x23: {  	[sflag:s16] =	ssyncset.done $0x0  }
0x24: {  	[sflag:s16] =	ssyncadd.s32 $0xFFFFD800  }
0x25: {  	[bflag:$0x0] =	sbarrier.arrive $0xFFFF  }
0x26: {  	[tilespmem:s12], [sflag:$0x1] =	stream.strided.gather [spmem:s5], $0x280, s11, s10, $0x38;
	[tilespmem:$0x7C80] =	vst v63  }
0x27: {  	_ =	swait.ge [sflag:s16], $0x280  }
0x28: {  	[sflag:s16] =	ssyncset.done $0x0  }
0x29: {  	[sflag:s16] =	ssyncadd.s32 $0xFFFFFD80  }
.LBB2_6:
0x2a: {  	s17 =	sshrl.u32 s16, $0x3  }
0x2b: {  	s17 =	smul.u32 $0x50000, s17;
	_ =	sdelay $0x1  }
0x2c: {  	s18 =	sshll.u32 s16, $0x7;
	s17 =	sshra.s32 s17, $0x2  }
0x2d: {  	s18 =	sand.u32 $0x380, s18;
	s17 =	sadd.s32 s17, s5  }
0x2e: {  	s17 =	sadd.s32 s18, s17  }
0x2f: {  	[tilespmem:s13], [sflag:$0x1] =	stream.strided.gather [spmem:s17], $0x280, s11, s10, $0x38;
	[tilespmem:$0x7C80] =	vst v63  }
0x30: {  	_ =	swait.ge [sflag:s9], $0x280  }
0x31: {  	[sflag:s9] =	ssyncset.done $0x0  }
0x32: {  	s17 =	simm.s32 $0x0;
	[sflag:s9] =	ssyncadd.s32 $0xFFFFFD80  }
0x33: {  	s18 =	simm.s32 $0x40;
	v2 =	vld [tilespmem:s17+$0x5200]  }
.LBB2_7:
0x34: {  	p0 =	sne.s32 s18, $0x9C0;
	v3 =	vld [tilespmem:s17+$0x4F80];
	_ =	sdelay $0x2  }
.Ltmp2:
0x35: {  	(pc) =	sbr.rel @p0 .LBB2_7-.Ltmp2, $4  }
0x36: {  	_ = 	snop  }
0x37: {  	v3 =	vadd.f32 v2, v3  }
0x38: {  	s19 =	sshra.s32 s18, $0x2  }
0x39: {  	s18 =	sadd.s32 $0x40, s18;
	v2 =	vld [tilespmem:s19+$0x5200];
	[tilespmem:s17+$0x4F80] =	vst v3;
	s17 =	smov.u32 s19  }
0x3a: {  	v3 =	vld [tilespmem:s17+$0x4F80]  }
0x3b: {  	s16 =	sadd.s32 $0x1, s16  }
0x3c: {  	p0 =	sne.s32 s16, $0x10  }
.Ltmp3:
0x3d: {  	_ = 	snop;
	(pc) =	sbr.rel @p0 .LBB2_6-.Ltmp3, $3  }
0x3e: {  	_ = 	snop  }
0x3f: {  	v2 =	vadd.f32 v2, v3;
	_ =	sdelay $0x1  }
0x40: {  	[tilespmem:s17+$0x4F80] =	vst v2  }
0x41: {  	s15 =	sadd.s32 $0x1, s15  }
0x42: {  	p0 =	sne.s32 s15, s7  }
.Ltmp4:
0x43: {  	_ = 	snop;
	(pc) =	sbr.rel @p0 .LBB2_1-.Ltmp4, $4  }
0x44: {  	[hbm4b:s6+s10] =	stream.strided.scatter [tilespmem:s12], [sflag:$0x1], $0x280, s14, s10, $0x38;
	[tilespmem:$0x7C80] =	vst v63  }
0x45: {  	_ =	swait.ge [sflag:s9], $0x280  }
0x46: {  	[sflag:s9] =	ssyncset.done $0x0  }
0x47: {  	[sflag:s9] =	ssyncadd.s32 $0xFFFFFD80  }
0x48: {  	_ =	sfence.sel $0x180000  }
0x49: {  	[bflag:$0x0] =	sbarrier.arrive $0xFFFF  }
0x4a: {  	p0 =	sne.s32 s1, $0x0;
	_ =	strace $0x90000047  }
0x4b: {  	s0 =	sadd.s32 @!p0 $0x100000, s0;
	[bflag:$0x2] =	sbarrier.arrive $0xFFFF  }
0x4c: {  	[sflag:s0] =	ssyncadd.tile.s32 @!p0 $0x1;
	_ =	shalt  }
.Lfunc_end2:
_tile_overlayer_lowered:
.L_overlay_start_2:
0x4d: {  	(tag) =	ssettag $0x2  }
0x4e: {  	s0 =	rddreg [dreg:$0x0];
	s2 =	stileid.u32  }
0x4f: {  	s1 =	rddreg [dreg:$0x1];
	p0 =	sne.s32 s2, $0x0  }
0x50: {  	s3 =	rddreg [dreg:$0x2];
	[bflag:$0x3] =	sbarrier.arrive $0xFFFF;
	s2 =	simm.s32 @!p0 $0x1C01  }
0x51: {  	[timem:s3], [sflag:s2] =	dma.local @!p0 [hbm:s0], s1  }
0x52: {  	s0 =	simm.s32 @!p0 $0x1  }
0x53: {  	_ =	swait.ge @!p0 [sflag:s0], s1  }
0x54: {  	s1 =	ssub.s32 @!p0 $0x0, s1;
	[sflag:s0] =	ssyncset.done @!p0 $0x0  }
0x55: {  	[sflag:s0] =	ssyncadd.s32 @!p0 s1  }
0x56: {  	[bflag:$0x3] =	sbarrier.arrive $0xFFFF  }
0x57: {  	_ =	shalt  }

// kernel: kernel.15.cloned.1.call-start
scs
__scs_entry_jumppad:
0x0: {  	(pc) =	sbr.rel $0x88, $3  }
0x1: {  	(tag) =	ssettag $0x0;
	lr =	simm.s32 $0x1  }
0x2: {  	[smem:$0x3F92] =	sst lr;
	_ =	strace $0xD0000000  }
0x3: {  	_ = 	snop  }
0x4: {  	_ = 	snop  }
0x5: {  	_ = 	snop  }
0x6: {  	_ = 	snop  }
0x7: {  	_ = 	snop  }
__scs_overlays_trampoline_lowered:
0x8: {  	[smem:$0x3FA1] =	sst s0  }
0x9: {  	[smem:$0x3FA2] =	sst s1  }
0xa: {  	[smem:$0x3FA3] =	sst s2  }
0xb: {  	[smem:$0x3FA4] =	sst s3  }
0xc: {  	[smem:$0x3FA5] =	sst s4  }
0xd: {  	[smem:$0x3FA6] =	sst s5  }
0xe: {  	[smem:$0x3FA7] =	sst s6  }
0xf: {  	[smem:$0x3FA8] =	sst s7  }
0x10: {  	[smem:$0x3FA9] =	sst s8  }
0x11: {  	[smem:$0x3FAA] =	sst s9;
	s0 =	simm.s32 @!p0 $0x0  }
0x12: {  	s1 =	sld [smem:$0x3F90];
	s0 =	simm.s32 @p0 $0x1  }
0x13: {  	[smem:$0x3FAB] =	sst s0;
	s0 =	simm.s32 @!p1 $0x0  }
0x14: {  	s2 =	sld [smem:$0x3F8F];
	s0 =	simm.s32 @p1 $0x1  }
0x15: {  	[smem:$0x3FAC] =	sst s0;
	s0 =	simm.s32 @!p2 $0x0  }
0x16: {  	s3 =	sld [smem:$0x3FDB];
	s0 =	simm.s32 @p2 $0x1  }
0x17: {  	s4 =	simm.s32 $0x1BF5;
	[smem:$0x3FAE] =	sst s0  }
0x18: {  	s0 =	sld [smem:$0x3F91];
	_ =	swait.ge [sflag:s4], $0x0  }
0x19: {  	s7 =	sld [smem:$0x3F92]  }
0x1a: {  	s8 =	sadd.s32 $0xFFFFE003, lr  }
0x1b: {  	s9 =	sadd.s32 $0xFFFFFEF7, lr;
	s5 =	simm.s32 $0xFFFFFFFF;
	p2 =	slt.u32 s8, $0xFFFFF086  }
0x1c: {  	p1 =	slt.u32 s9, $0xF7A;
	s5 =	simm.s32 @!p2 $0x0  }
0x1d: {  	s5 =	simm.s32 @p1 $0x1;
	p0 =	seq.s32 s7, s2  }
0x1e: {  	s7 =	smul.u32 @!p0 $0xF7A, s2;
	p2 =	seq.s32 @!p0 s5, $0x0  }
0x1f: {  	s9 =	smul.u32 $0xF7A, s1;
	s8 =	simm.s32 @!p0 $0x1BF5;
	p2 =	por !p2, p0  }
0x20: {  	[sflag:s8] =	ssyncset.s32 @!p0 $0xFFFFF086;
	s6 =	sadd.s32 @!p0 s3, s7;
	s7 =	simm.s32 @!p0 $0x108  }
0x21: {  	s3 =	sadd.s32 s3, s9;
	s6 =	sadd.s32 @!p0 $0x88, s6;
	s7 =	simm.s32 @p2 $0x1082  }
0x22: {  	[simem:s7], [sflag:s8] =	dma.local @!p0 [hbm:s6], $0xF7A  }
0x23: {  	s9 =	sor.u32 $0xD0000000, s2;
	s6 =	simm.s32 $0x108;
	_ =	swait.ge @!p0 [sflag:s8], $0x0  }
0x24: {  	s3 =	sadd.s32 $0x88, s3;
	s6 =	simm.s32 @!p1 $0x1082;
	[sflag:s4] =	ssyncset.s32 $0xFFFFF086  }
0x25: {  	[simem:s6], [sflag:s4] =	dma.local [hbm:s3], $0xF7A  }
0x26: {  	[smem:$0x3F92] =	sst s1;
	(tag) =	ssettag s2;
	_ =	strace s9  }
0x27: {  	s1 =	sld [smem:$0x3FA2]  }
0x28: {  	s2 =	sld [smem:$0x3FA3]  }
0x29: {  	s4 =	sld [smem:$0x3FA5]  }
0x2a: {  	p0 =	seq.s32 s5, $0x0;
	s5 =	sld [smem:$0x3FA6]  }
0x2b: {  	s6 =	sld [smem:$0x3FA7]  }
0x2c: {  	s7 =	sld [smem:$0x3FA8]  }
0x2d: {  	s3 =	simm.s32 $0x108;
	s8 =	sld [smem:$0x3FA9]  }
0x2e: {  	s3 =	simm.s32 @!p0 $0x1082;
	s9 =	sld [smem:$0x3FAA]  }
0x2f: {  	lr =	sadd.s32 s0, s3;
	s0 =	sld [smem:$0x3FA1]  }
0x30: {  	s3 =	sld [smem:$0x3FA4]  }
0x31: {  	[smem:$0x3FAD] =	sst s10  }
0x32: {  	s10 =	sld [smem:$0x3FAB];
	_ =	sdelay $0x3  }
0x33: {  	p0 =	seq.s32 s10, $0x1;
	s10 =	sld [smem:$0x3FAD];
	_ =	sdelay $0x3  }
0x34: {  	[smem:$0x3FAD] =	sst s10  }
0x35: {  	s10 =	sld [smem:$0x3FAC];
	_ =	sdelay $0x3  }
0x36: {  	p1 =	seq.s32 s10, $0x1;
	s10 =	sld [smem:$0x3FAD];
	_ =	sdelay $0x3  }
0x37: {  	[smem:$0x3FAD] =	sst s10  }
0x38: {  	s10 =	sld [smem:$0x3FAE]  }
0x39: {  	_ = 	snop;
	(pc) =	sbr.ind lr, $3  }
0x3a: {  	_ = 	snop  }
0x3b: {  	_ = 	snop  }
0x3c: {  	p2 =	seq.s32 s10, $0x1;
	s10 =	sld [smem:$0x3FAD]  }
0x3d: {  	_ =	shalt  }
0x3e: {  	_ =	shalt  }
0x3f: {  	_ =	shalt  }
0x40: {  	_ =	shalt  }
0x41: {  	_ =	shalt  }
0x42: {  	_ =	shalt  }
0x43: {  	_ =	shalt  }
0x44: {  	_ =	shalt  }
0x45: {  	_ =	shalt  }
0x46: {  	_ =	shalt  }
0x47: {  	_ =	shalt  }
0x48: {  	_ =	shalt  }
0x49: {  	_ =	shalt  }
0x4a: {  	_ =	shalt  }
0x4b: {  	_ =	shalt  }
0x4c: {  	_ =	shalt  }
0x4d: {  	_ =	shalt  }
0x4e: {  	_ =	shalt  }
0x4f: {  	_ =	shalt  }
0x50: {  	_ =	shalt  }
0x51: {  	_ =	shalt  }
0x52: {  	_ =	shalt  }
0x53: {  	_ =	shalt  }
0x54: {  	_ =	shalt  }
0x55: {  	_ =	shalt  }
0x56: {  	_ =	shalt  }
0x57: {  	_ =	shalt  }
0x58: {  	_ =	shalt  }
0x59: {  	_ =	shalt  }
0x5a: {  	_ =	shalt  }
0x5b: {  	_ =	shalt  }
0x5c: {  	_ =	shalt  }
0x5d: {  	_ =	shalt  }
0x5e: {  	_ =	shalt  }
0x5f: {  	_ =	shalt  }
0x60: {  	_ =	shalt  }
0x61: {  	_ =	shalt  }
0x62: {  	_ =	shalt  }
0x63: {  	_ =	shalt  }
0x64: {  	_ =	shalt  }
0x65: {  	_ =	shalt  }
0x66: {  	_ =	shalt  }
0x67: {  	_ =	shalt  }
0x68: {  	_ =	shalt  }
0x69: {  	_ =	shalt  }
0x6a: {  	_ =	shalt  }
0x6b: {  	_ =	shalt  }
0x6c: {  	_ =	shalt  }
0x6d: {  	_ =	shalt  }
0x6e: {  	_ =	shalt  }
0x6f: {  	_ =	shalt  }
0x70: {  	_ =	shalt  }
0x71: {  	_ =	shalt  }
0x72: {  	_ =	shalt  }
0x73: {  	_ =	shalt  }
0x74: {  	_ =	shalt  }
0x75: {  	_ =	shalt  }
0x76: {  	_ =	shalt  }
0x77: {  	_ =	shalt  }
0x78: {  	_ =	shalt  }
0x79: {  	_ =	shalt  }
0x7a: {  	_ =	shalt  }
0x7b: {  	_ =	shalt  }
0x7c: {  	_ =	shalt  }
0x7d: {  	_ =	shalt  }
0x7e: {  	_ =	shalt  }
0x7f: {  	_ =	shalt  }
0x80: {  	_ =	shalt  }
0x81: {  	_ =	shalt  }
0x82: {  	_ =	shalt  }
0x83: {  	_ =	shalt  }
0x84: {  	_ =	shalt  }
0x85: {  	_ =	shalt  }
0x86: {  	_ =	shalt  }
0x87: {  	_ =	shalt  }
.Lfunc_end0:
.L_simem_size_0:
called_computation.1_lowered:
.L_overlay_start_0:
0x88: {  	s2 =	sld [smem:$0x3FD9]  }
0x89: {  	s3 =	sld [smem:$0x3FFE];
	_ =	sdelay $0x1  }
0x8a: {  	s1 =	srdreg.scid  }
0x8b: {  	s0 =	sand.u32 $0x1, s1  }
0x8c: {  	s14 =	sshll.u32 s0, $0xA;
	s2 =	sadd.s32 s3, s2  }
0x8d: {  	s2 =	sadd.s32 s2, s14  }
0x8e: {  	[smem:$0x3FB9] =	sst s2  }
0x8f: {  	_ = 	snop  }
0x90: {  	s2 =	sld [smem:$0x3FD0];
	_ =	sdelay $0x2  }
0x91: {  	s15 =	simm.s32 $0xA;
	s4 =	simm.s32 $0x10  }
0x92: {  	[smem:s4], [sflag:s15] =	dma.local [hbm:s2], $0x1  }
0x93: {  	_ =	swait.eq [sflag:s15], $0x1  }
0x94: {  	[sflag:s15] =	ssyncset.done $0x0  }
0x95: {  	[sflag:s15] =	ssyncadd.s32 $0xFFFFFFFF  }
0x96: {  	s16 =	sld [smem:$0x10];
	(tm) =	ssettm $0x1  }
0x97: {  	s17 =	sld [smem:$0x3FFB];
	_ =	sdelay $0x3  }
0x98: {  	_ =	strace s17  }
0x99: {  	s3 =	sld [smem:$0x3FFC];
	_ =	sdelay $0x3  }
0x9a: {  	_ =	strace s3  }
0x9b: {  	s3 =	sld [smem:$0x3FFD];
	_ =	sdelay $0x3  }
0x9c: {  	_ =	strace s3  }
0x9d: {  	_ =	strace $0x8FFFFFFF  }
0x9e: {  	s18 =	sld [smem:$0x3FDB];
	_ =	sdelay $0x1  }
0x9f: {  	s19 =	simm.s32 $_scs_section_size  }
0xa0: {  	s5 =	simm.s32 $_size__tile_overlayer_lowered;
	s6 =	simm.s32 $_tile_overlayer_lowered  }
0xa1: {  	s22 =	simm.s32 $0x1BFF;
	s21 =	sshll.u32 s6, $0x1;
	s3 =	sadd.s32 s19, s18  }
0xa2: {  	s7 =	simm.s32 $0x0;
	s20 =	sshll.u32 s5, $0x1;
	s5 =	sadd.s32 s21, s3  }
0xa3: {  	[timem:s7], [sflag:s22] =	dma.local [hbm:s5], s20  }
0xa4: {  	_ =	swait.ge [sflag:s22], s20  }
0xa5: {  	s4 =	ssub.s32 $0x0, s20;
	[sflag:s22] =	ssyncset.done $0x0  }
0xa6: {  	[sflag:s22] =	ssyncadd.s32 s4;
	_ =	sdelay $0x1  }
0xa7: {  	s23 =	simm.s32 $0x1B8B  }
0xa8: {  	_ =	swait.ge [sflag:s23], $0x1  }
0xa9: {  	[sflag:s23] =	ssyncset.done $0x0  }
0xaa: {  	s25 =	simm.s32 $0x1B8E;
	s24 =	sld [smem:$0x3FFE];
	[sflag:s23] =	ssyncadd.s32 $0xFFFFFFFF  }
0xab: {  	s26 =	simm.s32 $execute0_lowered;
	[smem:$0x3FD2] =	sst s25  }
0xac: {  	s5 =	sshll.u32 s26, $0x1;
	_ =	strace $0x80000049;
	[dreg:$0x1] =	wrdreg $0xFFFFFFFF  }
0xad: {  	s28 =	simm.s32 $_size_execute0_lowered;
	s3 =	sadd.s32 s3, s5;
	[dreg:$0x0] =	wrdreg $0x0  }
0xae: {  	s5 =	sshll.u32 s28, $0x1;
	[dreg:$0x2] =	wrdreg s3  }
0xaf: {  	[dreg:$0x3] =	wrdreg s5  }
0xb0: {  	[dreg:$0x4] =	wrdreg $0xC0  }
0xb1: {  	_ =	task [dreg:s7], $0x5FFFF  }
0xb2: {  	[dreg:$0x1] =	wrdreg $0xFFFFFFFF  }
0xb3: {  	[dreg:$0x0] =	wrdreg $0x60  }
0xb4: {  	[dreg:$0x2] =	wrdreg s16  }
0xb5: {  	[dreg:$0x3] =	wrdreg s24  }
0xb6: {  	[dreg:$0x4] =	wrdreg $0xA0000  }
0xb7: {  	[dreg:$0x5] =	wrdreg $0x9  }
0xb8: {  	_ =	task.clear_ibuf [dreg:s7], $0x6FFFF;
	_ =	strace $0x90000049  }
0xb9: {  	s29 =	simm.s32 $0x9;
	_ =	strace $0x8000004B  }
0xba: {  	_ =	swait.ge [sflag:s29], $0x1  }
0xbb: {  	[sflag:s29] =	ssyncadd.s32 $0xFFFFFFFF  }
0xbc: {  	_ =	strace $0x9000004B  }
0xbd: {  	_ =	sfence  }
0xbe: {  	s30 =	sld [smem:$0x0];
	_ =	sdelay $0x2  }
0xbf: {  	s31 =	sshll.u32 s1, $0xD;
	s1 =	sshrl.u32 s1, $0x2  }
0xc0: {  	s3 =	sand.u32 $0x4000, s31;
	s1 =	sadd.s32 s1, s30  }
0xc1: {  	s0 =	sor.u32 s3, s0;
	s1 =	sshll.u32 s1, $0x11  }
0xc2: {  	s0 =	sor.u32 s1, s0  }
0xc3: {  	s0 =	sadd.s32 $0x8F2B, s0  }
0xc4: {  	[sflag:s0] =	ssyncadd.remote.s32 $0x1  }
0xc5: {  	_ =	sfence.sel $0xFFFF  }
0xc6: {  	[dreg:$0x0] =	wrdreg $0xFFFFFFFF;
	(pc) =	sbr.abs _section_cstart, $3  }
0xc7: {  	[dreg:$0x1] =	wrdreg $0xFFFFFFFF  }
0xc8: {  	_ =	task.clear_ibuf [dreg:s7], $0x2FFFF;
	_ =	strace $0x9FFFFFFF  }
0xc9: {  	(tm) =	ssettm $0x7FFFFFFF  }
tec
execute0_lowered:
.L_overlay_start_1:
0x0: {  	(tag) =	ssettag $0x1  }
0x1: {  	s1 =	rddreg [dreg:$0x0]  }
0x2: {  	s0 =	rddreg [dreg:$0x1]  }
0x3: {  	s2 =	rddreg [dreg:$0x2]  }
0x4: {  	s3 =	simm.s32 $0x0;
	s6 =	srdreg.scid;
	s22 =	stileid.u32  }
0x5: {  	s19 =	simm.s32 $0x800;
	s20 =	simm.s32 $0x7D;
	s21 =	simm.s32 $0x2000  }
0x6: {  	s29 =	simm.s32 $0x4;
	s31 =	simm.s32 $0x5;
	s28 =	simm.s32 $0x800  }
0x7: {  	[smem:$0x7FF] =	sst s3;
	s5 =	sadd.s32 $0x1A400, s0;
	s4 =	sadd.s32 $0x10400, s0  }
0x8: {  	s8 =	sadd.s32 $0x6400, s0;
	s10 =	sand.u32 $0x1, s6;
	s7 =	smul.u32 $0x50000, s22  }
0x9: {  	s11 =	sadd.s32 $0x42400, s0;
	s0 =	sadd.s32 $0x6A400, s0;
	s12 =	smul.u32 $0xA00, s22  }
0xa: {  	s15 =	smul.u32 $0x2800, s22;
	s30 =	sshll.u32 s22, $0x6;
	s22 =	simm.s32 $0x1  }
0xb: {  	_ =	strace $0x8000004A;
	s6 =	ssub.s32 $0x2, s10;
	p0 =	seq.s32 s10, $0x0  }
0xc: {  	s3 =	sor.u32 $0x1C07, s30;
	p1 =	sne.s32 s10, $0x0;
	s10 =	simm.s32 $0x0  }
0xd: {  	s9 =	sshrl.u32 s6, $0x1;
	s23 =	sshrl.u32 s7, $0x2;
	s16 =	sor.u32 $0x100, s12  }
0xe: {  	s7 =	smov.u32 s5;
	s0 =	smov.u32 @p0 s11;
	[dreg:$0x8] =	wrdreg s3  }
0xf: {  	s13 =	ssub.s32 s6, s9;
	s6 =	sadd.s32 s4, s12;
	s4 =	sadd.s32 s4, s16  }
0x10: {  	s14 =	sadd.s32 s23, s2;
	s24 =	sadd.s32 s8, s16;
	[dreg:$0x4] =	wrdreg s4  }
0x11: {  	s12 =	sadd.s32 s8, s12;
	s0 =	sadd.s32 s0, s15;
	[dreg:$0x5] =	wrdreg s24  }
.Ltmp0:
0x12: {  	s7 =	smov.u32 @p0 s1;
	[dreg:$0x9] =	wrdreg s0;
	(pc) =	sbr.rel .LBB2_1-.Ltmp0, $4  }
0x13: {  	s8 =	simm.s32 $0x7;
	s25 =	smax.u32 s13, $0x1;
	[dreg:$0xc] =	wrdreg s12  }
0x14: {  	s9 =	simm.s32 $0x1800;
	s26 =	sadd.s32 s7, s15;
	[dreg:$0x6] =	wrdreg s25  }
0x15: {  	s23 =	simm.s32 $0x2;
	s4 =	sshrl.u32 s14, $0x3;
	[dreg:$0x7] =	wrdreg s26  }
0x16: {  	s25 =	simm.s32 $0x6000;
	s26 =	simm.s32 $0x3;
	[dreg:$0xa] =	wrdreg s4  }
.LBB2_4:
0x17: {  	[bflag:$0x0] =	sbarrier.arrive $0xFFFF  }
0x18: {  	s3 =	rddreg [dreg:$0x8]  }
0x19: {  	s0 =	rddreg [dreg:$0x9]  }
0x1a: {  	s8 =	simm.s32 $0x7;
	s4 =	rddreg [dreg:$0xa]  }
0x1b: {  	[hbm:s0], [sflag:s3] =	dma.local [spmem:s4], $0x2800  }
0x1c: {  	_ =	swait.ge [sflag:s8], $0x2800  }
0x1d: {  	s10 =	rddreg [dreg:$0xb]  }
0x1e: {  	s30 =	rddreg [dreg:$0x6];
	s10 =	sadd.s32 $0x1, s10  }
0x1f: {  	p2 =	sne.s32 s10, s30  }
.Ltmp1:
0x20: {  	_ = 	snop;
	(pc) =	sbr.rel @!p2 .LBB2_5-.Ltmp1, $3  }
0x21: {  	_ =	sdelay $0x1  }
0x22: {  	[sflag:s8] =	ssyncset.done $0x0  }
0x23: {  	s19 =	simm.s32 $0x800;
	s12 =	rddreg [dreg:$0xc];
	[sflag:s8] =	ssyncadd.s32 $0xFFFFD800  }
.LBB2_1:
0x24: {  	[dreg:$0xb] =	wrdreg s10  }
0x25: {  	s0 =	rddreg [dreg:$0x7]  }
0x26: {  	[spmem:s4], [sflag:s3] =	dma.local [hbm:s0], $0x2800  }
0x27: {  	_ =	swait.ge [sflag:s8], $0x2800  }
0x28: {  	[sflag:s8] =	ssyncset.done $0x0  }
0x29: {  	[sflag:s8] =	ssyncadd.s32 $0xFFFFD800  }
0x2a: {  	s17 =	simm.s32 $0x0;
	[bflag:$0x0] =	sbarrier.arrive $0xFFFF  }
0x2b: {  	[tilespmem:s17], [sflag:$0x7] =	stream.linear.gather [hbm4b:s6+s17], $0x800, $0x38;
	[tilespmem:$0x1E000] =	vst v63  }
0x2c: {  	_ =	swait.ge [sflag:s8], $0x800  }
0x2d: {  	[sflag:s8] =	ssyncset.done $0x0  }
0x2e: {  	s18 =	simm.s32 $0x1000;
	[sflag:s8] =	ssyncadd.s32 $0xFFFFF800  }
0x2f: {  	[tilespmem:s18], [sflag:$0x7] =	stream.linear.gather [hbm4b:s12+s17], $0x800, $0x38;
	[tilespmem:$0x1E000] =	vst v63  }
0x30: {  	_ =	swait.ge [sflag:s8], $0x800  }
0x31: {  	[sflag:s8] =	ssyncset.done $0x0  }
0x32: {  	s24 =	rddreg [dreg:$0x4];
	[sflag:s8] =	ssyncadd.s32 $0xFFFFF800  }
0x33: {  	[tilespmem:s19], [sflag:$0x6] =	stream.linear.gather [hbm4b:s24+s17], $0x800, $0x38;
	[tilespmem:$0x1E000] =	vst v63  }
0x34: {  	s30 =	rddreg [dreg:$0x5]  }
0x35: {  	[tilespmem:s9], [sflag:$0x6] =	stream.linear.gather [hbm4b:s30+s17], $0x800, $0x38;
	[tilespmem:$0x1E000] =	vst v63  }
0x36: {  	_ = 	snop  }
0x37: {  	[tilespmem:s21], [sflag:$0x1] =	stream.indirect.gather [hbm4b:s7+s20], $0x80, s17, s20, $0xb8;
	[tilespmem:$0x1E000] =	vst v63  }
0x38: {  	s9 =	simm.s32 $0x1800;
	s17 =	simm.s32 $0xFFFFF800  }
.LBB2_2:
0x39: {  	_ =	swait.ge [sflag:s22], $0x3E80  }
0x3a: {  	[sflag:s22] =	ssyncset.done $0x0  }
0x3b: {  	s0 =	simm.s32 $0x1000;
	[sflag:s22] =	ssyncadd.s32 $0xFFFFC180  }
0x3c: {  	[spmem:s2] =	stream.indirect.scatter.add.f32 [tilespmem:s21], [sflag:$0x3], $0x80, s0, s20, $0xb8;
	[tilespmem:$0x1E000] =	vst v63  }
0x3d: {  	s14 =	simm.s32 @p1 $0x7D;
	s15 =	simm.s32 @p1 $0x6000;
	s0 =	simm.s32 @p1 $0x80  }
0x3e: {  	[tilespmem:s15], [sflag:$0x2] =	stream.indirect.gather @p1 [hbm4b:s5+s14], $0x80, s0, s14, $0xb8;
	[tilespmem:$0x1E000] =	vst v63  }
0x3f: {  	s13 =	simm.s32 @!p1 $0x7D;
	s16 =	simm.s32 @!p1 $0x6000;
	s0 =	simm.s32 @!p1 $0x80  }
0x40: {  	[tilespmem:s16], [sflag:$0x2] =	stream.indirect.gather @!p1 [hbm4b:s1+s13], $0x80, s0, s13, $0xb8;
	[tilespmem:$0x1E000] =	vst v63  }
0x41: {  	_ =	swait.ge [sflag:s23], $0x3E80  }
0x42: {  	[sflag:s23] =	ssyncset.done $0x0  }
0x43: {  	s11 =	simm.s32 $0x1080;
	[sflag:s23] =	ssyncadd.s32 $0xFFFFC180  }
0x44: {  	[spmem:s2] =	stream.indirect.scatter.add.f32 [tilespmem:s25], [sflag:$0x4], $0x80, s11, s20, $0xb8;
	[tilespmem:$0x1E000] =	vst v63  }
0x45: {  	_ =	swait.ge [sflag:s26], $0x3E80  }
0x46: {  	[sflag:s26] =	ssyncset.done $0x0  }
0x47: {  	s24 =	simm.s32 @p1 $0x2000;
	s0 =	simm.s32 @p1 $0x100;
	[sflag:s26] =	ssyncadd.s32 $0xFFFFC180  }
0x48: {  	[tilespmem:s24], [sflag:$0x1] =	stream.indirect.gather @p1 [hbm4b:s5+s14], $0x80, s0, s14, $0xb8;
	[tilespmem:$0x1E000] =	vst v63  }
0x49: {  	s30 =	simm.s32 @!p1 $0x2000;
	s0 =	simm.s32 @!p1 $0x100  }
0x4a: {  	[tilespmem:s30], [sflag:$0x1] =	stream.indirect.gather @!p1 [hbm4b:s1+s13], $0x80, s0, s13, $0xb8;
	[tilespmem:$0x1E000] =	vst v63  }
0x4b: {  	_ =	swait.ge [sflag:s22], $0x3E80  }
0x4c: {  	[sflag:s22] =	ssyncset.done $0x0  }
0x4d: {  	s12 =	simm.s32 $0x1100;
	[sflag:s22] =	ssyncadd.s32 $0xFFFFC180  }
0x4e: {  	[spmem:s2] =	stream.indirect.scatter.add.f32 [tilespmem:s21], [sflag:$0x3], $0x80, s12, s20, $0xb8;
	[tilespmem:$0x1E000] =	vst v63  }
0x4f: {  	_ =	swait.ge [sflag:s29], $0x3E80  }
0x50: {  	s4 =	simm.s32 @p0 $0x180;
	[sflag:s29] =	ssyncset.done $0x0  }
0x51: {  	s8 =	simm.s32 @p0 $0x6000;
	s0 =	simm.s32 @p0 $0x7D;
	[sflag:s29] =	ssyncadd.s32 $0xFFFFC180  }
0x52: {  	[tilespmem:s8], [sflag:$0x2] =	stream.indirect.gather @p0 [hbm4b:s1+s0], $0x80, s4, s0, $0xb8;
	[tilespmem:$0x1E000] =	vst v63  }
0x53: {  	s10 =	simm.s32 @!p0 $0x6000;
	s11 =	simm.s32 @!p0 $0x180;
	s4 =	simm.s32 @!p0 $0x7D  }
0x54: {  	[tilespmem:s10], [sflag:$0x2] =	stream.indirect.gather @!p0 [hbm4b:s5+s4], $0x80, s11, s4, $0xb8;
	[tilespmem:$0x1E000] =	vst v63  }
0x55: {  	_ =	swait.ge [sflag:s23], $0x3E80  }
0x56: {  	[sflag:s23] =	ssyncset.done $0x0  }
0x57: {  	s3 =	simm.s32 $0x1180;
	[sflag:s23] =	ssyncadd.s32 $0xFFFFC180  }
0x58: {  	[spmem:s2] =	stream.indirect.scatter.add.f32 [tilespmem:s25], [sflag:$0x4], $0x80, s3, s20, $0xb8;
	[tilespmem:$0x1E000] =	vst v63  }
0x59: {  	_ =	swait.ge [sflag:s26], $0x3E80  }
0x5a: {  	[sflag:s26] =	ssyncset.done $0x0  }
0x5b: {  	s12 =	simm.s32 @p0 $0x200;
	s11 =	simm.s32 @p0 $0x2000;
	[sflag:s26] =	ssyncadd.s32 $0xFFFFC180  }
0x5c: {  	[tilespmem:s11], [sflag:$0x1] =	stream.indirect.gather @p0 [hbm4b:s1+s0], $0x80, s12, s0, $0xb8;
	[tilespmem:$0x1E000] =	vst v63  }
0x5d: {  	s18 =	simm.s32 @!p0 $0x200;
	s12 =	simm.s32 @!p0 $0x2000  }
0x5e: {  	[tilespmem:s12], [sflag:$0x1] =	stream.indirect.gather @!p0 [hbm4b:s5+s4], $0x80, s18, s4, $0xb8;
	[tilespmem:$0x1E000] =	vst v63  }
0x5f: {  	_ =	swait.ge [sflag:s22], $0x3E80  }
0x60: {  	[sflag:s22] =	ssyncset.done $0x0  }
0x61: {  	s18 =	simm.s32 $0x1200;
	[sflag:s22] =	ssyncadd.s32 $0xFFFFC180  }
0x62: {  	[spmem:s2] =	stream.indirect.scatter.add.f32 [tilespmem:s21], [sflag:$0x3], $0x80, s18, s20, $0xb8;
	[tilespmem:$0x1E000] =	vst v63  }
0x63: {  	_ =	swait.ge [sflag:s29], $0x3E80  }
0x64: {  	[sflag:s29] =	ssyncset.done $0x0  }
0x65: {  	s18 =	simm.s32 @p0 $0x280;
	[sflag:s29] =	ssyncadd.s32 $0xFFFFC180  }
0x66: {  	[tilespmem:s8], [sflag:$0x2] =	stream.indirect.gather @p0 [hbm4b:s1+s0], $0x80, s18, s0, $0xb8;
	[tilespmem:$0x1E000] =	vst v63  }
0x67: {  	s18 =	simm.s32 @!p0 $0x280  }
0x68: {  	[tilespmem:s10], [sflag:$0x2] =	stream.indirect.gather @!p0 [hbm4b:s5+s4], $0x80, s18, s4, $0xb8;
	[tilespmem:$0x1E000] =	vst v63  }
0x69: {  	_ =	swait.ge [sflag:s23], $0x3E80  }
0x6a: {  	[sflag:s23] =	ssyncset.done $0x0  }
0x6b: {  	s18 =	simm.s32 $0x1280;
	[sflag:s23] =	ssyncadd.s32 $0xFFFFC180  }
0x6c: {  	[spmem:s2] =	stream.indirect.scatter.add.f32 [tilespmem:s25], [sflag:$0x4], $0x80, s18, s20, $0xb8;
	[tilespmem:$0x1E000] =	vst v63  }
0x6d: {  	_ =	swait.ge [sflag:s26], $0x3E80  }
0x6e: {  	[sflag:s26] =	ssyncset.done $0x0  }
0x6f: {  	s18 =	simm.s32 @p0 $0x300;
	[sflag:s26] =	ssyncadd.s32 $0xFFFFC180  }
0x70: {  	[tilespmem:s11], [sflag:$0x1] =	stream.indirect.gather @p0 [hbm4b:s1+s0], $0x80, s18, s0, $0xb8;
	[tilespmem:$0x1E000] =	vst v63  }
0x71: {  	s18 =	simm.s32 @!p0 $0x300  }
0x72: {  	[tilespmem:s12], [sflag:$0x1] =	stream.indirect.gather @!p0 [hbm4b:s5+s4], $0x80, s18, s4, $0xb8;
	[tilespmem:$0x1E000] =	vst v63  }
0x73: {  	_ =	swait.ge [sflag:s22], $0x3E80  }
0x74: {  	[sflag:s22] =	ssyncset.done $0x0  }
0x75: {  	s18 =	simm.s32 $0x1300;
	[sflag:s22] =	ssyncadd.s32 $0xFFFFC180  }
0x76: {  	[spmem:s2] =	stream.indirect.scatter.add.f32 [tilespmem:s21], [sflag:$0x3], $0x80, s18, s20, $0xb8;
	[tilespmem:$0x1E000] =	vst v63  }
0x77: {  	_ =	swait.ge [sflag:s29], $0x3E80  }
0x78: {  	[sflag:s29] =	ssyncset.done $0x0  }
0x79: {  	s18 =	simm.s32 @p0 $0x380;
	[sflag:s29] =	ssyncadd.s32 $0xFFFFC180  }
0x7a: {  	[tilespmem:s8], [sflag:$0x2] =	stream.indirect.gather @p0 [hbm4b:s1+s0], $0x80, s18, s0, $0xb8;
	[tilespmem:$0x1E000] =	vst v63  }
0x7b: {  	s18 =	simm.s32 @!p0 $0x380  }
0x7c: {  	[tilespmem:s10], [sflag:$0x2] =	stream.indirect.gather @!p0 [hbm4b:s5+s4], $0x80, s18, s4, $0xb8;
	[tilespmem:$0x1E000] =	vst v63  }
0x7d: {  	_ =	swait.ge [sflag:s23], $0x3E80  }
0x7e: {  	[sflag:s23] =	ssyncset.done $0x0  }
0x7f: {  	s18 =	simm.s32 $0x1380;
	[sflag:s23] =	ssyncadd.s32 $0xFFFFC180  }
0x80: {  	[spmem:s2] =	stream.indirect.scatter.add.f32 [tilespmem:s25], [sflag:$0x4], $0x80, s18, s20, $0xb8;
	[tilespmem:$0x1E000] =	vst v63  }
0x81: {  	_ =	swait.ge [sflag:s26], $0x3E80  }
0x82: {  	[sflag:s26] =	ssyncset.done $0x0  }
0x83: {  	s18 =	simm.s32 @p0 $0x400;
	[sflag:s26] =	ssyncadd.s32 $0xFFFFC180  }
0x84: {  	[tilespmem:s11], [sflag:$0x1] =	stream.indirect.gather @p0 [hbm4b:s1+s0], $0x80, s18, s0, $0xb8;
	[tilespmem:$0x1E000] =	vst v63  }
0x85: {  	s18 =	simm.s32 @!p0 $0x400  }
0x86: {  	[tilespmem:s12], [sflag:$0x1] =	stream.indirect.gather @!p0 [hbm4b:s5+s4], $0x80, s18, s4, $0xb8;
	[tilespmem:$0x1E000] =	vst v63  }
0x87: {  	_ =	swait.ge [sflag:s22], $0x3E80  }
0x88: {  	[sflag:s22] =	ssyncset.done $0x0  }
0x89: {  	s18 =	simm.s32 $0x1400;
	[sflag:s22] =	ssyncadd.s32 $0xFFFFC180  }
0x8a: {  	[spmem:s2] =	stream.indirect.scatter.add.f32 [tilespmem:s21], [sflag:$0x3], $0x80, s18, s20, $0xb8;
	[tilespmem:$0x1E000] =	vst v63  }
0x8b: {  	_ =	swait.ge [sflag:s29], $0x3E80  }
0x8c: {  	[sflag:s29] =	ssyncset.done $0x0  }
0x8d: {  	s18 =	simm.s32 @p0 $0x480;
	[sflag:s29] =	ssyncadd.s32 $0xFFFFC180  }
0x8e: {  	[tilespmem:s8], [sflag:$0x2] =	stream.indirect.gather @p0 [hbm4b:s1+s0], $0x80, s18, s0, $0xb8;
	[tilespmem:$0x1E000] =	vst v63  }
0x8f: {  	s18 =	simm.s32 @!p0 $0x480  }
0x90: {  	[tilespmem:s10], [sflag:$0x2] =	stream.indirect.gather @!p0 [hbm4b:s5+s4], $0x80, s18, s4, $0xb8;
	[tilespmem:$0x1E000] =	vst v63  }
0x91: {  	_ =	swait.ge [sflag:s23], $0x3E80  }
0x92: {  	[sflag:s23] =	ssyncset.done $0x0  }
0x93: {  	s18 =	simm.s32 $0x1480;
	[sflag:s23] =	ssyncadd.s32 $0xFFFFC180  }
0x94: {  	[spmem:s2] =	stream.indirect.scatter.add.f32 [tilespmem:s25], [sflag:$0x4], $0x80, s18, s20, $0xb8;
	[tilespmem:$0x1E000] =	vst v63  }
0x95: {  	_ =	swait.ge [sflag:s26], $0x3E80  }
0x96: {  	[sflag:s26] =	ssyncset.done $0x0  }
0x97: {  	s18 =	simm.s32 @p0 $0x500;
	[sflag:s26] =	ssyncadd.s32 $0xFFFFC180  }
0x98: {  	[tilespmem:s11], [sflag:$0x1] =	stream.indirect.gather @p0 [hbm4b:s1+s0], $0x80, s18, s0, $0xb8;
	[tilespmem:$0x1E000] =	vst v63  }
0x99: {  	s18 =	simm.s32 @!p0 $0x500  }
0x9a: {  	[tilespmem:s12], [sflag:$0x1] =	stream.indirect.gather @!p0 [hbm4b:s5+s4], $0x80, s18, s4, $0xb8;
	[tilespmem:$0x1E000] =	vst v63  }
0x9b: {  	_ =	swait.ge [sflag:s22], $0x3E80  }
0x9c: {  	[sflag:s22] =	ssyncset.done $0x0  }
0x9d: {  	s18 =	simm.s32 $0x1500;
	[sflag:s22] =	ssyncadd.s32 $0xFFFFC180  }
0x9e: {  	[spmem:s2] =	stream.indirect.scatter.add.f32 [tilespmem:s21], [sflag:$0x3], $0x80, s18, s20, $0xb8;
	[tilespmem:$0x1E000] =	vst v63  }
0x9f: {  	_ =	swait.ge [sflag:s29], $0x3E80  }
0xa0: {  	[sflag:s29] =	ssyncset.done $0x0  }
0xa1: {  	s18 =	simm.s32 @p0 $0x580;
	[sflag:s29] =	ssyncadd.s32 $0xFFFFC180  }
0xa2: {  	[tilespmem:s8], [sflag:$0x2] =	stream.indirect.gather @p0 [hbm4b:s1+s0], $0x80, s18, s0, $0xb8;
	[tilespmem:$0x1E000] =	vst v63  }
0xa3: {  	s18 =	simm.s32 @!p0 $0x580  }
0xa4: {  	[tilespmem:s10], [sflag:$0x2] =	stream.indirect.gather @!p0 [hbm4b:s5+s4], $0x80, s18, s4, $0xb8;
	[tilespmem:$0x1E000] =	vst v63  }
0xa5: {  	_ =	swait.ge [sflag:s23], $0x3E80  }
0xa6: {  	[sflag:s23] =	ssyncset.done $0x0  }
0xa7: {  	s18 =	simm.s32 $0x1580;
	[sflag:s23] =	ssyncadd.s32 $0xFFFFC180  }
0xa8: {  	[spmem:s2] =	stream.indirect.scatter.add.f32 [tilespmem:s25], [sflag:$0x4], $0x80, s18, s20, $0xb8;
	[tilespmem:$0x1E000] =	vst v63  }
0xa9: {  	_ =	swait.ge [sflag:s26], $0x3E80  }
0xaa: {  	[sflag:s26] =	ssyncset.done $0x0  }
0xab: {  	s18 =	simm.s32 @p0 $0x600;
	[sflag:s26] =	ssyncadd.s32 $0xFFFFC180  }
0xac: {  	[tilespmem:s11], [sflag:$0x1] =	stream.indirect.gather @p0 [hbm4b:s1+s0], $0x80, s18, s0, $0xb8;
	[tilespmem:$0x1E000] =	vst v63  }
0xad: {  	s18 =	simm.s32 @!p0 $0x600  }
0xae: {  	[tilespmem:s12], [sflag:$0x1] =	stream.indirect.gather @!p0 [hbm4b:s5+s4], $0x80, s18, s4, $0xb8;
	[tilespmem:$0x1E000] =	vst v63  }
0xaf: {  	_ =	swait.ge [sflag:s22], $0x3E80  }
0xb0: {  	[sflag:s22] =	ssyncset.done $0x0  }
0xb1: {  	s18 =	simm.s32 $0x1600;
	[sflag:s22] =	ssyncadd.s32 $0xFFFFC180  }
0xb2: {  	[spmem:s2] =	stream.indirect.scatter.add.f32 [tilespmem:s21], [sflag:$0x3], $0x80, s18, s20, $0xb8;
	[tilespmem:$0x1E000] =	vst v63  }
0xb3: {  	_ =	swait.ge [sflag:s29], $0x3E80  }
0xb4: {  	[sflag:s29] =	ssyncset.done $0x0  }
0xb5: {  	s18 =	simm.s32 @p0 $0x680;
	[sflag:s29] =	ssyncadd.s32 $0xFFFFC180  }
0xb6: {  	[tilespmem:s8], [sflag:$0x2] =	stream.indirect.gather @p0 [hbm4b:s1+s0], $0x80, s18, s0, $0xb8;
	[tilespmem:$0x1E000] =	vst v63  }
0xb7: {  	s18 =	simm.s32 @!p0 $0x680  }
0xb8: {  	[tilespmem:s10], [sflag:$0x2] =	stream.indirect.gather @!p0 [hbm4b:s5+s4], $0x80, s18, s4, $0xb8;
	[tilespmem:$0x1E000] =	vst v63  }
0xb9: {  	_ =	swait.ge [sflag:s23], $0x3E80  }
0xba: {  	[sflag:s23] =	ssyncset.done $0x0  }
0xbb: {  	s18 =	simm.s32 $0x1680;
	[sflag:s23] =	ssyncadd.s32 $0xFFFFC180  }
0xbc: {  	[spmem:s2] =	stream.indirect.scatter.add.f32 [tilespmem:s25], [sflag:$0x4], $0x80, s18, s20, $0xb8;
	[tilespmem:$0x1E000] =	vst v63  }
0xbd: {  	_ =	swait.ge [sflag:s26], $0x3E80  }
0xbe: {  	[sflag:s26] =	ssyncset.done $0x0  }
0xbf: {  	s18 =	simm.s32 @p0 $0x700;
	[sflag:s26] =	ssyncadd.s32 $0xFFFFC180  }
0xc0: {  	[tilespmem:s11], [sflag:$0x1] =	stream.indirect.gather @p0 [hbm4b:s1+s0], $0x80, s18, s0, $0xb8;
	[tilespmem:$0x1E000] =	vst v63  }
0xc1: {  	s18 =	simm.s32 @!p0 $0x700  }
0xc2: {  	[tilespmem:s12], [sflag:$0x1] =	stream.indirect.gather @!p0 [hbm4b:s5+s4], $0x80, s18, s4, $0xb8;
	[tilespmem:$0x1E000] =	vst v63  }
0xc3: {  	_ =	swait.ge [sflag:s22], $0x3E80  }
0xc4: {  	[sflag:s22] =	ssyncset.done $0x0  }
0xc5: {  	s18 =	simm.s32 $0x1700;
	[sflag:s22] =	ssyncadd.s32 $0xFFFFC180  }
0xc6: {  	[spmem:s2] =	stream.indirect.scatter.add.f32 [tilespmem:s21], [sflag:$0x3], $0x80, s18, s20, $0xb8;
	[tilespmem:$0x1E000] =	vst v63  }
0xc7: {  	_ =	swait.ge [sflag:s29], $0x3E80  }
0xc8: {  	[sflag:s29] =	ssyncset.done $0x0  }
0xc9: {  	s18 =	simm.s32 @p0 $0x780;
	[sflag:s29] =	ssyncadd.s32 $0xFFFFC180  }
0xca: {  	[tilespmem:s8], [sflag:$0x2] =	stream.indirect.gather @p0 [hbm4b:s1+s0], $0x80, s18, s0, $0xb8;
	[tilespmem:$0x1E000] =	vst v63  }
0xcb: {  	s18 =	simm.s32 @!p0 $0x780  }
0xcc: {  	[tilespmem:s10], [sflag:$0x2] =	stream.indirect.gather @!p0 [hbm4b:s5+s4], $0x80, s18, s4, $0xb8;
	[tilespmem:$0x1E000] =	vst v63  }
0xcd: {  	_ =	swait.ge [sflag:s23], $0x3E80  }
0xce: {  	[sflag:s23] =	ssyncset.done $0x0  }
0xcf: {  	s18 =	simm.s32 $0x1780;
	[sflag:s23] =	ssyncadd.s32 $0xFFFFC180  }
0xd0: {  	[spmem:s2] =	stream.indirect.scatter.add.f32 [tilespmem:s25], [sflag:$0x4], $0x80, s18, s20, $0xb8;
	[tilespmem:$0x1E000] =	vst v63  }
0xd1: {  	_ =	swait.ge [sflag:s26], $0x3E80  }
0xd2: {  	[sflag:s26] =	ssyncset.done $0x0  }
0xd3: {  	[sflag:s26] =	ssyncadd.s32 $0xFFFFC180  }
0xd4: {  	_ =	swait.ge [sflag:s29], $0x3E80  }
0xd5: {  	[sflag:s29] =	ssyncset.done $0x0  }
0xd6: {  	s18 =	simm.s32 $0x6;
	[sflag:s29] =	ssyncadd.s32 $0xFFFFC180  }
0xd7: {  	_ =	swait.ge [sflag:s18], $0x800  }
0xd8: {  	[sflag:s18] =	ssyncset.done $0x0  }
0xd9: {  	[sflag:s18] =	ssyncadd.s32 $0xFFFFF800  }
0xda: {  	_ =	swait.ge [sflag:s18], $0x800  }
0xdb: {  	p2 =	seq.s32 s17, $0x0;
	[sflag:s18] =	ssyncset.done $0x0  }
0xdc: {  	[sflag:s18] =	ssyncadd.s32 $0xFFFFF800;
	s18 =	sadd.s32 @!p2 s17, s6  }
0xdd: {  	[tilespmem:s21], [sflag:$0x1] =	stream.indirect.gather [hbm4b:s7+s20], $0x80, s19, s20, $0xb8;
	[tilespmem:$0x1E000] =	vst v63  }
0xde: {  	s3 =	rddreg [dreg:$0xc];
	s18 =	sadd.s32 @!p2 $0xA00, s18;
	s19 =	simm.s32 @!p2 $0x0  }
0xdf: {  	[tilespmem:s19], [sflag:$0x5] =	stream.linear.gather @!p2 [hbm4b:s18+s19], $0x800, $0x38;
	[tilespmem:$0x1E000] =	vst v63  }
0xe0: {  	s18 =	sadd.s32 @!p2 s17, s3  }
0xe1: {  	s3 =	simm.s32 @!p2 $0x1000;
	s18 =	sadd.s32 @!p2 $0xA00, s18  }
0xe2: {  	[tilespmem:s3], [sflag:$0x5] =	stream.linear.gather @!p2 [hbm4b:s18+s19], $0x800, $0x38;
	[tilespmem:$0x1E000] =	vst v63  }
0xe3: {  	_ =	swait.ge [sflag:s22], $0x3E80  }
0xe4: {  	[sflag:s22] =	ssyncset.done $0x0  }
0xe5: {  	[sflag:s22] =	ssyncadd.s32 $0xFFFFC180  }
0xe6: {  	[spmem:s2] =	stream.indirect.scatter.add.f32 [tilespmem:s21], [sflag:$0x3], $0x80, s9, s20, $0xb8;
	[tilespmem:$0x1E000] =	vst v63  }
0xe7: {  	s3 =	simm.s32 @p1 $0x880  }
0xe8: {  	[tilespmem:s15], [sflag:$0x2] =	stream.indirect.gather @p1 [hbm4b:s5+s14], $0x80, s3, s14, $0xb8;
	[tilespmem:$0x1E000] =	vst v63  }
0xe9: {  	s3 =	simm.s32 @!p1 $0x880  }
0xea: {  	[tilespmem:s16], [sflag:$0x2] =	stream.indirect.gather @!p1 [hbm4b:s1+s13], $0x80, s3, s13, $0xb8;
	[tilespmem:$0x1E000] =	vst v63  }
0xeb: {  	_ =	swait.ge [sflag:s23], $0x3E80  }
0xec: {  	[sflag:s23] =	ssyncset.done $0x0  }
0xed: {  	s15 =	simm.s32 $0x1880;
	[sflag:s23] =	ssyncadd.s32 $0xFFFFC180  }
0xee: {  	[spmem:s2] =	stream.indirect.scatter.add.f32 [tilespmem:s25], [sflag:$0x4], $0x80, s15, s20, $0xb8;
	[tilespmem:$0x1E000] =	vst v63  }
0xef: {  	_ =	swait.ge [sflag:s26], $0x3E80  }
0xf0: {  	[sflag:s26] =	ssyncset.done $0x0  }
0xf1: {  	s3 =	simm.s32 @p1 $0x900;
	[sflag:s26] =	ssyncadd.s32 $0xFFFFC180  }
0xf2: {  	[tilespmem:s24], [sflag:$0x1] =	stream.indirect.gather @p1 [hbm4b:s5+s14], $0x80, s3, s14, $0xb8;
	[tilespmem:$0x1E000] =	vst v63  }
0xf3: {  	s3 =	simm.s32 @!p1 $0x900  }
0xf4: {  	[tilespmem:s30], [sflag:$0x1] =	stream.indirect.gather @!p1 [hbm4b:s1+s13], $0x80, s3, s13, $0xb8;
	[tilespmem:$0x1E000] =	vst v63  }
0xf5: {  	_ =	swait.ge [sflag:s22], $0x3E80  }
0xf6: {  	[sflag:s22] =	ssyncset.done $0x0  }
0xf7: {  	s16 =	simm.s32 $0x1900;
	[sflag:s22] =	ssyncadd.s32 $0xFFFFC180  }
0xf8: {  	[spmem:s2] =	stream.indirect.scatter.add.f32 [tilespmem:s21], [sflag:$0x3], $0x80, s16, s20, $0xb8;
	[tilespmem:$0x1E000] =	vst v63  }
0xf9: {  	_ =	swait.ge [sflag:s29], $0x3E80  }
0xfa: {  	[sflag:s29] =	ssyncset.done $0x0  }
0xfb: {  	s3 =	simm.s32 @p0 $0x980;
	[sflag:s29] =	ssyncadd.s32 $0xFFFFC180  }
0xfc: {  	[tilespmem:s8], [sflag:$0x2] =	stream.indirect.gather @p0 [hbm4b:s1+s0], $0x80, s3, s0, $0xb8;
	[tilespmem:$0x1E000] =	vst v63  }
0xfd: {  	s3 =	simm.s32 @!p0 $0x980  }
0xfe: {  	[tilespmem:s10], [sflag:$0x2] =	stream.indirect.gather @!p0 [hbm4b:s5+s4], $0x80, s3, s4, $0xb8;
	[tilespmem:$0x1E000] =	vst v63  }
0xff: {  	_ =	swait.ge [sflag:s23], $0x3E80  }
0x100: {  	[sflag:s23] =	ssyncset.done $0x0  }
0x101: {  	s18 =	simm.s32 $0x1980;
	[sflag:s23] =	ssyncadd.s32 $0xFFFFC180  }
0x102: {  	[spmem:s2] =	stream.indirect.scatter.add.f32 [tilespmem:s25], [sflag:$0x4], $0x80, s18, s20, $0xb8;
	[tilespmem:$0x1E000] =	vst v63  }
0x103: {  	_ =	swait.ge [sflag:s26], $0x3E80  }
0x104: {  	[sflag:s26] =	ssyncset.done $0x0  }
0x105: {  	s3 =	simm.s32 @p0 $0xA00;
	[sflag:s26] =	ssyncadd.s32 $0xFFFFC180  }
0x106: {  	[tilespmem:s11], [sflag:$0x1] =	stream.indirect.gather @p0 [hbm4b:s1+s0], $0x80, s3, s0, $0xb8;
	[tilespmem:$0x1E000] =	vst v63  }
0x107: {  	s3 =	simm.s32 @!p0 $0xA00  }
0x108: {  	[tilespmem:s12], [sflag:$0x1] =	stream.indirect.gather @!p0 [hbm4b:s5+s4], $0x80, s3, s4, $0xb8;
	[tilespmem:$0x1E000] =	vst v63  }
0x109: {  	_ =	swait.ge [sflag:s22], $0x3E80  }
0x10a: {  	[sflag:s22] =	ssyncset.done $0x0  }
0x10b: {  	s19 =	simm.s32 $0x1A00;
	[sflag:s22] =	ssyncadd.s32 $0xFFFFC180  }
0x10c: {  	[spmem:s2] =	stream.indirect.scatter.add.f32 [tilespmem:s21], [sflag:$0x3], $0x80, s19, s20, $0xb8;
	[tilespmem:$0x1E000] =	vst v63  }
0x10d: {  	_ =	swait.ge [sflag:s29], $0x3E80  }
0x10e: {  	[sflag:s29] =	ssyncset.done $0x0  }
0x10f: {  	s3 =	simm.s32 @p0 $0xA80;
	[sflag:s29] =	ssyncadd.s32 $0xFFFFC180  }
0x110: {  	[tilespmem:s8], [sflag:$0x2] =	stream.indirect.gather @p0 [hbm4b:s1+s0], $0x80, s3, s0, $0xb8;
	[tilespmem:$0x1E000] =	vst v63  }
0x111: {  	s3 =	simm.s32 @!p0 $0xA80  }
0x112: {  	[tilespmem:s10], [sflag:$0x2] =	stream.indirect.gather @!p0 [hbm4b:s5+s4], $0x80, s3, s4, $0xb8;
	[tilespmem:$0x1E000] =	vst v63  }
0x113: {  	_ =	swait.ge [sflag:s23], $0x3E80  }
0x114: {  	[sflag:s23] =	ssyncset.done $0x0  }
0x115: {  	s24 =	simm.s32 $0x1A80;
	[sflag:s23] =	ssyncadd.s32 $0xFFFFC180  }
0x116: {  	[spmem:s2] =	stream.indirect.scatter.add.f32 [tilespmem:s25], [sflag:$0x4], $0x80, s24, s20, $0xb8;
	[tilespmem:$0x1E000] =	vst v63  }
0x117: {  	_ =	swait.ge [sflag:s26], $0x3E80  }
0x118: {  	[sflag:s26] =	ssyncset.done $0x0  }
0x119: {  	s3 =	simm.s32 @p0 $0xB00;
	[sflag:s26] =	ssyncadd.s32 $0xFFFFC180  }
0x11a: {  	[tilespmem:s11], [sflag:$0x1] =	stream.indirect.gather @p0 [hbm4b:s1+s0], $0x80, s3, s0, $0xb8;
	[tilespmem:$0x1E000] =	vst v63  }
0x11b: {  	s3 =	simm.s32 @!p0 $0xB00  }
0x11c: {  	[tilespmem:s12], [sflag:$0x1] =	stream.indirect.gather @!p0 [hbm4b:s5+s4], $0x80, s3, s4, $0xb8;
	[tilespmem:$0x1E000] =	vst v63  }
0x11d: {  	_ =	swait.ge [sflag:s22], $0x3E80  }
0x11e: {  	[sflag:s22] =	ssyncset.done $0x0  }
0x11f: {  	s30 =	simm.s32 $0x1B00;
	[sflag:s22] =	ssyncadd.s32 $0xFFFFC180  }
0x120: {  	[spmem:s2] =	stream.indirect.scatter.add.f32 [tilespmem:s21], [sflag:$0x3], $0x80, s30, s20, $0xb8;
	[tilespmem:$0x1E000] =	vst v63  }
0x121: {  	_ =	swait.ge [sflag:s29], $0x3E80  }
0x122: {  	[sflag:s29] =	ssyncset.done $0x0  }
0x123: {  	s3 =	simm.s32 @p0 $0xB80;
	[sflag:s29] =	ssyncadd.s32 $0xFFFFC180  }
0x124: {  	[tilespmem:s8], [sflag:$0x2] =	stream.indirect.gather @p0 [hbm4b:s1+s0], $0x80, s3, s0, $0xb8;
	[tilespmem:$0x1E000] =	vst v63  }
0x125: {  	s3 =	simm.s32 @!p0 $0xB80  }
0x126: {  	[tilespmem:s10], [sflag:$0x2] =	stream.indirect.gather @!p0 [hbm4b:s5+s4], $0x80, s3, s4, $0xb8;
	[tilespmem:$0x1E000] =	vst v63  }
0x127: {  	_ =	swait.ge [sflag:s23], $0x3E80  }
0x128: {  	[sflag:s23] =	ssyncset.done $0x0  }
0x129: {  	s9 =	simm.s32 $0x1B80;
	[sflag:s23] =	ssyncadd.s32 $0xFFFFC180  }
0x12a: {  	[spmem:s2] =	stream.indirect.scatter.add.f32 [tilespmem:s25], [sflag:$0x4], $0x80, s9, s20, $0xb8;
	[tilespmem:$0x1E000] =	vst v63  }
0x12b: {  	_ =	swait.ge [sflag:s26], $0x3E80  }
0x12c: {  	[sflag:s26] =	ssyncset.done $0x0  }
0x12d: {  	s3 =	simm.s32 @p0 $0xC00;
	[sflag:s26] =	ssyncadd.s32 $0xFFFFC180  }
0x12e: {  	[tilespmem:s11], [sflag:$0x1] =	stream.indirect.gather @p0 [hbm4b:s1+s0], $0x80, s3, s0, $0xb8;
	[tilespmem:$0x1E000] =	vst v63  }
0x12f: {  	s3 =	simm.s32 @!p0 $0xC00  }
0x130: {  	[tilespmem:s12], [sflag:$0x1] =	stream.indirect.gather @!p0 [hbm4b:s5+s4], $0x80, s3, s4, $0xb8;
	[tilespmem:$0x1E000] =	vst v63  }
0x131: {  	_ =	swait.ge [sflag:s22], $0x3E80  }
0x132: {  	[sflag:s22] =	ssyncset.done $0x0  }
0x133: {  	s13 =	simm.s32 $0x1C00;
	[sflag:s22] =	ssyncadd.s32 $0xFFFFC180  }
0x134: {  	[spmem:s2] =	stream.indirect.scatter.add.f32 [tilespmem:s21], [sflag:$0x3], $0x80, s13, s20, $0xb8;
	[tilespmem:$0x1E000] =	vst v63  }
0x135: {  	_ =	swait.ge [sflag:s29], $0x3E80  }
0x136: {  	[sflag:s29] =	ssyncset.done $0x0  }
0x137: {  	s3 =	simm.s32 @p0 $0xC80;
	[sflag:s29] =	ssyncadd.s32 $0xFFFFC180  }
0x138: {  	[tilespmem:s8], [sflag:$0x2] =	stream.indirect.gather @p0 [hbm4b:s1+s0], $0x80, s3, s0, $0xb8;
	[tilespmem:$0x1E000] =	vst v63  }
0x139: {  	s3 =	simm.s32 @!p0 $0xC80  }
0x13a: {  	[tilespmem:s10], [sflag:$0x2] =	stream.indirect.gather @!p0 [hbm4b:s5+s4], $0x80, s3, s4, $0xb8;
	[tilespmem:$0x1E000] =	vst v63  }
0x13b: {  	_ =	swait.ge [sflag:s23], $0x3E80  }
0x13c: {  	[sflag:s23] =	ssyncset.done $0x0  }
0x13d: {  	s14 =	simm.s32 $0x1C80;
	[sflag:s23] =	ssyncadd.s32 $0xFFFFC180  }
0x13e: {  	[spmem:s2] =	stream.indirect.scatter.add.f32 [tilespmem:s25], [sflag:$0x4], $0x80, s14, s20, $0xb8;
	[tilespmem:$0x1E000] =	vst v63  }
0x13f: {  	_ =	swait.ge [sflag:s26], $0x3E80  }
0x140: {  	[sflag:s26] =	ssyncset.done $0x0  }
0x141: {  	s3 =	simm.s32 @p0 $0xD00;
	[sflag:s26] =	ssyncadd.s32 $0xFFFFC180  }
0x142: {  	[tilespmem:s11], [sflag:$0x1] =	stream.indirect.gather @p0 [hbm4b:s1+s0], $0x80, s3, s0, $0xb8;
	[tilespmem:$0x1E000] =	vst v63  }
0x143: {  	s3 =	simm.s32 @!p0 $0xD00  }
0x144: {  	[tilespmem:s12], [sflag:$0x1] =	stream.indirect.gather @!p0 [hbm4b:s5+s4], $0x80, s3, s4, $0xb8;
	[tilespmem:$0x1E000] =	vst v63  }
0x145: {  	_ =	swait.ge [sflag:s22], $0x3E80  }
0x146: {  	[sflag:s22] =	ssyncset.done $0x0  }
0x147: {  	s15 =	simm.s32 $0x1D00;
	[sflag:s22] =	ssyncadd.s32 $0xFFFFC180  }
0x148: {  	[spmem:s2] =	stream.indirect.scatter.add.f32 [tilespmem:s21], [sflag:$0x3], $0x80, s15, s20, $0xb8;
	[tilespmem:$0x1E000] =	vst v63  }
0x149: {  	_ =	swait.ge [sflag:s29], $0x3E80  }
0x14a: {  	[sflag:s29] =	ssyncset.done $0x0  }
0x14b: {  	s3 =	simm.s32 @p0 $0xD80;
	[sflag:s29] =	ssyncadd.s32 $0xFFFFC180  }
0x14c: {  	[tilespmem:s8], [sflag:$0x2] =	stream.indirect.gather @p0 [hbm4b:s1+s0], $0x80, s3, s0, $0xb8;
	[tilespmem:$0x1E000] =	vst v63  }
0x14d: {  	s3 =	simm.s32 @!p0 $0xD80  }
0x14e: {  	[tilespmem:s10], [sflag:$0x2] =	stream.indirect.gather @!p0 [hbm4b:s5+s4], $0x80, s3, s4, $0xb8;
	[tilespmem:$0x1E000] =	vst v63  }
0x14f: {  	_ =	swait.ge [sflag:s23], $0x3E80  }
0x150: {  	[sflag:s23] =	ssyncset.done $0x0  }
0x151: {  	s16 =	simm.s32 $0x1D80;
	[sflag:s23] =	ssyncadd.s32 $0xFFFFC180  }
0x152: {  	[spmem:s2] =	stream.indirect.scatter.add.f32 [tilespmem:s25], [sflag:$0x4], $0x80, s16, s20, $0xb8;
	[tilespmem:$0x1E000] =	vst v63  }
0x153: {  	_ =	swait.ge [sflag:s26], $0x3E80  }
0x154: {  	[sflag:s26] =	ssyncset.done $0x0  }
0x155: {  	s3 =	simm.s32 @p0 $0xE00;
	[sflag:s26] =	ssyncadd.s32 $0xFFFFC180  }
0x156: {  	[tilespmem:s11], [sflag:$0x1] =	stream.indirect.gather @p0 [hbm4b:s1+s0], $0x80, s3, s0, $0xb8;
	[tilespmem:$0x1E000] =	vst v63  }
0x157: {  	s3 =	simm.s32 @!p0 $0xE00  }
0x158: {  	[tilespmem:s12], [sflag:$0x1] =	stream.indirect.gather @!p0 [hbm4b:s5+s4], $0x80, s3, s4, $0xb8;
	[tilespmem:$0x1E000] =	vst v63  }
0x159: {  	_ =	swait.ge [sflag:s22], $0x3E80  }
0x15a: {  	[sflag:s22] =	ssyncset.done $0x0  }
0x15b: {  	s18 =	simm.s32 $0x1E00;
	[sflag:s22] =	ssyncadd.s32 $0xFFFFC180  }
0x15c: {  	[spmem:s2] =	stream.indirect.scatter.add.f32 [tilespmem:s21], [sflag:$0x3], $0x80, s18, s20, $0xb8;
	[tilespmem:$0x1E000] =	vst v63  }
0x15d: {  	_ =	swait.ge [sflag:s29], $0x3E80  }
0x15e: {  	[sflag:s29] =	ssyncset.done $0x0  }
0x15f: {  	s3 =	simm.s32 @p0 $0xE80;
	[sflag:s29] =	ssyncadd.s32 $0xFFFFC180  }
0x160: {  	[tilespmem:s8], [sflag:$0x2] =	stream.indirect.gather @p0 [hbm4b:s1+s0], $0x80, s3, s0, $0xb8;
	[tilespmem:$0x1E000] =	vst v63  }
0x161: {  	s3 =	simm.s32 @!p0 $0xE80  }
0x162: {  	[tilespmem:s10], [sflag:$0x2] =	stream.indirect.gather @!p0 [hbm4b:s5+s4], $0x80, s3, s4, $0xb8;
	[tilespmem:$0x1E000] =	vst v63  }
0x163: {  	_ =	swait.ge [sflag:s23], $0x3E80  }
0x164: {  	[sflag:s23] =	ssyncset.done $0x0  }
0x165: {  	s19 =	simm.s32 $0x1E80;
	[sflag:s23] =	ssyncadd.s32 $0xFFFFC180  }
0x166: {  	[spmem:s2] =	stream.indirect.scatter.add.f32 [tilespmem:s25], [sflag:$0x4], $0x80, s19, s20, $0xb8;
	[tilespmem:$0x1E000] =	vst v63  }
0x167: {  	_ =	swait.ge [sflag:s26], $0x3E80  }
0x168: {  	[sflag:s26] =	ssyncset.done $0x0  }
0x169: {  	s3 =	simm.s32 @p0 $0xF00;
	[sflag:s26] =	ssyncadd.s32 $0xFFFFC180  }
0x16a: {  	[tilespmem:s11], [sflag:$0x1] =	stream.indirect.gather @p0 [hbm4b:s1+s0], $0x80, s3, s0, $0xb8;
	[tilespmem:$0x1E000] =	vst v63  }
0x16b: {  	s3 =	simm.s32 @!p0 $0xF00  }
0x16c: {  	[tilespmem:s12], [sflag:$0x1] =	stream.indirect.gather @!p0 [hbm4b:s5+s4], $0x80, s3, s4, $0xb8;
	[tilespmem:$0x1E000] =	vst v63  }
0x16d: {  	_ =	swait.ge [sflag:s22], $0x3E80  }
0x16e: {  	[sflag:s22] =	ssyncset.done $0x0  }
0x16f: {  	s24 =	simm.s32 $0x1F00;
	[sflag:s22] =	ssyncadd.s32 $0xFFFFC180  }
0x170: {  	[spmem:s2] =	stream.indirect.scatter.add.f32 [tilespmem:s21], [sflag:$0x3], $0x80, s24, s20, $0xb8;
	[tilespmem:$0x1E000] =	vst v63  }
0x171: {  	_ =	swait.ge [sflag:s29], $0x3E80  }
0x172: {  	[sflag:s29] =	ssyncset.done $0x0  }
0x173: {  	s3 =	simm.s32 @p0 $0xF80;
	[sflag:s29] =	ssyncadd.s32 $0xFFFFC180  }
0x174: {  	[tilespmem:s8], [sflag:$0x2] =	stream.indirect.gather @p0 [hbm4b:s1+s0], $0x80, s3, s0, $0xb8;
	[tilespmem:$0x1E000] =	vst v63  }
0x175: {  	s0 =	simm.s32 @!p0 $0xF80  }
0x176: {  	[tilespmem:s10], [sflag:$0x2] =	stream.indirect.gather @!p0 [hbm4b:s5+s4], $0x80, s0, s4, $0xb8;
	[tilespmem:$0x1E000] =	vst v63  }
0x177: {  	_ =	swait.ge [sflag:s23], $0x3E80  }
0x178: {  	[sflag:s23] =	ssyncset.done $0x0  }
0x179: {  	s30 =	simm.s32 $0x1F80;
	[sflag:s23] =	ssyncadd.s32 $0xFFFFC180  }
0x17a: {  	[spmem:s2] =	stream.indirect.scatter.add.f32 [tilespmem:s25], [sflag:$0x4], $0x80, s30, s20, $0xb8;
	[tilespmem:$0x1E000] =	vst v63  }
0x17b: {  	_ =	swait.ge [sflag:s26], $0x3E80  }
.Ltmp2:
0x17c: {  	[sflag:s26] =	ssyncset.done $0x0;
	(pc) =	sbr.rel @p2 .LBB2_4-.Ltmp2, $4  }
0x17d: {  	[sflag:s26] =	ssyncadd.s32 $0xFFFFC180  }
0x17e: {  	_ =	swait.ge [sflag:s29], $0x3E80  }
0x17f: {  	[sflag:s29] =	ssyncset.done $0x0  }
0x180: {  	s9 =	simm.s32 $0x1800;
	[sflag:s29] =	ssyncadd.s32 $0xFFFFC180  }
0x181: {  	_ =	swait.ge [sflag:s31], $0x800  }
0x182: {  	[sflag:s31] =	ssyncset.done $0x0  }
0x183: {  	[sflag:s31] =	ssyncadd.s32 $0xFFFFF800  }
0x184: {  	_ =	swait.ge [sflag:s31], $0x800  }
0x185: {  	[sflag:s31] =	ssyncset.done $0x0  }
0x186: {  	s3 =	simm.s32 $0x0;
	s0 =	sadd.s32 s17, s6;
	[sflag:s31] =	ssyncadd.s32 $0xFFFFF800  }
0x187: {  	[tilespmem:s21], [sflag:$0x1] =	stream.indirect.gather [hbm4b:s7+s20], $0x80, s3, s20, $0xb8;
	[tilespmem:$0x1E000] =	vst v63  }
0x188: {  	s0 =	sadd.s32 $0xB00, s0  }
0x189: {  	[tilespmem:s28], [sflag:$0x6] =	stream.linear.gather [hbm4b:s0+s3], $0x800, $0x38;
	[tilespmem:$0x1E000] =	vst v63  }
.Ltmp3:
0x18a: {  	s30 =	rddreg [dreg:$0xc];
	(pc) =	sbr.rel .LBB2_2-.Ltmp3, $4  }
0x18b: {  	s0 =	sadd.s32 s17, s30  }
0x18c: {  	s0 =	sadd.s32 $0xB00, s0  }
0x18d: {  	[tilespmem:s9], [sflag:$0x6] =	stream.linear.gather [hbm4b:s0+s3], $0x800, $0x38;
	[tilespmem:$0x1E000] =	vst v63  }
0x18e: {  	s19 =	simm.s32 $0x800;
	s17 =	sadd.s32 $0x200, s17;
	s9 =	simm.s32 $0x1800  }
.LBB2_5:
0x18f: {  	_ =	sfence.sel $0x180000  }
0x190: {  	[bflag:$0x0] =	sbarrier.arrive $0xFFFF  }
0x191: {  	_ =	strace $0x9000004A  }
0x192: {  	s0 =	stileid.u32;
	[bflag:$0x2] =	sbarrier.arrive $0xFFFF  }
0x193: {  	p0 =	sne.s32 s0, $0x0;
	s0 =	rddreg [dreg:$0x3]  }
0x194: {  	s0 =	sadd.s32 @!p0 $0x100000, s0  }
0x195: {  	[sflag:s0] =	ssyncadd.tile.s32 @!p0 $0x1;
	_ =	shalt  }
.Lfunc_end2:
_tile_overlayer_lowered:
.L_overlay_start_2:
0x196: {  	(tag) =	ssettag $0x2  }
0x197: {  	s0 =	rddreg [dreg:$0x0];
	s2 =	stileid.u32  }
0x198: {  	s1 =	rddreg [dreg:$0x1];
	p0 =	sne.s32 s2, $0x0  }
0x199: {  	s3 =	rddreg [dreg:$0x2];
	[bflag:$0x3] =	sbarrier.arrive $0xFFFF;
	s2 =	simm.s32 @!p0 $0x1C07  }
0x19a: {  	[timem:s3], [sflag:s2] =	dma.local @!p0 [hbm:s0], s1  }
0x19b: {  	s0 =	simm.s32 @!p0 $0x7  }
0x19c: {  	_ =	swait.ge @!p0 [sflag:s0], s1  }
0x19d: {  	s1 =	ssub.s32 @!p0 $0x0, s1;
	[sflag:s0] =	ssyncset.done @!p0 $0x0  }
0x19e: {  	[sflag:s0] =	ssyncadd.s32 @!p0 s1  }
0x19f: {  	[bflag:$0x3] =	sbarrier.arrive $0xFFFF  }
0x1a0: {  	_ =	shalt  }

// kernel: kernel.18.cloned.1.call-start
scs
__scs_entry_jumppad:
0x0: {  	(pc) =	sbr.rel $0x88, $3  }
0x1: {  	(tag) =	ssettag $0x0;
	lr =	simm.s32 $0x1  }
0x2: {  	[smem:$0x3F92] =	sst lr;
	_ =	strace $0xD0000000  }
0x3: {  	_ = 	snop  }
0x4: {  	_ = 	snop  }
0x5: {  	_ = 	snop  }
0x6: {  	_ = 	snop  }
0x7: {  	_ = 	snop  }
__scs_overlays_trampoline_lowered:
0x8: {  	[smem:$0x3FA1] =	sst s0  }
0x9: {  	[smem:$0x3FA2] =	sst s1  }
0xa: {  	[smem:$0x3FA3] =	sst s2  }
0xb: {  	[smem:$0x3FA4] =	sst s3  }
0xc: {  	[smem:$0x3FA5] =	sst s4  }
0xd: {  	[smem:$0x3FA6] =	sst s5  }
0xe: {  	[smem:$0x3FA7] =	sst s6  }
0xf: {  	[smem:$0x3FA8] =	sst s7  }
0x10: {  	[smem:$0x3FA9] =	sst s8  }
0x11: {  	[smem:$0x3FAA] =	sst s9;
	s0 =	simm.s32 @!p0 $0x0  }
0x12: {  	s1 =	sld [smem:$0x3F90];
	s0 =	simm.s32 @p0 $0x1  }
0x13: {  	[smem:$0x3FAB] =	sst s0;
	s0 =	simm.s32 @!p1 $0x0  }
0x14: {  	s2 =	sld [smem:$0x3F8F];
	s0 =	simm.s32 @p1 $0x1  }
0x15: {  	[smem:$0x3FAC] =	sst s0;
	s0 =	simm.s32 @!p2 $0x0  }
0x16: {  	s3 =	sld [smem:$0x3FDB];
	s0 =	simm.s32 @p2 $0x1  }
0x17: {  	s4 =	simm.s32 $0x1BF5;
	[smem:$0x3FAE] =	sst s0  }
0x18: {  	s0 =	sld [smem:$0x3F91];
	_ =	swait.ge [sflag:s4], $0x0  }
0x19: {  	s7 =	sld [smem:$0x3F92]  }
0x1a: {  	s8 =	sadd.s32 $0xFFFFE003, lr  }
0x1b: {  	s9 =	sadd.s32 $0xFFFFFEF7, lr;
	s5 =	simm.s32 $0xFFFFFFFF;
	p2 =	slt.u32 s8, $0xFFFFF086  }
0x1c: {  	p1 =	slt.u32 s9, $0xF7A;
	s5 =	simm.s32 @!p2 $0x0  }
0x1d: {  	s5 =	simm.s32 @p1 $0x1;
	p0 =	seq.s32 s7, s2  }
0x1e: {  	s7 =	smul.u32 @!p0 $0xF7A, s2;
	p2 =	seq.s32 @!p0 s5, $0x0  }
0x1f: {  	s9 =	smul.u32 $0xF7A, s1;
	s8 =	simm.s32 @!p0 $0x1BF5;
	p2 =	por !p2, p0  }
0x20: {  	[sflag:s8] =	ssyncset.s32 @!p0 $0xFFFFF086;
	s6 =	sadd.s32 @!p0 s3, s7;
	s7 =	simm.s32 @!p0 $0x108  }
0x21: {  	s3 =	sadd.s32 s3, s9;
	s6 =	sadd.s32 @!p0 $0x88, s6;
	s7 =	simm.s32 @p2 $0x1082  }
0x22: {  	[simem:s7], [sflag:s8] =	dma.local @!p0 [hbm:s6], $0xF7A  }
0x23: {  	s9 =	sor.u32 $0xD0000000, s2;
	s6 =	simm.s32 $0x108;
	_ =	swait.ge @!p0 [sflag:s8], $0x0  }
0x24: {  	s3 =	sadd.s32 $0x88, s3;
	s6 =	simm.s32 @!p1 $0x1082;
	[sflag:s4] =	ssyncset.s32 $0xFFFFF086  }
0x25: {  	[simem:s6], [sflag:s4] =	dma.local [hbm:s3], $0xF7A  }
0x26: {  	[smem:$0x3F92] =	sst s1;
	(tag) =	ssettag s2;
	_ =	strace s9  }
0x27: {  	s1 =	sld [smem:$0x3FA2]  }
0x28: {  	s2 =	sld [smem:$0x3FA3]  }
0x29: {  	s4 =	sld [smem:$0x3FA5]  }
0x2a: {  	p0 =	seq.s32 s5, $0x0;
	s5 =	sld [smem:$0x3FA6]  }
0x2b: {  	s6 =	sld [smem:$0x3FA7]  }
0x2c: {  	s7 =	sld [smem:$0x3FA8]  }
0x2d: {  	s3 =	simm.s32 $0x108;
	s8 =	sld [smem:$0x3FA9]  }
0x2e: {  	s3 =	simm.s32 @!p0 $0x1082;
	s9 =	sld [smem:$0x3FAA]  }
0x2f: {  	lr =	sadd.s32 s0, s3;
	s0 =	sld [smem:$0x3FA1]  }
0x30: {  	s3 =	sld [smem:$0x3FA4]  }
0x31: {  	[smem:$0x3FAD] =	sst s10  }
0x32: {  	s10 =	sld [smem:$0x3FAB];
	_ =	sdelay $0x3  }
0x33: {  	p0 =	seq.s32 s10, $0x1;
	s10 =	sld [smem:$0x3FAD];
	_ =	sdelay $0x3  }
0x34: {  	[smem:$0x3FAD] =	sst s10  }
0x35: {  	s10 =	sld [smem:$0x3FAC];
	_ =	sdelay $0x3  }
0x36: {  	p1 =	seq.s32 s10, $0x1;
	s10 =	sld [smem:$0x3FAD];
	_ =	sdelay $0x3  }
0x37: {  	[smem:$0x3FAD] =	sst s10  }
0x38: {  	s10 =	sld [smem:$0x3FAE]  }
0x39: {  	_ = 	snop;
	(pc) =	sbr.ind lr, $3  }
0x3a: {  	_ = 	snop  }
0x3b: {  	_ = 	snop  }
0x3c: {  	p2 =	seq.s32 s10, $0x1;
	s10 =	sld [smem:$0x3FAD]  }
0x3d: {  	_ =	shalt  }
0x3e: {  	_ =	shalt  }
0x3f: {  	_ =	shalt  }
0x40: {  	_ =	shalt  }
0x41: {  	_ =	shalt  }
0x42: {  	_ =	shalt  }
0x43: {  	_ =	shalt  }
0x44: {  	_ =	shalt  }
0x45: {  	_ =	shalt  }
0x46: {  	_ =	shalt  }
0x47: {  	_ =	shalt  }
0x48: {  	_ =	shalt  }
0x49: {  	_ =	shalt  }
0x4a: {  	_ =	shalt  }
0x4b: {  	_ =	shalt  }
0x4c: {  	_ =	shalt  }
0x4d: {  	_ =	shalt  }
0x4e: {  	_ =	shalt  }
0x4f: {  	_ =	shalt  }
0x50: {  	_ =	shalt  }
0x51: {  	_ =	shalt  }
0x52: {  	_ =	shalt  }
0x53: {  	_ =	shalt  }
0x54: {  	_ =	shalt  }
0x55: {  	_ =	shalt  }
0x56: {  	_ =	shalt  }
0x57: {  	_ =	shalt  }
0x58: {  	_ =	shalt  }
0x59: {  	_ =	shalt  }
0x5a: {  	_ =	shalt  }
0x5b: {  	_ =	shalt  }
0x5c: {  	_ =	shalt  }
0x5d: {  	_ =	shalt  }
0x5e: {  	_ =	shalt  }
0x5f: {  	_ =	shalt  }
0x60: {  	_ =	shalt  }
0x61: {  	_ =	shalt  }
0x62: {  	_ =	shalt  }
0x63: {  	_ =	shalt  }
0x64: {  	_ =	shalt  }
0x65: {  	_ =	shalt  }
0x66: {  	_ =	shalt  }
0x67: {  	_ =	shalt  }
0x68: {  	_ =	shalt  }
0x69: {  	_ =	shalt  }
0x6a: {  	_ =	shalt  }
0x6b: {  	_ =	shalt  }
0x6c: {  	_ =	shalt  }
0x6d: {  	_ =	shalt  }
0x6e: {  	_ =	shalt  }
0x6f: {  	_ =	shalt  }
0x70: {  	_ =	shalt  }
0x71: {  	_ =	shalt  }
0x72: {  	_ =	shalt  }
0x73: {  	_ =	shalt  }
0x74: {  	_ =	shalt  }
0x75: {  	_ =	shalt  }
0x76: {  	_ =	shalt  }
0x77: {  	_ =	shalt  }
0x78: {  	_ =	shalt  }
0x79: {  	_ =	shalt  }
0x7a: {  	_ =	shalt  }
0x7b: {  	_ =	shalt  }
0x7c: {  	_ =	shalt  }
0x7d: {  	_ =	shalt  }
0x7e: {  	_ =	shalt  }
0x7f: {  	_ =	shalt  }
0x80: {  	_ =	shalt  }
0x81: {  	_ =	shalt  }
0x82: {  	_ =	shalt  }
0x83: {  	_ =	shalt  }
0x84: {  	_ =	shalt  }
0x85: {  	_ =	shalt  }
0x86: {  	_ =	shalt  }
0x87: {  	_ =	shalt  }
.Lfunc_end0:
.L_simem_size_0:
called_computation.2_lowered:
.L_overlay_start_0:
0x88: {  	s2 =	sld [smem:$0x3FD9]  }
0x89: {  	s3 =	sld [smem:$0x3FFE];
	_ =	sdelay $0x1  }
0x8a: {  	s1 =	srdreg.scid  }
0x8b: {  	s0 =	sand.u32 $0x1, s1  }
0x8c: {  	s14 =	sshll.u32 s0, $0xA;
	s2 =	sadd.s32 s3, s2  }
0x8d: {  	s2 =	sadd.s32 s2, s14  }
0x8e: {  	[smem:$0x3FB9] =	sst s2  }
0x8f: {  	_ = 	snop  }
0x90: {  	s2 =	sld [smem:$0x3FD0];
	_ =	sdelay $0x2  }
0x91: {  	s15 =	simm.s32 $0xA;
	s4 =	simm.s32 $0x10  }
0x92: {  	[smem:s4], [sflag:s15] =	dma.local [hbm:s2], $0x1  }
0x93: {  	_ =	swait.eq [sflag:s15], $0x1  }
0x94: {  	[sflag:s15] =	ssyncset.done $0x0  }
0x95: {  	[sflag:s15] =	ssyncadd.s32 $0xFFFFFFFF  }
0x96: {  	s16 =	sld [smem:$0x10];
	(tm) =	ssettm $0x1  }
0x97: {  	s17 =	sld [smem:$0x3FFB];
	_ =	sdelay $0x3  }
0x98: {  	_ =	strace s17  }
0x99: {  	s3 =	sld [smem:$0x3FFC];
	_ =	sdelay $0x3  }
0x9a: {  	_ =	strace s3  }
0x9b: {  	s3 =	sld [smem:$0x3FFD];
	_ =	sdelay $0x3  }
0x9c: {  	_ =	strace s3  }
0x9d: {  	_ =	strace $0x8FFFFFFF  }
0x9e: {  	s18 =	sld [smem:$0x3FDB];
	_ =	sdelay $0x1  }
0x9f: {  	s19 =	simm.s32 $_scs_section_size  }
0xa0: {  	s5 =	simm.s32 $_size__tile_overlayer_lowered;
	s6 =	simm.s32 $_tile_overlayer_lowered  }
0xa1: {  	s22 =	simm.s32 $0x1BFF;
	s21 =	sshll.u32 s6, $0x1;
	s3 =	sadd.s32 s19, s18  }
0xa2: {  	s7 =	simm.s32 $0x0;
	s20 =	sshll.u32 s5, $0x1;
	s5 =	sadd.s32 s21, s3  }
0xa3: {  	[timem:s7], [sflag:s22] =	dma.local [hbm:s5], s20  }
0xa4: {  	_ =	swait.ge [sflag:s22], s20  }
0xa5: {  	s4 =	ssub.s32 $0x0, s20;
	[sflag:s22] =	ssyncset.done $0x0  }
0xa6: {  	[sflag:s22] =	ssyncadd.s32 s4;
	_ =	sdelay $0x1  }
0xa7: {  	s23 =	simm.s32 $0x1B8B  }
0xa8: {  	_ =	swait.ge [sflag:s23], $0x1  }
0xa9: {  	[sflag:s23] =	ssyncset.done $0x0  }
0xaa: {  	s25 =	simm.s32 $0x1B8E;
	s24 =	sld [smem:$0x3FFE];
	[sflag:s23] =	ssyncadd.s32 $0xFFFFFFFF  }
0xab: {  	s26 =	simm.s32 $execute0_lowered;
	[smem:$0x3FD2] =	sst s25  }
0xac: {  	s5 =	sshll.u32 s26, $0x1;
	_ =	strace $0x8000004C;
	[dreg:$0x1] =	wrdreg $0xFFFFFFFF  }
0xad: {  	s28 =	simm.s32 $_size_execute0_lowered;
	s3 =	sadd.s32 s3, s5;
	[dreg:$0x0] =	wrdreg $0x0  }
0xae: {  	s5 =	sshll.u32 s28, $0x1;
	[dreg:$0x2] =	wrdreg s3  }
0xaf: {  	[dreg:$0x3] =	wrdreg s5  }
0xb0: {  	[dreg:$0x4] =	wrdreg $0xC0  }
0xb1: {  	_ =	task [dreg:s7], $0x5FFFF  }
0xb2: {  	[dreg:$0x1] =	wrdreg $0xFFFFFFFF  }
0xb3: {  	[dreg:$0x0] =	wrdreg $0x60  }
0xb4: {  	[dreg:$0x2] =	wrdreg s16  }
0xb5: {  	[dreg:$0x3] =	wrdreg s24  }
0xb6: {  	[dreg:$0x4] =	wrdreg $0x90000  }
0xb7: {  	[dreg:$0x5] =	wrdreg $0x9  }
0xb8: {  	_ =	task.clear_ibuf [dreg:s7], $0x6FFFF;
	_ =	strace $0x9000004C  }
0xb9: {  	s29 =	simm.s32 $0x9;
	_ =	strace $0x8000004E  }
0xba: {  	_ =	swait.ge [sflag:s29], $0x1  }
0xbb: {  	[sflag:s29] =	ssyncadd.s32 $0xFFFFFFFF  }
0xbc: {  	_ =	strace $0x9000004E  }
0xbd: {  	_ =	sfence  }
0xbe: {  	s30 =	sld [smem:$0x0];
	_ =	sdelay $0x2  }
0xbf: {  	s31 =	sshll.u32 s1, $0xD;
	s1 =	sshrl.u32 s1, $0x2  }
0xc0: {  	s3 =	sand.u32 $0x4000, s31;
	s1 =	sadd.s32 s1, s30  }
0xc1: {  	s0 =	sor.u32 s3, s0;
	s1 =	sshll.u32 s1, $0x11  }
0xc2: {  	s0 =	sor.u32 s1, s0  }
0xc3: {  	s0 =	sadd.s32 $0x8F2B, s0  }
0xc4: {  	[sflag:s0] =	ssyncadd.remote.s32 $0x1  }
0xc5: {  	_ =	sfence.sel $0xFFFF  }
0xc6: {  	[dreg:$0x0] =	wrdreg $0xFFFFFFFF;
	(pc) =	sbr.abs _section_cstart, $3  }
0xc7: {  	[dreg:$0x1] =	wrdreg $0xFFFFFFFF  }
0xc8: {  	_ =	task.clear_ibuf [dreg:s7], $0x2FFFF;
	_ =	strace $0x9FFFFFFF  }
0xc9: {  	(tm) =	ssettm $0x7FFFFFFF  }
tec
execute0_lowered:
.L_overlay_start_1:
0x0: {  	(tag) =	ssettag $0x1  }
0x1: {  	s1 =	rddreg [dreg:$0x0]  }
0x2: {  	s0 =	rddreg [dreg:$0x1]  }
0x3: {  	s2 =	rddreg [dreg:$0x2];
	s3 =	simm.s32 $0x0  }
0x4: {  	s7 =	srdreg.scid;
	s14 =	stileid.u32;
	s28 =	simm.s32 $0x3  }
0x5: {  	s31 =	simm.s32 $0x4;
	s29 =	simm.s32 $0x580;
	s30 =	simm.s32 $0xD80  }
0x6: {  	[smem:$0x7FF] =	sst s3;
	s4 =	sadd.s32 $0x1A400, s0;
	s5 =	sadd.s32 $0x10400, s0  }
0x7: {  	s6 =	sadd.s32 $0x6400, s0;
	s8 =	sadd.s32 $0x42400, s0;
	s11 =	smul.u32 $0x50000, s14  }
0x8: {  	s7 =	sand.u32 $0x1, s7;
	s9 =	sshll.u32 s14, $0x1;
	s18 =	smul.u32 $0x2800, s14  }
0x9: {  	s0 =	sadd.s32 $0x6A400, s0;
	s22 =	sshll.u32 s14, $0x6;
	s23 =	smul.u32 $0xA00, s14  }
0xa: {  	_ =	strace $0x8000004D;
	s10 =	ssub.s32 $0x2, s7;
	s9 =	sor.u32 s7, s9  }
0xb: {  	p0 =	seq.s32 s7, $0x0;
	s16 =	sor.u32 $0x1C07, s22;
	s24 =	smul.u32 $0x500, s7  }
0xc: {  	s22 =	simm.s32 $0x1;
	s7 =	simm.s32 $0x700;
	s12 =	sshrl.u32 s10, $0x1  }
0xd: {  	s9 =	smul.u32 $0x500, s9;
	s11 =	sshrl.u32 s11, $0x2;
	s4 =	smov.u32 @p0 s1  }
0xe: {  	s0 =	smov.u32 @p0 s8;
	s25 =	sadd.s32 s23, s5;
	s26 =	sadd.s32 s23, s6  }
0xf: {  	s23 =	simm.s32 $0x7;
	s8 =	simm.s32 $0xF00;
	[dreg:$0xa] =	wrdreg s16  }
0x10: {  	s10 =	ssub.s32 s10, s12;
	s11 =	sadd.s32 s11, s2;
	s4 =	sadd.s32 s4, s18  }
0x11: {  	s0 =	sadd.s32 s0, s18;
	s14 =	sadd.s32 s24, s26;
	s18 =	simm.s32 $0x400  }
0x12: {  	s26 =	simm.s32 $0xD00;
	s12 =	simm.s32 $0x5;
	s13 =	sor.u32 $0x80, s9  }
0x13: {  	s15 =	sadd.s32 s5, s9;
	s9 =	sadd.s32 s6, s9;
	[dreg:$0x9] =	wrdreg s4  }
0x14: {  	s21 =	smax.u32 s10, $0x1;
	[dreg:$0xb] =	wrdreg s0;
	s17 =	sshrl.u32 s11, $0x3  }
0x15: {  	s0 =	simm.s32 $0x600;
	s4 =	simm.s32 $0xE00;
	[dreg:$0x4] =	wrdreg s15  }
0x16: {  	s10 =	simm.s32 $0xF80;
	s11 =	simm.s32 $0x0;
	[dreg:$0x5] =	wrdreg s9  }
0x17: {  	s19 =	sadd.s32 s5, s13;
	s20 =	sadd.s32 s6, s13;
	[dreg:$0x8] =	wrdreg s21  }
.Ltmp0:
0x18: {  	s13 =	sadd.s32 s24, s25;
	s21 =	simm.s32 $0x1000;
	(pc) =	sbr.rel .LBB2_1-.Ltmp0, $4  }
0x19: {  	s24 =	simm.s32 $0x5000;
	s25 =	simm.s32 $0x2;
	[dreg:$0xd] =	wrdreg s11  }
0x1a: {  	s15 =	simm.s32 $0x6;
	s5 =	simm.s32 $0x680;
	[dreg:$0xc] =	wrdreg s17  }
0x1b: {  	s6 =	simm.s32 $0xE80;
	s9 =	simm.s32 $0x780;
	[dreg:$0x6] =	wrdreg s19  }
0x1c: {  	[dreg:$0x7] =	wrdreg s20;
	s19 =	simm.s32 $0xC00;
	s20 =	simm.s32 $0x7D  }
.LBB2_4:
0x1d: {  	[bflag:$0x0] =	sbarrier.arrive $0xFFFF  }
0x1e: {  	s16 =	rddreg [dreg:$0xa]  }
0x1f: {  	s11 =	rddreg [dreg:$0xb]  }
0x20: {  	s23 =	simm.s32 $0x7;
	s17 =	rddreg [dreg:$0xc]  }
0x21: {  	[hbm:s11], [sflag:s16] =	dma.local [spmem:s17], $0x2800  }
0x22: {  	_ =	swait.ge [sflag:s23], $0x2800  }
0x23: {  	s26 =	rddreg [dreg:$0xd]  }
0x24: {  	s11 =	rddreg [dreg:$0x8];
	s26 =	sadd.s32 $0x1, s26  }
0x25: {  	p0 =	sne.s32 s26, s11  }
.Ltmp1:
0x26: {  	_ = 	snop;
	(pc) =	sbr.rel @!p0 .LBB2_5-.Ltmp1, $3  }
0x27: {  	_ =	sdelay $0x1  }
0x28: {  	[sflag:s23] =	ssyncset.done $0x0  }
0x29: {  	[sflag:s23] =	ssyncadd.s32 $0xFFFFD800;
	[dreg:$0xd] =	wrdreg s26;
	s26 =	simm.s32 $0xD00  }
.LBB2_1:
0x2a: {  	s11 =	rddreg [dreg:$0x9]  }
0x2b: {  	[spmem:s17], [sflag:s16] =	dma.local [hbm:s11], $0x2800  }
0x2c: {  	_ =	swait.ge [sflag:s23], $0x2800  }
0x2d: {  	[sflag:s23] =	ssyncset.done $0x0  }
0x2e: {  	[sflag:s23] =	ssyncadd.s32 $0xFFFFD800  }
0x2f: {  	[bflag:$0x0] =	sbarrier.arrive $0xFFFF  }
0x30: {  	s17 =	rddreg [dreg:$0x4]  }
0x31: {  	[tilespmem:s3], [sflag:$0x7] =	stream.linear.gather [hbm4b:s17+s3], $0x400, $0x38;
	[tilespmem:$0x1D000] =	vst v63  }
0x32: {  	_ =	swait.ge [sflag:s23], $0x400  }
0x33: {  	[sflag:s23] =	ssyncset.done $0x0  }
0x34: {  	s17 =	simm.s32 $0x800;
	s16 =	rddreg [dreg:$0x5];
	[sflag:s23] =	ssyncadd.s32 $0xFFFFFC00  }
0x35: {  	[tilespmem:s17], [sflag:$0x7] =	stream.linear.gather [hbm4b:s16+s3], $0x400, $0x38;
	[tilespmem:$0x1D000] =	vst v63  }
0x36: {  	_ =	swait.ge [sflag:s23], $0x400  }
0x37: {  	[sflag:s23] =	ssyncset.done $0x0  }
0x38: {  	s17 =	rddreg [dreg:$0x6];
	[sflag:s23] =	ssyncadd.s32 $0xFFFFFC00  }
0x39: {  	[tilespmem:s18], [sflag:$0x6] =	stream.linear.gather [hbm4b:s17+s3], $0x400, $0x38;
	[tilespmem:$0x1D000] =	vst v63  }
0x3a: {  	s23 =	rddreg [dreg:$0x7]  }
0x3b: {  	[tilespmem:s19], [sflag:$0x6] =	stream.linear.gather [hbm4b:s23+s3], $0x400, $0x38;
	[tilespmem:$0x1D000] =	vst v63  }
0x3c: {  	s11 =	simm.s32 $0x0  }
0x3d: {  	[tilespmem:s21], [sflag:$0x1] =	stream.indirect.gather [hbm4b:s1+s20], $0x80, s3, s20, $0xb8;
	[tilespmem:$0x1D000] =	vst v63  }
.LBB2_2:
0x3e: {  	_ =	swait.ge [sflag:s22], $0x3E80  }
0x3f: {  	[sflag:s22] =	ssyncset.done $0x0  }
0x40: {  	s16 =	simm.s32 $0x800;
	[sflag:s22] =	ssyncadd.s32 $0xFFFFC180  }
0x41: {  	[spmem:s2] =	stream.indirect.scatter.add.f32 [tilespmem:s21], [sflag:$0x3], $0x80, s16, s20, $0xb8;
	[tilespmem:$0x1D000] =	vst v63  }
0x42: {  	s23 =	simm.s32 $0x80  }
0x43: {  	[tilespmem:s24], [sflag:$0x2] =	stream.indirect.gather [hbm4b:s1+s20], $0x80, s23, s20, $0xb8;
	[tilespmem:$0x1D000] =	vst v63  }
0x44: {  	_ =	swait.ge [sflag:s25], $0x3E80  }
0x45: {  	[sflag:s25] =	ssyncset.done $0x0  }
0x46: {  	s17 =	simm.s32 $0x880;
	[sflag:s25] =	ssyncadd.s32 $0xFFFFC180  }
0x47: {  	[spmem:s2] =	stream.indirect.scatter.add.f32 [tilespmem:s24], [sflag:$0x4], $0x80, s17, s20, $0xb8;
	[tilespmem:$0x1D000] =	vst v63  }
0x48: {  	_ =	swait.ge [sflag:s28], $0x3E80  }
0x49: {  	[sflag:s28] =	ssyncset.done $0x0  }
0x4a: {  	s23 =	simm.s32 $0x100;
	[sflag:s28] =	ssyncadd.s32 $0xFFFFC180  }
0x4b: {  	[tilespmem:s21], [sflag:$0x1] =	stream.indirect.gather [hbm4b:s1+s20], $0x80, s23, s20, $0xb8;
	[tilespmem:$0x1D000] =	vst v63  }
0x4c: {  	_ =	swait.ge [sflag:s22], $0x3E80  }
0x4d: {  	[sflag:s22] =	ssyncset.done $0x0  }
0x4e: {  	s17 =	simm.s32 $0x900;
	[sflag:s22] =	ssyncadd.s32 $0xFFFFC180  }
0x4f: {  	[spmem:s2] =	stream.indirect.scatter.add.f32 [tilespmem:s21], [sflag:$0x3], $0x80, s17, s20, $0xb8;
	[tilespmem:$0x1D000] =	vst v63  }
0x50: {  	_ =	swait.ge [sflag:s31], $0x3E80  }
0x51: {  	[sflag:s31] =	ssyncset.done $0x0  }
0x52: {  	s23 =	simm.s32 $0x180;
	[sflag:s31] =	ssyncadd.s32 $0xFFFFC180  }
0x53: {  	[tilespmem:s24], [sflag:$0x2] =	stream.indirect.gather [hbm4b:s1+s20], $0x80, s23, s20, $0xb8;
	[tilespmem:$0x1D000] =	vst v63  }
0x54: {  	_ =	swait.ge [sflag:s25], $0x3E80  }
0x55: {  	[sflag:s25] =	ssyncset.done $0x0  }
0x56: {  	s17 =	simm.s32 $0x980;
	[sflag:s25] =	ssyncadd.s32 $0xFFFFC180  }
0x57: {  	[spmem:s2] =	stream.indirect.scatter.add.f32 [tilespmem:s24], [sflag:$0x4], $0x80, s17, s20, $0xb8;
	[tilespmem:$0x1D000] =	vst v63  }
0x58: {  	_ =	swait.ge [sflag:s28], $0x3E80  }
0x59: {  	[sflag:s28] =	ssyncset.done $0x0  }
0x5a: {  	s23 =	simm.s32 $0x200;
	[sflag:s28] =	ssyncadd.s32 $0xFFFFC180  }
0x5b: {  	[tilespmem:s21], [sflag:$0x1] =	stream.indirect.gather [hbm4b:s1+s20], $0x80, s23, s20, $0xb8;
	[tilespmem:$0x1D000] =	vst v63  }
0x5c: {  	_ =	swait.ge [sflag:s22], $0x3E80  }
0x5d: {  	[sflag:s22] =	ssyncset.done $0x0  }
0x5e: {  	s17 =	simm.s32 $0xA00;
	[sflag:s22] =	ssyncadd.s32 $0xFFFFC180  }
0x5f: {  	[spmem:s2] =	stream.indirect.scatter.add.f32 [tilespmem:s21], [sflag:$0x3], $0x80, s17, s20, $0xb8;
	[tilespmem:$0x1D000] =	vst v63  }
0x60: {  	_ =	swait.ge [sflag:s31], $0x3E80  }
0x61: {  	[sflag:s31] =	ssyncset.done $0x0  }
0x62: {  	s23 =	simm.s32 $0x280;
	[sflag:s31] =	ssyncadd.s32 $0xFFFFC180  }
0x63: {  	[tilespmem:s24], [sflag:$0x2] =	stream.indirect.gather [hbm4b:s1+s20], $0x80, s23, s20, $0xb8;
	[tilespmem:$0x1D000] =	vst v63  }
0x64: {  	_ =	swait.ge [sflag:s25], $0x3E80  }
0x65: {  	[sflag:s25] =	ssyncset.done $0x0  }
0x66: {  	s17 =	simm.s32 $0xA80;
	[sflag:s25] =	ssyncadd.s32 $0xFFFFC180  }
0x67: {  	[spmem:s2] =	stream.indirect.scatter.add.f32 [tilespmem:s24], [sflag:$0x4], $0x80, s17, s20, $0xb8;
	[tilespmem:$0x1D000] =	vst v63  }
0x68: {  	_ =	swait.ge [sflag:s28], $0x3E80  }
0x69: {  	[sflag:s28] =	ssyncset.done $0x0  }
0x6a: {  	s23 =	simm.s32 $0x300;
	[sflag:s28] =	ssyncadd.s32 $0xFFFFC180  }
0x6b: {  	[tilespmem:s21], [sflag:$0x1] =	stream.indirect.gather [hbm4b:s1+s20], $0x80, s23, s20, $0xb8;
	[tilespmem:$0x1D000] =	vst v63  }
0x6c: {  	_ =	swait.ge [sflag:s22], $0x3E80  }
0x6d: {  	[sflag:s22] =	ssyncset.done $0x0  }
0x6e: {  	s17 =	simm.s32 $0xB00;
	[sflag:s22] =	ssyncadd.s32 $0xFFFFC180  }
0x6f: {  	[spmem:s2] =	stream.indirect.scatter.add.f32 [tilespmem:s21], [sflag:$0x3], $0x80, s17, s20, $0xb8;
	[tilespmem:$0x1D000] =	vst v63  }
0x70: {  	_ =	swait.ge [sflag:s31], $0x3E80  }
0x71: {  	[sflag:s31] =	ssyncset.done $0x0  }
0x72: {  	s23 =	simm.s32 $0x380;
	[sflag:s31] =	ssyncadd.s32 $0xFFFFC180  }
0x73: {  	[tilespmem:s24], [sflag:$0x2] =	stream.indirect.gather [hbm4b:s1+s20], $0x80, s23, s20, $0xb8;
	[tilespmem:$0x1D000] =	vst v63  }
0x74: {  	_ =	swait.ge [sflag:s25], $0x3E80  }
0x75: {  	[sflag:s25] =	ssyncset.done $0x0  }
0x76: {  	s17 =	simm.s32 $0xB80;
	[sflag:s25] =	ssyncadd.s32 $0xFFFFC180  }
0x77: {  	[spmem:s2] =	stream.indirect.scatter.add.f32 [tilespmem:s24], [sflag:$0x4], $0x80, s17, s20, $0xb8;
	[tilespmem:$0x1D000] =	vst v63  }
0x78: {  	_ =	swait.ge [sflag:s28], $0x3E80  }
0x79: {  	[sflag:s28] =	ssyncset.done $0x0  }
0x7a: {  	[sflag:s28] =	ssyncadd.s32 $0xFFFFC180  }
0x7b: {  	_ =	swait.ge [sflag:s31], $0x3E80  }
0x7c: {  	[sflag:s31] =	ssyncset.done $0x0  }
0x7d: {  	[sflag:s31] =	ssyncadd.s32 $0xFFFFC180  }
0x7e: {  	_ =	swait.ge [sflag:s15], $0x400  }
0x7f: {  	[sflag:s15] =	ssyncset.done $0x0  }
0x80: {  	[sflag:s15] =	ssyncadd.s32 $0xFFFFFC00  }
0x81: {  	_ =	swait.ge [sflag:s15], $0x400  }
0x82: {  	p0 =	seq.s32 s11, $0x400;
	[sflag:s15] =	ssyncset.done $0x0  }
0x83: {  	s16 =	sadd.s32 @!p0 s11, s13;
	[sflag:s15] =	ssyncadd.s32 $0xFFFFFC00  }
0x84: {  	[tilespmem:s21], [sflag:$0x1] =	stream.indirect.gather [hbm4b:s1+s20], $0x80, s18, s20, $0xb8;
	[tilespmem:$0x1D000] =	vst v63  }
0x85: {  	s16 =	sadd.s32 @!p0 $0x100, s16;
	s23 =	simm.s32 @!p0 $0x0  }
0x86: {  	[tilespmem:s23], [sflag:$0x5] =	stream.linear.gather @!p0 [hbm4b:s16+s23], $0x400, $0x38;
	[tilespmem:$0x1D000] =	vst v63  }
0x87: {  	s16 =	sadd.s32 @!p0 s11, s14  }
0x88: {  	s17 =	simm.s32 @!p0 $0x800;
	s16 =	sadd.s32 @!p0 $0x100, s16  }
0x89: {  	[tilespmem:s17], [sflag:$0x5] =	stream.linear.gather @!p0 [hbm4b:s16+s23], $0x400, $0x38;
	[tilespmem:$0x1D000] =	vst v63  }
0x8a: {  	_ =	swait.ge [sflag:s22], $0x3E80  }
0x8b: {  	[sflag:s22] =	ssyncset.done $0x0  }
0x8c: {  	[sflag:s22] =	ssyncadd.s32 $0xFFFFC180  }
0x8d: {  	[spmem:s2] =	stream.indirect.scatter.add.f32 [tilespmem:s21], [sflag:$0x3], $0x80, s19, s20, $0xb8;
	[tilespmem:$0x1D000] =	vst v63  }
0x8e: {  	s23 =	simm.s32 $0x480  }
0x8f: {  	[tilespmem:s24], [sflag:$0x2] =	stream.indirect.gather [hbm4b:s1+s20], $0x80, s23, s20, $0xb8;
	[tilespmem:$0x1D000] =	vst v63  }
0x90: {  	_ =	swait.ge [sflag:s25], $0x3E80  }
0x91: {  	[sflag:s25] =	ssyncset.done $0x0  }
0x92: {  	s17 =	simm.s32 $0xC80;
	[sflag:s25] =	ssyncadd.s32 $0xFFFFC180  }
0x93: {  	[spmem:s2] =	stream.indirect.scatter.add.f32 [tilespmem:s24], [sflag:$0x4], $0x80, s17, s20, $0xb8;
	[tilespmem:$0x1D000] =	vst v63  }
0x94: {  	_ =	swait.ge [sflag:s28], $0x3E80  }
0x95: {  	[sflag:s28] =	ssyncset.done $0x0  }
0x96: {  	s23 =	simm.s32 $0x500;
	[sflag:s28] =	ssyncadd.s32 $0xFFFFC180  }
0x97: {  	[tilespmem:s21], [sflag:$0x1] =	stream.indirect.gather [hbm4b:s1+s20], $0x80, s23, s20, $0xb8;
	[tilespmem:$0x1D000] =	vst v63  }
0x98: {  	_ =	swait.ge [sflag:s22], $0x3E80  }
0x99: {  	[sflag:s22] =	ssyncset.done $0x0  }
0x9a: {  	[sflag:s22] =	ssyncadd.s32 $0xFFFFC180  }
0x9b: {  	[spmem:s2] =	stream.indirect.scatter.add.f32 [tilespmem:s21], [sflag:$0x3], $0x80, s26, s20, $0xb8;
	[tilespmem:$0x1D000] =	vst v63  }
0x9c: {  	_ =	swait.ge [sflag:s31], $0x3E80  }
0x9d: {  	[sflag:s31] =	ssyncset.done $0x0  }
0x9e: {  	[sflag:s31] =	ssyncadd.s32 $0xFFFFC180  }
0x9f: {  	[tilespmem:s24], [sflag:$0x2] =	stream.indirect.gather [hbm4b:s1+s20], $0x80, s29, s20, $0xb8;
	[tilespmem:$0x1D000] =	vst v63  }
0xa0: {  	_ =	swait.ge [sflag:s25], $0x3E80  }
0xa1: {  	[sflag:s25] =	ssyncset.done $0x0  }
0xa2: {  	[sflag:s25] =	ssyncadd.s32 $0xFFFFC180  }
0xa3: {  	[spmem:s2] =	stream.indirect.scatter.add.f32 [tilespmem:s24], [sflag:$0x4], $0x80, s30, s20, $0xb8;
	[tilespmem:$0x1D000] =	vst v63  }
0xa4: {  	_ =	swait.ge [sflag:s28], $0x3E80  }
0xa5: {  	[sflag:s28] =	ssyncset.done $0x0  }
0xa6: {  	[sflag:s28] =	ssyncadd.s32 $0xFFFFC180  }
0xa7: {  	[tilespmem:s21], [sflag:$0x1] =	stream.indirect.gather [hbm4b:s1+s20], $0x80, s0, s20, $0xb8;
	[tilespmem:$0x1D000] =	vst v63  }
0xa8: {  	_ =	swait.ge [sflag:s22], $0x3E80  }
0xa9: {  	[sflag:s22] =	ssyncset.done $0x0  }
0xaa: {  	[sflag:s22] =	ssyncadd.s32 $0xFFFFC180  }
0xab: {  	[spmem:s2] =	stream.indirect.scatter.add.f32 [tilespmem:s21], [sflag:$0x3], $0x80, s4, s20, $0xb8;
	[tilespmem:$0x1D000] =	vst v63  }
0xac: {  	_ =	swait.ge [sflag:s31], $0x3E80  }
0xad: {  	[sflag:s31] =	ssyncset.done $0x0  }
0xae: {  	[sflag:s31] =	ssyncadd.s32 $0xFFFFC180  }
0xaf: {  	[tilespmem:s24], [sflag:$0x2] =	stream.indirect.gather [hbm4b:s1+s20], $0x80, s5, s20, $0xb8;
	[tilespmem:$0x1D000] =	vst v63  }
0xb0: {  	_ =	swait.ge [sflag:s25], $0x3E80  }
0xb1: {  	[sflag:s25] =	ssyncset.done $0x0  }
0xb2: {  	[sflag:s25] =	ssyncadd.s32 $0xFFFFC180  }
0xb3: {  	[spmem:s2] =	stream.indirect.scatter.add.f32 [tilespmem:s24], [sflag:$0x4], $0x80, s6, s20, $0xb8;
	[tilespmem:$0x1D000] =	vst v63  }
0xb4: {  	_ =	swait.ge [sflag:s28], $0x3E80  }
0xb5: {  	[sflag:s28] =	ssyncset.done $0x0  }
0xb6: {  	[sflag:s28] =	ssyncadd.s32 $0xFFFFC180  }
0xb7: {  	[tilespmem:s21], [sflag:$0x1] =	stream.indirect.gather [hbm4b:s1+s20], $0x80, s7, s20, $0xb8;
	[tilespmem:$0x1D000] =	vst v63  }
0xb8: {  	_ =	swait.ge [sflag:s22], $0x3E80  }
0xb9: {  	[sflag:s22] =	ssyncset.done $0x0  }
0xba: {  	[sflag:s22] =	ssyncadd.s32 $0xFFFFC180  }
0xbb: {  	[spmem:s2] =	stream.indirect.scatter.add.f32 [tilespmem:s21], [sflag:$0x3], $0x80, s8, s20, $0xb8;
	[tilespmem:$0x1D000] =	vst v63  }
0xbc: {  	_ =	swait.ge [sflag:s31], $0x3E80  }
0xbd: {  	[sflag:s31] =	ssyncset.done $0x0  }
0xbe: {  	[sflag:s31] =	ssyncadd.s32 $0xFFFFC180  }
0xbf: {  	[tilespmem:s24], [sflag:$0x2] =	stream.indirect.gather [hbm4b:s1+s20], $0x80, s9, s20, $0xb8;
	[tilespmem:$0x1D000] =	vst v63  }
0xc0: {  	_ =	swait.ge [sflag:s25], $0x3E80  }
0xc1: {  	[sflag:s25] =	ssyncset.done $0x0  }
0xc2: {  	[sflag:s25] =	ssyncadd.s32 $0xFFFFC180  }
0xc3: {  	[spmem:s2] =	stream.indirect.scatter.add.f32 [tilespmem:s24], [sflag:$0x4], $0x80, s10, s20, $0xb8;
	[tilespmem:$0x1D000] =	vst v63  }
0xc4: {  	_ =	swait.ge [sflag:s28], $0x3E80  }
.Ltmp2:
0xc5: {  	[sflag:s28] =	ssyncset.done $0x0;
	(pc) =	sbr.rel @p0 .LBB2_4-.Ltmp2, $4  }
0xc6: {  	[sflag:s28] =	ssyncadd.s32 $0xFFFFC180  }
0xc7: {  	_ =	swait.ge [sflag:s31], $0x3E80  }
0xc8: {  	[sflag:s31] =	ssyncset.done $0x0  }
0xc9: {  	[sflag:s31] =	ssyncadd.s32 $0xFFFFC180  }
0xca: {  	_ =	swait.ge [sflag:s12], $0x400  }
0xcb: {  	[sflag:s12] =	ssyncset.done $0x0  }
0xcc: {  	[sflag:s12] =	ssyncadd.s32 $0xFFFFFC00  }
0xcd: {  	_ =	swait.ge [sflag:s12], $0x400  }
0xce: {  	[sflag:s12] =	ssyncset.done $0x0  }
0xcf: {  	[sflag:s12] =	ssyncadd.s32 $0xFFFFFC00  }
0xd0: {  	[tilespmem:s21], [sflag:$0x1] =	stream.indirect.gather [hbm4b:s1+s20], $0x80, s3, s20, $0xb8;
	[tilespmem:$0x1D000] =	vst v63  }
.Ltmp3:
0xd1: {  	s16 =	sadd.s32 s11, s13;
	(pc) =	sbr.rel .LBB2_2-.Ltmp3, $4  }
0xd2: {  	s23 =	sadd.s32 s11, s14;
	s16 =	sadd.s32 $0x180, s16  }
0xd3: {  	[tilespmem:s18], [sflag:$0x6] =	stream.linear.gather [hbm4b:s16+s3], $0x400, $0x38;
	[tilespmem:$0x1D000] =	vst v63  }
0xd4: {  	s11 =	sadd.s32 $0x100, s11;
	s16 =	sadd.s32 $0x180, s23  }
0xd5: {  	[tilespmem:s19], [sflag:$0x6] =	stream.linear.gather [hbm4b:s16+s3], $0x400, $0x38;
	[tilespmem:$0x1D000] =	vst v63  }
.LBB2_5:
0xd6: {  	_ =	sfence.sel $0x180000  }
0xd7: {  	[bflag:$0x0] =	sbarrier.arrive $0xFFFF  }
0xd8: {  	_ =	strace $0x9000004D  }
0xd9: {  	s0 =	stileid.u32;
	[bflag:$0x2] =	sbarrier.arrive $0xFFFF  }
0xda: {  	p0 =	sne.s32 s0, $0x0;
	s0 =	rddreg [dreg:$0x3]  }
0xdb: {  	s0 =	sadd.s32 @!p0 $0x100000, s0  }
0xdc: {  	[sflag:s0] =	ssyncadd.tile.s32 @!p0 $0x1;
	_ =	shalt  }
.Lfunc_end2:
_tile_overlayer_lowered:
.L_overlay_start_2:
0xdd: {  	(tag) =	ssettag $0x2  }
0xde: {  	s0 =	rddreg [dreg:$0x0];
	s2 =	stileid.u32  }
0xdf: {  	s1 =	rddreg [dreg:$0x1];
	p0 =	sne.s32 s2, $0x0  }
0xe0: {  	s3 =	rddreg [dreg:$0x2];
	[bflag:$0x3] =	sbarrier.arrive $0xFFFF;
	s2 =	simm.s32 @!p0 $0x1C07  }
0xe1: {  	[timem:s3], [sflag:s2] =	dma.local @!p0 [hbm:s0], s1  }
0xe2: {  	s0 =	simm.s32 @!p0 $0x7  }
0xe3: {  	_ =	swait.ge @!p0 [sflag:s0], s1  }
0xe4: {  	s1 =	ssub.s32 @!p0 $0x0, s1;
	[sflag:s0] =	ssyncset.done @!p0 $0x0  }
0xe5: {  	[sflag:s0] =	ssyncadd.s32 @!p0 s1  }
0xe6: {  	[bflag:$0x3] =	sbarrier.arrive $0xFFFF  }
0xe7: {  	_ =	shalt  }

// kernel: kernel.21.cloned.1.call-start
scs
__scs_entry_jumppad:
0x0: {  	(pc) =	sbr.rel $0x88, $3  }
0x1: {  	(tag) =	ssettag $0x0;
	lr =	simm.s32 $0x1  }
0x2: {  	[smem:$0x3F92] =	sst lr;
	_ =	strace $0xD0000000  }
0x3: {  	_ = 	snop  }
0x4: {  	_ = 	snop  }
0x5: {  	_ = 	snop  }
0x6: {  	_ = 	snop  }
0x7: {  	_ = 	snop  }
__scs_overlays_trampoline_lowered:
0x8: {  	[smem:$0x3FA1] =	sst s0  }
0x9: {  	[smem:$0x3FA2] =	sst s1  }
0xa: {  	[smem:$0x3FA3] =	sst s2  }
0xb: {  	[smem:$0x3FA4] =	sst s3  }
0xc: {  	[smem:$0x3FA5] =	sst s4  }
0xd: {  	[smem:$0x3FA6] =	sst s5  }
0xe: {  	[smem:$0x3FA7] =	sst s6  }
0xf: {  	[smem:$0x3FA8] =	sst s7  }
0x10: {  	[smem:$0x3FA9] =	sst s8  }
0x11: {  	[smem:$0x3FAA] =	sst s9;
	s0 =	simm.s32 @!p0 $0x0  }
0x12: {  	s1 =	sld [smem:$0x3F90];
	s0 =	simm.s32 @p0 $0x1  }
0x13: {  	[smem:$0x3FAB] =	sst s0;
	s0 =	simm.s32 @!p1 $0x0  }
0x14: {  	s2 =	sld [smem:$0x3F8F];
	s0 =	simm.s32 @p1 $0x1  }
0x15: {  	[smem:$0x3FAC] =	sst s0;
	s0 =	simm.s32 @!p2 $0x0  }
0x16: {  	s3 =	sld [smem:$0x3FDB];
	s0 =	simm.s32 @p2 $0x1  }
0x17: {  	s4 =	simm.s32 $0x1BF5;
	[smem:$0x3FAE] =	sst s0  }
0x18: {  	s0 =	sld [smem:$0x3F91];
	_ =	swait.ge [sflag:s4], $0x0  }
0x19: {  	s7 =	sld [smem:$0x3F92]  }
0x1a: {  	s8 =	sadd.s32 $0xFFFFE003, lr  }
0x1b: {  	s9 =	sadd.s32 $0xFFFFFEF7, lr;
	s5 =	simm.s32 $0xFFFFFFFF;
	p2 =	slt.u32 s8, $0xFFFFF086  }
0x1c: {  	p1 =	slt.u32 s9, $0xF7A;
	s5 =	simm.s32 @!p2 $0x0  }
0x1d: {  	s5 =	simm.s32 @p1 $0x1;
	p0 =	seq.s32 s7, s2  }
0x1e: {  	s7 =	smul.u32 @!p0 $0xF7A, s2;
	p2 =	seq.s32 @!p0 s5, $0x0  }
0x1f: {  	s9 =	smul.u32 $0xF7A, s1;
	s8 =	simm.s32 @!p0 $0x1BF5;
	p2 =	por !p2, p0  }
0x20: {  	[sflag:s8] =	ssyncset.s32 @!p0 $0xFFFFF086;
	s6 =	sadd.s32 @!p0 s3, s7;
	s7 =	simm.s32 @!p0 $0x108  }
0x21: {  	s3 =	sadd.s32 s3, s9;
	s6 =	sadd.s32 @!p0 $0x88, s6;
	s7 =	simm.s32 @p2 $0x1082  }
0x22: {  	[simem:s7], [sflag:s8] =	dma.local @!p0 [hbm:s6], $0xF7A  }
0x23: {  	s9 =	sor.u32 $0xD0000000, s2;
	s6 =	simm.s32 $0x108;
	_ =	swait.ge @!p0 [sflag:s8], $0x0  }
0x24: {  	s3 =	sadd.s32 $0x88, s3;
	s6 =	simm.s32 @!p1 $0x1082;
	[sflag:s4] =	ssyncset.s32 $0xFFFFF086  }
0x25: {  	[simem:s6], [sflag:s4] =	dma.local [hbm:s3], $0xF7A  }
0x26: {  	[smem:$0x3F92] =	sst s1;
	(tag) =	ssettag s2;
	_ =	strace s9  }
0x27: {  	s1 =	sld [smem:$0x3FA2]  }
0x28: {  	s2 =	sld [smem:$0x3FA3]  }
0x29: {  	s4 =	sld [smem:$0x3FA5]  }
0x2a: {  	p0 =	seq.s32 s5, $0x0;
	s5 =	sld [smem:$0x3FA6]  }
0x2b: {  	s6 =	sld [smem:$0x3FA7]  }
0x2c: {  	s7 =	sld [smem:$0x3FA8]  }
0x2d: {  	s3 =	simm.s32 $0x108;
	s8 =	sld [smem:$0x3FA9]  }
0x2e: {  	s3 =	simm.s32 @!p0 $0x1082;
	s9 =	sld [smem:$0x3FAA]  }
0x2f: {  	lr =	sadd.s32 s0, s3;
	s0 =	sld [smem:$0x3FA1]  }
0x30: {  	s3 =	sld [smem:$0x3FA4]  }
0x31: {  	[smem:$0x3FAD] =	sst s10  }
0x32: {  	s10 =	sld [smem:$0x3FAB];
	_ =	sdelay $0x3  }
0x33: {  	p0 =	seq.s32 s10, $0x1;
	s10 =	sld [smem:$0x3FAD];
	_ =	sdelay $0x3  }
0x34: {  	[smem:$0x3FAD] =	sst s10  }
0x35: {  	s10 =	sld [smem:$0x3FAC];
	_ =	sdelay $0x3  }
0x36: {  	p1 =	seq.s32 s10, $0x1;
	s10 =	sld [smem:$0x3FAD];
	_ =	sdelay $0x3  }
0x37: {  	[smem:$0x3FAD] =	sst s10  }
0x38: {  	s10 =	sld [smem:$0x3FAE]  }
0x39: {  	_ = 	snop;
	(pc) =	sbr.ind lr, $3  }
0x3a: {  	_ = 	snop  }
0x3b: {  	_ = 	snop  }
0x3c: {  	p2 =	seq.s32 s10, $0x1;
	s10 =	sld [smem:$0x3FAD]  }
0x3d: {  	_ =	shalt  }
0x3e: {  	_ =	shalt  }
0x3f: {  	_ =	shalt  }
0x40: {  	_ =	shalt  }
0x41: {  	_ =	shalt  }
0x42: {  	_ =	shalt  }
0x43: {  	_ =	shalt  }
0x44: {  	_ =	shalt  }
0x45: {  	_ =	shalt  }
0x46: {  	_ =	shalt  }
0x47: {  	_ =	shalt  }
0x48: {  	_ =	shalt  }
0x49: {  	_ =	shalt  }
0x4a: {  	_ =	shalt  }
0x4b: {  	_ =	shalt  }
0x4c: {  	_ =	shalt  }
0x4d: {  	_ =	shalt  }
0x4e: {  	_ =	shalt  }
0x4f: {  	_ =	shalt  }
0x50: {  	_ =	shalt  }
0x51: {  	_ =	shalt  }
0x52: {  	_ =	shalt  }
0x53: {  	_ =	shalt  }
0x54: {  	_ =	shalt  }
0x55: {  	_ =	shalt  }
0x56: {  	_ =	shalt  }
0x57: {  	_ =	shalt  }
0x58: {  	_ =	shalt  }
0x59: {  	_ =	shalt  }
0x5a: {  	_ =	shalt  }
0x5b: {  	_ =	shalt  }
0x5c: {  	_ =	shalt  }
0x5d: {  	_ =	shalt  }
0x5e: {  	_ =	shalt  }
0x5f: {  	_ =	shalt  }
0x60: {  	_ =	shalt  }
0x61: {  	_ =	shalt  }
0x62: {  	_ =	shalt  }
0x63: {  	_ =	shalt  }
0x64: {  	_ =	shalt  }
0x65: {  	_ =	shalt  }
0x66: {  	_ =	shalt  }
0x67: {  	_ =	shalt  }
0x68: {  	_ =	shalt  }
0x69: {  	_ =	shalt  }
0x6a: {  	_ =	shalt  }
0x6b: {  	_ =	shalt  }
0x6c: {  	_ =	shalt  }
0x6d: {  	_ =	shalt  }
0x6e: {  	_ =	shalt  }
0x6f: {  	_ =	shalt  }
0x70: {  	_ =	shalt  }
0x71: {  	_ =	shalt  }
0x72: {  	_ =	shalt  }
0x73: {  	_ =	shalt  }
0x74: {  	_ =	shalt  }
0x75: {  	_ =	shalt  }
0x76: {  	_ =	shalt  }
0x77: {  	_ =	shalt  }
0x78: {  	_ =	shalt  }
0x79: {  	_ =	shalt  }
0x7a: {  	_ =	shalt  }
0x7b: {  	_ =	shalt  }
0x7c: {  	_ =	shalt  }
0x7d: {  	_ =	shalt  }
0x7e: {  	_ =	shalt  }
0x7f: {  	_ =	shalt  }
0x80: {  	_ =	shalt  }
0x81: {  	_ =	shalt  }
0x82: {  	_ =	shalt  }
0x83: {  	_ =	shalt  }
0x84: {  	_ =	shalt  }
0x85: {  	_ =	shalt  }
0x86: {  	_ =	shalt  }
0x87: {  	_ =	shalt  }
.Lfunc_end0:
.L_simem_size_0:
called_computation.3_lowered:
.L_overlay_start_0:
0x88: {  	s2 =	sld [smem:$0x3FD9]  }
0x89: {  	s3 =	sld [smem:$0x3FFE];
	_ =	sdelay $0x1  }
0x8a: {  	s1 =	srdreg.scid  }
0x8b: {  	s0 =	sand.u32 $0x1, s1  }
0x8c: {  	s14 =	sshll.u32 s0, $0xA;
	s2 =	sadd.s32 s3, s2  }
0x8d: {  	s2 =	sadd.s32 s2, s14  }
0x8e: {  	[smem:$0x3FB9] =	sst s2  }
0x8f: {  	_ = 	snop  }
0x90: {  	s2 =	sld [smem:$0x3FD0];
	_ =	sdelay $0x2  }
0x91: {  	s15 =	simm.s32 $0xA;
	s4 =	simm.s32 $0x10  }
0x92: {  	[smem:s4], [sflag:s15] =	dma.local [hbm:s2], $0x1  }
0x93: {  	_ =	swait.eq [sflag:s15], $0x1  }
0x94: {  	[sflag:s15] =	ssyncset.done $0x0  }
0x95: {  	[sflag:s15] =	ssyncadd.s32 $0xFFFFFFFF  }
0x96: {  	s16 =	sld [smem:$0x10];
	(tm) =	ssettm $0x1  }
0x97: {  	s17 =	sld [smem:$0x3FFB];
	_ =	sdelay $0x3  }
0x98: {  	_ =	strace s17  }
0x99: {  	s3 =	sld [smem:$0x3FFC];
	_ =	sdelay $0x3  }
0x9a: {  	_ =	strace s3  }
0x9b: {  	s3 =	sld [smem:$0x3FFD];
	_ =	sdelay $0x3  }
0x9c: {  	_ =	strace s3  }
0x9d: {  	_ =	strace $0x8FFFFFFF  }
0x9e: {  	s18 =	sld [smem:$0x3FDB];
	_ =	sdelay $0x1  }
0x9f: {  	s19 =	simm.s32 $_scs_section_size  }
0xa0: {  	s5 =	simm.s32 $_size__tile_overlayer_lowered;
	s6 =	simm.s32 $_tile_overlayer_lowered  }
0xa1: {  	s22 =	simm.s32 $0x1BFF;
	s21 =	sshll.u32 s6, $0x1;
	s3 =	sadd.s32 s19, s18  }
0xa2: {  	s7 =	simm.s32 $0x0;
	s20 =	sshll.u32 s5, $0x1;
	s5 =	sadd.s32 s21, s3  }
0xa3: {  	[timem:s7], [sflag:s22] =	dma.local [hbm:s5], s20  }
0xa4: {  	_ =	swait.ge [sflag:s22], s20  }
0xa5: {  	s4 =	ssub.s32 $0x0, s20;
	[sflag:s22] =	ssyncset.done $0x0  }
0xa6: {  	[sflag:s22] =	ssyncadd.s32 s4;
	_ =	sdelay $0x1  }
0xa7: {  	s23 =	simm.s32 $0x1B8B  }
0xa8: {  	_ =	swait.ge [sflag:s23], $0x1  }
0xa9: {  	[sflag:s23] =	ssyncset.done $0x0  }
0xaa: {  	s25 =	simm.s32 $0x1B8E;
	s24 =	sld [smem:$0x3FFE];
	[sflag:s23] =	ssyncadd.s32 $0xFFFFFFFF  }
0xab: {  	s26 =	simm.s32 $execute0_lowered;
	[smem:$0x3FD2] =	sst s25  }
0xac: {  	s5 =	sshll.u32 s26, $0x1;
	_ =	strace $0x8000004F;
	[dreg:$0x1] =	wrdreg $0xFFFFFFFF  }
0xad: {  	s28 =	simm.s32 $_size_execute0_lowered;
	s3 =	sadd.s32 s3, s5;
	[dreg:$0x0] =	wrdreg $0x0  }
0xae: {  	s5 =	sshll.u32 s28, $0x1;
	[dreg:$0x2] =	wrdreg s3  }
0xaf: {  	[dreg:$0x3] =	wrdreg s5  }
0xb0: {  	[dreg:$0x4] =	wrdreg $0xC0  }
0xb1: {  	_ =	task [dreg:s7], $0x5FFFF  }
0xb2: {  	[dreg:$0x1] =	wrdreg $0xFFFFFFFF  }
0xb3: {  	[dreg:$0x0] =	wrdreg $0x60  }
0xb4: {  	[dreg:$0x2] =	wrdreg s16  }
0xb5: {  	[dreg:$0x3] =	wrdreg s24  }
0xb6: {  	[dreg:$0x4] =	wrdreg $0xA0000  }
0xb7: {  	[dreg:$0x5] =	wrdreg $0x9  }
0xb8: {  	_ =	task.clear_ibuf [dreg:s7], $0x6FFFF;
	_ =	strace $0x9000004F  }
0xb9: {  	s29 =	simm.s32 $0x9;
	_ =	strace $0x80000051  }
0xba: {  	_ =	swait.ge [sflag:s29], $0x1  }
0xbb: {  	[sflag:s29] =	ssyncadd.s32 $0xFFFFFFFF  }
0xbc: {  	_ =	strace $0x90000051  }
0xbd: {  	_ =	sfence  }
0xbe: {  	s30 =	sld [smem:$0x0];
	_ =	sdelay $0x2  }
0xbf: {  	s31 =	sshll.u32 s1, $0xD;
	s1 =	sshrl.u32 s1, $0x2  }
0xc0: {  	s3 =	sand.u32 $0x4000, s31;
	s1 =	sadd.s32 s1, s30  }
0xc1: {  	s0 =	sor.u32 s3, s0;
	s1 =	sshll.u32 s1, $0x11  }
0xc2: {  	s0 =	sor.u32 s1, s0  }
0xc3: {  	s0 =	sadd.s32 $0x8F2B, s0  }
0xc4: {  	[sflag:s0] =	ssyncadd.remote.s32 $0x1  }
0xc5: {  	_ =	sfence.sel $0xFFFF  }
0xc6: {  	[dreg:$0x0] =	wrdreg $0xFFFFFFFF;
	(pc) =	sbr.abs _section_cstart, $3  }
0xc7: {  	[dreg:$0x1] =	wrdreg $0xFFFFFFFF  }
0xc8: {  	_ =	task.clear_ibuf [dreg:s7], $0x2FFFF;
	_ =	strace $0x9FFFFFFF  }
0xc9: {  	(tm) =	ssettm $0x7FFFFFFF  }
tec
execute0_lowered:
.L_overlay_start_1:
0x0: {  	(tag) =	ssettag $0x1  }
0x1: {  	s1 =	rddreg [dreg:$0x0]  }
0x2: {  	s0 =	rddreg [dreg:$0x1]  }
0x3: {  	s2 =	rddreg [dreg:$0x2]  }
0x4: {  	s3 =	simm.s32 $0x0;
	s6 =	srdreg.scid;
	s22 =	stileid.u32  }
0x5: {  	s19 =	simm.s32 $0x800;
	s20 =	simm.s32 $0x7D;
	s21 =	simm.s32 $0x2000  }
0x6: {  	s29 =	simm.s32 $0x4;
	s31 =	simm.s32 $0x5;
	s28 =	simm.s32 $0x800  }
0x7: {  	[smem:$0x7FF] =	sst s3;
	s5 =	sadd.s32 $0x92400, s0;
	s4 =	sadd.s32 $0x10400, s0  }
0x8: {  	s8 =	sadd.s32 $0x6400, s0;
	s10 =	sand.u32 $0x1, s6;
	s7 =	smul.u32 $0x50000, s22  }
0x9: {  	s11 =	sadd.s32 $0x69600, s0;
	s0 =	sadd.s32 $0xBA400, s0;
	s12 =	smul.u32 $0xA00, s22  }
0xa: {  	s15 =	smul.u32 $0x2800, s22;
	s30 =	sshll.u32 s22, $0x6;
	s22 =	simm.s32 $0x1  }
0xb: {  	_ =	strace $0x80000050;
	s6 =	ssub.s32 $0x2, s10;
	p0 =	seq.s32 s10, $0x0  }
0xc: {  	s3 =	sor.u32 $0x1C07, s30;
	p1 =	sne.s32 s10, $0x0;
	s10 =	simm.s32 $0x0  }
0xd: {  	s9 =	sshrl.u32 s6, $0x1;
	s23 =	sshrl.u32 s7, $0x2;
	s16 =	sor.u32 $0x100, s12  }
0xe: {  	s7 =	smov.u32 s5;
	s0 =	smov.u32 @p0 s11;
	[dreg:$0x8] =	wrdreg s3  }
0xf: {  	s13 =	ssub.s32 s6, s9;
	s6 =	sadd.s32 s4, s12;
	s4 =	sadd.s32 s4, s16  }
0x10: {  	s14 =	sadd.s32 s23, s2;
	s24 =	sadd.s32 s8, s16;
	[dreg:$0x4] =	wrdreg s4  }
0x11: {  	s12 =	sadd.s32 s8, s12;
	s0 =	sadd.s32 s0, s15;
	[dreg:$0x5] =	wrdreg s24  }
.Ltmp0:
0x12: {  	s7 =	smov.u32 @p0 s1;
	[dreg:$0x9] =	wrdreg s0;
	(pc) =	sbr.rel .LBB2_1-.Ltmp0, $4  }
0x13: {  	s8 =	simm.s32 $0x7;
	s25 =	smax.u32 s13, $0x1;
	[dreg:$0xc] =	wrdreg s12  }
0x14: {  	s9 =	simm.s32 $0x1800;
	s26 =	sadd.s32 s7, s15;
	[dreg:$0x6] =	wrdreg s25  }
0x15: {  	s23 =	simm.s32 $0x2;
	s4 =	sshrl.u32 s14, $0x3;
	[dreg:$0x7] =	wrdreg s26  }
0x16: {  	s25 =	simm.s32 $0x6000;
	s26 =	simm.s32 $0x3;
	[dreg:$0xa] =	wrdreg s4  }
.LBB2_4:
0x17: {  	[bflag:$0x0] =	sbarrier.arrive $0xFFFF  }
0x18: {  	s3 =	rddreg [dreg:$0x8]  }
0x19: {  	s0 =	rddreg [dreg:$0x9]  }
0x1a: {  	s8 =	simm.s32 $0x7;
	s4 =	rddreg [dreg:$0xa]  }
0x1b: {  	[hbm:s0], [sflag:s3] =	dma.local [spmem:s4], $0x2800  }
0x1c: {  	_ =	swait.ge [sflag:s8], $0x2800  }
0x1d: {  	s10 =	rddreg [dreg:$0xb]  }
0x1e: {  	s30 =	rddreg [dreg:$0x6];
	s10 =	sadd.s32 $0x1, s10  }
0x1f: {  	p2 =	sne.s32 s10, s30  }
.Ltmp1:
0x20: {  	_ = 	snop;
	(pc) =	sbr.rel @!p2 .LBB2_5-.Ltmp1, $3  }
0x21: {  	_ =	sdelay $0x1  }
0x22: {  	[sflag:s8] =	ssyncset.done $0x0  }
0x23: {  	s19 =	simm.s32 $0x800;
	s12 =	rddreg [dreg:$0xc];
	[sflag:s8] =	ssyncadd.s32 $0xFFFFD800  }
.LBB2_1:
0x24: {  	[dreg:$0xb] =	wrdreg s10  }
0x25: {  	s0 =	rddreg [dreg:$0x7]  }
0x26: {  	[spmem:s4], [sflag:s3] =	dma.local [hbm:s0], $0x2800  }
0x27: {  	_ =	swait.ge [sflag:s8], $0x2800  }
0x28: {  	[sflag:s8] =	ssyncset.done $0x0  }
0x29: {  	[sflag:s8] =	ssyncadd.s32 $0xFFFFD800  }
0x2a: {  	s17 =	simm.s32 $0x0;
	[bflag:$0x0] =	sbarrier.arrive $0xFFFF  }
0x2b: {  	[tilespmem:s17], [sflag:$0x7] =	stream.linear.gather [hbm4b:s6+s17], $0x800, $0x38;
	[tilespmem:$0x1E000] =	vst v63  }
0x2c: {  	_ =	swait.ge [sflag:s8], $0x800  }
0x2d: {  	[sflag:s8] =	ssyncset.done $0x0  }
0x2e: {  	s18 =	simm.s32 $0x1000;
	[sflag:s8] =	ssyncadd.s32 $0xFFFFF800  }
0x2f: {  	[tilespmem:s18], [sflag:$0x7] =	stream.linear.gather [hbm4b:s12+s17], $0x800, $0x38;
	[tilespmem:$0x1E000] =	vst v63  }
0x30: {  	_ =	swait.ge [sflag:s8], $0x800  }
0x31: {  	[sflag:s8] =	ssyncset.done $0x0  }
0x32: {  	s24 =	rddreg [dreg:$0x4];
	[sflag:s8] =	ssyncadd.s32 $0xFFFFF800  }
0x33: {  	[tilespmem:s19], [sflag:$0x6] =	stream.linear.gather [hbm4b:s24+s17], $0x800, $0x38;
	[tilespmem:$0x1E000] =	vst v63  }
0x34: {  	s30 =	rddreg [dreg:$0x5]  }
0x35: {  	[tilespmem:s9], [sflag:$0x6] =	stream.linear.gather [hbm4b:s30+s17], $0x800, $0x38;
	[tilespmem:$0x1E000] =	vst v63  }
0x36: {  	_ = 	snop  }
0x37: {  	[tilespmem:s21], [sflag:$0x1] =	stream.indirect.gather [hbm4b:s7+s20], $0x80, s17, s20, $0xb8;
	[tilespmem:$0x1E000] =	vst v63  }
0x38: {  	s9 =	simm.s32 $0x1800;
	s17 =	simm.s32 $0xFFFFF800  }
.LBB2_2:
0x39: {  	_ =	swait.ge [sflag:s22], $0x3E80  }
0x3a: {  	[sflag:s22] =	ssyncset.done $0x0  }
0x3b: {  	s0 =	simm.s32 $0x1000;
	[sflag:s22] =	ssyncadd.s32 $0xFFFFC180  }
0x3c: {  	[spmem:s2] =	stream.indirect.scatter.add.f32 [tilespmem:s21], [sflag:$0x3], $0x80, s0, s20, $0xb8;
	[tilespmem:$0x1E000] =	vst v63  }
0x3d: {  	s14 =	simm.s32 @p1 $0x7D;
	s15 =	simm.s32 @p1 $0x6000;
	s0 =	simm.s32 @p1 $0x80  }
0x3e: {  	[tilespmem:s15], [sflag:$0x2] =	stream.indirect.gather @p1 [hbm4b:s5+s14], $0x80, s0, s14, $0xb8;
	[tilespmem:$0x1E000] =	vst v63  }
0x3f: {  	s13 =	simm.s32 @!p1 $0x7D;
	s16 =	simm.s32 @!p1 $0x6000;
	s0 =	simm.s32 @!p1 $0x80  }
0x40: {  	[tilespmem:s16], [sflag:$0x2] =	stream.indirect.gather @!p1 [hbm4b:s1+s13], $0x80, s0, s13, $0xb8;
	[tilespmem:$0x1E000] =	vst v63  }
0x41: {  	_ =	swait.ge [sflag:s23], $0x3E80  }
0x42: {  	[sflag:s23] =	ssyncset.done $0x0  }
0x43: {  	s11 =	simm.s32 $0x1080;
	[sflag:s23] =	ssyncadd.s32 $0xFFFFC180  }
0x44: {  	[spmem:s2] =	stream.indirect.scatter.add.f32 [tilespmem:s25], [sflag:$0x4], $0x80, s11, s20, $0xb8;
	[tilespmem:$0x1E000] =	vst v63  }
0x45: {  	_ =	swait.ge [sflag:s26], $0x3E80  }
0x46: {  	[sflag:s26] =	ssyncset.done $0x0  }
0x47: {  	s24 =	simm.s32 @p1 $0x2000;
	s0 =	simm.s32 @p1 $0x100;
	[sflag:s26] =	ssyncadd.s32 $0xFFFFC180  }
0x48: {  	[tilespmem:s24], [sflag:$0x1] =	stream.indirect.gather @p1 [hbm4b:s5+s14], $0x80, s0, s14, $0xb8;
	[tilespmem:$0x1E000] =	vst v63  }
0x49: {  	s30 =	simm.s32 @!p1 $0x2000;
	s0 =	simm.s32 @!p1 $0x100  }
0x4a: {  	[tilespmem:s30], [sflag:$0x1] =	stream.indirect.gather @!p1 [hbm4b:s1+s13], $0x80, s0, s13, $0xb8;
	[tilespmem:$0x1E000] =	vst v63  }
0x4b: {  	_ =	swait.ge [sflag:s22], $0x3E80  }
0x4c: {  	[sflag:s22] =	ssyncset.done $0x0  }
0x4d: {  	s12 =	simm.s32 $0x1100;
	[sflag:s22] =	ssyncadd.s32 $0xFFFFC180  }
0x4e: {  	[spmem:s2] =	stream.indirect.scatter.add.f32 [tilespmem:s21], [sflag:$0x3], $0x80, s12, s20, $0xb8;
	[tilespmem:$0x1E000] =	vst v63  }
0x4f: {  	_ =	swait.ge [sflag:s29], $0x3E80  }
0x50: {  	s4 =	simm.s32 @p0 $0x180;
	[sflag:s29] =	ssyncset.done $0x0  }
0x51: {  	s8 =	simm.s32 @p0 $0x6000;
	s0 =	simm.s32 @p0 $0x7D;
	[sflag:s29] =	ssyncadd.s32 $0xFFFFC180  }
0x52: {  	[tilespmem:s8], [sflag:$0x2] =	stream.indirect.gather @p0 [hbm4b:s1+s0], $0x80, s4, s0, $0xb8;
	[tilespmem:$0x1E000] =	vst v63  }
0x53: {  	s10 =	simm.s32 @!p0 $0x6000;
	s11 =	simm.s32 @!p0 $0x180;
	s4 =	simm.s32 @!p0 $0x7D  }
0x54: {  	[tilespmem:s10], [sflag:$0x2] =	stream.indirect.gather @!p0 [hbm4b:s5+s4], $0x80, s11, s4, $0xb8;
	[tilespmem:$0x1E000] =	vst v63  }
0x55: {  	_ =	swait.ge [sflag:s23], $0x3E80  }
0x56: {  	[sflag:s23] =	ssyncset.done $0x0  }
0x57: {  	s3 =	simm.s32 $0x1180;
	[sflag:s23] =	ssyncadd.s32 $0xFFFFC180  }
0x58: {  	[spmem:s2] =	stream.indirect.scatter.add.f32 [tilespmem:s25], [sflag:$0x4], $0x80, s3, s20, $0xb8;
	[tilespmem:$0x1E000] =	vst v63  }
0x59: {  	_ =	swait.ge [sflag:s26], $0x3E80  }
0x5a: {  	[sflag:s26] =	ssyncset.done $0x0  }
0x5b: {  	s12 =	simm.s32 @p0 $0x200;
	s11 =	simm.s32 @p0 $0x2000;
	[sflag:s26] =	ssyncadd.s32 $0xFFFFC180  }
0x5c: {  	[tilespmem:s11], [sflag:$0x1] =	stream.indirect.gather @p0 [hbm4b:s1+s0], $0x80, s12, s0, $0xb8;
	[tilespmem:$0x1E000] =	vst v63  }
0x5d: {  	s18 =	simm.s32 @!p0 $0x200;
	s12 =	simm.s32 @!p0 $0x2000  }
0x5e: {  	[tilespmem:s12], [sflag:$0x1] =	stream.indirect.gather @!p0 [hbm4b:s5+s4], $0x80, s18, s4, $0xb8;
	[tilespmem:$0x1E000] =	vst v63  }
0x5f: {  	_ =	swait.ge [sflag:s22], $0x3E80  }
0x60: {  	[sflag:s22] =	ssyncset.done $0x0  }
0x61: {  	s18 =	simm.s32 $0x1200;
	[sflag:s22] =	ssyncadd.s32 $0xFFFFC180  }
0x62: {  	[spmem:s2] =	stream.indirect.scatter.add.f32 [tilespmem:s21], [sflag:$0x3], $0x80, s18, s20, $0xb8;
	[tilespmem:$0x1E000] =	vst v63  }
0x63: {  	_ =	swait.ge [sflag:s29], $0x3E80  }
0x64: {  	[sflag:s29] =	ssyncset.done $0x0  }
0x65: {  	s18 =	simm.s32 @p0 $0x280;
	[sflag:s29] =	ssyncadd.s32 $0xFFFFC180  }
0x66: {  	[tilespmem:s8], [sflag:$0x2] =	stream.indirect.gather @p0 [hbm4b:s1+s0], $0x80, s18, s0, $0xb8;
	[tilespmem:$0x1E000] =	vst v63  }
0x67: {  	s18 =	simm.s32 @!p0 $0x280  }
0x68: {  	[tilespmem:s10], [sflag:$0x2] =	stream.indirect.gather @!p0 [hbm4b:s5+s4], $0x80, s18, s4, $0xb8;
	[tilespmem:$0x1E000] =	vst v63  }
0x69: {  	_ =	swait.ge [sflag:s23], $0x3E80  }
0x6a: {  	[sflag:s23] =	ssyncset.done $0x0  }
0x6b: {  	s18 =	simm.s32 $0x1280;
	[sflag:s23] =	ssyncadd.s32 $0xFFFFC180  }
0x6c: {  	[spmem:s2] =	stream.indirect.scatter.add.f32 [tilespmem:s25], [sflag:$0x4], $0x80, s18, s20, $0xb8;
	[tilespmem:$0x1E000] =	vst v63  }
0x6d: {  	_ =	swait.ge [sflag:s26], $0x3E80  }
0x6e: {  	[sflag:s26] =	ssyncset.done $0x0  }
0x6f: {  	s18 =	simm.s32 @p0 $0x300;
	[sflag:s26] =	ssyncadd.s32 $0xFFFFC180  }
0x70: {  	[tilespmem:s11], [sflag:$0x1] =	stream.indirect.gather @p0 [hbm4b:s1+s0], $0x80, s18, s0, $0xb8;
	[tilespmem:$0x1E000] =	vst v63  }
0x71: {  	s18 =	simm.s32 @!p0 $0x300  }
0x72: {  	[tilespmem:s12], [sflag:$0x1] =	stream.indirect.gather @!p0 [hbm4b:s5+s4], $0x80, s18, s4, $0xb8;
	[tilespmem:$0x1E000] =	vst v63  }
0x73: {  	_ =	swait.ge [sflag:s22], $0x3E80  }
0x74: {  	[sflag:s22] =	ssyncset.done $0x0  }
0x75: {  	s18 =	simm.s32 $0x1300;
	[sflag:s22] =	ssyncadd.s32 $0xFFFFC180  }
0x76: {  	[spmem:s2] =	stream.indirect.scatter.add.f32 [tilespmem:s21], [sflag:$0x3], $0x80, s18, s20, $0xb8;
	[tilespmem:$0x1E000] =	vst v63  }
0x77: {  	_ =	swait.ge [sflag:s29], $0x3E80  }
0x78: {  	[sflag:s29] =	ssyncset.done $0x0  }
0x79: {  	s18 =	simm.s32 @p0 $0x380;
	[sflag:s29] =	ssyncadd.s32 $0xFFFFC180  }
0x7a: {  	[tilespmem:s8], [sflag:$0x2] =	stream.indirect.gather @p0 [hbm4b:s1+s0], $0x80, s18, s0, $0xb8;
	[tilespmem:$0x1E000] =	vst v63  }
0x7b: {  	s18 =	simm.s32 @!p0 $0x380  }
0x7c: {  	[tilespmem:s10], [sflag:$0x2] =	stream.indirect.gather @!p0 [hbm4b:s5+s4], $0x80, s18, s4, $0xb8;
	[tilespmem:$0x1E000] =	vst v63  }
0x7d: {  	_ =	swait.ge [sflag:s23], $0x3E80  }
0x7e: {  	[sflag:s23] =	ssyncset.done $0x0  }
0x7f: {  	s18 =	simm.s32 $0x1380;
	[sflag:s23] =	ssyncadd.s32 $0xFFFFC180  }
0x80: {  	[spmem:s2] =	stream.indirect.scatter.add.f32 [tilespmem:s25], [sflag:$0x4], $0x80, s18, s20, $0xb8;
	[tilespmem:$0x1E000] =	vst v63  }
0x81: {  	_ =	swait.ge [sflag:s26], $0x3E80  }
0x82: {  	[sflag:s26] =	ssyncset.done $0x0  }
0x83: {  	s18 =	simm.s32 @p0 $0x400;
	[sflag:s26] =	ssyncadd.s32 $0xFFFFC180  }
0x84: {  	[tilespmem:s11], [sflag:$0x1] =	stream.indirect.gather @p0 [hbm4b:s1+s0], $0x80, s18, s0, $0xb8;
	[tilespmem:$0x1E000] =	vst v63  }
0x85: {  	s18 =	simm.s32 @!p0 $0x400  }
0x86: {  	[tilespmem:s12], [sflag:$0x1] =	stream.indirect.gather @!p0 [hbm4b:s5+s4], $0x80, s18, s4, $0xb8;
	[tilespmem:$0x1E000] =	vst v63  }
0x87: {  	_ =	swait.ge [sflag:s22], $0x3E80  }
0x88: {  	[sflag:s22] =	ssyncset.done $0x0  }
0x89: {  	s18 =	simm.s32 $0x1400;
	[sflag:s22] =	ssyncadd.s32 $0xFFFFC180  }
0x8a: {  	[spmem:s2] =	stream.indirect.scatter.add.f32 [tilespmem:s21], [sflag:$0x3], $0x80, s18, s20, $0xb8;
	[tilespmem:$0x1E000] =	vst v63  }
0x8b: {  	_ =	swait.ge [sflag:s29], $0x3E80  }
0x8c: {  	[sflag:s29] =	ssyncset.done $0x0  }
0x8d: {  	s18 =	simm.s32 @p0 $0x480;
	[sflag:s29] =	ssyncadd.s32 $0xFFFFC180  }
0x8e: {  	[tilespmem:s8], [sflag:$0x2] =	stream.indirect.gather @p0 [hbm4b:s1+s0], $0x80, s18, s0, $0xb8;
	[tilespmem:$0x1E000] =	vst v63  }
0x8f: {  	s18 =	simm.s32 @!p0 $0x480  }
0x90: {  	[tilespmem:s10], [sflag:$0x2] =	stream.indirect.gather @!p0 [hbm4b:s5+s4], $0x80, s18, s4, $0xb8;
	[tilespmem:$0x1E000] =	vst v63  }
0x91: {  	_ =	swait.ge [sflag:s23], $0x3E80  }
0x92: {  	[sflag:s23] =	ssyncset.done $0x0  }
0x93: {  	s18 =	simm.s32 $0x1480;
	[sflag:s23] =	ssyncadd.s32 $0xFFFFC180  }
0x94: {  	[spmem:s2] =	stream.indirect.scatter.add.f32 [tilespmem:s25], [sflag:$0x4], $0x80, s18, s20, $0xb8;
	[tilespmem:$0x1E000] =	vst v63  }
0x95: {  	_ =	swait.ge [sflag:s26], $0x3E80  }
0x96: {  	[sflag:s26] =	ssyncset.done $0x0  }
0x97: {  	s18 =	simm.s32 @p0 $0x500;
	[sflag:s26] =	ssyncadd.s32 $0xFFFFC180  }
0x98: {  	[tilespmem:s11], [sflag:$0x1] =	stream.indirect.gather @p0 [hbm4b:s1+s0], $0x80, s18, s0, $0xb8;
	[tilespmem:$0x1E000] =	vst v63  }
0x99: {  	s18 =	simm.s32 @!p0 $0x500  }
0x9a: {  	[tilespmem:s12], [sflag:$0x1] =	stream.indirect.gather @!p0 [hbm4b:s5+s4], $0x80, s18, s4, $0xb8;
	[tilespmem:$0x1E000] =	vst v63  }
0x9b: {  	_ =	swait.ge [sflag:s22], $0x3E80  }
0x9c: {  	[sflag:s22] =	ssyncset.done $0x0  }
0x9d: {  	s18 =	simm.s32 $0x1500;
	[sflag:s22] =	ssyncadd.s32 $0xFFFFC180  }
0x9e: {  	[spmem:s2] =	stream.indirect.scatter.add.f32 [tilespmem:s21], [sflag:$0x3], $0x80, s18, s20, $0xb8;
	[tilespmem:$0x1E000] =	vst v63  }
0x9f: {  	_ =	swait.ge [sflag:s29], $0x3E80  }
0xa0: {  	[sflag:s29] =	ssyncset.done $0x0  }
0xa1: {  	s18 =	simm.s32 @p0 $0x580;
	[sflag:s29] =	ssyncadd.s32 $0xFFFFC180  }
0xa2: {  	[tilespmem:s8], [sflag:$0x2] =	stream.indirect.gather @p0 [hbm4b:s1+s0], $0x80, s18, s0, $0xb8;
	[tilespmem:$0x1E000] =	vst v63  }
0xa3: {  	s18 =	simm.s32 @!p0 $0x580  }
0xa4: {  	[tilespmem:s10], [sflag:$0x2] =	stream.indirect.gather @!p0 [hbm4b:s5+s4], $0x80, s18, s4, $0xb8;
	[tilespmem:$0x1E000] =	vst v63  }
0xa5: {  	_ =	swait.ge [sflag:s23], $0x3E80  }
0xa6: {  	[sflag:s23] =	ssyncset.done $0x0  }
0xa7: {  	s18 =	simm.s32 $0x1580;
	[sflag:s23] =	ssyncadd.s32 $0xFFFFC180  }
0xa8: {  	[spmem:s2] =	stream.indirect.scatter.add.f32 [tilespmem:s25], [sflag:$0x4], $0x80, s18, s20, $0xb8;
	[tilespmem:$0x1E000] =	vst v63  }
0xa9: {  	_ =	swait.ge [sflag:s26], $0x3E80  }
0xaa: {  	[sflag:s26] =	ssyncset.done $0x0  }
0xab: {  	s18 =	simm.s32 @p0 $0x600;
	[sflag:s26] =	ssyncadd.s32 $0xFFFFC180  }
0xac: {  	[tilespmem:s11], [sflag:$0x1] =	stream.indirect.gather @p0 [hbm4b:s1+s0], $0x80, s18, s0, $0xb8;
	[tilespmem:$0x1E000] =	vst v63  }
0xad: {  	s18 =	simm.s32 @!p0 $0x600  }
0xae: {  	[tilespmem:s12], [sflag:$0x1] =	stream.indirect.gather @!p0 [hbm4b:s5+s4], $0x80, s18, s4, $0xb8;
	[tilespmem:$0x1E000] =	vst v63  }
0xaf: {  	_ =	swait.ge [sflag:s22], $0x3E80  }
0xb0: {  	[sflag:s22] =	ssyncset.done $0x0  }
0xb1: {  	s18 =	simm.s32 $0x1600;
	[sflag:s22] =	ssyncadd.s32 $0xFFFFC180  }
0xb2: {  	[spmem:s2] =	stream.indirect.scatter.add.f32 [tilespmem:s21], [sflag:$0x3], $0x80, s18, s20, $0xb8;
	[tilespmem:$0x1E000] =	vst v63  }
0xb3: {  	_ =	swait.ge [sflag:s29], $0x3E80  }
0xb4: {  	[sflag:s29] =	ssyncset.done $0x0  }
0xb5: {  	s18 =	simm.s32 @p0 $0x680;
	[sflag:s29] =	ssyncadd.s32 $0xFFFFC180  }
0xb6: {  	[tilespmem:s8], [sflag:$0x2] =	stream.indirect.gather @p0 [hbm4b:s1+s0], $0x80, s18, s0, $0xb8;
	[tilespmem:$0x1E000] =	vst v63  }
0xb7: {  	s18 =	simm.s32 @!p0 $0x680  }
0xb8: {  	[tilespmem:s10], [sflag:$0x2] =	stream.indirect.gather @!p0 [hbm4b:s5+s4], $0x80, s18, s4, $0xb8;
	[tilespmem:$0x1E000] =	vst v63  }
0xb9: {  	_ =	swait.ge [sflag:s23], $0x3E80  }
0xba: {  	[sflag:s23] =	ssyncset.done $0x0  }
0xbb: {  	s18 =	simm.s32 $0x1680;
	[sflag:s23] =	ssyncadd.s32 $0xFFFFC180  }
0xbc: {  	[spmem:s2] =	stream.indirect.scatter.add.f32 [tilespmem:s25], [sflag:$0x4], $0x80, s18, s20, $0xb8;
	[tilespmem:$0x1E000] =	vst v63  }
0xbd: {  	_ =	swait.ge [sflag:s26], $0x3E80  }
0xbe: {  	[sflag:s26] =	ssyncset.done $0x0  }
0xbf: {  	s18 =	simm.s32 @p0 $0x700;
	[sflag:s26] =	ssyncadd.s32 $0xFFFFC180  }
0xc0: {  	[tilespmem:s11], [sflag:$0x1] =	stream.indirect.gather @p0 [hbm4b:s1+s0], $0x80, s18, s0, $0xb8;
	[tilespmem:$0x1E000] =	vst v63  }
0xc1: {  	s18 =	simm.s32 @!p0 $0x700  }
0xc2: {  	[tilespmem:s12], [sflag:$0x1] =	stream.indirect.gather @!p0 [hbm4b:s5+s4], $0x80, s18, s4, $0xb8;
	[tilespmem:$0x1E000] =	vst v63  }
0xc3: {  	_ =	swait.ge [sflag:s22], $0x3E80  }
0xc4: {  	[sflag:s22] =	ssyncset.done $0x0  }
0xc5: {  	s18 =	simm.s32 $0x1700;
	[sflag:s22] =	ssyncadd.s32 $0xFFFFC180  }
0xc6: {  	[spmem:s2] =	stream.indirect.scatter.add.f32 [tilespmem:s21], [sflag:$0x3], $0x80, s18, s20, $0xb8;
	[tilespmem:$0x1E000] =	vst v63  }
0xc7: {  	_ =	swait.ge [sflag:s29], $0x3E80  }
0xc8: {  	[sflag:s29] =	ssyncset.done $0x0  }
0xc9: {  	s18 =	simm.s32 @p0 $0x780;
	[sflag:s29] =	ssyncadd.s32 $0xFFFFC180  }
0xca: {  	[tilespmem:s8], [sflag:$0x2] =	stream.indirect.gather @p0 [hbm4b:s1+s0], $0x80, s18, s0, $0xb8;
	[tilespmem:$0x1E000] =	vst v63  }
0xcb: {  	s18 =	simm.s32 @!p0 $0x780  }
0xcc: {  	[tilespmem:s10], [sflag:$0x2] =	stream.indirect.gather @!p0 [hbm4b:s5+s4], $0x80, s18, s4, $0xb8;
	[tilespmem:$0x1E000] =	vst v63  }
0xcd: {  	_ =	swait.ge [sflag:s23], $0x3E80  }
0xce: {  	[sflag:s23] =	ssyncset.done $0x0  }
0xcf: {  	s18 =	simm.s32 $0x1780;
	[sflag:s23] =	ssyncadd.s32 $0xFFFFC180  }
0xd0: {  	[spmem:s2] =	stream.indirect.scatter.add.f32 [tilespmem:s25], [sflag:$0x4], $0x80, s18, s20, $0xb8;
	[tilespmem:$0x1E000] =	vst v63  }
0xd1: {  	_ =	swait.ge [sflag:s26], $0x3E80  }
0xd2: {  	[sflag:s26] =	ssyncset.done $0x0  }
0xd3: {  	[sflag:s26] =	ssyncadd.s32 $0xFFFFC180  }
0xd4: {  	_ =	swait.ge [sflag:s29], $0x3E80  }
0xd5: {  	[sflag:s29] =	ssyncset.done $0x0  }
0xd6: {  	s18 =	simm.s32 $0x6;
	[sflag:s29] =	ssyncadd.s32 $0xFFFFC180  }
0xd7: {  	_ =	swait.ge [sflag:s18], $0x800  }
0xd8: {  	[sflag:s18] =	ssyncset.done $0x0  }
0xd9: {  	[sflag:s18] =	ssyncadd.s32 $0xFFFFF800  }
0xda: {  	_ =	swait.ge [sflag:s18], $0x800  }
0xdb: {  	p2 =	seq.s32 s17, $0x0;
	[sflag:s18] =	ssyncset.done $0x0  }
0xdc: {  	[sflag:s18] =	ssyncadd.s32 $0xFFFFF800;
	s18 =	sadd.s32 @!p2 s17, s6  }
0xdd: {  	[tilespmem:s21], [sflag:$0x1] =	stream.indirect.gather [hbm4b:s7+s20], $0x80, s19, s20, $0xb8;
	[tilespmem:$0x1E000] =	vst v63  }
0xde: {  	s3 =	rddreg [dreg:$0xc];
	s18 =	sadd.s32 @!p2 $0xA00, s18;
	s19 =	simm.s32 @!p2 $0x0  }
0xdf: {  	[tilespmem:s19], [sflag:$0x5] =	stream.linear.gather @!p2 [hbm4b:s18+s19], $0x800, $0x38;
	[tilespmem:$0x1E000] =	vst v63  }
0xe0: {  	s18 =	sadd.s32 @!p2 s17, s3  }
0xe1: {  	s3 =	simm.s32 @!p2 $0x1000;
	s18 =	sadd.s32 @!p2 $0xA00, s18  }
0xe2: {  	[tilespmem:s3], [sflag:$0x5] =	stream.linear.gather @!p2 [hbm4b:s18+s19], $0x800, $0x38;
	[tilespmem:$0x1E000] =	vst v63  }
0xe3: {  	_ =	swait.ge [sflag:s22], $0x3E80  }
0xe4: {  	[sflag:s22] =	ssyncset.done $0x0  }
0xe5: {  	[sflag:s22] =	ssyncadd.s32 $0xFFFFC180  }
0xe6: {  	[spmem:s2] =	stream.indirect.scatter.add.f32 [tilespmem:s21], [sflag:$0x3], $0x80, s9, s20, $0xb8;
	[tilespmem:$0x1E000] =	vst v63  }
0xe7: {  	s3 =	simm.s32 @p1 $0x880  }
0xe8: {  	[tilespmem:s15], [sflag:$0x2] =	stream.indirect.gather @p1 [hbm4b:s5+s14], $0x80, s3, s14, $0xb8;
	[tilespmem:$0x1E000] =	vst v63  }
0xe9: {  	s3 =	simm.s32 @!p1 $0x880  }
0xea: {  	[tilespmem:s16], [sflag:$0x2] =	stream.indirect.gather @!p1 [hbm4b:s1+s13], $0x80, s3, s13, $0xb8;
	[tilespmem:$0x1E000] =	vst v63  }
0xeb: {  	_ =	swait.ge [sflag:s23], $0x3E80  }
0xec: {  	[sflag:s23] =	ssyncset.done $0x0  }
0xed: {  	s15 =	simm.s32 $0x1880;
	[sflag:s23] =	ssyncadd.s32 $0xFFFFC180  }
0xee: {  	[spmem:s2] =	stream.indirect.scatter.add.f32 [tilespmem:s25], [sflag:$0x4], $0x80, s15, s20, $0xb8;
	[tilespmem:$0x1E000] =	vst v63  }
0xef: {  	_ =	swait.ge [sflag:s26], $0x3E80  }
0xf0: {  	[sflag:s26] =	ssyncset.done $0x0  }
0xf1: {  	s3 =	simm.s32 @p1 $0x900;
	[sflag:s26] =	ssyncadd.s32 $0xFFFFC180  }
0xf2: {  	[tilespmem:s24], [sflag:$0x1] =	stream.indirect.gather @p1 [hbm4b:s5+s14], $0x80, s3, s14, $0xb8;
	[tilespmem:$0x1E000] =	vst v63  }
0xf3: {  	s3 =	simm.s32 @!p1 $0x900  }
0xf4: {  	[tilespmem:s30], [sflag:$0x1] =	stream.indirect.gather @!p1 [hbm4b:s1+s13], $0x80, s3, s13, $0xb8;
	[tilespmem:$0x1E000] =	vst v63  }
0xf5: {  	_ =	swait.ge [sflag:s22], $0x3E80  }
0xf6: {  	[sflag:s22] =	ssyncset.done $0x0  }
0xf7: {  	s16 =	simm.s32 $0x1900;
	[sflag:s22] =	ssyncadd.s32 $0xFFFFC180  }
0xf8: {  	[spmem:s2] =	stream.indirect.scatter.add.f32 [tilespmem:s21], [sflag:$0x3], $0x80, s16, s20, $0xb8;
	[tilespmem:$0x1E000] =	vst v63  }
0xf9: {  	_ =	swait.ge [sflag:s29], $0x3E80  }
0xfa: {  	[sflag:s29] =	ssyncset.done $0x0  }
0xfb: {  	s3 =	simm.s32 @p0 $0x980;
	[sflag:s29] =	ssyncadd.s32 $0xFFFFC180  }
0xfc: {  	[tilespmem:s8], [sflag:$0x2] =	stream.indirect.gather @p0 [hbm4b:s1+s0], $0x80, s3, s0, $0xb8;
	[tilespmem:$0x1E000] =	vst v63  }
0xfd: {  	s3 =	simm.s32 @!p0 $0x980  }
0xfe: {  	[tilespmem:s10], [sflag:$0x2] =	stream.indirect.gather @!p0 [hbm4b:s5+s4], $0x80, s3, s4, $0xb8;
	[tilespmem:$0x1E000] =	vst v63  }
0xff: {  	_ =	swait.ge [sflag:s23], $0x3E80  }
0x100: {  	[sflag:s23] =	ssyncset.done $0x0  }
0x101: {  	s18 =	simm.s32 $0x1980;
	[sflag:s23] =	ssyncadd.s32 $0xFFFFC180  }
0x102: {  	[spmem:s2] =	stream.indirect.scatter.add.f32 [tilespmem:s25], [sflag:$0x4], $0x80, s18, s20, $0xb8;
	[tilespmem:$0x1E000] =	vst v63  }
0x103: {  	_ =	swait.ge [sflag:s26], $0x3E80  }
0x104: {  	[sflag:s26] =	ssyncset.done $0x0  }
0x105: {  	s3 =	simm.s32 @p0 $0xA00;
	[sflag:s26] =	ssyncadd.s32 $0xFFFFC180  }
0x106: {  	[tilespmem:s11], [sflag:$0x1] =	stream.indirect.gather @p0 [hbm4b:s1+s0], $0x80, s3, s0, $0xb8;
	[tilespmem:$0x1E000] =	vst v63  }
0x107: {  	s3 =	simm.s32 @!p0 $0xA00  }
0x108: {  	[tilespmem:s12], [sflag:$0x1] =	stream.indirect.gather @!p0 [hbm4b:s5+s4], $0x80, s3, s4, $0xb8;
	[tilespmem:$0x1E000] =	vst v63  }
0x109: {  	_ =	swait.ge [sflag:s22], $0x3E80  }
0x10a: {  	[sflag:s22] =	ssyncset.done $0x0  }
0x10b: {  	s19 =	simm.s32 $0x1A00;
	[sflag:s22] =	ssyncadd.s32 $0xFFFFC180  }
0x10c: {  	[spmem:s2] =	stream.indirect.scatter.add.f32 [tilespmem:s21], [sflag:$0x3], $0x80, s19, s20, $0xb8;
	[tilespmem:$0x1E000] =	vst v63  }
0x10d: {  	_ =	swait.ge [sflag:s29], $0x3E80  }
0x10e: {  	[sflag:s29] =	ssyncset.done $0x0  }
0x10f: {  	s3 =	simm.s32 @p0 $0xA80;
	[sflag:s29] =	ssyncadd.s32 $0xFFFFC180  }
0x110: {  	[tilespmem:s8], [sflag:$0x2] =	stream.indirect.gather @p0 [hbm4b:s1+s0], $0x80, s3, s0, $0xb8;
	[tilespmem:$0x1E000] =	vst v63  }
0x111: {  	s3 =	simm.s32 @!p0 $0xA80  }
0x112: {  	[tilespmem:s10], [sflag:$0x2] =	stream.indirect.gather @!p0 [hbm4b:s5+s4], $0x80, s3, s4, $0xb8;
	[tilespmem:$0x1E000] =	vst v63  }
0x113: {  	_ =	swait.ge [sflag:s23], $0x3E80  }
0x114: {  	[sflag:s23] =	ssyncset.done $0x0  }
0x115: {  	s24 =	simm.s32 $0x1A80;
	[sflag:s23] =	ssyncadd.s32 $0xFFFFC180  }
0x116: {  	[spmem:s2] =	stream.indirect.scatter.add.f32 [tilespmem:s25], [sflag:$0x4], $0x80, s24, s20, $0xb8;
	[tilespmem:$0x1E000] =	vst v63  }
0x117: {  	_ =	swait.ge [sflag:s26], $0x3E80  }
0x118: {  	[sflag:s26] =	ssyncset.done $0x0  }
0x119: {  	s3 =	simm.s32 @p0 $0xB00;
	[sflag:s26] =	ssyncadd.s32 $0xFFFFC180  }
0x11a: {  	[tilespmem:s11], [sflag:$0x1] =	stream.indirect.gather @p0 [hbm4b:s1+s0], $0x80, s3, s0, $0xb8;
	[tilespmem:$0x1E000] =	vst v63  }
0x11b: {  	s3 =	simm.s32 @!p0 $0xB00  }
0x11c: {  	[tilespmem:s12], [sflag:$0x1] =	stream.indirect.gather @!p0 [hbm4b:s5+s4], $0x80, s3, s4, $0xb8;
	[tilespmem:$0x1E000] =	vst v63  }
0x11d: {  	_ =	swait.ge [sflag:s22], $0x3E80  }
0x11e: {  	[sflag:s22] =	ssyncset.done $0x0  }
0x11f: {  	s30 =	simm.s32 $0x1B00;
	[sflag:s22] =	ssyncadd.s32 $0xFFFFC180  }
0x120: {  	[spmem:s2] =	stream.indirect.scatter.add.f32 [tilespmem:s21], [sflag:$0x3], $0x80, s30, s20, $0xb8;
	[tilespmem:$0x1E000] =	vst v63  }
0x121: {  	_ =	swait.ge [sflag:s29], $0x3E80  }
0x122: {  	[sflag:s29] =	ssyncset.done $0x0  }
0x123: {  	s3 =	simm.s32 @p0 $0xB80;
	[sflag:s29] =	ssyncadd.s32 $0xFFFFC180  }
0x124: {  	[tilespmem:s8], [sflag:$0x2] =	stream.indirect.gather @p0 [hbm4b:s1+s0], $0x80, s3, s0, $0xb8;
	[tilespmem:$0x1E000] =	vst v63  }
0x125: {  	s3 =	simm.s32 @!p0 $0xB80  }
0x126: {  	[tilespmem:s10], [sflag:$0x2] =	stream.indirect.gather @!p0 [hbm4b:s5+s4], $0x80, s3, s4, $0xb8;
	[tilespmem:$0x1E000] =	vst v63  }
0x127: {  	_ =	swait.ge [sflag:s23], $0x3E80  }
0x128: {  	[sflag:s23] =	ssyncset.done $0x0  }
0x129: {  	s9 =	simm.s32 $0x1B80;
	[sflag:s23] =	ssyncadd.s32 $0xFFFFC180  }
0x12a: {  	[spmem:s2] =	stream.indirect.scatter.add.f32 [tilespmem:s25], [sflag:$0x4], $0x80, s9, s20, $0xb8;
	[tilespmem:$0x1E000] =	vst v63  }
0x12b: {  	_ =	swait.ge [sflag:s26], $0x3E80  }
0x12c: {  	[sflag:s26] =	ssyncset.done $0x0  }
0x12d: {  	s3 =	simm.s32 @p0 $0xC00;
	[sflag:s26] =	ssyncadd.s32 $0xFFFFC180  }
0x12e: {  	[tilespmem:s11], [sflag:$0x1] =	stream.indirect.gather @p0 [hbm4b:s1+s0], $0x80, s3, s0, $0xb8;
	[tilespmem:$0x1E000] =	vst v63  }
0x12f: {  	s3 =	simm.s32 @!p0 $0xC00  }
0x130: {  	[tilespmem:s12], [sflag:$0x1] =	stream.indirect.gather @!p0 [hbm4b:s5+s4], $0x80, s3, s4, $0xb8;
	[tilespmem:$0x1E000] =	vst v63  }
0x131: {  	_ =	swait.ge [sflag:s22], $0x3E80  }
0x132: {  	[sflag:s22] =	ssyncset.done $0x0  }
0x133: {  	s13 =	simm.s32 $0x1C00;
	[sflag:s22] =	ssyncadd.s32 $0xFFFFC180  }
0x134: {  	[spmem:s2] =	stream.indirect.scatter.add.f32 [tilespmem:s21], [sflag:$0x3], $0x80, s13, s20, $0xb8;
	[tilespmem:$0x1E000] =	vst v63  }
0x135: {  	_ =	swait.ge [sflag:s29], $0x3E80  }
0x136: {  	[sflag:s29] =	ssyncset.done $0x0  }
0x137: {  	s3 =	simm.s32 @p0 $0xC80;
	[sflag:s29] =	ssyncadd.s32 $0xFFFFC180  }
0x138: {  	[tilespmem:s8], [sflag:$0x2] =	stream.indirect.gather @p0 [hbm4b:s1+s0], $0x80, s3, s0, $0xb8;
	[tilespmem:$0x1E000] =	vst v63  }
0x139: {  	s3 =	simm.s32 @!p0 $0xC80  }
0x13a: {  	[tilespmem:s10], [sflag:$0x2] =	stream.indirect.gather @!p0 [hbm4b:s5+s4], $0x80, s3, s4, $0xb8;
	[tilespmem:$0x1E000] =	vst v63  }
0x13b: {  	_ =	swait.ge [sflag:s23], $0x3E80  }
0x13c: {  	[sflag:s23] =	ssyncset.done $0x0  }
0x13d: {  	s14 =	simm.s32 $0x1C80;
	[sflag:s23] =	ssyncadd.s32 $0xFFFFC180  }
0x13e: {  	[spmem:s2] =	stream.indirect.scatter.add.f32 [tilespmem:s25], [sflag:$0x4], $0x80, s14, s20, $0xb8;
	[tilespmem:$0x1E000] =	vst v63  }
0x13f: {  	_ =	swait.ge [sflag:s26], $0x3E80  }
0x140: {  	[sflag:s26] =	ssyncset.done $0x0  }
0x141: {  	s3 =	simm.s32 @p0 $0xD00;
	[sflag:s26] =	ssyncadd.s32 $0xFFFFC180  }
0x142: {  	[tilespmem:s11], [sflag:$0x1] =	stream.indirect.gather @p0 [hbm4b:s1+s0], $0x80, s3, s0, $0xb8;
	[tilespmem:$0x1E000] =	vst v63  }
0x143: {  	s3 =	simm.s32 @!p0 $0xD00  }
0x144: {  	[tilespmem:s12], [sflag:$0x1] =	stream.indirect.gather @!p0 [hbm4b:s5+s4], $0x80, s3, s4, $0xb8;
	[tilespmem:$0x1E000] =	vst v63  }
0x145: {  	_ =	swait.ge [sflag:s22], $0x3E80  }
0x146: {  	[sflag:s22] =	ssyncset.done $0x0  }
0x147: {  	s15 =	simm.s32 $0x1D00;
	[sflag:s22] =	ssyncadd.s32 $0xFFFFC180  }
0x148: {  	[spmem:s2] =	stream.indirect.scatter.add.f32 [tilespmem:s21], [sflag:$0x3], $0x80, s15, s20, $0xb8;
	[tilespmem:$0x1E000] =	vst v63  }
0x149: {  	_ =	swait.ge [sflag:s29], $0x3E80  }
0x14a: {  	[sflag:s29] =	ssyncset.done $0x0  }
0x14b: {  	s3 =	simm.s32 @p0 $0xD80;
	[sflag:s29] =	ssyncadd.s32 $0xFFFFC180  }
0x14c: {  	[tilespmem:s8], [sflag:$0x2] =	stream.indirect.gather @p0 [hbm4b:s1+s0], $0x80, s3, s0, $0xb8;
	[tilespmem:$0x1E000] =	vst v63  }
0x14d: {  	s3 =	simm.s32 @!p0 $0xD80  }
0x14e: {  	[tilespmem:s10], [sflag:$0x2] =	stream.indirect.gather @!p0 [hbm4b:s5+s4], $0x80, s3, s4, $0xb8;
	[tilespmem:$0x1E000] =	vst v63  }
0x14f: {  	_ =	swait.ge [sflag:s23], $0x3E80  }
0x150: {  	[sflag:s23] =	ssyncset.done $0x0  }
0x151: {  	s16 =	simm.s32 $0x1D80;
	[sflag:s23] =	ssyncadd.s32 $0xFFFFC180  }
0x152: {  	[spmem:s2] =	stream.indirect.scatter.add.f32 [tilespmem:s25], [sflag:$0x4], $0x80, s16, s20, $0xb8;
	[tilespmem:$0x1E000] =	vst v63  }
0x153: {  	_ =	swait.ge [sflag:s26], $0x3E80  }
0x154: {  	[sflag:s26] =	ssyncset.done $0x0  }
0x155: {  	s3 =	simm.s32 @p0 $0xE00;
	[sflag:s26] =	ssyncadd.s32 $0xFFFFC180  }
0x156: {  	[tilespmem:s11], [sflag:$0x1] =	stream.indirect.gather @p0 [hbm4b:s1+s0], $0x80, s3, s0, $0xb8;
	[tilespmem:$0x1E000] =	vst v63  }
0x157: {  	s3 =	simm.s32 @!p0 $0xE00  }
0x158: {  	[tilespmem:s12], [sflag:$0x1] =	stream.indirect.gather @!p0 [hbm4b:s5+s4], $0x80, s3, s4, $0xb8;
	[tilespmem:$0x1E000] =	vst v63  }
0x159: {  	_ =	swait.ge [sflag:s22], $0x3E80  }
0x15a: {  	[sflag:s22] =	ssyncset.done $0x0  }
0x15b: {  	s18 =	simm.s32 $0x1E00;
	[sflag:s22] =	ssyncadd.s32 $0xFFFFC180  }
0x15c: {  	[spmem:s2] =	stream.indirect.scatter.add.f32 [tilespmem:s21], [sflag:$0x3], $0x80, s18, s20, $0xb8;
	[tilespmem:$0x1E000] =	vst v63  }
0x15d: {  	_ =	swait.ge [sflag:s29], $0x3E80  }
0x15e: {  	[sflag:s29] =	ssyncset.done $0x0  }
0x15f: {  	s3 =	simm.s32 @p0 $0xE80;
	[sflag:s29] =	ssyncadd.s32 $0xFFFFC180  }
0x160: {  	[tilespmem:s8], [sflag:$0x2] =	stream.indirect.gather @p0 [hbm4b:s1+s0], $0x80, s3, s0, $0xb8;
	[tilespmem:$0x1E000] =	vst v63  }
0x161: {  	s3 =	simm.s32 @!p0 $0xE80  }
0x162: {  	[tilespmem:s10], [sflag:$0x2] =	stream.indirect.gather @!p0 [hbm4b:s5+s4], $0x80, s3, s4, $0xb8;
	[tilespmem:$0x1E000] =	vst v63  }
0x163: {  	_ =	swait.ge [sflag:s23], $0x3E80  }
0x164: {  	[sflag:s23] =	ssyncset.done $0x0  }
0x165: {  	s19 =	simm.s32 $0x1E80;
	[sflag:s23] =	ssyncadd.s32 $0xFFFFC180  }
0x166: {  	[spmem:s2] =	stream.indirect.scatter.add.f32 [tilespmem:s25], [sflag:$0x4], $0x80, s19, s20, $0xb8;
	[tilespmem:$0x1E000] =	vst v63  }
0x167: {  	_ =	swait.ge [sflag:s26], $0x3E80  }
0x168: {  	[sflag:s26] =	ssyncset.done $0x0  }
0x169: {  	s3 =	simm.s32 @p0 $0xF00;
	[sflag:s26] =	ssyncadd.s32 $0xFFFFC180  }
0x16a: {  	[tilespmem:s11], [sflag:$0x1] =	stream.indirect.gather @p0 [hbm4b:s1+s0], $0x80, s3, s0, $0xb8;
	[tilespmem:$0x1E000] =	vst v63  }
0x16b: {  	s3 =	simm.s32 @!p0 $0xF00  }
0x16c: {  	[tilespmem:s12], [sflag:$0x1] =	stream.indirect.gather @!p0 [hbm4b:s5+s4], $0x80, s3, s4, $0xb8;
	[tilespmem:$0x1E000] =	vst v63  }
0x16d: {  	_ =	swait.ge [sflag:s22], $0x3E80  }
0x16e: {  	[sflag:s22] =	ssyncset.done $0x0  }
0x16f: {  	s24 =	simm.s32 $0x1F00;
	[sflag:s22] =	ssyncadd.s32 $0xFFFFC180  }
0x170: {  	[spmem:s2] =	stream.indirect.scatter.add.f32 [tilespmem:s21], [sflag:$0x3], $0x80, s24, s20, $0xb8;
	[tilespmem:$0x1E000] =	vst v63  }
0x171: {  	_ =	swait.ge [sflag:s29], $0x3E80  }
0x172: {  	[sflag:s29] =	ssyncset.done $0x0  }
0x173: {  	s3 =	simm.s32 @p0 $0xF80;
	[sflag:s29] =	ssyncadd.s32 $0xFFFFC180  }
0x174: {  	[tilespmem:s8], [sflag:$0x2] =	stream.indirect.gather @p0 [hbm4b:s1+s0], $0x80, s3, s0, $0xb8;
	[tilespmem:$0x1E000] =	vst v63  }
0x175: {  	s0 =	simm.s32 @!p0 $0xF80  }
0x176: {  	[tilespmem:s10], [sflag:$0x2] =	stream.indirect.gather @!p0 [hbm4b:s5+s4], $0x80, s0, s4, $0xb8;
	[tilespmem:$0x1E000] =	vst v63  }
0x177: {  	_ =	swait.ge [sflag:s23], $0x3E80  }
0x178: {  	[sflag:s23] =	ssyncset.done $0x0  }
0x179: {  	s30 =	simm.s32 $0x1F80;
	[sflag:s23] =	ssyncadd.s32 $0xFFFFC180  }
0x17a: {  	[spmem:s2] =	stream.indirect.scatter.add.f32 [tilespmem:s25], [sflag:$0x4], $0x80, s30, s20, $0xb8;
	[tilespmem:$0x1E000] =	vst v63  }
0x17b: {  	_ =	swait.ge [sflag:s26], $0x3E80  }
.Ltmp2:
0x17c: {  	[sflag:s26] =	ssyncset.done $0x0;
	(pc) =	sbr.rel @p2 .LBB2_4-.Ltmp2, $4  }
0x17d: {  	[sflag:s26] =	ssyncadd.s32 $0xFFFFC180  }
0x17e: {  	_ =	swait.ge [sflag:s29], $0x3E80  }
0x17f: {  	[sflag:s29] =	ssyncset.done $0x0  }
0x180: {  	s9 =	simm.s32 $0x1800;
	[sflag:s29] =	ssyncadd.s32 $0xFFFFC180  }
0x181: {  	_ =	swait.ge [sflag:s31], $0x800  }
0x182: {  	[sflag:s31] =	ssyncset.done $0x0  }
0x183: {  	[sflag:s31] =	ssyncadd.s32 $0xFFFFF800  }
0x184: {  	_ =	swait.ge [sflag:s31], $0x800  }
0x185: {  	[sflag:s31] =	ssyncset.done $0x0  }
0x186: {  	s3 =	simm.s32 $0x0;
	s0 =	sadd.s32 s17, s6;
	[sflag:s31] =	ssyncadd.s32 $0xFFFFF800  }
0x187: {  	[tilespmem:s21], [sflag:$0x1] =	stream.indirect.gather [hbm4b:s7+s20], $0x80, s3, s20, $0xb8;
	[tilespmem:$0x1E000] =	vst v63  }
0x188: {  	s0 =	sadd.s32 $0xB00, s0  }
0x189: {  	[tilespmem:s28], [sflag:$0x6] =	stream.linear.gather [hbm4b:s0+s3], $0x800, $0x38;
	[tilespmem:$0x1E000] =	vst v63  }
.Ltmp3:
0x18a: {  	s30 =	rddreg [dreg:$0xc];
	(pc) =	sbr.rel .LBB2_2-.Ltmp3, $4  }
0x18b: {  	s0 =	sadd.s32 s17, s30  }
0x18c: {  	s0 =	sadd.s32 $0xB00, s0  }
0x18d: {  	[tilespmem:s9], [sflag:$0x6] =	stream.linear.gather [hbm4b:s0+s3], $0x800, $0x38;
	[tilespmem:$0x1E000] =	vst v63  }
0x18e: {  	s19 =	simm.s32 $0x800;
	s17 =	sadd.s32 $0x200, s17;
	s9 =	simm.s32 $0x1800  }
.LBB2_5:
0x18f: {  	_ =	sfence.sel $0x180000  }
0x190: {  	[bflag:$0x0] =	sbarrier.arrive $0xFFFF  }
0x191: {  	_ =	strace $0x90000050  }
0x192: {  	s0 =	stileid.u32;
	[bflag:$0x2] =	sbarrier.arrive $0xFFFF  }
0x193: {  	p0 =	sne.s32 s0, $0x0;
	s0 =	rddreg [dreg:$0x3]  }
0x194: {  	s0 =	sadd.s32 @!p0 $0x100000, s0  }
0x195: {  	[sflag:s0] =	ssyncadd.tile.s32 @!p0 $0x1;
	_ =	shalt  }
.Lfunc_end2:
_tile_overlayer_lowered:
.L_overlay_start_2:
0x196: {  	(tag) =	ssettag $0x2  }
0x197: {  	s0 =	rddreg [dreg:$0x0];
	s2 =	stileid.u32  }
0x198: {  	s1 =	rddreg [dreg:$0x1];
	p0 =	sne.s32 s2, $0x0  }
0x199: {  	s3 =	rddreg [dreg:$0x2];
	[bflag:$0x3] =	sbarrier.arrive $0xFFFF;
	s2 =	simm.s32 @!p0 $0x1C07  }
0x19a: {  	[timem:s3], [sflag:s2] =	dma.local @!p0 [hbm:s0], s1  }
0x19b: {  	s0 =	simm.s32 @!p0 $0x7  }
0x19c: {  	_ =	swait.ge @!p0 [sflag:s0], s1  }
0x19d: {  	s1 =	ssub.s32 @!p0 $0x0, s1;
	[sflag:s0] =	ssyncset.done @!p0 $0x0  }
0x19e: {  	[sflag:s0] =	ssyncadd.s32 @!p0 s1  }
0x19f: {  	[bflag:$0x3] =	sbarrier.arrive $0xFFFF  }
0x1a0: {  	_ =	shalt  }

// kernel: kernel.24.cloned.1.call-start
scs
__scs_entry_jumppad:
0x0: {  	(pc) =	sbr.rel $0x88, $3  }
0x1: {  	(tag) =	ssettag $0x0;
	lr =	simm.s32 $0x1  }
0x2: {  	[smem:$0x3F92] =	sst lr;
	_ =	strace $0xD0000000  }
0x3: {  	_ = 	snop  }
0x4: {  	_ = 	snop  }
0x5: {  	_ = 	snop  }
0x6: {  	_ = 	snop  }
0x7: {  	_ = 	snop  }
__scs_overlays_trampoline_lowered:
0x8: {  	[smem:$0x3FA1] =	sst s0  }
0x9: {  	[smem:$0x3FA2] =	sst s1  }
0xa: {  	[smem:$0x3FA3] =	sst s2  }
0xb: {  	[smem:$0x3FA4] =	sst s3  }
0xc: {  	[smem:$0x3FA5] =	sst s4  }
0xd: {  	[smem:$0x3FA6] =	sst s5  }
0xe: {  	[smem:$0x3FA7] =	sst s6  }
0xf: {  	[smem:$0x3FA8] =	sst s7  }
0x10: {  	[smem:$0x3FA9] =	sst s8  }
0x11: {  	[smem:$0x3FAA] =	sst s9;
	s0 =	simm.s32 @!p0 $0x0  }
0x12: {  	s1 =	sld [smem:$0x3F90];
	s0 =	simm.s32 @p0 $0x1  }
0x13: {  	[smem:$0x3FAB] =	sst s0;
	s0 =	simm.s32 @!p1 $0x0  }
0x14: {  	s2 =	sld [smem:$0x3F8F];
	s0 =	simm.s32 @p1 $0x1  }
0x15: {  	[smem:$0x3FAC] =	sst s0;
	s0 =	simm.s32 @!p2 $0x0  }
0x16: {  	s3 =	sld [smem:$0x3FDB];
	s0 =	simm.s32 @p2 $0x1  }
0x17: {  	s4 =	simm.s32 $0x1BF5;
	[smem:$0x3FAE] =	sst s0  }
0x18: {  	s0 =	sld [smem:$0x3F91];
	_ =	swait.ge [sflag:s4], $0x0  }
0x19: {  	s7 =	sld [smem:$0x3F92]  }
0x1a: {  	s8 =	sadd.s32 $0xFFFFE003, lr  }
0x1b: {  	s9 =	sadd.s32 $0xFFFFFEF7, lr;
	s5 =	simm.s32 $0xFFFFFFFF;
	p2 =	slt.u32 s8, $0xFFFFF086  }
0x1c: {  	p1 =	slt.u32 s9, $0xF7A;
	s5 =	simm.s32 @!p2 $0x0  }
0x1d: {  	s5 =	simm.s32 @p1 $0x1;
	p0 =	seq.s32 s7, s2  }
0x1e: {  	s7 =	smul.u32 @!p0 $0xF7A, s2;
	p2 =	seq.s32 @!p0 s5, $0x0  }
0x1f: {  	s9 =	smul.u32 $0xF7A, s1;
	s8 =	simm.s32 @!p0 $0x1BF5;
	p2 =	por !p2, p0  }
0x20: {  	[sflag:s8] =	ssyncset.s32 @!p0 $0xFFFFF086;
	s6 =	sadd.s32 @!p0 s3, s7;
	s7 =	simm.s32 @!p0 $0x108  }
0x21: {  	s3 =	sadd.s32 s3, s9;
	s6 =	sadd.s32 @!p0 $0x88, s6;
	s7 =	simm.s32 @p2 $0x1082  }
0x22: {  	[simem:s7], [sflag:s8] =	dma.local @!p0 [hbm:s6], $0xF7A  }
0x23: {  	s9 =	sor.u32 $0xD0000000, s2;
	s6 =	simm.s32 $0x108;
	_ =	swait.ge @!p0 [sflag:s8], $0x0  }
0x24: {  	s3 =	sadd.s32 $0x88, s3;
	s6 =	simm.s32 @!p1 $0x1082;
	[sflag:s4] =	ssyncset.s32 $0xFFFFF086  }
0x25: {  	[simem:s6], [sflag:s4] =	dma.local [hbm:s3], $0xF7A  }
0x26: {  	[smem:$0x3F92] =	sst s1;
	(tag) =	ssettag s2;
	_ =	strace s9  }
0x27: {  	s1 =	sld [smem:$0x3FA2]  }
0x28: {  	s2 =	sld [smem:$0x3FA3]  }
0x29: {  	s4 =	sld [smem:$0x3FA5]  }
0x2a: {  	p0 =	seq.s32 s5, $0x0;
	s5 =	sld [smem:$0x3FA6]  }
0x2b: {  	s6 =	sld [smem:$0x3FA7]  }
0x2c: {  	s7 =	sld [smem:$0x3FA8]  }
0x2d: {  	s3 =	simm.s32 $0x108;
	s8 =	sld [smem:$0x3FA9]  }
0x2e: {  	s3 =	simm.s32 @!p0 $0x1082;
	s9 =	sld [smem:$0x3FAA]  }
0x2f: {  	lr =	sadd.s32 s0, s3;
	s0 =	sld [smem:$0x3FA1]  }
0x30: {  	s3 =	sld [smem:$0x3FA4]  }
0x31: {  	[smem:$0x3FAD] =	sst s10  }
0x32: {  	s10 =	sld [smem:$0x3FAB];
	_ =	sdelay $0x3  }
0x33: {  	p0 =	seq.s32 s10, $0x1;
	s10 =	sld [smem:$0x3FAD];
	_ =	sdelay $0x3  }
0x34: {  	[smem:$0x3FAD] =	sst s10  }
0x35: {  	s10 =	sld [smem:$0x3FAC];
	_ =	sdelay $0x3  }
0x36: {  	p1 =	seq.s32 s10, $0x1;
	s10 =	sld [smem:$0x3FAD];
	_ =	sdelay $0x3  }
0x37: {  	[smem:$0x3FAD] =	sst s10  }
0x38: {  	s10 =	sld [smem:$0x3FAE]  }
0x39: {  	_ = 	snop;
	(pc) =	sbr.ind lr, $3  }
0x3a: {  	_ = 	snop  }
0x3b: {  	_ = 	snop  }
0x3c: {  	p2 =	seq.s32 s10, $0x1;
	s10 =	sld [smem:$0x3FAD]  }
0x3d: {  	_ =	shalt  }
0x3e: {  	_ =	shalt  }
0x3f: {  	_ =	shalt  }
0x40: {  	_ =	shalt  }
0x41: {  	_ =	shalt  }
0x42: {  	_ =	shalt  }
0x43: {  	_ =	shalt  }
0x44: {  	_ =	shalt  }
0x45: {  	_ =	shalt  }
0x46: {  	_ =	shalt  }
0x47: {  	_ =	shalt  }
0x48: {  	_ =	shalt  }
0x49: {  	_ =	shalt  }
0x4a: {  	_ =	shalt  }
0x4b: {  	_ =	shalt  }
0x4c: {  	_ =	shalt  }
0x4d: {  	_ =	shalt  }
0x4e: {  	_ =	shalt  }
0x4f: {  	_ =	shalt  }
0x50: {  	_ =	shalt  }
0x51: {  	_ =	shalt  }
0x52: {  	_ =	shalt  }
0x53: {  	_ =	shalt  }
0x54: {  	_ =	shalt  }
0x55: {  	_ =	shalt  }
0x56: {  	_ =	shalt  }
0x57: {  	_ =	shalt  }
0x58: {  	_ =	shalt  }
0x59: {  	_ =	shalt  }
0x5a: {  	_ =	shalt  }
0x5b: {  	_ =	shalt  }
0x5c: {  	_ =	shalt  }
0x5d: {  	_ =	shalt  }
0x5e: {  	_ =	shalt  }
0x5f: {  	_ =	shalt  }
0x60: {  	_ =	shalt  }
0x61: {  	_ =	shalt  }
0x62: {  	_ =	shalt  }
0x63: {  	_ =	shalt  }
0x64: {  	_ =	shalt  }
0x65: {  	_ =	shalt  }
0x66: {  	_ =	shalt  }
0x67: {  	_ =	shalt  }
0x68: {  	_ =	shalt  }
0x69: {  	_ =	shalt  }
0x6a: {  	_ =	shalt  }
0x6b: {  	_ =	shalt  }
0x6c: {  	_ =	shalt  }
0x6d: {  	_ =	shalt  }
0x6e: {  	_ =	shalt  }
0x6f: {  	_ =	shalt  }
0x70: {  	_ =	shalt  }
0x71: {  	_ =	shalt  }
0x72: {  	_ =	shalt  }
0x73: {  	_ =	shalt  }
0x74: {  	_ =	shalt  }
0x75: {  	_ =	shalt  }
0x76: {  	_ =	shalt  }
0x77: {  	_ =	shalt  }
0x78: {  	_ =	shalt  }
0x79: {  	_ =	shalt  }
0x7a: {  	_ =	shalt  }
0x7b: {  	_ =	shalt  }
0x7c: {  	_ =	shalt  }
0x7d: {  	_ =	shalt  }
0x7e: {  	_ =	shalt  }
0x7f: {  	_ =	shalt  }
0x80: {  	_ =	shalt  }
0x81: {  	_ =	shalt  }
0x82: {  	_ =	shalt  }
0x83: {  	_ =	shalt  }
0x84: {  	_ =	shalt  }
0x85: {  	_ =	shalt  }
0x86: {  	_ =	shalt  }
0x87: {  	_ =	shalt  }
.Lfunc_end0:
.L_simem_size_0:
called_computation.4_lowered:
.L_overlay_start_0:
0x88: {  	s2 =	sld [smem:$0x3FD9]  }
0x89: {  	s3 =	sld [smem:$0x3FFE];
	_ =	sdelay $0x1  }
0x8a: {  	s1 =	srdreg.scid  }
0x8b: {  	s0 =	sand.u32 $0x1, s1  }
0x8c: {  	s14 =	sshll.u32 s0, $0xA;
	s2 =	sadd.s32 s3, s2  }
0x8d: {  	s2 =	sadd.s32 s2, s14  }
0x8e: {  	[smem:$0x3FB9] =	sst s2  }
0x8f: {  	_ = 	snop  }
0x90: {  	s2 =	sld [smem:$0x3FD0];
	_ =	sdelay $0x2  }
0x91: {  	s15 =	simm.s32 $0xA;
	s4 =	simm.s32 $0x10  }
0x92: {  	[smem:s4], [sflag:s15] =	dma.local [hbm:s2], $0x1  }
0x93: {  	_ =	swait.eq [sflag:s15], $0x1  }
0x94: {  	[sflag:s15] =	ssyncset.done $0x0  }
0x95: {  	[sflag:s15] =	ssyncadd.s32 $0xFFFFFFFF  }
0x96: {  	s16 =	sld [smem:$0x10];
	(tm) =	ssettm $0x1  }
0x97: {  	s17 =	sld [smem:$0x3FFB];
	_ =	sdelay $0x3  }
0x98: {  	_ =	strace s17  }
0x99: {  	s3 =	sld [smem:$0x3FFC];
	_ =	sdelay $0x3  }
0x9a: {  	_ =	strace s3  }
0x9b: {  	s3 =	sld [smem:$0x3FFD];
	_ =	sdelay $0x3  }
0x9c: {  	_ =	strace s3  }
0x9d: {  	_ =	strace $0x8FFFFFFF  }
0x9e: {  	s18 =	sld [smem:$0x3FDB];
	_ =	sdelay $0x1  }
0x9f: {  	s19 =	simm.s32 $_scs_section_size  }
0xa0: {  	s5 =	simm.s32 $_size__tile_overlayer_lowered;
	s6 =	simm.s32 $_tile_overlayer_lowered  }
0xa1: {  	s22 =	simm.s32 $0x1BFF;
	s21 =	sshll.u32 s6, $0x1;
	s3 =	sadd.s32 s19, s18  }
0xa2: {  	s7 =	simm.s32 $0x0;
	s20 =	sshll.u32 s5, $0x1;
	s5 =	sadd.s32 s21, s3  }
0xa3: {  	[timem:s7], [sflag:s22] =	dma.local [hbm:s5], s20  }
0xa4: {  	_ =	swait.ge [sflag:s22], s20  }
0xa5: {  	s4 =	ssub.s32 $0x0, s20;
	[sflag:s22] =	ssyncset.done $0x0  }
0xa6: {  	[sflag:s22] =	ssyncadd.s32 s4;
	_ =	sdelay $0x1  }
0xa7: {  	s23 =	simm.s32 $0x1B8B  }
0xa8: {  	_ =	swait.ge [sflag:s23], $0x1  }
0xa9: {  	[sflag:s23] =	ssyncset.done $0x0  }
0xaa: {  	s25 =	simm.s32 $0x1B8E;
	s24 =	sld [smem:$0x3FFE];
	[sflag:s23] =	ssyncadd.s32 $0xFFFFFFFF  }
0xab: {  	s26 =	simm.s32 $execute0_lowered;
	[smem:$0x3FD2] =	sst s25  }
0xac: {  	s5 =	sshll.u32 s26, $0x1;
	_ =	strace $0x80000052;
	[dreg:$0x1] =	wrdreg $0xFFFFFFFF  }
0xad: {  	s28 =	simm.s32 $_size_execute0_lowered;
	s3 =	sadd.s32 s3, s5;
	[dreg:$0x0] =	wrdreg $0x0  }
0xae: {  	s5 =	sshll.u32 s28, $0x1;
	[dreg:$0x2] =	wrdreg s3  }
0xaf: {  	[dreg:$0x3] =	wrdreg s5  }
0xb0: {  	[dreg:$0x4] =	wrdreg $0xC0  }
0xb1: {  	_ =	task [dreg:s7], $0x5FFFF  }
0xb2: {  	[dreg:$0x1] =	wrdreg $0xFFFFFFFF  }
0xb3: {  	[dreg:$0x0] =	wrdreg $0x60  }
0xb4: {  	[dreg:$0x2] =	wrdreg s16  }
0xb5: {  	[dreg:$0x3] =	wrdreg s24  }
0xb6: {  	[dreg:$0x4] =	wrdreg $0x90000  }
0xb7: {  	[dreg:$0x5] =	wrdreg $0x9  }
0xb8: {  	_ =	task.clear_ibuf [dreg:s7], $0x6FFFF;
	_ =	strace $0x90000052  }
0xb9: {  	s29 =	simm.s32 $0x9;
	_ =	strace $0x80000054  }
0xba: {  	_ =	swait.ge [sflag:s29], $0x1  }
0xbb: {  	[sflag:s29] =	ssyncadd.s32 $0xFFFFFFFF  }
0xbc: {  	_ =	strace $0x90000054  }
0xbd: {  	_ =	sfence  }
0xbe: {  	s30 =	sld [smem:$0x0];
	_ =	sdelay $0x2  }
0xbf: {  	s31 =	sshll.u32 s1, $0xD;
	s1 =	sshrl.u32 s1, $0x2  }
0xc0: {  	s3 =	sand.u32 $0x4000, s31;
	s1 =	sadd.s32 s1, s30  }
0xc1: {  	s0 =	sor.u32 s3, s0;
	s1 =	sshll.u32 s1, $0x11  }
0xc2: {  	s0 =	sor.u32 s1, s0  }
0xc3: {  	s0 =	sadd.s32 $0x8F2B, s0  }
0xc4: {  	[sflag:s0] =	ssyncadd.remote.s32 $0x1  }
0xc5: {  	_ =	sfence.sel $0xFFFF  }
0xc6: {  	[dreg:$0x0] =	wrdreg $0xFFFFFFFF;
	(pc) =	sbr.abs _section_cstart, $3  }
0xc7: {  	[dreg:$0x1] =	wrdreg $0xFFFFFFFF  }
0xc8: {  	_ =	task.clear_ibuf [dreg:s7], $0x2FFFF;
	_ =	strace $0x9FFFFFFF  }
0xc9: {  	(tm) =	ssettm $0x7FFFFFFF  }
tec
execute0_lowered:
.L_overlay_start_1:
0x0: {  	(tag) =	ssettag $0x1  }
0x1: {  	s1 =	rddreg [dreg:$0x0]  }
0x2: {  	s0 =	rddreg [dreg:$0x1]  }
0x3: {  	s2 =	rddreg [dreg:$0x2];
	s3 =	simm.s32 $0x0  }
0x4: {  	s7 =	srdreg.scid;
	s14 =	stileid.u32;
	s28 =	simm.s32 $0x3  }
0x5: {  	s31 =	simm.s32 $0x4;
	s29 =	simm.s32 $0x580;
	s30 =	simm.s32 $0xD80  }
0x6: {  	[smem:$0x7FF] =	sst s3;
	s4 =	sadd.s32 $0x1A400, s0;
	s5 =	sadd.s32 $0x10400, s0  }
0x7: {  	s6 =	sadd.s32 $0x6400, s0;
	s8 =	sadd.s32 $0x69600, s0;
	s11 =	smul.u32 $0x50000, s14  }
0x8: {  	s7 =	sand.u32 $0x1, s7;
	s9 =	sshll.u32 s14, $0x1;
	s18 =	smul.u32 $0x2800, s14  }
0x9: {  	s0 =	sadd.s32 $0x91600, s0;
	s22 =	sshll.u32 s14, $0x6;
	s23 =	smul.u32 $0xA00, s14  }
0xa: {  	_ =	strace $0x80000053;
	s10 =	ssub.s32 $0x2, s7;
	s9 =	sor.u32 s7, s9  }
0xb: {  	p0 =	seq.s32 s7, $0x0;
	s16 =	sor.u32 $0x1C07, s22;
	s24 =	smul.u32 $0x500, s7  }
0xc: {  	s22 =	simm.s32 $0x1;
	s7 =	simm.s32 $0x700;
	s12 =	sshrl.u32 s10, $0x1  }
0xd: {  	s9 =	smul.u32 $0x500, s9;
	s11 =	sshrl.u32 s11, $0x2;
	s4 =	smov.u32 @p0 s1  }
0xe: {  	s0 =	smov.u32 @p0 s8;
	s25 =	sadd.s32 s23, s5;
	s26 =	sadd.s32 s23, s6  }
0xf: {  	s23 =	simm.s32 $0x7;
	s8 =	simm.s32 $0xF00;
	[dreg:$0xa] =	wrdreg s16  }
0x10: {  	s10 =	ssub.s32 s10, s12;
	s11 =	sadd.s32 s11, s2;
	s4 =	sadd.s32 s4, s18  }
0x11: {  	s0 =	sadd.s32 s0, s18;
	s14 =	sadd.s32 s24, s26;
	s18 =	simm.s32 $0x400  }
0x12: {  	s26 =	simm.s32 $0xD00;
	s12 =	simm.s32 $0x5;
	s13 =	sor.u32 $0x80, s9  }
0x13: {  	s15 =	sadd.s32 s5, s9;
	s9 =	sadd.s32 s6, s9;
	[dreg:$0x9] =	wrdreg s4  }
0x14: {  	s21 =	smax.u32 s10, $0x1;
	[dreg:$0xb] =	wrdreg s0;
	s17 =	sshrl.u32 s11, $0x3  }
0x15: {  	s0 =	simm.s32 $0x600;
	s4 =	simm.s32 $0xE00;
	[dreg:$0x4] =	wrdreg s15  }
0x16: {  	s10 =	simm.s32 $0xF80;
	s11 =	simm.s32 $0x0;
	[dreg:$0x5] =	wrdreg s9  }
0x17: {  	s19 =	sadd.s32 s5, s13;
	s20 =	sadd.s32 s6, s13;
	[dreg:$0x8] =	wrdreg s21  }
.Ltmp0:
0x18: {  	s13 =	sadd.s32 s24, s25;
	s21 =	simm.s32 $0x1000;
	(pc) =	sbr.rel .LBB2_1-.Ltmp0, $4  }
0x19: {  	s24 =	simm.s32 $0x5000;
	s25 =	simm.s32 $0x2;
	[dreg:$0xd] =	wrdreg s11  }
0x1a: {  	s15 =	simm.s32 $0x6;
	s5 =	simm.s32 $0x680;
	[dreg:$0xc] =	wrdreg s17  }
0x1b: {  	s6 =	simm.s32 $0xE80;
	s9 =	simm.s32 $0x780;
	[dreg:$0x6] =	wrdreg s19  }
0x1c: {  	[dreg:$0x7] =	wrdreg s20;
	s19 =	simm.s32 $0xC00;
	s20 =	simm.s32 $0x7D  }
.LBB2_4:
0x1d: {  	[bflag:$0x0] =	sbarrier.arrive $0xFFFF  }
0x1e: {  	s16 =	rddreg [dreg:$0xa]  }
0x1f: {  	s11 =	rddreg [dreg:$0xb]  }
0x20: {  	s23 =	simm.s32 $0x7;
	s17 =	rddreg [dreg:$0xc]  }
0x21: {  	[hbm:s11], [sflag:s16] =	dma.local [spmem:s17], $0x2800  }
0x22: {  	_ =	swait.ge [sflag:s23], $0x2800  }
0x23: {  	s26 =	rddreg [dreg:$0xd]  }
0x24: {  	s11 =	rddreg [dreg:$0x8];
	s26 =	sadd.s32 $0x1, s26  }
0x25: {  	p0 =	sne.s32 s26, s11  }
.Ltmp1:
0x26: {  	_ = 	snop;
	(pc) =	sbr.rel @!p0 .LBB2_5-.Ltmp1, $3  }
0x27: {  	_ =	sdelay $0x1  }
0x28: {  	[sflag:s23] =	ssyncset.done $0x0  }
0x29: {  	[sflag:s23] =	ssyncadd.s32 $0xFFFFD800;
	[dreg:$0xd] =	wrdreg s26;
	s26 =	simm.s32 $0xD00  }
.LBB2_1:
0x2a: {  	s11 =	rddreg [dreg:$0x9]  }
0x2b: {  	[spmem:s17], [sflag:s16] =	dma.local [hbm:s11], $0x2800  }
0x2c: {  	_ =	swait.ge [sflag:s23], $0x2800  }
0x2d: {  	[sflag:s23] =	ssyncset.done $0x0  }
0x2e: {  	[sflag:s23] =	ssyncadd.s32 $0xFFFFD800  }
0x2f: {  	[bflag:$0x0] =	sbarrier.arrive $0xFFFF  }
0x30: {  	s17 =	rddreg [dreg:$0x4]  }
0x31: {  	[tilespmem:s3], [sflag:$0x7] =	stream.linear.gather [hbm4b:s17+s3], $0x400, $0x38;
	[tilespmem:$0x1D000] =	vst v63  }
0x32: {  	_ =	swait.ge [sflag:s23], $0x400  }
0x33: {  	[sflag:s23] =	ssyncset.done $0x0  }
0x34: {  	s17 =	simm.s32 $0x800;
	s16 =	rddreg [dreg:$0x5];
	[sflag:s23] =	ssyncadd.s32 $0xFFFFFC00  }
0x35: {  	[tilespmem:s17], [sflag:$0x7] =	stream.linear.gather [hbm4b:s16+s3], $0x400, $0x38;
	[tilespmem:$0x1D000] =	vst v63  }
0x36: {  	_ =	swait.ge [sflag:s23], $0x400  }
0x37: {  	[sflag:s23] =	ssyncset.done $0x0  }
0x38: {  	s17 =	rddreg [dreg:$0x6];
	[sflag:s23] =	ssyncadd.s32 $0xFFFFFC00  }
0x39: {  	[tilespmem:s18], [sflag:$0x6] =	stream.linear.gather [hbm4b:s17+s3], $0x400, $0x38;
	[tilespmem:$0x1D000] =	vst v63  }
0x3a: {  	s23 =	rddreg [dreg:$0x7]  }
0x3b: {  	[tilespmem:s19], [sflag:$0x6] =	stream.linear.gather [hbm4b:s23+s3], $0x400, $0x38;
	[tilespmem:$0x1D000] =	vst v63  }
0x3c: {  	s11 =	simm.s32 $0x0  }
0x3d: {  	[tilespmem:s21], [sflag:$0x1] =	stream.indirect.gather [hbm4b:s1+s20], $0x80, s3, s20, $0xb8;
	[tilespmem:$0x1D000] =	vst v63  }
.LBB2_2:
0x3e: {  	_ =	swait.ge [sflag:s22], $0x3E80  }
0x3f: {  	[sflag:s22] =	ssyncset.done $0x0  }
0x40: {  	s16 =	simm.s32 $0x800;
	[sflag:s22] =	ssyncadd.s32 $0xFFFFC180  }
0x41: {  	[spmem:s2] =	stream.indirect.scatter.add.f32 [tilespmem:s21], [sflag:$0x3], $0x80, s16, s20, $0xb8;
	[tilespmem:$0x1D000] =	vst v63  }
0x42: {  	s23 =	simm.s32 $0x80  }
0x43: {  	[tilespmem:s24], [sflag:$0x2] =	stream.indirect.gather [hbm4b:s1+s20], $0x80, s23, s20, $0xb8;
	[tilespmem:$0x1D000] =	vst v63  }
0x44: {  	_ =	swait.ge [sflag:s25], $0x3E80  }
0x45: {  	[sflag:s25] =	ssyncset.done $0x0  }
0x46: {  	s17 =	simm.s32 $0x880;
	[sflag:s25] =	ssyncadd.s32 $0xFFFFC180  }
0x47: {  	[spmem:s2] =	stream.indirect.scatter.add.f32 [tilespmem:s24], [sflag:$0x4], $0x80, s17, s20, $0xb8;
	[tilespmem:$0x1D000] =	vst v63  }
0x48: {  	_ =	swait.ge [sflag:s28], $0x3E80  }
0x49: {  	[sflag:s28] =	ssyncset.done $0x0  }
0x4a: {  	s23 =	simm.s32 $0x100;
	[sflag:s28] =	ssyncadd.s32 $0xFFFFC180  }
0x4b: {  	[tilespmem:s21], [sflag:$0x1] =	stream.indirect.gather [hbm4b:s1+s20], $0x80, s23, s20, $0xb8;
	[tilespmem:$0x1D000] =	vst v63  }
0x4c: {  	_ =	swait.ge [sflag:s22], $0x3E80  }
0x4d: {  	[sflag:s22] =	ssyncset.done $0x0  }
0x4e: {  	s17 =	simm.s32 $0x900;
	[sflag:s22] =	ssyncadd.s32 $0xFFFFC180  }
0x4f: {  	[spmem:s2] =	stream.indirect.scatter.add.f32 [tilespmem:s21], [sflag:$0x3], $0x80, s17, s20, $0xb8;
	[tilespmem:$0x1D000] =	vst v63  }
0x50: {  	_ =	swait.ge [sflag:s31], $0x3E80  }
0x51: {  	[sflag:s31] =	ssyncset.done $0x0  }
0x52: {  	s23 =	simm.s32 $0x180;
	[sflag:s31] =	ssyncadd.s32 $0xFFFFC180  }
0x53: {  	[tilespmem:s24], [sflag:$0x2] =	stream.indirect.gather [hbm4b:s1+s20], $0x80, s23, s20, $0xb8;
	[tilespmem:$0x1D000] =	vst v63  }
0x54: {  	_ =	swait.ge [sflag:s25], $0x3E80  }
0x55: {  	[sflag:s25] =	ssyncset.done $0x0  }
0x56: {  	s17 =	simm.s32 $0x980;
	[sflag:s25] =	ssyncadd.s32 $0xFFFFC180  }
0x57: {  	[spmem:s2] =	stream.indirect.scatter.add.f32 [tilespmem:s24], [sflag:$0x4], $0x80, s17, s20, $0xb8;
	[tilespmem:$0x1D000] =	vst v63  }
0x58: {  	_ =	swait.ge [sflag:s28], $0x3E80  }
0x59: {  	[sflag:s28] =	ssyncset.done $0x0  }
0x5a: {  	s23 =	simm.s32 $0x200;
	[sflag:s28] =	ssyncadd.s32 $0xFFFFC180  }
0x5b: {  	[tilespmem:s21], [sflag:$0x1] =	stream.indirect.gather [hbm4b:s1+s20], $0x80, s23, s20, $0xb8;
	[tilespmem:$0x1D000] =	vst v63  }
0x5c: {  	_ =	swait.ge [sflag:s22], $0x3E80  }
0x5d: {  	[sflag:s22] =	ssyncset.done $0x0  }
0x5e: {  	s17 =	simm.s32 $0xA00;
	[sflag:s22] =	ssyncadd.s32 $0xFFFFC180  }
0x5f: {  	[spmem:s2] =	stream.indirect.scatter.add.f32 [tilespmem:s21], [sflag:$0x3], $0x80, s17, s20, $0xb8;
	[tilespmem:$0x1D000] =	vst v63  }
0x60: {  	_ =	swait.ge [sflag:s31], $0x3E80  }
0x61: {  	[sflag:s31] =	ssyncset.done $0x0  }
0x62: {  	s23 =	simm.s32 $0x280;
	[sflag:s31] =	ssyncadd.s32 $0xFFFFC180  }
0x63: {  	[tilespmem:s24], [sflag:$0x2] =	stream.indirect.gather [hbm4b:s1+s20], $0x80, s23, s20, $0xb8;
	[tilespmem:$0x1D000] =	vst v63  }
0x64: {  	_ =	swait.ge [sflag:s25], $0x3E80  }
0x65: {  	[sflag:s25] =	ssyncset.done $0x0  }
0x66: {  	s17 =	simm.s32 $0xA80;
	[sflag:s25] =	ssyncadd.s32 $0xFFFFC180  }
0x67: {  	[spmem:s2] =	stream.indirect.scatter.add.f32 [tilespmem:s24], [sflag:$0x4], $0x80, s17, s20, $0xb8;
	[tilespmem:$0x1D000] =	vst v63  }
0x68: {  	_ =	swait.ge [sflag:s28], $0x3E80  }
0x69: {  	[sflag:s28] =	ssyncset.done $0x0  }
0x6a: {  	s23 =	simm.s32 $0x300;
	[sflag:s28] =	ssyncadd.s32 $0xFFFFC180  }
0x6b: {  	[tilespmem:s21], [sflag:$0x1] =	stream.indirect.gather [hbm4b:s1+s20], $0x80, s23, s20, $0xb8;
	[tilespmem:$0x1D000] =	vst v63  }
0x6c: {  	_ =	swait.ge [sflag:s22], $0x3E80  }
0x6d: {  	[sflag:s22] =	ssyncset.done $0x0  }
0x6e: {  	s17 =	simm.s32 $0xB00;
	[sflag:s22] =	ssyncadd.s32 $0xFFFFC180  }
0x6f: {  	[spmem:s2] =	stream.indirect.scatter.add.f32 [tilespmem:s21], [sflag:$0x3], $0x80, s17, s20, $0xb8;
	[tilespmem:$0x1D000] =	vst v63  }
0x70: {  	_ =	swait.ge [sflag:s31], $0x3E80  }
0x71: {  	[sflag:s31] =	ssyncset.done $0x0  }
0x72: {  	s23 =	simm.s32 $0x380;
	[sflag:s31] =	ssyncadd.s32 $0xFFFFC180  }
0x73: {  	[tilespmem:s24], [sflag:$0x2] =	stream.indirect.gather [hbm4b:s1+s20], $0x80, s23, s20, $0xb8;
	[tilespmem:$0x1D000] =	vst v63  }
0x74: {  	_ =	swait.ge [sflag:s25], $0x3E80  }
0x75: {  	[sflag:s25] =	ssyncset.done $0x0  }
0x76: {  	s17 =	simm.s32 $0xB80;
	[sflag:s25] =	ssyncadd.s32 $0xFFFFC180  }
0x77: {  	[spmem:s2] =	stream.indirect.scatter.add.f32 [tilespmem:s24], [sflag:$0x4], $0x80, s17, s20, $0xb8;
	[tilespmem:$0x1D000] =	vst v63  }
0x78: {  	_ =	swait.ge [sflag:s28], $0x3E80  }
0x79: {  	[sflag:s28] =	ssyncset.done $0x0  }
0x7a: {  	[sflag:s28] =	ssyncadd.s32 $0xFFFFC180  }
0x7b: {  	_ =	swait.ge [sflag:s31], $0x3E80  }
0x7c: {  	[sflag:s31] =	ssyncset.done $0x0  }
0x7d: {  	[sflag:s31] =	ssyncadd.s32 $0xFFFFC180  }
0x7e: {  	_ =	swait.ge [sflag:s15], $0x400  }
0x7f: {  	[sflag:s15] =	ssyncset.done $0x0  }
0x80: {  	[sflag:s15] =	ssyncadd.s32 $0xFFFFFC00  }
0x81: {  	_ =	swait.ge [sflag:s15], $0x400  }
0x82: {  	p0 =	seq.s32 s11, $0x400;
	[sflag:s15] =	ssyncset.done $0x0  }
0x83: {  	s16 =	sadd.s32 @!p0 s11, s13;
	[sflag:s15] =	ssyncadd.s32 $0xFFFFFC00  }
0x84: {  	[tilespmem:s21], [sflag:$0x1] =	stream.indirect.gather [hbm4b:s1+s20], $0x80, s18, s20, $0xb8;
	[tilespmem:$0x1D000] =	vst v63  }
0x85: {  	s16 =	sadd.s32 @!p0 $0x100, s16;
	s23 =	simm.s32 @!p0 $0x0  }
0x86: {  	[tilespmem:s23], [sflag:$0x5] =	stream.linear.gather @!p0 [hbm4b:s16+s23], $0x400, $0x38;
	[tilespmem:$0x1D000] =	vst v63  }
0x87: {  	s16 =	sadd.s32 @!p0 s11, s14  }
0x88: {  	s17 =	simm.s32 @!p0 $0x800;
	s16 =	sadd.s32 @!p0 $0x100, s16  }
0x89: {  	[tilespmem:s17], [sflag:$0x5] =	stream.linear.gather @!p0 [hbm4b:s16+s23], $0x400, $0x38;
	[tilespmem:$0x1D000] =	vst v63  }
0x8a: {  	_ =	swait.ge [sflag:s22], $0x3E80  }
0x8b: {  	[sflag:s22] =	ssyncset.done $0x0  }
0x8c: {  	[sflag:s22] =	ssyncadd.s32 $0xFFFFC180  }
0x8d: {  	[spmem:s2] =	stream.indirect.scatter.add.f32 [tilespmem:s21], [sflag:$0x3], $0x80, s19, s20, $0xb8;
	[tilespmem:$0x1D000] =	vst v63  }
0x8e: {  	s23 =	simm.s32 $0x480  }
0x8f: {  	[tilespmem:s24], [sflag:$0x2] =	stream.indirect.gather [hbm4b:s1+s20], $0x80, s23, s20, $0xb8;
	[tilespmem:$0x1D000] =	vst v63  }
0x90: {  	_ =	swait.ge [sflag:s25], $0x3E80  }
0x91: {  	[sflag:s25] =	ssyncset.done $0x0  }
0x92: {  	s17 =	simm.s32 $0xC80;
	[sflag:s25] =	ssyncadd.s32 $0xFFFFC180  }
0x93: {  	[spmem:s2] =	stream.indirect.scatter.add.f32 [tilespmem:s24], [sflag:$0x4], $0x80, s17, s20, $0xb8;
	[tilespmem:$0x1D000] =	vst v63  }
0x94: {  	_ =	swait.ge [sflag:s28], $0x3E80  }
0x95: {  	[sflag:s28] =	ssyncset.done $0x0  }
0x96: {  	s23 =	simm.s32 $0x500;
	[sflag:s28] =	ssyncadd.s32 $0xFFFFC180  }
0x97: {  	[tilespmem:s21], [sflag:$0x1] =	stream.indirect.gather [hbm4b:s1+s20], $0x80, s23, s20, $0xb8;
	[tilespmem:$0x1D000] =	vst v63  }
0x98: {  	_ =	swait.ge [sflag:s22], $0x3E80  }
0x99: {  	[sflag:s22] =	ssyncset.done $0x0  }
0x9a: {  	[sflag:s22] =	ssyncadd.s32 $0xFFFFC180  }
0x9b: {  	[spmem:s2] =	stream.indirect.scatter.add.f32 [tilespmem:s21], [sflag:$0x3], $0x80, s26, s20, $0xb8;
	[tilespmem:$0x1D000] =	vst v63  }
0x9c: {  	_ =	swait.ge [sflag:s31], $0x3E80  }
0x9d: {  	[sflag:s31] =	ssyncset.done $0x0  }
0x9e: {  	[sflag:s31] =	ssyncadd.s32 $0xFFFFC180  }
0x9f: {  	[tilespmem:s24], [sflag:$0x2] =	stream.indirect.gather [hbm4b:s1+s20], $0x80, s29, s20, $0xb8;
	[tilespmem:$0x1D000] =	vst v63  }
0xa0: {  	_ =	swait.ge [sflag:s25], $0x3E80  }
0xa1: {  	[sflag:s25] =	ssyncset.done $0x0  }
0xa2: {  	[sflag:s25] =	ssyncadd.s32 $0xFFFFC180  }
0xa3: {  	[spmem:s2] =	stream.indirect.scatter.add.f32 [tilespmem:s24], [sflag:$0x4], $0x80, s30, s20, $0xb8;
	[tilespmem:$0x1D000] =	vst v63  }
0xa4: {  	_ =	swait.ge [sflag:s28], $0x3E80  }
0xa5: {  	[sflag:s28] =	ssyncset.done $0x0  }
0xa6: {  	[sflag:s28] =	ssyncadd.s32 $0xFFFFC180  }
0xa7: {  	[tilespmem:s21], [sflag:$0x1] =	stream.indirect.gather [hbm4b:s1+s20], $0x80, s0, s20, $0xb8;
	[tilespmem:$0x1D000] =	vst v63  }
0xa8: {  	_ =	swait.ge [sflag:s22], $0x3E80  }
0xa9: {  	[sflag:s22] =	ssyncset.done $0x0  }
0xaa: {  	[sflag:s22] =	ssyncadd.s32 $0xFFFFC180  }
0xab: {  	[spmem:s2] =	stream.indirect.scatter.add.f32 [tilespmem:s21], [sflag:$0x3], $0x80, s4, s20, $0xb8;
	[tilespmem:$0x1D000] =	vst v63  }
0xac: {  	_ =	swait.ge [sflag:s31], $0x3E80  }
0xad: {  	[sflag:s31] =	ssyncset.done $0x0  }
0xae: {  	[sflag:s31] =	ssyncadd.s32 $0xFFFFC180  }
0xaf: {  	[tilespmem:s24], [sflag:$0x2] =	stream.indirect.gather [hbm4b:s1+s20], $0x80, s5, s20, $0xb8;
	[tilespmem:$0x1D000] =	vst v63  }
0xb0: {  	_ =	swait.ge [sflag:s25], $0x3E80  }
0xb1: {  	[sflag:s25] =	ssyncset.done $0x0  }
0xb2: {  	[sflag:s25] =	ssyncadd.s32 $0xFFFFC180  }
0xb3: {  	[spmem:s2] =	stream.indirect.scatter.add.f32 [tilespmem:s24], [sflag:$0x4], $0x80, s6, s20, $0xb8;
	[tilespmem:$0x1D000] =	vst v63  }
0xb4: {  	_ =	swait.ge [sflag:s28], $0x3E80  }
0xb5: {  	[sflag:s28] =	ssyncset.done $0x0  }
0xb6: {  	[sflag:s28] =	ssyncadd.s32 $0xFFFFC180  }
0xb7: {  	[tilespmem:s21], [sflag:$0x1] =	stream.indirect.gather [hbm4b:s1+s20], $0x80, s7, s20, $0xb8;
	[tilespmem:$0x1D000] =	vst v63  }
0xb8: {  	_ =	swait.ge [sflag:s22], $0x3E80  }
0xb9: {  	[sflag:s22] =	ssyncset.done $0x0  }
0xba: {  	[sflag:s22] =	ssyncadd.s32 $0xFFFFC180  }
0xbb: {  	[spmem:s2] =	stream.indirect.scatter.add.f32 [tilespmem:s21], [sflag:$0x3], $0x80, s8, s20, $0xb8;
	[tilespmem:$0x1D000] =	vst v63  }
0xbc: {  	_ =	swait.ge [sflag:s31], $0x3E80  }
0xbd: {  	[sflag:s31] =	ssyncset.done $0x0  }
0xbe: {  	[sflag:s31] =	ssyncadd.s32 $0xFFFFC180  }
0xbf: {  	[tilespmem:s24], [sflag:$0x2] =	stream.indirect.gather [hbm4b:s1+s20], $0x80, s9, s20, $0xb8;
	[tilespmem:$0x1D000] =	vst v63  }
0xc0: {  	_ =	swait.ge [sflag:s25], $0x3E80  }
0xc1: {  	[sflag:s25] =	ssyncset.done $0x0  }
0xc2: {  	[sflag:s25] =	ssyncadd.s32 $0xFFFFC180  }
0xc3: {  	[spmem:s2] =	stream.indirect.scatter.add.f32 [tilespmem:s24], [sflag:$0x4], $0x80, s10, s20, $0xb8;
	[tilespmem:$0x1D000] =	vst v63  }
0xc4: {  	_ =	swait.ge [sflag:s28], $0x3E80  }
.Ltmp2:
0xc5: {  	[sflag:s28] =	ssyncset.done $0x0;
	(pc) =	sbr.rel @p0 .LBB2_4-.Ltmp2, $4  }
0xc6: {  	[sflag:s28] =	ssyncadd.s32 $0xFFFFC180  }
0xc7: {  	_ =	swait.ge [sflag:s31], $0x3E80  }
0xc8: {  	[sflag:s31] =	ssyncset.done $0x0  }
0xc9: {  	[sflag:s31] =	ssyncadd.s32 $0xFFFFC180  }
0xca: {  	_ =	swait.ge [sflag:s12], $0x400  }
0xcb: {  	[sflag:s12] =	ssyncset.done $0x0  }
0xcc: {  	[sflag:s12] =	ssyncadd.s32 $0xFFFFFC00  }
0xcd: {  	_ =	swait.ge [sflag:s12], $0x400  }
0xce: {  	[sflag:s12] =	ssyncset.done $0x0  }
0xcf: {  	[sflag:s12] =	ssyncadd.s32 $0xFFFFFC00  }
0xd0: {  	[tilespmem:s21], [sflag:$0x1] =	stream.indirect.gather [hbm4b:s1+s20], $0x80, s3, s20, $0xb8;
	[tilespmem:$0x1D000] =	vst v63  }
.Ltmp3:
0xd1: {  	s16 =	sadd.s32 s11, s13;
	(pc) =	sbr.rel .LBB2_2-.Ltmp3, $4  }
0xd2: {  	s23 =	sadd.s32 s11, s14;
	s16 =	sadd.s32 $0x180, s16  }
0xd3: {  	[tilespmem:s18], [sflag:$0x6] =	stream.linear.gather [hbm4b:s16+s3], $0x400, $0x38;
	[tilespmem:$0x1D000] =	vst v63  }
0xd4: {  	s11 =	sadd.s32 $0x100, s11;
	s16 =	sadd.s32 $0x180, s23  }
0xd5: {  	[tilespmem:s19], [sflag:$0x6] =	stream.linear.gather [hbm4b:s16+s3], $0x400, $0x38;
	[tilespmem:$0x1D000] =	vst v63  }
.LBB2_5:
0xd6: {  	_ =	sfence.sel $0x180000  }
0xd7: {  	[bflag:$0x0] =	sbarrier.arrive $0xFFFF  }
0xd8: {  	_ =	strace $0x90000053  }
0xd9: {  	s0 =	stileid.u32;
	[bflag:$0x2] =	sbarrier.arrive $0xFFFF  }
0xda: {  	p0 =	sne.s32 s0, $0x0;
	s0 =	rddreg [dreg:$0x3]  }
0xdb: {  	s0 =	sadd.s32 @!p0 $0x100000, s0  }
0xdc: {  	[sflag:s0] =	ssyncadd.tile.s32 @!p0 $0x1;
	_ =	shalt  }
.Lfunc_end2:
_tile_overlayer_lowered:
.L_overlay_start_2:
0xdd: {  	(tag) =	ssettag $0x2  }
0xde: {  	s0 =	rddreg [dreg:$0x0];
	s2 =	stileid.u32  }
0xdf: {  	s1 =	rddreg [dreg:$0x1];
	p0 =	sne.s32 s2, $0x0  }
0xe0: {  	s3 =	rddreg [dreg:$0x2];
	[bflag:$0x3] =	sbarrier.arrive $0xFFFF;
	s2 =	simm.s32 @!p0 $0x1C07  }
0xe1: {  	[timem:s3], [sflag:s2] =	dma.local @!p0 [hbm:s0], s1  }
0xe2: {  	s0 =	simm.s32 @!p0 $0x7  }
0xe3: {  	_ =	swait.ge @!p0 [sflag:s0], s1  }
0xe4: {  	s1 =	ssub.s32 @!p0 $0x0, s1;
	[sflag:s0] =	ssyncset.done @!p0 $0x0  }
0xe5: {  	[sflag:s0] =	ssyncadd.s32 @!p0 s1  }
0xe6: {  	[bflag:$0x3] =	sbarrier.arrive $0xFFFF  }
0xe7: {  	_ =	shalt  }

</sc_bundles>
